<compile_context>
chip_gen: v7x
topology: tpu7x:2x2x1
jax: 0.10.2.dev20260603
libtpu: 0.0.44.dev20260713+nightly
codegen_flags: <defaults>
</compile_context>

<pallas_src>
import functools

import jax
import jax.numpy as jnp
from jax import lax
from jax.experimental import pallas as pl
from jax.experimental.pallas import tpu as pltpu
from jax.experimental.pallas import tpu_sc as plsc

_NUM_CLASSES = 10
_FEAT = 2
_BATCH = 16384

_NC = 1
_NS = 16
_LANES = 16
_NW = _NC * _NS
_B_PER_W = _BATCH // _NW
_STEPS = _B_PER_W // _LANES


def _reg_gather(src, idx):
    return src.at[idx].get(mode="promise_in_bounds")


def _body(feat_hbm, lab_hbm, cent_hbm, out_hbm,
          feat_v, lab_v, cent_v, acc_v, tot_v, shared,
          sem_f, sem_l, sem_c, sem_f2):
    cid = lax.axis_index("c")
    sid = lax.axis_index("s")
    wid = sid * _NC + cid
    base = wid * _B_PER_W

    _HALF = _B_PER_W * _FEAT // 2
    c_f0 = pltpu.async_copy(
        feat_hbm.at[pl.ds(base * _FEAT, _HALF)],
        feat_v.at[pl.ds(0, _HALF)], sem_f)
    c_l = pltpu.async_copy(lab_hbm.at[pl.ds(base, _B_PER_W)], lab_v, sem_l)
    c_f1 = pltpu.async_copy(
        feat_hbm.at[pl.ds(base * _FEAT + _HALF, _HALF)],
        feat_v.at[pl.ds(_HALF, _HALF)], sem_f2)
    c_c = pltpu.async_copy(cent_hbm, cent_v, sem_c)
    c_c.wait()

    lane = lax.iota(jnp.int32, _LANES)
    half_a = lane >> 1
    half_b = half_a + 8
    is_y = (lane & 1) == 1

    c0 = cent_v[pl.ds(0, _LANES)]
    c1 = cent_v[pl.ds(4, _LANES)]
    lo = lane < 8
    cent_x = jnp.where(lo, _reg_gather(c0, (lane * 2) & 15),
                       _reg_gather(c1, (lane * 2 - 4) & 15))
    cent_y = jnp.where(lo, _reg_gather(c0, (lane * 2 + 1) & 15),
                       _reg_gather(c1, (lane * 2 - 3) & 15))

    c_f0.wait()
    c_l.wait()
    acc = jnp.zeros((_LANES,), jnp.float32)
    for i in range(_STEPS):
        if i == _STEPS // 2:
            c_f1.wait()
        labs = lab_v[pl.ds(i * _LANES, _LANES)]
        for j, half in enumerate((half_a, half_b)):
            lab8 = _reg_gather(labs, half)
            cx = _reg_gather(cent_x, lab8)
            cy = _reg_gather(cent_y, lab8)
            c = jnp.where(is_y, cy, cx)
            f = feat_v[pl.ds(i * 2 * _LANES + j * _LANES, _LANES)]
            d = f - c
            acc = acc + d * d

    for sh in (8, 4, 2, 1):
        acc = acc + _reg_gather(acc, lane ^ sh)
    acc_v[...] = acc
    pltpu.sync_copy(acc_v.at[pl.ds(0, 8)], shared.at[pl.ds(sid * 8, 8)])
    plsc.subcore_barrier()

    @pl.when(sid == 0)
    def _reduce():
        pltpu.sync_copy(shared, tot_v)
        s = tot_v[pl.ds(0, _LANES)]
        for j in range(1, _NS // 2):
            s = s + tot_v[pl.ds(j * _LANES, _LANES)]
        s = s + _reg_gather(s, lane ^ 8)
        acc_v[...] = s * (1.0 / _BATCH)
        pltpu.sync_copy(acc_v, out_hbm)


_sc_center_loss = functools.partial(
    pl.kernel,
    out_type=jax.ShapeDtypeStruct((_LANES,), jnp.float32),
    mesh=plsc.VectorSubcoreMesh(core_axis_name="c", subcore_axis_name="s",
                                num_cores=_NC),
    scratch_types=[
        pltpu.VMEM((_B_PER_W * _FEAT,), jnp.float32),
        pltpu.VMEM((_B_PER_W,), jnp.int32),
        pltpu.VMEM((_NUM_CLASSES * _FEAT,), jnp.float32),
        pltpu.VMEM((_LANES,), jnp.float32),
        pltpu.VMEM((_NS * 8,), jnp.float32),
        pltpu.VMEM_SHARED((_NS * 8,), jnp.float32),
        pltpu.SemaphoreType.DMA,
        pltpu.SemaphoreType.DMA,
        pltpu.SemaphoreType.DMA,
        pltpu.SemaphoreType.DMA,
    ],
)(_body)


@jax.jit
def kernel(feature, label, centers):
    out = _sc_center_loss(feature.reshape(-1), label, centers.reshape(-1))
    return out[0]

# --- scband reference (transcript-rebuilt; emitter-appended) ---
"""Pipeline reference for scband-center-loss-83356725280925 (READ-ONLY COPY).

The authoritative reference and input builder live on the scoring server;
editing this copy changes nothing except your own understanding.
"""

import jax, jax.numpy as jnp
import numpy as np

NUM_CLASSES = 10
FEAT_DIM = 2
BATCH = 16384


def setup_inputs(seed: int = 0) -> dict:
    key = jax.random.key(seed)
    k1, k2, k3 = jax.random.split(key, 3)
    feature = jax.random.normal(k1, (BATCH, FEAT_DIM), dtype=jnp.float32)
    label = jax.random.randint(k2, (BATCH,), 0, NUM_CLASSES, dtype=jnp.int32)
    # learned center embedding table, as in L.Embedding(10, 2)
    centers = jax.random.uniform(k3, (NUM_CLASSES, FEAT_DIM), dtype=jnp.float32, minval=-0.05, maxval=0.05)
    return {"feature": feature, "label": label, "centers": centers}


def reference(feature, label, centers):
    # center = self.embedding(label)  -> gather rows of table
    center = jnp.take(centers, label, axis=0)
    # tf.reduce_mean(tf.reduce_sum(tf.square(feature - center), 1))
    cent_loss = jnp.mean(jnp.sum(jnp.square(feature - center), axis=1))
    return cent_loss

if __name__ == "__main__":
    import jax
    _d = setup_inputs()
    print(jax.jit(kernel)(*tuple(_d.values())))

</pallas_src>

<mosaic_0001>
#map = affine_map<(d0, d1) -> (0)>
module attributes {stable_mosaic.version = 14 : i64} {
  func.func @_body(%arg0: i32, %arg1: i32, %arg2: memref<32768xf32, #tpu.memory_space<hbm>>, %arg3: memref<16384xi32, #tpu.memory_space<hbm>>, %arg4: memref<20xf32, #tpu.memory_space<hbm>>, %arg5: memref<16xf32, #tpu.memory_space<hbm>>, %arg6: memref<2048xf32, #tpu.memory_space<vmem>>, %arg7: memref<1024xi32, #tpu.memory_space<vmem>>, %arg8: memref<20xf32, #tpu.memory_space<vmem>>, %arg9: memref<16xf32, #tpu.memory_space<vmem>>, %arg10: memref<128xf32, #tpu.memory_space<vmem>>, %arg11: memref<128xf32, #tpu.memory_space<vmem_shared>>, %arg12: memref<!tpu.dma_semaphore, #tpu.memory_space<semaphore_mem>>, %arg13: memref<!tpu.dma_semaphore, #tpu.memory_space<semaphore_mem>>, %arg14: memref<!tpu.dma_semaphore, #tpu.memory_space<semaphore_mem>>, %arg15: memref<!tpu.dma_semaphore, #tpu.memory_space<semaphore_mem>>) attributes {dimension_semantics = [#tpu.dimension_semantics<core_parallel>, #tpu.dimension_semantics<subcore_parallel>], iteration_bounds = array<i64: 1, 16>, scalar_prefetch = 0 : i64, scratch_operands = 10 : i64, tpu.core_type = #tpu.core_type<sc_vector_subcore>, window_params = [{transform_indices = #map}, {transform_indices = #map}, {transform_indices = #map}, {transform_indices = #map}]} {
    %mul3A = arith.constant 1 : i32
    %mul3A_0 = arith.muli %arg1, %mul3A : i32
    %add3A = arith.addi %mul3A_0, %arg0 : i32
    %mul3A_1 = arith.constant 1024 : i32
    %mul3A_2 = arith.muli %add3A, %mul3A_1 : i32
    %mul3A_3 = arith.constant 2 : i32
    %mul3A_4 = arith.muli %mul3A_2, %mul3A_3 : i32
    %dma_start3A = arith.constant 0 : i32
    %dma_start3A_5 = tpu.memref_slice %arg6[%dma_start3A] : memref<2048xf32, #tpu.memory_space<vmem>> -> memref<1024xf32, #tpu.memory_space<vmem>>
    %dma_start3A_6 = tpu.memref_slice %arg2[%mul3A_4] : memref<32768xf32, #tpu.memory_space<hbm>> -> memref<1024xf32, #tpu.memory_space<hbm>>
    %dma_start3A_7 = arith.constant 0 : i32
    %dma_start3A_8 = tpu.memref_slice %arg6[%dma_start3A_7] : memref<2048xf32, #tpu.memory_space<vmem>> -> memref<1024xf32, #tpu.memory_space<vmem>>
    %dma_start3A_9 = tpu.memref_slice %arg2[%mul3A_4] : memref<32768xf32, #tpu.memory_space<hbm>> -> memref<1024xf32, #tpu.memory_space<hbm>>
    tpu.enqueue_dma source(%dma_start3A_9 : memref<1024xf32, #tpu.memory_space<hbm>>) target(%dma_start3A_8 : memref<1024xf32, #tpu.memory_space<vmem>>) target_semaphore(%arg12 : memref<!tpu.dma_semaphore, #tpu.memory_space<semaphore_mem>>)
    %dma_start3A_10 = tpu.memref_slice %arg3[%mul3A_2] : memref<16384xi32, #tpu.memory_space<hbm>> -> memref<1024xi32, #tpu.memory_space<hbm>>
    %dma_start3A_11 = tpu.memref_slice %arg3[%mul3A_2] : memref<16384xi32, #tpu.memory_space<hbm>> -> memref<1024xi32, #tpu.memory_space<hbm>>
    tpu.enqueue_dma source(%dma_start3A_11 : memref<1024xi32, #tpu.memory_space<hbm>>) target(%arg7 : memref<1024xi32, #tpu.memory_space<vmem>>) target_semaphore(%arg13 : memref<!tpu.dma_semaphore, #tpu.memory_space<semaphore_mem>>)
    %mul3A_12 = arith.constant 2 : i32
    %mul3A_13 = arith.muli %mul3A_2, %mul3A_12 : i32
    %add3A_14 = arith.constant 1024 : i32
    %add3A_15 = arith.addi %mul3A_13, %add3A_14 : i32
    %dma_start3A_16 = arith.constant 1024 : i32
    %dma_start3A_17 = tpu.memref_slice %arg6[%dma_start3A_16] : memref<2048xf32, #tpu.memory_space<vmem>> -> memref<1024xf32, #tpu.memory_space<vmem>>
    %dma_start3A_18 = tpu.memref_slice %arg2[%add3A_15] : memref<32768xf32, #tpu.memory_space<hbm>> -> memref<1024xf32, #tpu.memory_space<hbm>>
    %dma_start3A_19 = arith.constant 1024 : i32
    %dma_start3A_20 = tpu.memref_slice %arg6[%dma_start3A_19] : memref<2048xf32, #tpu.memory_space<vmem>> -> memref<1024xf32, #tpu.memory_space<vmem>>
    %dma_start3A_21 = tpu.memref_slice %arg2[%add3A_15] : memref<32768xf32, #tpu.memory_space<hbm>> -> memref<1024xf32, #tpu.memory_space<hbm>>
    tpu.enqueue_dma source(%dma_start3A_21 : memref<1024xf32, #tpu.memory_space<hbm>>) target(%dma_start3A_20 : memref<1024xf32, #tpu.memory_space<vmem>>) target_semaphore(%arg15 : memref<!tpu.dma_semaphore, #tpu.memory_space<semaphore_mem>>)
    tpu.enqueue_dma source(%arg4 : memref<20xf32, #tpu.memory_space<hbm>>) target(%arg8 : memref<20xf32, #tpu.memory_space<vmem>>) target_semaphore(%arg14 : memref<!tpu.dma_semaphore, #tpu.memory_space<semaphore_mem>>)
    tpu.wait_dma2 semaphore(%arg14 : memref<!tpu.dma_semaphore, #tpu.memory_space<semaphore_mem>>) src(%arg4 : memref<20xf32, #tpu.memory_space<hbm>>) dst(%arg8 : memref<20xf32, #tpu.memory_space<vmem>>)
    %iota3A = tpu.iota {dimensions = array<i32: 0>} : vector<16xi32>
    %shift_right_arithmetic3A = arith.constant 1 : i32
    %shift_right_arithmetic3A_22 = vector.broadcast %shift_right_arithmetic3A : i32 to vector<16xi32>
    %shift_right_arithmetic3A_23 = arith.shrsi %iota3A, %shift_right_arithmetic3A_22 : vector<16xi32>
    %add3A_24 = arith.constant 8 : i32
    %add3A_25 = vector.broadcast %add3A_24 : i32 to vector<16xi32>
    %add3A_26 = arith.addi %shift_right_arithmetic3A_23, %add3A_25 : vector<16xi32>
    %and3A = arith.constant 1 : i32
    %and3A_27 = vector.broadcast %and3A : i32 to vector<16xi32>
    %and3A_28 = arith.andi %iota3A, %and3A_27 : vector<16xi32>
    %eq3A = arith.constant 1 : i32
    %eq3A_29 = vector.broadcast %eq3A : i32 to vector<16xi32>
    %eq3A_30 = arith.cmpi eq, %and3A_28, %eq3A_29 : vector<16xi32>
    %get3A = arith.constant 0 : index
    %get3A_31 = tpu.vector_load %arg8[%get3A] {strides = array<i32>} : memref<20xf32, #tpu.memory_space<vmem>>, vector<16xf32>,
    %get3A_32 = vector.shape_cast %get3A_31 : vector<16xf32> to vector<16xf32>
    %get3A_33 = arith.constant 4 : index
    %get3A_34 = tpu.vector_load %arg8[%get3A_33] {strides = array<i32>} : memref<20xf32, #tpu.memory_space<vmem>>, vector<16xf32>,
    %get3A_35 = vector.shape_cast %get3A_34 : vector<16xf32> to vector<16xf32>
    %lt3A = arith.constant 8 : i32
    %lt3A_36 = vector.broadcast %lt3A : i32 to vector<16xi32>
    %lt3A_37 = arith.cmpi slt, %iota3A, %lt3A_36 : vector<16xi32>
    %mul3A_38 = arith.constant 2 : i32
    %mul3A_39 = vector.broadcast %mul3A_38 : i32 to vector<16xi32>
    %mul3A_40 = arith.muli %iota3A, %mul3A_39 : vector<16xi32>
    %and3A_41 = arith.constant 15 : i32
    %and3A_42 = vector.broadcast %and3A_41 : i32 to vector<16xi32>
    %and3A_43 = arith.andi %mul3A_40, %and3A_42 : vector<16xi32>
    %lt3A_44 = arith.constant 0 : i32
    %lt3A_45 = vector.broadcast %lt3A_44 : i32 to vector<16xi32>
    %lt3A_46 = arith.cmpi slt, %and3A_43, %lt3A_45 : vector<16xi32>
    %add3A_47 = arith.constant 16 : i32
    %add3A_48 = vector.broadcast %add3A_47 : i32 to vector<16xi32>
    %add3A_49 = arith.addi %and3A_43, %add3A_48 : vector<16xi32>
    %select_n3A = arith.select %lt3A_46, %add3A_49, %and3A_43 : vector<16xi1>, vector<16xi32>
    %broadcast_in_dim3A = vector.shape_cast %select_n3A : vector<16xi32> to vector<16x1xi32>
    %gather3A = vector.shape_cast %broadcast_in_dim3A : vector<16x1xi32> to vector<16xi32>
    %gather3A_50 = tpu.dynamic_gather %get3A_32[%gather3A] in [0] : vector<16xf32>, vector<16xi32> -> vector<16xf32>
    %mul3A_51 = arith.constant 2 : i32
    %mul3A_52 = vector.broadcast %mul3A_51 : i32 to vector<16xi32>
    %mul3A_53 = arith.muli %iota3A, %mul3A_52 : vector<16xi32>
    %sub3A = arith.constant 4 : i32
    %sub3A_54 = vector.broadcast %sub3A : i32 to vector<16xi32>
    %sub3A_55 = arith.subi %mul3A_53, %sub3A_54 : vector<16xi32>
    %and3A_56 = arith.constant 15 : i32
    %and3A_57 = vector.broadcast %and3A_56 : i32 to vector<16xi32>
    %and3A_58 = arith.andi %sub3A_55, %and3A_57 : vector<16xi32>
    %lt3A_59 = arith.constant 0 : i32
    %lt3A_60 = vector.broadcast %lt3A_59 : i32 to vector<16xi32>
    %lt3A_61 = arith.cmpi slt, %and3A_58, %lt3A_60 : vector<16xi32>
    %add3A_62 = arith.constant 16 : i32
    %add3A_63 = vector.broadcast %add3A_62 : i32 to vector<16xi32>
    %add3A_64 = arith.addi %and3A_58, %add3A_63 : vector<16xi32>
    %select_n3A_65 = arith.select %lt3A_61, %add3A_64, %and3A_58 : vector<16xi1>, vector<16xi32>
    %broadcast_in_dim3A_66 = vector.shape_cast %select_n3A_65 : vector<16xi32> to vector<16x1xi32>
    %gather3A_67 = vector.shape_cast %broadcast_in_dim3A_66 : vector<16x1xi32> to vector<16xi32>
    %gather3A_68 = tpu.dynamic_gather %get3A_35[%gather3A_67] in [0] : vector<16xf32>, vector<16xi32> -> vector<16xf32>
    %select_n3A_69 = arith.select %lt3A_37, %gather3A_50, %gather3A_68 : vector<16xi1>, vector<16xf32>
    %mul3A_70 = arith.constant 2 : i32
    %mul3A_71 = vector.broadcast %mul3A_70 : i32 to vector<16xi32>
    %mul3A_72 = arith.muli %iota3A, %mul3A_71 : vector<16xi32>
    %add3A_73 = arith.constant 1 : i32
    %add3A_74 = vector.broadcast %add3A_73 : i32 to vector<16xi32>
    %add3A_75 = arith.addi %mul3A_72, %add3A_74 : vector<16xi32>
    %and3A_76 = arith.constant 15 : i32
    %and3A_77 = vector.broadcast %and3A_76 : i32 to vector<16xi32>
    %and3A_78 = arith.andi %add3A_75, %and3A_77 : vector<16xi32>
    %lt3A_79 = arith.constant 0 : i32
    %lt3A_80 = vector.broadcast %lt3A_79 : i32 to vector<16xi32>
    %lt3A_81 = arith.cmpi slt, %and3A_78, %lt3A_80 : vector<16xi32>
    %add3A_82 = arith.constant 16 : i32
    %add3A_83 = vector.broadcast %add3A_82 : i32 to vector<16xi32>
    %add3A_84 = arith.addi %and3A_78, %add3A_83 : vector<16xi32>
    %select_n3A_85 = arith.select %lt3A_81, %add3A_84, %and3A_78 : vector<16xi1>, vector<16xi32>
    %broadcast_in_dim3A_86 = vector.shape_cast %select_n3A_85 : vector<16xi32> to vector<16x1xi32>
    %gather3A_87 = vector.shape_cast %broadcast_in_dim3A_86 : vector<16x1xi32> to vector<16xi32>
    %gather3A_88 = tpu.dynamic_gather %get3A_32[%gather3A_87] in [0] : vector<16xf32>, vector<16xi32> -> vector<16xf32>
    %mul3A_89 = arith.constant 2 : i32
    %mul3A_90 = vector.broadcast %mul3A_89 : i32 to vector<16xi32>
    %mul3A_91 = arith.muli %iota3A, %mul3A_90 : vector<16xi32>
    %sub3A_92 = arith.constant 3 : i32
    %sub3A_93 = vector.broadcast %sub3A_92 : i32 to vector<16xi32>
    %sub3A_94 = arith.subi %mul3A_91, %sub3A_93 : vector<16xi32>
    %and3A_95 = arith.constant 15 : i32
    %and3A_96 = vector.broadcast %and3A_95 : i32 to vector<16xi32>
    %and3A_97 = arith.andi %sub3A_94, %and3A_96 : vector<16xi32>
    %lt3A_98 = arith.constant 0 : i32
    %lt3A_99 = vector.broadcast %lt3A_98 : i32 to vector<16xi32>
    %lt3A_100 = arith.cmpi slt, %and3A_97, %lt3A_99 : vector<16xi32>
    %add3A_101 = arith.constant 16 : i32
    %add3A_102 = vector.broadcast %add3A_101 : i32 to vector<16xi32>
    %add3A_103 = arith.addi %and3A_97, %add3A_102 : vector<16xi32>
    %select_n3A_104 = arith.select %lt3A_100, %add3A_103, %and3A_97 : vector<16xi1>, vector<16xi32>
    %broadcast_in_dim3A_105 = vector.shape_cast %select_n3A_104 : vector<16xi32> to vector<16x1xi32>
    %gather3A_106 = vector.shape_cast %broadcast_in_dim3A_105 : vector<16x1xi32> to vector<16xi32>
    %gather3A_107 = tpu.dynamic_gather %get3A_35[%gather3A_106] in [0] : vector<16xf32>, vector<16xi32> -> vector<16xf32>
    %select_n3A_108 = arith.select %lt3A_37, %gather3A_88, %gather3A_107 : vector<16xi1>, vector<16xf32>
    %dma_wait3A = arith.constant 0 : i32
    %dma_wait3A_109 = tpu.memref_slice %arg6[%dma_wait3A] : memref<2048xf32, #tpu.memory_space<vmem>> -> memref<1024xf32, #tpu.memory_space<vmem>>
    %dma_wait3A_110 = tpu.memref_slice %arg2[%mul3A_4] : memref<32768xf32, #tpu.memory_space<hbm>> -> memref<1024xf32, #tpu.memory_space<hbm>>
    %dma_wait3A_111 = arith.constant 0 : i32
    %dma_wait3A_112 = tpu.memref_slice %arg6[%dma_wait3A_111] : memref<2048xf32, #tpu.memory_space<vmem>> -> memref<1024xf32, #tpu.memory_space<vmem>>
    %dma_wait3A_113 = tpu.memref_slice %arg2[%mul3A_4] : memref<32768xf32, #tpu.memory_space<hbm>> -> memref<1024xf32, #tpu.memory_space<hbm>>
    tpu.wait_dma2 semaphore(%arg12 : memref<!tpu.dma_semaphore, #tpu.memory_space<semaphore_mem>>) src(%dma_wait3A_113 : memref<1024xf32, #tpu.memory_space<hbm>>) dst(%dma_wait3A_112 : memref<1024xf32, #tpu.memory_space<vmem>>)
    %dma_wait3A_114 = tpu.memref_slice %arg3[%mul3A_2] : memref<16384xi32, #tpu.memory_space<hbm>> -> memref<1024xi32, #tpu.memory_space<hbm>>
    %dma_wait3A_115 = tpu.memref_slice %arg3[%mul3A_2] : memref<16384xi32, #tpu.memory_space<hbm>> -> memref<1024xi32, #tpu.memory_space<hbm>>
    tpu.wait_dma2 semaphore(%arg13 : memref<!tpu.dma_semaphore, #tpu.memory_space<semaphore_mem>>) src(%dma_wait3A_115 : memref<1024xi32, #tpu.memory_space<hbm>>) dst(%arg7 : memref<1024xi32, #tpu.memory_space<vmem>>)
    %broadcast_in_dim3A_116 = arith.constant 0.000000e+00 : f32
    %broadcast_in_dim3A_117 = vector.broadcast %broadcast_in_dim3A_116 : f32 to vector<16xf32>
    %get3A_118 = arith.constant 0 : index
    %get3A_119 = tpu.vector_load %arg7[%get3A_118] {strides = array<i32>} : memref<1024xi32, #tpu.memory_space<vmem>>, vector<16xi32>,
    %get3A_120 = vector.shape_cast %get3A_119 : vector<16xi32> to vector<16xi32>
    %lt3A_121 = arith.constant 0 : i32
    %lt3A_122 = vector.broadcast %lt3A_121 : i32 to vector<16xi32>
    %lt3A_123 = arith.cmpi slt, %shift_right_arithmetic3A_23, %lt3A_122 : vector<16xi32>
    %add3A_124 = arith.constant 16 : i32
    %add3A_125 = vector.broadcast %add3A_124 : i32 to vector<16xi32>
    %add3A_126 = arith.addi %shift_right_arithmetic3A_23, %add3A_125 : vector<16xi32>
    %select_n3A_127 = arith.select %lt3A_123, %add3A_126, %shift_right_arithmetic3A_23 : vector<16xi1>, vector<16xi32>
    %broadcast_in_dim3A_128 = vector.shape_cast %select_n3A_127 : vector<16xi32> to vector<16x1xi32>
    %gather3A_129 = vector.shape_cast %broadcast_in_dim3A_128 : vector<16x1xi32> to vector<16xi32>
    %gather3A_130 = tpu.dynamic_gather %get3A_120[%gather3A_129] in [0] : vector<16xi32>, vector<16xi32> -> vector<16xi32>
    %lt3A_131 = arith.constant 0 : i32
    %lt3A_132 = vector.broadcast %lt3A_131 : i32 to vector<16xi32>
    %lt3A_133 = arith.cmpi slt, %gather3A_130, %lt3A_132 : vector<16xi32>
    %add3A_134 = arith.constant 16 : i32
    %add3A_135 = vector.broadcast %add3A_134 : i32 to vector<16xi32>
    %add3A_136 = arith.addi %gather3A_130, %add3A_135 : vector<16xi32>
    %select_n3A_137 = arith.select %lt3A_133, %add3A_136, %gather3A_130 : vector<16xi1>, vector<16xi32>
    %broadcast_in_dim3A_138 = vector.shape_cast %select_n3A_137 : vector<16xi32> to vector<16x1xi32>
    %gather3A_139 = vector.shape_cast %broadcast_in_dim3A_138 : vector<16x1xi32> to vector<16xi32>
    %gather3A_140 = tpu.dynamic_gather %select_n3A_69[%gather3A_139] in [0] : vector<16xf32>, vector<16xi32> -> vector<16xf32>
    %lt3A_141 = arith.constant 0 : i32
    %lt3A_142 = vector.broadcast %lt3A_141 : i32 to vector<16xi32>
    %lt3A_143 = arith.cmpi slt, %gather3A_130, %lt3A_142 : vector<16xi32>
    %add3A_144 = arith.constant 16 : i32
    %add3A_145 = vector.broadcast %add3A_144 : i32 to vector<16xi32>
    %add3A_146 = arith.addi %gather3A_130, %add3A_145 : vector<16xi32>
    %select_n3A_147 = arith.select %lt3A_143, %add3A_146, %gather3A_130 : vector<16xi1>, vector<16xi32>
    %broadcast_in_dim3A_148 = vector.shape_cast %select_n3A_147 : vector<16xi32> to vector<16x1xi32>
    %gather3A_149 = vector.shape_cast %broadcast_in_dim3A_148 : vector<16x1xi32> to vector<16xi32>
    %gather3A_150 = tpu.dynamic_gather %select_n3A_108[%gather3A_149] in [0] : vector<16xf32>, vector<16xi32> -> vector<16xf32>
    %select_n3A_151 = arith.select %eq3A_30, %gather3A_150, %gather3A_140 : vector<16xi1>, vector<16xf32>
    %get3A_152 = arith.constant 0 : index
    %get3A_153 = tpu.vector_load %arg6[%get3A_152] {strides = array<i32>} : memref<2048xf32, #tpu.memory_space<vmem>>, vector<16xf32>,
    %get3A_154 = vector.shape_cast %get3A_153 : vector<16xf32> to vector<16xf32>
    %sub3A_155 = arith.subf %get3A_154, %select_n3A_151 : vector<16xf32>
    %mul3A_156 = arith.mulf %sub3A_155, %sub3A_155 : vector<16xf32>
    %add3A_157 = arith.addf %broadcast_in_dim3A_117, %mul3A_156 : vector<16xf32>
    %lt3A_158 = arith.constant 0 : i32
    %lt3A_159 = vector.broadcast %lt3A_158 : i32 to vector<16xi32>
    %lt3A_160 = arith.cmpi slt, %add3A_26, %lt3A_159 : vector<16xi32>
    %add3A_161 = arith.constant 16 : i32
    %add3A_162 = vector.broadcast %add3A_161 : i32 to vector<16xi32>
    %add3A_163 = arith.addi %add3A_26, %add3A_162 : vector<16xi32>
    %select_n3A_164 = arith.select %lt3A_160, %add3A_163, %add3A_26 : vector<16xi1>, vector<16xi32>
    %broadcast_in_dim3A_165 = vector.shape_cast %select_n3A_164 : vector<16xi32> to vector<16x1xi32>
    %gather3A_166 = vector.shape_cast %broadcast_in_dim3A_165 : vector<16x1xi32> to vector<16xi32>
    %gather3A_167 = tpu.dynamic_gather %get3A_120[%gather3A_166] in [0] : vector<16xi32>, vector<16xi32> -> vector<16xi32>
    %lt3A_168 = arith.constant 0 : i32
    %lt3A_169 = vector.broadcast %lt3A_168 : i32 to vector<16xi32>
    %lt3A_170 = arith.cmpi slt, %gather3A_167, %lt3A_169 : vector<16xi32>
    %add3A_171 = arith.constant 16 : i32
    %add3A_172 = vector.broadcast %add3A_171 : i32 to vector<16xi32>
    %add3A_173 = arith.addi %gather3A_167, %add3A_172 : vector<16xi32>
    %select_n3A_174 = arith.select %lt3A_170, %add3A_173, %gather3A_167 : vector<16xi1>, vector<16xi32>
    %broadcast_in_dim3A_175 = vector.shape_cast %select_n3A_174 : vector<16xi32> to vector<16x1xi32>
    %gather3A_176 = vector.shape_cast %broadcast_in_dim3A_175 : vector<16x1xi32> to vector<16xi32>
    %gather3A_177 = tpu.dynamic_gather %select_n3A_69[%gather3A_176] in [0] : vector<16xf32>, vector<16xi32> -> vector<16xf32>
    %lt3A_178 = arith.constant 0 : i32
    %lt3A_179 = vector.broadcast %lt3A_178 : i32 to vector<16xi32>
    %lt3A_180 = arith.cmpi slt, %gather3A_167, %lt3A_179 : vector<16xi32>
    %add3A_181 = arith.constant 16 : i32
    %add3A_182 = vector.broadcast %add3A_181 : i32 to vector<16xi32>
    %add3A_183 = arith.addi %gather3A_167, %add3A_182 : vector<16xi32>
    %select_n3A_184 = arith.select %lt3A_180, %add3A_183, %gather3A_167 : vector<16xi1>, vector<16xi32>
    %broadcast_in_dim3A_185 = vector.shape_cast %select_n3A_184 : vector<16xi32> to vector<16x1xi32>
    %gather3A_186 = vector.shape_cast %broadcast_in_dim3A_185 : vector<16x1xi32> to vector<16xi32>
    %gather3A_187 = tpu.dynamic_gather %select_n3A_108[%gather3A_186] in [0] : vector<16xf32>, vector<16xi32> -> vector<16xf32>
    %select_n3A_188 = arith.select %eq3A_30, %gather3A_187, %gather3A_177 : vector<16xi1>, vector<16xf32>
    %get3A_189 = arith.constant 16 : index
    %get3A_190 = tpu.vector_load %arg6[%get3A_189] {strides = array<i32>} : memref<2048xf32, #tpu.memory_space<vmem>>, vector<16xf32>,
    %get3A_191 = vector.shape_cast %get3A_190 : vector<16xf32> to vector<16xf32>
    %sub3A_192 = arith.subf %get3A_191, %select_n3A_188 : vector<16xf32>
    %mul3A_193 = arith.mulf %sub3A_192, %sub3A_192 : vector<16xf32>
    %add3A_194 = arith.addf %add3A_157, %mul3A_193 : vector<16xf32>
    %get3A_195 = arith.constant 16 : index
    %get3A_196 = tpu.vector_load %arg7[%get3A_195] {strides = array<i32>} : memref<1024xi32, #tpu.memory_space<vmem>>, vector<16xi32>,
    %get3A_197 = vector.shape_cast %get3A_196 : vector<16xi32> to vector<16xi32>
    %lt3A_198 = arith.constant 0 : i32
    %lt3A_199 = vector.broadcast %lt3A_198 : i32 to vector<16xi32>
    %lt3A_200 = arith.cmpi slt, %shift_right_arithmetic3A_23, %lt3A_199 : vector<16xi32>
    %add3A_201 = arith.constant 16 : i32
    %add3A_202 = vector.broadcast %add3A_201 : i32 to vector<16xi32>
    %add3A_203 = arith.addi %shift_right_arithmetic3A_23, %add3A_202 : vector<16xi32>
    %select_n3A_204 = arith.select %lt3A_200, %add3A_203, %shift_right_arithmetic3A_23 : vector<16xi1>, vector<16xi32>
    %broadcast_in_dim3A_205 = vector.shape_cast %select_n3A_204 : vector<16xi32> to vector<16x1xi32>
    %gather3A_206 = vector.shape_cast %broadcast_in_dim3A_205 : vector<16x1xi32> to vector<16xi32>
    %gather3A_207 = tpu.dynamic_gather %get3A_197[%gather3A_206] in [0] : vector<16xi32>, vector<16xi32> -> vector<16xi32>
    %lt3A_208 = arith.constant 0 : i32
    %lt3A_209 = vector.broadcast %lt3A_208 : i32 to vector<16xi32>
    %lt3A_210 = arith.cmpi slt, %gather3A_207, %lt3A_209 : vector<16xi32>
    %add3A_211 = arith.constant 16 : i32
    %add3A_212 = vector.broadcast %add3A_211 : i32 to vector<16xi32>
    %add3A_213 = arith.addi %gather3A_207, %add3A_212 : vector<16xi32>
    %select_n3A_214 = arith.select %lt3A_210, %add3A_213, %gather3A_207 : vector<16xi1>, vector<16xi32>
    %broadcast_in_dim3A_215 = vector.shape_cast %select_n3A_214 : vector<16xi32> to vector<16x1xi32>
    %gather3A_216 = vector.shape_cast %broadcast_in_dim3A_215 : vector<16x1xi32> to vector<16xi32>
    %gather3A_217 = tpu.dynamic_gather %select_n3A_69[%gather3A_216] in [0] : vector<16xf32>, vector<16xi32> -> vector<16xf32>
    %lt3A_218 = arith.constant 0 : i32
    %lt3A_219 = vector.broadcast %lt3A_218 : i32 to vector<16xi32>
    %lt3A_220 = arith.cmpi slt, %gather3A_207, %lt3A_219 : vector<16xi32>
    %add3A_221 = arith.constant 16 : i32
    %add3A_222 = vector.broadcast %add3A_221 : i32 to vector<16xi32>
    %add3A_223 = arith.addi %gather3A_207, %add3A_222 : vector<16xi32>
    %select_n3A_224 = arith.select %lt3A_220, %add3A_223, %gather3A_207 : vector<16xi1>, vector<16xi32>
    %broadcast_in_dim3A_225 = vector.shape_cast %select_n3A_224 : vector<16xi32> to vector<16x1xi32>
    %gather3A_226 = vector.shape_cast %broadcast_in_dim3A_225 : vector<16x1xi32> to vector<16xi32>
    %gather3A_227 = tpu.dynamic_gather %select_n3A_108[%gather3A_226] in [0] : vector<16xf32>, vector<16xi32> -> vector<16xf32>
    %select_n3A_228 = arith.select %eq3A_30, %gather3A_227, %gather3A_217 : vector<16xi1>, vector<16xf32>
    %get3A_229 = arith.constant 32 : index
    %get3A_230 = tpu.vector_load %arg6[%get3A_229] {strides = array<i32>} : memref<2048xf32, #tpu.memory_space<vmem>>, vector<16xf32>,
    %get3A_231 = vector.shape_cast %get3A_230 : vector<16xf32> to vector<16xf32>
    %sub3A_232 = arith.subf %get3A_231, %select_n3A_228 : vector<16xf32>
    %mul3A_233 = arith.mulf %sub3A_232, %sub3A_232 : vector<16xf32>
    %add3A_234 = arith.addf %add3A_194, %mul3A_233 : vector<16xf32>
    %lt3A_235 = arith.constant 0 : i32
    %lt3A_236 = vector.broadcast %lt3A_235 : i32 to vector<16xi32>
    %lt3A_237 = arith.cmpi slt, %add3A_26, %lt3A_236 : vector<16xi32>
    %add3A_238 = arith.constant 16 : i32
    %add3A_239 = vector.broadcast %add3A_238 : i32 to vector<16xi32>
    %add3A_240 = arith.addi %add3A_26, %add3A_239 : vector<16xi32>
    %select_n3A_241 = arith.select %lt3A_237, %add3A_240, %add3A_26 : vector<16xi1>, vector<16xi32>
    %broadcast_in_dim3A_242 = vector.shape_cast %select_n3A_241 : vector<16xi32> to vector<16x1xi32>
    %gather3A_243 = vector.shape_cast %broadcast_in_dim3A_242 : vector<16x1xi32> to vector<16xi32>
    %gather3A_244 = tpu.dynamic_gather %get3A_197[%gather3A_243] in [0] : vector<16xi32>, vector<16xi32> -> vector<16xi32>
    %lt3A_245 = arith.constant 0 : i32
    %lt3A_246 = vector.broadcast %lt3A_245 : i32 to vector<16xi32>
    %lt3A_247 = arith.cmpi slt, %gather3A_244, %lt3A_246 : vector<16xi32>
    %add3A_248 = arith.constant 16 : i32
    %add3A_249 = vector.broadcast %add3A_248 : i32 to vector<16xi32>
    %add3A_250 = arith.addi %gather3A_244, %add3A_249 : vector<16xi32>
    %select_n3A_251 = arith.select %lt3A_247, %add3A_250, %gather3A_244 : vector<16xi1>, vector<16xi32>
    %broadcast_in_dim3A_252 = vector.shape_cast %select_n3A_251 : vector<16xi32> to vector<16x1xi32>
    %gather3A_253 = vector.shape_cast %broadcast_in_dim3A_252 : vector<16x1xi32> to vector<16xi32>
    %gather3A_254 = tpu.dynamic_gather %select_n3A_69[%gather3A_253] in [0] : vector<16xf32>, vector<16xi32> -> vector<16xf32>
    %lt3A_255 = arith.constant 0 : i32
    %lt3A_256 = vector.broadcast %lt3A_255 : i32 to vector<16xi32>
    %lt3A_257 = arith.cmpi slt, %gather3A_244, %lt3A_256 : vector<16xi32>
    %add3A_258 = arith.constant 16 : i32
    %add3A_259 = vector.broadcast %add3A_258 : i32 to vector<16xi32>
    %add3A_260 = arith.addi %gather3A_244, %add3A_259 : vector<16xi32>
    %select_n3A_261 = arith.select %lt3A_257, %add3A_260, %gather3A_244 : vector<16xi1>, vector<16xi32>
    %broadcast_in_dim3A_262 = vector.shape_cast %select_n3A_261 : vector<16xi32> to vector<16x1xi32>
    %gather3A_263 = vector.shape_cast %broadcast_in_dim3A_262 : vector<16x1xi32> to vector<16xi32>
    %gather3A_264 = tpu.dynamic_gather %select_n3A_108[%gather3A_263] in [0] : vector<16xf32>, vector<16xi32> -> vector<16xf32>
    %select_n3A_265 = arith.select %eq3A_30, %gather3A_264, %gather3A_254 : vector<16xi1>, vector<16xf32>
    %get3A_266 = arith.constant 48 : index
    %get3A_267 = tpu.vector_load %arg6[%get3A_266] {strides = array<i32>} : memref<2048xf32, #tpu.memory_space<vmem>>, vector<16xf32>,
    %get3A_268 = vector.shape_cast %get3A_267 : vector<16xf32> to vector<16xf32>
    %sub3A_269 = arith.subf %get3A_268, %select_n3A_265 : vector<16xf32>
    %mul3A_270 = arith.mulf %sub3A_269, %sub3A_269 : vector<16xf32>
    %add3A_271 = arith.addf %add3A_234, %mul3A_270 : vector<16xf32>
    %get3A_272 = arith.constant 32 : index
    %get3A_273 = tpu.vector_load %arg7[%get3A_272] {strides = array<i32>} : memref<1024xi32, #tpu.memory_space<vmem>>, vector<16xi32>,
    %get3A_274 = vector.shape_cast %get3A_273 : vector<16xi32> to vector<16xi32>
    %lt3A_275 = arith.constant 0 : i32
    %lt3A_276 = vector.broadcast %lt3A_275 : i32 to vector<16xi32>
    %lt3A_277 = arith.cmpi slt, %shift_right_arithmetic3A_23, %lt3A_276 : vector<16xi32>
    %add3A_278 = arith.constant 16 : i32
    %add3A_279 = vector.broadcast %add3A_278 : i32 to vector<16xi32>
    %add3A_280 = arith.addi %shift_right_arithmetic3A_23, %add3A_279 : vector<16xi32>
    %select_n3A_281 = arith.select %lt3A_277, %add3A_280, %shift_right_arithmetic3A_23 : vector<16xi1>, vector<16xi32>
    %broadcast_in_dim3A_282 = vector.shape_cast %select_n3A_281 : vector<16xi32> to vector<16x1xi32>
    %gather3A_283 = vector.shape_cast %broadcast_in_dim3A_282 : vector<16x1xi32> to vector<16xi32>
    %gather3A_284 = tpu.dynamic_gather %get3A_274[%gather3A_283] in [0] : vector<16xi32>, vector<16xi32> -> vector<16xi32>
    %lt3A_285 = arith.constant 0 : i32
    %lt3A_286 = vector.broadcast %lt3A_285 : i32 to vector<16xi32>
    %lt3A_287 = arith.cmpi slt, %gather3A_284, %lt3A_286 : vector<16xi32>
    %add3A_288 = arith.constant 16 : i32
    %add3A_289 = vector.broadcast %add3A_288 : i32 to vector<16xi32>
    %add3A_290 = arith.addi %gather3A_284, %add3A_289 : vector<16xi32>
    %select_n3A_291 = arith.select %lt3A_287, %add3A_290, %gather3A_284 : vector<16xi1>, vector<16xi32>
    %broadcast_in_dim3A_292 = vector.shape_cast %select_n3A_291 : vector<16xi32> to vector<16x1xi32>
    %gather3A_293 = vector.shape_cast %broadcast_in_dim3A_292 : vector<16x1xi32> to vector<16xi32>
    %gather3A_294 = tpu.dynamic_gather %select_n3A_69[%gather3A_293] in [0] : vector<16xf32>, vector<16xi32> -> vector<16xf32>
    %lt3A_295 = arith.constant 0 : i32
    %lt3A_296 = vector.broadcast %lt3A_295 : i32 to vector<16xi32>
    %lt3A_297 = arith.cmpi slt, %gather3A_284, %lt3A_296 : vector<16xi32>
    %add3A_298 = arith.constant 16 : i32
    %add3A_299 = vector.broadcast %add3A_298 : i32 to vector<16xi32>
    %add3A_300 = arith.addi %gather3A_284, %add3A_299 : vector<16xi32>
    %select_n3A_301 = arith.select %lt3A_297, %add3A_300, %gather3A_284 : vector<16xi1>, vector<16xi32>
    %broadcast_in_dim3A_302 = vector.shape_cast %select_n3A_301 : vector<16xi32> to vector<16x1xi32>
    %gather3A_303 = vector.shape_cast %broadcast_in_dim3A_302 : vector<16x1xi32> to vector<16xi32>
    %gather3A_304 = tpu.dynamic_gather %select_n3A_108[%gather3A_303] in [0] : vector<16xf32>, vector<16xi32> -> vector<16xf32>
    %select_n3A_305 = arith.select %eq3A_30, %gather3A_304, %gather3A_294 : vector<16xi1>, vector<16xf32>
    %get3A_306 = arith.constant 64 : index
    %get3A_307 = tpu.vector_load %arg6[%get3A_306] {strides = array<i32>} : memref<2048xf32, #tpu.memory_space<vmem>>, vector<16xf32>,
    %get3A_308 = vector.shape_cast %get3A_307 : vector<16xf32> to vector<16xf32>
    %sub3A_309 = arith.subf %get3A_308, %select_n3A_305 : vector<16xf32>
    %mul3A_310 = arith.mulf %sub3A_309, %sub3A_309 : vector<16xf32>
    %add3A_311 = arith.addf %add3A_271, %mul3A_310 : vector<16xf32>
    %lt3A_312 = arith.constant 0 : i32
    %lt3A_313 = vector.broadcast %lt3A_312 : i32 to vector<16xi32>
    %lt3A_314 = arith.cmpi slt, %add3A_26, %lt3A_313 : vector<16xi32>
    %add3A_315 = arith.constant 16 : i32
    %add3A_316 = vector.broadcast %add3A_315 : i32 to vector<16xi32>
    %add3A_317 = arith.addi %add3A_26, %add3A_316 : vector<16xi32>
    %select_n3A_318 = arith.select %lt3A_314, %add3A_317, %add3A_26 : vector<16xi1>, vector<16xi32>
    %broadcast_in_dim3A_319 = vector.shape_cast %select_n3A_318 : vector<16xi32> to vector<16x1xi32>
    %gather3A_320 = vector.shape_cast %broadcast_in_dim3A_319 : vector<16x1xi32> to vector<16xi32>
    %gather3A_321 = tpu.dynamic_gather %get3A_274[%gather3A_320] in [0] : vector<16xi32>, vector<16xi32> -> vector<16xi32>
    %lt3A_322 = arith.constant 0 : i32
    %lt3A_323 = vector.broadcast %lt3A_322 : i32 to vector<16xi32>
    %lt3A_324 = arith.cmpi slt, %gather3A_321, %lt3A_323 : vector<16xi32>
    %add3A_325 = arith.constant 16 : i32
    %add3A_326 = vector.broadcast %add3A_325 : i32 to vector<16xi32>
    %add3A_327 = arith.addi %gather3A_321, %add3A_326 : vector<16xi32>
    %select_n3A_328 = arith.select %lt3A_324, %add3A_327, %gather3A_321 : vector<16xi1>, vector<16xi32>
    %broadcast_in_dim3A_329 = vector.shape_cast %select_n3A_328 : vector<16xi32> to vector<16x1xi32>
    %gather3A_330 = vector.shape_cast %broadcast_in_dim3A_329 : vector<16x1xi32> to vector<16xi32>
    %gather3A_331 = tpu.dynamic_gather %select_n3A_69[%gather3A_330] in [0] : vector<16xf32>, vector<16xi32> -> vector<16xf32>
    %lt3A_332 = arith.constant 0 : i32
    %lt3A_333 = vector.broadcast %lt3A_332 : i32 to vector<16xi32>
    %lt3A_334 = arith.cmpi slt, %gather3A_321, %lt3A_333 : vector<16xi32>
    %add3A_335 = arith.constant 16 : i32
    %add3A_336 = vector.broadcast %add3A_335 : i32 to vector<16xi32>
    %add3A_337 = arith.addi %gather3A_321, %add3A_336 : vector<16xi32>
    %select_n3A_338 = arith.select %lt3A_334, %add3A_337, %gather3A_321 : vector<16xi1>, vector<16xi32>
    %broadcast_in_dim3A_339 = vector.shape_cast %select_n3A_338 : vector<16xi32> to vector<16x1xi32>
    %gather3A_340 = vector.shape_cast %broadcast_in_dim3A_339 : vector<16x1xi32> to vector<16xi32>
    %gather3A_341 = tpu.dynamic_gather %select_n3A_108[%gather3A_340] in [0] : vector<16xf32>, vector<16xi32> -> vector<16xf32>
    %select_n3A_342 = arith.select %eq3A_30, %gather3A_341, %gather3A_331 : vector<16xi1>, vector<16xf32>
    %get3A_343 = arith.constant 80 : index
    %get3A_344 = tpu.vector_load %arg6[%get3A_343] {strides = array<i32>} : memref<2048xf32, #tpu.memory_space<vmem>>, vector<16xf32>,
    %get3A_345 = vector.shape_cast %get3A_344 : vector<16xf32> to vector<16xf32>
    %sub3A_346 = arith.subf %get3A_345, %select_n3A_342 : vector<16xf32>
    %mul3A_347 = arith.mulf %sub3A_346, %sub3A_346 : vector<16xf32>
    %add3A_348 = arith.addf %add3A_311, %mul3A_347 : vector<16xf32>
    %get3A_349 = arith.constant 48 : index
    %get3A_350 = tpu.vector_load %arg7[%get3A_349] {strides = array<i32>} : memref<1024xi32, #tpu.memory_space<vmem>>, vector<16xi32>,
    %get3A_351 = vector.shape_cast %get3A_350 : vector<16xi32> to vector<16xi32>
    %lt3A_352 = arith.constant 0 : i32
    %lt3A_353 = vector.broadcast %lt3A_352 : i32 to vector<16xi32>
    %lt3A_354 = arith.cmpi slt, %shift_right_arithmetic3A_23, %lt3A_353 : vector<16xi32>
    %add3A_355 = arith.constant 16 : i32
    %add3A_356 = vector.broadcast %add3A_355 : i32 to vector<16xi32>
    %add3A_357 = arith.addi %shift_right_arithmetic3A_23, %add3A_356 : vector<16xi32>
    %select_n3A_358 = arith.select %lt3A_354, %add3A_357, %shift_right_arithmetic3A_23 : vector<16xi1>, vector<16xi32>
    %broadcast_in_dim3A_359 = vector.shape_cast %select_n3A_358 : vector<16xi32> to vector<16x1xi32>
    %gather3A_360 = vector.shape_cast %broadcast_in_dim3A_359 : vector<16x1xi32> to vector<16xi32>
    %gather3A_361 = tpu.dynamic_gather %get3A_351[%gather3A_360] in [0] : vector<16xi32>, vector<16xi32> -> vector<16xi32>
    %lt3A_362 = arith.constant 0 : i32
    %lt3A_363 = vector.broadcast %lt3A_362 : i32 to vector<16xi32>
    %lt3A_364 = arith.cmpi slt, %gather3A_361, %lt3A_363 : vector<16xi32>
    %add3A_365 = arith.constant 16 : i32
    %add3A_366 = vector.broadcast %add3A_365 : i32 to vector<16xi32>
    %add3A_367 = arith.addi %gather3A_361, %add3A_366 : vector<16xi32>
    %select_n3A_368 = arith.select %lt3A_364, %add3A_367, %gather3A_361 : vector<16xi1>, vector<16xi32>
    %broadcast_in_dim3A_369 = vector.shape_cast %select_n3A_368 : vector<16xi32> to vector<16x1xi32>
    %gather3A_370 = vector.shape_cast %broadcast_in_dim3A_369 : vector<16x1xi32> to vector<16xi32>
    %gather3A_371 = tpu.dynamic_gather %select_n3A_69[%gather3A_370] in [0] : vector<16xf32>, vector<16xi32> -> vector<16xf32>
    %lt3A_372 = arith.constant 0 : i32
    %lt3A_373 = vector.broadcast %lt3A_372 : i32 to vector<16xi32>
    %lt3A_374 = arith.cmpi slt, %gather3A_361, %lt3A_373 : vector<16xi32>
    %add3A_375 = arith.constant 16 : i32
    %add3A_376 = vector.broadcast %add3A_375 : i32 to vector<16xi32>
    %add3A_377 = arith.addi %gather3A_361, %add3A_376 : vector<16xi32>
    %select_n3A_378 = arith.select %lt3A_374, %add3A_377, %gather3A_361 : vector<16xi1>, vector<16xi32>
    %broadcast_in_dim3A_379 = vector.shape_cast %select_n3A_378 : vector<16xi32> to vector<16x1xi32>
    %gather3A_380 = vector.shape_cast %broadcast_in_dim3A_379 : vector<16x1xi32> to vector<16xi32>
    %gather3A_381 = tpu.dynamic_gather %select_n3A_108[%gather3A_380] in [0] : vector<16xf32>, vector<16xi32> -> vector<16xf32>
    %select_n3A_382 = arith.select %eq3A_30, %gather3A_381, %gather3A_371 : vector<16xi1>, vector<16xf32>
    %get3A_383 = arith.constant 96 : index
    %get3A_384 = tpu.vector_load %arg6[%get3A_383] {strides = array<i32>} : memref<2048xf32, #tpu.memory_space<vmem>>, vector<16xf32>,
    %get3A_385 = vector.shape_cast %get3A_384 : vector<16xf32> to vector<16xf32>
    %sub3A_386 = arith.subf %get3A_385, %select_n3A_382 : vector<16xf32>
    %mul3A_387 = arith.mulf %sub3A_386, %sub3A_386 : vector<16xf32>
    %add3A_388 = arith.addf %add3A_348, %mul3A_387 : vector<16xf32>
    %lt3A_389 = arith.constant 0 : i32
    %lt3A_390 = vector.broadcast %lt3A_389 : i32 to vector<16xi32>
    %lt3A_391 = arith.cmpi slt, %add3A_26, %lt3A_390 : vector<16xi32>
    %add3A_392 = arith.constant 16 : i32
    %add3A_393 = vector.broadcast %add3A_392 : i32 to vector<16xi32>
    %add3A_394 = arith.addi %add3A_26, %add3A_393 : vector<16xi32>
    %select_n3A_395 = arith.select %lt3A_391, %add3A_394, %add3A_26 : vector<16xi1>, vector<16xi32>
    %broadcast_in_dim3A_396 = vector.shape_cast %select_n3A_395 : vector<16xi32> to vector<16x1xi32>
    %gather3A_397 = vector.shape_cast %broadcast_in_dim3A_396 : vector<16x1xi32> to vector<16xi32>
    %gather3A_398 = tpu.dynamic_gather %get3A_351[%gather3A_397] in [0] : vector<16xi32>, vector<16xi32> -> vector<16xi32>
    %lt3A_399 = arith.constant 0 : i32
    %lt3A_400 = vector.broadcast %lt3A_399 : i32 to vector<16xi32>
    %lt3A_401 = arith.cmpi slt, %gather3A_398, %lt3A_400 : vector<16xi32>
    %add3A_402 = arith.constant 16 : i32
    %add3A_403 = vector.broadcast %add3A_402 : i32 to vector<16xi32>
    %add3A_404 = arith.addi %gather3A_398, %add3A_403 : vector<16xi32>
    %select_n3A_405 = arith.select %lt3A_401, %add3A_404, %gather3A_398 : vector<16xi1>, vector<16xi32>
    %broadcast_in_dim3A_406 = vector.shape_cast %select_n3A_405 : vector<16xi32> to vector<16x1xi32>
    %gather3A_407 = vector.shape_cast %broadcast_in_dim3A_406 : vector<16x1xi32> to vector<16xi32>
    %gather3A_408 = tpu.dynamic_gather %select_n3A_69[%gather3A_407] in [0] : vector<16xf32>, vector<16xi32> -> vector<16xf32>
    %lt3A_409 = arith.constant 0 : i32
    %lt3A_410 = vector.broadcast %lt3A_409 : i32 to vector<16xi32>
    %lt3A_411 = arith.cmpi slt, %gather3A_398, %lt3A_410 : vector<16xi32>
    %add3A_412 = arith.constant 16 : i32
    %add3A_413 = vector.broadcast %add3A_412 : i32 to vector<16xi32>
    %add3A_414 = arith.addi %gather3A_398, %add3A_413 : vector<16xi32>
    %select_n3A_415 = arith.select %lt3A_411, %add3A_414, %gather3A_398 : vector<16xi1>, vector<16xi32>
    %broadcast_in_dim3A_416 = vector.shape_cast %select_n3A_415 : vector<16xi32> to vector<16x1xi32>
    %gather3A_417 = vector.shape_cast %broadcast_in_dim3A_416 : vector<16x1xi32> to vector<16xi32>
    %gather3A_418 = tpu.dynamic_gather %select_n3A_108[%gather3A_417] in [0] : vector<16xf32>, vector<16xi32> -> vector<16xf32>
    %select_n3A_419 = arith.select %eq3A_30, %gather3A_418, %gather3A_408 : vector<16xi1>, vector<16xf32>
    %get3A_420 = arith.constant 112 : index
    %get3A_421 = tpu.vector_load %arg6[%get3A_420] {strides = array<i32>} : memref<2048xf32, #tpu.memory_space<vmem>>, vector<16xf32>,
    %get3A_422 = vector.shape_cast %get3A_421 : vector<16xf32> to vector<16xf32>
    %sub3A_423 = arith.subf %get3A_422, %select_n3A_419 : vector<16xf32>
    %mul3A_424 = arith.mulf %sub3A_423, %sub3A_423 : vector<16xf32>
    %add3A_425 = arith.addf %add3A_388, %mul3A_424 : vector<16xf32>
    %get3A_426 = arith.constant 64 : index
    %get3A_427 = tpu.vector_load %arg7[%get3A_426] {strides = array<i32>} : memref<1024xi32, #tpu.memory_space<vmem>>, vector<16xi32>,
    %get3A_428 = vector.shape_cast %get3A_427 : vector<16xi32> to vector<16xi32>
    %lt3A_429 = arith.constant 0 : i32
    %lt3A_430 = vector.broadcast %lt3A_429 : i32 to vector<16xi32>
    %lt3A_431 = arith.cmpi slt, %shift_right_arithmetic3A_23, %lt3A_430 : vector<16xi32>
    %add3A_432 = arith.constant 16 : i32
    %add3A_433 = vector.broadcast %add3A_432 : i32 to vector<16xi32>
    %add3A_434 = arith.addi %shift_right_arithmetic3A_23, %add3A_433 : vector<16xi32>
    %select_n3A_435 = arith.select %lt3A_431, %add3A_434, %shift_right_arithmetic3A_23 : vector<16xi1>, vector<16xi32>
    %broadcast_in_dim3A_436 = vector.shape_cast %select_n3A_435 : vector<16xi32> to vector<16x1xi32>
    %gather3A_437 = vector.shape_cast %broadcast_in_dim3A_436 : vector<16x1xi32> to vector<16xi32>
    %gather3A_438 = tpu.dynamic_gather %get3A_428[%gather3A_437] in [0] : vector<16xi32>, vector<16xi32> -> vector<16xi32>
    %lt3A_439 = arith.constant 0 : i32
    %lt3A_440 = vector.broadcast %lt3A_439 : i32 to vector<16xi32>
    %lt3A_441 = arith.cmpi slt, %gather3A_438, %lt3A_440 : vector<16xi32>
    %add3A_442 = arith.constant 16 : i32
    %add3A_443 = vector.broadcast %add3A_442 : i32 to vector<16xi32>
    %add3A_444 = arith.addi %gather3A_438, %add3A_443 : vector<16xi32>
    %select_n3A_445 = arith.select %lt3A_441, %add3A_444, %gather3A_438 : vector<16xi1>, vector<16xi32>
    %broadcast_in_dim3A_446 = vector.shape_cast %select_n3A_445 : vector<16xi32> to vector<16x1xi32>
    %gather3A_447 = vector.shape_cast %broadcast_in_dim3A_446 : vector<16x1xi32> to vector<16xi32>
    %gather3A_448 = tpu.dynamic_gather %select_n3A_69[%gather3A_447] in [0] : vector<16xf32>, vector<16xi32> -> vector<16xf32>
    %lt3A_449 = arith.constant 0 : i32
    %lt3A_450 = vector.broadcast %lt3A_449 : i32 to vector<16xi32>
    %lt3A_451 = arith.cmpi slt, %gather3A_438, %lt3A_450 : vector<16xi32>
    %add3A_452 = arith.constant 16 : i32
    %add3A_453 = vector.broadcast %add3A_452 : i32 to vector<16xi32>
    %add3A_454 = arith.addi %gather3A_438, %add3A_453 : vector<16xi32>
    %select_n3A_455 = arith.select %lt3A_451, %add3A_454, %gather3A_438 : vector<16xi1>, vector<16xi32>
    %broadcast_in_dim3A_456 = vector.shape_cast %select_n3A_455 : vector<16xi32> to vector<16x1xi32>
    %gather3A_457 = vector.shape_cast %broadcast_in_dim3A_456 : vector<16x1xi32> to vector<16xi32>
    %gather3A_458 = tpu.dynamic_gather %select_n3A_108[%gather3A_457] in [0] : vector<16xf32>, vector<16xi32> -> vector<16xf32>
    %select_n3A_459 = arith.select %eq3A_30, %gather3A_458, %gather3A_448 : vector<16xi1>, vector<16xf32>
    %get3A_460 = arith.constant 128 : index
    %get3A_461 = tpu.vector_load %arg6[%get3A_460] {strides = array<i32>} : memref<2048xf32, #tpu.memory_space<vmem>>, vector<16xf32>,
    %get3A_462 = vector.shape_cast %get3A_461 : vector<16xf32> to vector<16xf32>
    %sub3A_463 = arith.subf %get3A_462, %select_n3A_459 : vector<16xf32>
    %mul3A_464 = arith.mulf %sub3A_463, %sub3A_463 : vector<16xf32>
    %add3A_465 = arith.addf %add3A_425, %mul3A_464 : vector<16xf32>
    %lt3A_466 = arith.constant 0 : i32
    %lt3A_467 = vector.broadcast %lt3A_466 : i32 to vector<16xi32>
    %lt3A_468 = arith.cmpi slt, %add3A_26, %lt3A_467 : vector<16xi32>
    %add3A_469 = arith.constant 16 : i32
    %add3A_470 = vector.broadcast %add3A_469 : i32 to vector<16xi32>
    %add3A_471 = arith.addi %add3A_26, %add3A_470 : vector<16xi32>
    %select_n3A_472 = arith.select %lt3A_468, %add3A_471, %add3A_26 : vector<16xi1>, vector<16xi32>
    %broadcast_in_dim3A_473 = vector.shape_cast %select_n3A_472 : vector<16xi32> to vector<16x1xi32>
    %gather3A_474 = vector.shape_cast %broadcast_in_dim3A_473 : vector<16x1xi32> to vector<16xi32>
    %gather3A_475 = tpu.dynamic_gather %get3A_428[%gather3A_474] in [0] : vector<16xi32>, vector<16xi32> -> vector<16xi32>
    %lt3A_476 = arith.constant 0 : i32
    %lt3A_477 = vector.broadcast %lt3A_476 : i32 to vector<16xi32>
    %lt3A_478 = arith.cmpi slt, %gather3A_475, %lt3A_477 : vector<16xi32>
    %add3A_479 = arith.constant 16 : i32
    %add3A_480 = vector.broadcast %add3A_479 : i32 to vector<16xi32>
    %add3A_481 = arith.addi %gather3A_475, %add3A_480 : vector<16xi32>
    %select_n3A_482 = arith.select %lt3A_478, %add3A_481, %gather3A_475 : vector<16xi1>, vector<16xi32>
    %broadcast_in_dim3A_483 = vector.shape_cast %select_n3A_482 : vector<16xi32> to vector<16x1xi32>
    %gather3A_484 = vector.shape_cast %broadcast_in_dim3A_483 : vector<16x1xi32> to vector<16xi32>
    %gather3A_485 = tpu.dynamic_gather %select_n3A_69[%gather3A_484] in [0] : vector<16xf32>, vector<16xi32> -> vector<16xf32>
    %lt3A_486 = arith.constant 0 : i32
    %lt3A_487 = vector.broadcast %lt3A_486 : i32 to vector<16xi32>
    %lt3A_488 = arith.cmpi slt, %gather3A_475, %lt3A_487 : vector<16xi32>
    %add3A_489 = arith.constant 16 : i32
    %add3A_490 = vector.broadcast %add3A_489 : i32 to vector<16xi32>
    %add3A_491 = arith.addi %gather3A_475, %add3A_490 : vector<16xi32>
    %select_n3A_492 = arith.select %lt3A_488, %add3A_491, %gather3A_475 : vector<16xi1>, vector<16xi32>
    %broadcast_in_dim3A_493 = vector.shape_cast %select_n3A_492 : vector<16xi32> to vector<16x1xi32>
    %gather3A_494 = vector.shape_cast %broadcast_in_dim3A_493 : vector<16x1xi32> to vector<16xi32>
    %gather3A_495 = tpu.dynamic_gather %select_n3A_108[%gather3A_494] in [0] : vector<16xf32>, vector<16xi32> -> vector<16xf32>
    %select_n3A_496 = arith.select %eq3A_30, %gather3A_495, %gather3A_485 : vector<16xi1>, vector<16xf32>
    %get3A_497 = arith.constant 144 : index
    %get3A_498 = tpu.vector_load %arg6[%get3A_497] {strides = array<i32>} : memref<2048xf32, #tpu.memory_space<vmem>>, vector<16xf32>,
    %get3A_499 = vector.shape_cast %get3A_498 : vector<16xf32> to vector<16xf32>
    %sub3A_500 = arith.subf %get3A_499, %select_n3A_496 : vector<16xf32>
    %mul3A_501 = arith.mulf %sub3A_500, %sub3A_500 : vector<16xf32>
    %add3A_502 = arith.addf %add3A_465, %mul3A_501 : vector<16xf32>
    %get3A_503 = arith.constant 80 : index
    %get3A_504 = tpu.vector_load %arg7[%get3A_503] {strides = array<i32>} : memref<1024xi32, #tpu.memory_space<vmem>>, vector<16xi32>,
    %get3A_505 = vector.shape_cast %get3A_504 : vector<16xi32> to vector<16xi32>
    %lt3A_506 = arith.constant 0 : i32
    %lt3A_507 = vector.broadcast %lt3A_506 : i32 to vector<16xi32>
    %lt3A_508 = arith.cmpi slt, %shift_right_arithmetic3A_23, %lt3A_507 : vector<16xi32>
    %add3A_509 = arith.constant 16 : i32
    %add3A_510 = vector.broadcast %add3A_509 : i32 to vector<16xi32>
    %add3A_511 = arith.addi %shift_right_arithmetic3A_23, %add3A_510 : vector<16xi32>
    %select_n3A_512 = arith.select %lt3A_508, %add3A_511, %shift_right_arithmetic3A_23 : vector<16xi1>, vector<16xi32>
    %broadcast_in_dim3A_513 = vector.shape_cast %select_n3A_512 : vector<16xi32> to vector<16x1xi32>
    %gather3A_514 = vector.shape_cast %broadcast_in_dim3A_513 : vector<16x1xi32> to vector<16xi32>
    %gather3A_515 = tpu.dynamic_gather %get3A_505[%gather3A_514] in [0] : vector<16xi32>, vector<16xi32> -> vector<16xi32>
    %lt3A_516 = arith.constant 0 : i32
    %lt3A_517 = vector.broadcast %lt3A_516 : i32 to vector<16xi32>
    %lt3A_518 = arith.cmpi slt, %gather3A_515, %lt3A_517 : vector<16xi32>
    %add3A_519 = arith.constant 16 : i32
    %add3A_520 = vector.broadcast %add3A_519 : i32 to vector<16xi32>
    %add3A_521 = arith.addi %gather3A_515, %add3A_520 : vector<16xi32>
    %select_n3A_522 = arith.select %lt3A_518, %add3A_521, %gather3A_515 : vector<16xi1>, vector<16xi32>
    %broadcast_in_dim3A_523 = vector.shape_cast %select_n3A_522 : vector<16xi32> to vector<16x1xi32>
    %gather3A_524 = vector.shape_cast %broadcast_in_dim3A_523 : vector<16x1xi32> to vector<16xi32>
    %gather3A_525 = tpu.dynamic_gather %select_n3A_69[%gather3A_524] in [0] : vector<16xf32>, vector<16xi32> -> vector<16xf32>
    %lt3A_526 = arith.constant 0 : i32
    %lt3A_527 = vector.broadcast %lt3A_526 : i32 to vector<16xi32>
    %lt3A_528 = arith.cmpi slt, %gather3A_515, %lt3A_527 : vector<16xi32>
    %add3A_529 = arith.constant 16 : i32
    %add3A_530 = vector.broadcast %add3A_529 : i32 to vector<16xi32>
    %add3A_531 = arith.addi %gather3A_515, %add3A_530 : vector<16xi32>
    %select_n3A_532 = arith.select %lt3A_528, %add3A_531, %gather3A_515 : vector<16xi1>, vector<16xi32>
    %broadcast_in_dim3A_533 = vector.shape_cast %select_n3A_532 : vector<16xi32> to vector<16x1xi32>
    %gather3A_534 = vector.shape_cast %broadcast_in_dim3A_533 : vector<16x1xi32> to vector<16xi32>
    %gather3A_535 = tpu.dynamic_gather %select_n3A_108[%gather3A_534] in [0] : vector<16xf32>, vector<16xi32> -> vector<16xf32>
    %select_n3A_536 = arith.select %eq3A_30, %gather3A_535, %gather3A_525 : vector<16xi1>, vector<16xf32>
    %get3A_537 = arith.constant 160 : index
    %get3A_538 = tpu.vector_load %arg6[%get3A_537] {strides = array<i32>} : memref<2048xf32, #tpu.memory_space<vmem>>, vector<16xf32>,
    %get3A_539 = vector.shape_cast %get3A_538 : vector<16xf32> to vector<16xf32>
    %sub3A_540 = arith.subf %get3A_539, %select_n3A_536 : vector<16xf32>
    %mul3A_541 = arith.mulf %sub3A_540, %sub3A_540 : vector<16xf32>
    %add3A_542 = arith.addf %add3A_502, %mul3A_541 : vector<16xf32>
    %lt3A_543 = arith.constant 0 : i32
    %lt3A_544 = vector.broadcast %lt3A_543 : i32 to vector<16xi32>
    %lt3A_545 = arith.cmpi slt, %add3A_26, %lt3A_544 : vector<16xi32>
    %add3A_546 = arith.constant 16 : i32
    %add3A_547 = vector.broadcast %add3A_546 : i32 to vector<16xi32>
    %add3A_548 = arith.addi %add3A_26, %add3A_547 : vector<16xi32>
    %select_n3A_549 = arith.select %lt3A_545, %add3A_548, %add3A_26 : vector<16xi1>, vector<16xi32>
    %broadcast_in_dim3A_550 = vector.shape_cast %select_n3A_549 : vector<16xi32> to vector<16x1xi32>
    %gather3A_551 = vector.shape_cast %broadcast_in_dim3A_550 : vector<16x1xi32> to vector<16xi32>
    %gather3A_552 = tpu.dynamic_gather %get3A_505[%gather3A_551] in [0] : vector<16xi32>, vector<16xi32> -> vector<16xi32>
    %lt3A_553 = arith.constant 0 : i32
    %lt3A_554 = vector.broadcast %lt3A_553 : i32 to vector<16xi32>
    %lt3A_555 = arith.cmpi slt, %gather3A_552, %lt3A_554 : vector<16xi32>
    %add3A_556 = arith.constant 16 : i32
    %add3A_557 = vector.broadcast %add3A_556 : i32 to vector<16xi32>
    %add3A_558 = arith.addi %gather3A_552, %add3A_557 : vector<16xi32>
    %select_n3A_559 = arith.select %lt3A_555, %add3A_558, %gather3A_552 : vector<16xi1>, vector<16xi32>
    %broadcast_in_dim3A_560 = vector.shape_cast %select_n3A_559 : vector<16xi32> to vector<16x1xi32>
    %gather3A_561 = vector.shape_cast %broadcast_in_dim3A_560 : vector<16x1xi32> to vector<16xi32>
    %gather3A_562 = tpu.dynamic_gather %select_n3A_69[%gather3A_561] in [0] : vector<16xf32>, vector<16xi32> -> vector<16xf32>
    %lt3A_563 = arith.constant 0 : i32
    %lt3A_564 = vector.broadcast %lt3A_563 : i32 to vector<16xi32>
    %lt3A_565 = arith.cmpi slt, %gather3A_552, %lt3A_564 : vector<16xi32>
    %add3A_566 = arith.constant 16 : i32
    %add3A_567 = vector.broadcast %add3A_566 : i32 to vector<16xi32>
    %add3A_568 = arith.addi %gather3A_552, %add3A_567 : vector<16xi32>
    %select_n3A_569 = arith.select %lt3A_565, %add3A_568, %gather3A_552 : vector<16xi1>, vector<16xi32>
    %broadcast_in_dim3A_570 = vector.shape_cast %select_n3A_569 : vector<16xi32> to vector<16x1xi32>
    %gather3A_571 = vector.shape_cast %broadcast_in_dim3A_570 : vector<16x1xi32> to vector<16xi32>
    %gather3A_572 = tpu.dynamic_gather %select_n3A_108[%gather3A_571] in [0] : vector<16xf32>, vector<16xi32> -> vector<16xf32>
    %select_n3A_573 = arith.select %eq3A_30, %gather3A_572, %gather3A_562 : vector<16xi1>, vector<16xf32>
    %get3A_574 = arith.constant 176 : index
    %get3A_575 = tpu.vector_load %arg6[%get3A_574] {strides = array<i32>} : memref<2048xf32, #tpu.memory_space<vmem>>, vector<16xf32>,
    %get3A_576 = vector.shape_cast %get3A_575 : vector<16xf32> to vector<16xf32>
    %sub3A_577 = arith.subf %get3A_576, %select_n3A_573 : vector<16xf32>
    %mul3A_578 = arith.mulf %sub3A_577, %sub3A_577 : vector<16xf32>
    %add3A_579 = arith.addf %add3A_542, %mul3A_578 : vector<16xf32>
    %get3A_580 = arith.constant 96 : index
    %get3A_581 = tpu.vector_load %arg7[%get3A_580] {strides = array<i32>} : memref<1024xi32, #tpu.memory_space<vmem>>, vector<16xi32>,
    %get3A_582 = vector.shape_cast %get3A_581 : vector<16xi32> to vector<16xi32>
    %lt3A_583 = arith.constant 0 : i32
    %lt3A_584 = vector.broadcast %lt3A_583 : i32 to vector<16xi32>
    %lt3A_585 = arith.cmpi slt, %shift_right_arithmetic3A_23, %lt3A_584 : vector<16xi32>
    %add3A_586 = arith.constant 16 : i32
    %add3A_587 = vector.broadcast %add3A_586 : i32 to vector<16xi32>
    %add3A_588 = arith.addi %shift_right_arithmetic3A_23, %add3A_587 : vector<16xi32>
    %select_n3A_589 = arith.select %lt3A_585, %add3A_588, %shift_right_arithmetic3A_23 : vector<16xi1>, vector<16xi32>
    %broadcast_in_dim3A_590 = vector.shape_cast %select_n3A_589 : vector<16xi32> to vector<16x1xi32>
    %gather3A_591 = vector.shape_cast %broadcast_in_dim3A_590 : vector<16x1xi32> to vector<16xi32>
    %gather3A_592 = tpu.dynamic_gather %get3A_582[%gather3A_591] in [0] : vector<16xi32>, vector<16xi32> -> vector<16xi32>
    %lt3A_593 = arith.constant 0 : i32
    %lt3A_594 = vector.broadcast %lt3A_593 : i32 to vector<16xi32>
    %lt3A_595 = arith.cmpi slt, %gather3A_592, %lt3A_594 : vector<16xi32>
    %add3A_596 = arith.constant 16 : i32
    %add3A_597 = vector.broadcast %add3A_596 : i32 to vector<16xi32>
    %add3A_598 = arith.addi %gather3A_592, %add3A_597 : vector<16xi32>
    %select_n3A_599 = arith.select %lt3A_595, %add3A_598, %gather3A_592 : vector<16xi1>, vector<16xi32>
    %broadcast_in_dim3A_600 = vector.shape_cast %select_n3A_599 : vector<16xi32> to vector<16x1xi32>
    %gather3A_601 = vector.shape_cast %broadcast_in_dim3A_600 : vector<16x1xi32> to vector<16xi32>
    %gather3A_602 = tpu.dynamic_gather %select_n3A_69[%gather3A_601] in [0] : vector<16xf32>, vector<16xi32> -> vector<16xf32>
    %lt3A_603 = arith.constant 0 : i32
    %lt3A_604 = vector.broadcast %lt3A_603 : i32 to vector<16xi32>
    %lt3A_605 = arith.cmpi slt, %gather3A_592, %lt3A_604 : vector<16xi32>
    %add3A_606 = arith.constant 16 : i32
    %add3A_607 = vector.broadcast %add3A_606 : i32 to vector<16xi32>
    %add3A_608 = arith.addi %gather3A_592, %add3A_607 : vector<16xi32>
    %select_n3A_609 = arith.select %lt3A_605, %add3A_608, %gather3A_592 : vector<16xi1>, vector<16xi32>
    %broadcast_in_dim3A_610 = vector.shape_cast %select_n3A_609 : vector<16xi32> to vector<16x1xi32>
    %gather3A_611 = vector.shape_cast %broadcast_in_dim3A_610 : vector<16x1xi32> to vector<16xi32>
    %gather3A_612 = tpu.dynamic_gather %select_n3A_108[%gather3A_611] in [0] : vector<16xf32>, vector<16xi32> -> vector<16xf32>
    %select_n3A_613 = arith.select %eq3A_30, %gather3A_612, %gather3A_602 : vector<16xi1>, vector<16xf32>
    %get3A_614 = arith.constant 192 : index
    %get3A_615 = tpu.vector_load %arg6[%get3A_614] {strides = array<i32>} : memref<2048xf32, #tpu.memory_space<vmem>>, vector<16xf32>,
    %get3A_616 = vector.shape_cast %get3A_615 : vector<16xf32> to vector<16xf32>
    %sub3A_617 = arith.subf %get3A_616, %select_n3A_613 : vector<16xf32>
    %mul3A_618 = arith.mulf %sub3A_617, %sub3A_617 : vector<16xf32>
    %add3A_619 = arith.addf %add3A_579, %mul3A_618 : vector<16xf32>
    %lt3A_620 = arith.constant 0 : i32
    %lt3A_621 = vector.broadcast %lt3A_620 : i32 to vector<16xi32>
    %lt3A_622 = arith.cmpi slt, %add3A_26, %lt3A_621 : vector<16xi32>
    %add3A_623 = arith.constant 16 : i32
    %add3A_624 = vector.broadcast %add3A_623 : i32 to vector<16xi32>
    %add3A_625 = arith.addi %add3A_26, %add3A_624 : vector<16xi32>
    %select_n3A_626 = arith.select %lt3A_622, %add3A_625, %add3A_26 : vector<16xi1>, vector<16xi32>
    %broadcast_in_dim3A_627 = vector.shape_cast %select_n3A_626 : vector<16xi32> to vector<16x1xi32>
    %gather3A_628 = vector.shape_cast %broadcast_in_dim3A_627 : vector<16x1xi32> to vector<16xi32>
    %gather3A_629 = tpu.dynamic_gather %get3A_582[%gather3A_628] in [0] : vector<16xi32>, vector<16xi32> -> vector<16xi32>
    %lt3A_630 = arith.constant 0 : i32
    %lt3A_631 = vector.broadcast %lt3A_630 : i32 to vector<16xi32>
    %lt3A_632 = arith.cmpi slt, %gather3A_629, %lt3A_631 : vector<16xi32>
    %add3A_633 = arith.constant 16 : i32
    %add3A_634 = vector.broadcast %add3A_633 : i32 to vector<16xi32>
    %add3A_635 = arith.addi %gather3A_629, %add3A_634 : vector<16xi32>
    %select_n3A_636 = arith.select %lt3A_632, %add3A_635, %gather3A_629 : vector<16xi1>, vector<16xi32>
    %broadcast_in_dim3A_637 = vector.shape_cast %select_n3A_636 : vector<16xi32> to vector<16x1xi32>
    %gather3A_638 = vector.shape_cast %broadcast_in_dim3A_637 : vector<16x1xi32> to vector<16xi32>
    %gather3A_639 = tpu.dynamic_gather %select_n3A_69[%gather3A_638] in [0] : vector<16xf32>, vector<16xi32> -> vector<16xf32>
    %lt3A_640 = arith.constant 0 : i32
    %lt3A_641 = vector.broadcast %lt3A_640 : i32 to vector<16xi32>
    %lt3A_642 = arith.cmpi slt, %gather3A_629, %lt3A_641 : vector<16xi32>
    %add3A_643 = arith.constant 16 : i32
    %add3A_644 = vector.broadcast %add3A_643 : i32 to vector<16xi32>
    %add3A_645 = arith.addi %gather3A_629, %add3A_644 : vector<16xi32>
    %select_n3A_646 = arith.select %lt3A_642, %add3A_645, %gather3A_629 : vector<16xi1>, vector<16xi32>
    %broadcast_in_dim3A_647 = vector.shape_cast %select_n3A_646 : vector<16xi32> to vector<16x1xi32>
    %gather3A_648 = vector.shape_cast %broadcast_in_dim3A_647 : vector<16x1xi32> to vector<16xi32>
    %gather3A_649 = tpu.dynamic_gather %select_n3A_108[%gather3A_648] in [0] : vector<16xf32>, vector<16xi32> -> vector<16xf32>
    %select_n3A_650 = arith.select %eq3A_30, %gather3A_649, %gather3A_639 : vector<16xi1>, vector<16xf32>
    %get3A_651 = arith.constant 208 : index
    %get3A_652 = tpu.vector_load %arg6[%get3A_651] {strides = array<i32>} : memref<2048xf32, #tpu.memory_space<vmem>>, vector<16xf32>,
    %get3A_653 = vector.shape_cast %get3A_652 : vector<16xf32> to vector<16xf32>
    %sub3A_654 = arith.subf %get3A_653, %select_n3A_650 : vector<16xf32>
    %mul3A_655 = arith.mulf %sub3A_654, %sub3A_654 : vector<16xf32>
    %add3A_656 = arith.addf %add3A_619, %mul3A_655 : vector<16xf32>
    %get3A_657 = arith.constant 112 : index
    %get3A_658 = tpu.vector_load %arg7[%get3A_657] {strides = array<i32>} : memref<1024xi32, #tpu.memory_space<vmem>>, vector<16xi32>,
    %get3A_659 = vector.shape_cast %get3A_658 : vector<16xi32> to vector<16xi32>
    %lt3A_660 = arith.constant 0 : i32
    %lt3A_661 = vector.broadcast %lt3A_660 : i32 to vector<16xi32>
    %lt3A_662 = arith.cmpi slt, %shift_right_arithmetic3A_23, %lt3A_661 : vector<16xi32>
    %add3A_663 = arith.constant 16 : i32
    %add3A_664 = vector.broadcast %add3A_663 : i32 to vector<16xi32>
    %add3A_665 = arith.addi %shift_right_arithmetic3A_23, %add3A_664 : vector<16xi32>
    %select_n3A_666 = arith.select %lt3A_662, %add3A_665, %shift_right_arithmetic3A_23 : vector<16xi1>, vector<16xi32>
    %broadcast_in_dim3A_667 = vector.shape_cast %select_n3A_666 : vector<16xi32> to vector<16x1xi32>
    %gather3A_668 = vector.shape_cast %broadcast_in_dim3A_667 : vector<16x1xi32> to vector<16xi32>
    %gather3A_669 = tpu.dynamic_gather %get3A_659[%gather3A_668] in [0] : vector<16xi32>, vector<16xi32> -> vector<16xi32>
    %lt3A_670 = arith.constant 0 : i32
    %lt3A_671 = vector.broadcast %lt3A_670 : i32 to vector<16xi32>
    %lt3A_672 = arith.cmpi slt, %gather3A_669, %lt3A_671 : vector<16xi32>
    %add3A_673 = arith.constant 16 : i32
    %add3A_674 = vector.broadcast %add3A_673 : i32 to vector<16xi32>
    %add3A_675 = arith.addi %gather3A_669, %add3A_674 : vector<16xi32>
    %select_n3A_676 = arith.select %lt3A_672, %add3A_675, %gather3A_669 : vector<16xi1>, vector<16xi32>
    %broadcast_in_dim3A_677 = vector.shape_cast %select_n3A_676 : vector<16xi32> to vector<16x1xi32>
    %gather3A_678 = vector.shape_cast %broadcast_in_dim3A_677 : vector<16x1xi32> to vector<16xi32>
    %gather3A_679 = tpu.dynamic_gather %select_n3A_69[%gather3A_678] in [0] : vector<16xf32>, vector<16xi32> -> vector<16xf32>
    %lt3A_680 = arith.constant 0 : i32
    %lt3A_681 = vector.broadcast %lt3A_680 : i32 to vector<16xi32>
    %lt3A_682 = arith.cmpi slt, %gather3A_669, %lt3A_681 : vector<16xi32>
    %add3A_683 = arith.constant 16 : i32
    %add3A_684 = vector.broadcast %add3A_683 : i32 to vector<16xi32>
    %add3A_685 = arith.addi %gather3A_669, %add3A_684 : vector<16xi32>
    %select_n3A_686 = arith.select %lt3A_682, %add3A_685, %gather3A_669 : vector<16xi1>, vector<16xi32>
    %broadcast_in_dim3A_687 = vector.shape_cast %select_n3A_686 : vector<16xi32> to vector<16x1xi32>
    %gather3A_688 = vector.shape_cast %broadcast_in_dim3A_687 : vector<16x1xi32> to vector<16xi32>
    %gather3A_689 = tpu.dynamic_gather %select_n3A_108[%gather3A_688] in [0] : vector<16xf32>, vector<16xi32> -> vector<16xf32>
    %select_n3A_690 = arith.select %eq3A_30, %gather3A_689, %gather3A_679 : vector<16xi1>, vector<16xf32>
    %get3A_691 = arith.constant 224 : index
    %get3A_692 = tpu.vector_load %arg6[%get3A_691] {strides = array<i32>} : memref<2048xf32, #tpu.memory_space<vmem>>, vector<16xf32>,
    %get3A_693 = vector.shape_cast %get3A_692 : vector<16xf32> to vector<16xf32>
    %sub3A_694 = arith.subf %get3A_693, %select_n3A_690 : vector<16xf32>
    %mul3A_695 = arith.mulf %sub3A_694, %sub3A_694 : vector<16xf32>
    %add3A_696 = arith.addf %add3A_656, %mul3A_695 : vector<16xf32>
    %lt3A_697 = arith.constant 0 : i32
    %lt3A_698 = vector.broadcast %lt3A_697 : i32 to vector<16xi32>
    %lt3A_699 = arith.cmpi slt, %add3A_26, %lt3A_698 : vector<16xi32>
    %add3A_700 = arith.constant 16 : i32
    %add3A_701 = vector.broadcast %add3A_700 : i32 to vector<16xi32>
    %add3A_702 = arith.addi %add3A_26, %add3A_701 : vector<16xi32>
    %select_n3A_703 = arith.select %lt3A_699, %add3A_702, %add3A_26 : vector<16xi1>, vector<16xi32>
    %broadcast_in_dim3A_704 = vector.shape_cast %select_n3A_703 : vector<16xi32> to vector<16x1xi32>
    %gather3A_705 = vector.shape_cast %broadcast_in_dim3A_704 : vector<16x1xi32> to vector<16xi32>
    %gather3A_706 = tpu.dynamic_gather %get3A_659[%gather3A_705] in [0] : vector<16xi32>, vector<16xi32> -> vector<16xi32>
    %lt3A_707 = arith.constant 0 : i32
    %lt3A_708 = vector.broadcast %lt3A_707 : i32 to vector<16xi32>
    %lt3A_709 = arith.cmpi slt, %gather3A_706, %lt3A_708 : vector<16xi32>
    %add3A_710 = arith.constant 16 : i32
    %add3A_711 = vector.broadcast %add3A_710 : i32 to vector<16xi32>
    %add3A_712 = arith.addi %gather3A_706, %add3A_711 : vector<16xi32>
    %select_n3A_713 = arith.select %lt3A_709, %add3A_712, %gather3A_706 : vector<16xi1>, vector<16xi32>
    %broadcast_in_dim3A_714 = vector.shape_cast %select_n3A_713 : vector<16xi32> to vector<16x1xi32>
    %gather3A_715 = vector.shape_cast %broadcast_in_dim3A_714 : vector<16x1xi32> to vector<16xi32>
    %gather3A_716 = tpu.dynamic_gather %select_n3A_69[%gather3A_715] in [0] : vector<16xf32>, vector<16xi32> -> vector<16xf32>
    %lt3A_717 = arith.constant 0 : i32
    %lt3A_718 = vector.broadcast %lt3A_717 : i32 to vector<16xi32>
    %lt3A_719 = arith.cmpi slt, %gather3A_706, %lt3A_718 : vector<16xi32>
    %add3A_720 = arith.constant 16 : i32
    %add3A_721 = vector.broadcast %add3A_720 : i32 to vector<16xi32>
    %add3A_722 = arith.addi %gather3A_706, %add3A_721 : vector<16xi32>
    %select_n3A_723 = arith.select %lt3A_719, %add3A_722, %gather3A_706 : vector<16xi1>, vector<16xi32>
    %broadcast_in_dim3A_724 = vector.shape_cast %select_n3A_723 : vector<16xi32> to vector<16x1xi32>
    %gather3A_725 = vector.shape_cast %broadcast_in_dim3A_724 : vector<16x1xi32> to vector<16xi32>
    %gather3A_726 = tpu.dynamic_gather %select_n3A_108[%gather3A_725] in [0] : vector<16xf32>, vector<16xi32> -> vector<16xf32>
    %select_n3A_727 = arith.select %eq3A_30, %gather3A_726, %gather3A_716 : vector<16xi1>, vector<16xf32>
    %get3A_728 = arith.constant 240 : index
    %get3A_729 = tpu.vector_load %arg6[%get3A_728] {strides = array<i32>} : memref<2048xf32, #tpu.memory_space<vmem>>, vector<16xf32>,
    %get3A_730 = vector.shape_cast %get3A_729 : vector<16xf32> to vector<16xf32>
    %sub3A_731 = arith.subf %get3A_730, %select_n3A_727 : vector<16xf32>
    %mul3A_732 = arith.mulf %sub3A_731, %sub3A_731 : vector<16xf32>
    %add3A_733 = arith.addf %add3A_696, %mul3A_732 : vector<16xf32>
    %get3A_734 = arith.constant 128 : index
    %get3A_735 = tpu.vector_load %arg7[%get3A_734] {strides = array<i32>} : memref<1024xi32, #tpu.memory_space<vmem>>, vector<16xi32>,
    %get3A_736 = vector.shape_cast %get3A_735 : vector<16xi32> to vector<16xi32>
    %lt3A_737 = arith.constant 0 : i32
    %lt3A_738 = vector.broadcast %lt3A_737 : i32 to vector<16xi32>
    %lt3A_739 = arith.cmpi slt, %shift_right_arithmetic3A_23, %lt3A_738 : vector<16xi32>
    %add3A_740 = arith.constant 16 : i32
    %add3A_741 = vector.broadcast %add3A_740 : i32 to vector<16xi32>
    %add3A_742 = arith.addi %shift_right_arithmetic3A_23, %add3A_741 : vector<16xi32>
    %select_n3A_743 = arith.select %lt3A_739, %add3A_742, %shift_right_arithmetic3A_23 : vector<16xi1>, vector<16xi32>
    %broadcast_in_dim3A_744 = vector.shape_cast %select_n3A_743 : vector<16xi32> to vector<16x1xi32>
    %gather3A_745 = vector.shape_cast %broadcast_in_dim3A_744 : vector<16x1xi32> to vector<16xi32>
    %gather3A_746 = tpu.dynamic_gather %get3A_736[%gather3A_745] in [0] : vector<16xi32>, vector<16xi32> -> vector<16xi32>
    %lt3A_747 = arith.constant 0 : i32
    %lt3A_748 = vector.broadcast %lt3A_747 : i32 to vector<16xi32>
    %lt3A_749 = arith.cmpi slt, %gather3A_746, %lt3A_748 : vector<16xi32>
    %add3A_750 = arith.constant 16 : i32
    %add3A_751 = vector.broadcast %add3A_750 : i32 to vector<16xi32>
    %add3A_752 = arith.addi %gather3A_746, %add3A_751 : vector<16xi32>
    %select_n3A_753 = arith.select %lt3A_749, %add3A_752, %gather3A_746 : vector<16xi1>, vector<16xi32>
    %broadcast_in_dim3A_754 = vector.shape_cast %select_n3A_753 : vector<16xi32> to vector<16x1xi32>
    %gather3A_755 = vector.shape_cast %broadcast_in_dim3A_754 : vector<16x1xi32> to vector<16xi32>
    %gather3A_756 = tpu.dynamic_gather %select_n3A_69[%gather3A_755] in [0] : vector<16xf32>, vector<16xi32> -> vector<16xf32>
    %lt3A_757 = arith.constant 0 : i32
    %lt3A_758 = vector.broadcast %lt3A_757 : i32 to vector<16xi32>
    %lt3A_759 = arith.cmpi slt, %gather3A_746, %lt3A_758 : vector<16xi32>
    %add3A_760 = arith.constant 16 : i32
    %add3A_761 = vector.broadcast %add3A_760 : i32 to vector<16xi32>
    %add3A_762 = arith.addi %gather3A_746, %add3A_761 : vector<16xi32>
    %select_n3A_763 = arith.select %lt3A_759, %add3A_762, %gather3A_746 : vector<16xi1>, vector<16xi32>
    %broadcast_in_dim3A_764 = vector.shape_cast %select_n3A_763 : vector<16xi32> to vector<16x1xi32>
    %gather3A_765 = vector.shape_cast %broadcast_in_dim3A_764 : vector<16x1xi32> to vector<16xi32>
    %gather3A_766 = tpu.dynamic_gather %select_n3A_108[%gather3A_765] in [0] : vector<16xf32>, vector<16xi32> -> vector<16xf32>
    %select_n3A_767 = arith.select %eq3A_30, %gather3A_766, %gather3A_756 : vector<16xi1>, vector<16xf32>
    %get3A_768 = arith.constant 256 : index
    %get3A_769 = tpu.vector_load %arg6[%get3A_768] {strides = array<i32>} : memref<2048xf32, #tpu.memory_space<vmem>>, vector<16xf32>,
    %get3A_770 = vector.shape_cast %get3A_769 : vector<16xf32> to vector<16xf32>
    %sub3A_771 = arith.subf %get3A_770, %select_n3A_767 : vector<16xf32>
    %mul3A_772 = arith.mulf %sub3A_771, %sub3A_771 : vector<16xf32>
    %add3A_773 = arith.addf %add3A_733, %mul3A_772 : vector<16xf32>
    %lt3A_774 = arith.constant 0 : i32
    %lt3A_775 = vector.broadcast %lt3A_774 : i32 to vector<16xi32>
    %lt3A_776 = arith.cmpi slt, %add3A_26, %lt3A_775 : vector<16xi32>
    %add3A_777 = arith.constant 16 : i32
    %add3A_778 = vector.broadcast %add3A_777 : i32 to vector<16xi32>
    %add3A_779 = arith.addi %add3A_26, %add3A_778 : vector<16xi32>
    %select_n3A_780 = arith.select %lt3A_776, %add3A_779, %add3A_26 : vector<16xi1>, vector<16xi32>
    %broadcast_in_dim3A_781 = vector.shape_cast %select_n3A_780 : vector<16xi32> to vector<16x1xi32>
    %gather3A_782 = vector.shape_cast %broadcast_in_dim3A_781 : vector<16x1xi32> to vector<16xi32>
    %gather3A_783 = tpu.dynamic_gather %get3A_736[%gather3A_782] in [0] : vector<16xi32>, vector<16xi32> -> vector<16xi32>
    %lt3A_784 = arith.constant 0 : i32
    %lt3A_785 = vector.broadcast %lt3A_784 : i32 to vector<16xi32>
    %lt3A_786 = arith.cmpi slt, %gather3A_783, %lt3A_785 : vector<16xi32>
    %add3A_787 = arith.constant 16 : i32
    %add3A_788 = vector.broadcast %add3A_787 : i32 to vector<16xi32>
    %add3A_789 = arith.addi %gather3A_783, %add3A_788 : vector<16xi32>
    %select_n3A_790 = arith.select %lt3A_786, %add3A_789, %gather3A_783 : vector<16xi1>, vector<16xi32>
    %broadcast_in_dim3A_791 = vector.shape_cast %select_n3A_790 : vector<16xi32> to vector<16x1xi32>
    %gather3A_792 = vector.shape_cast %broadcast_in_dim3A_791 : vector<16x1xi32> to vector<16xi32>
    %gather3A_793 = tpu.dynamic_gather %select_n3A_69[%gather3A_792] in [0] : vector<16xf32>, vector<16xi32> -> vector<16xf32>
    %lt3A_794 = arith.constant 0 : i32
    %lt3A_795 = vector.broadcast %lt3A_794 : i32 to vector<16xi32>
    %lt3A_796 = arith.cmpi slt, %gather3A_783, %lt3A_795 : vector<16xi32>
    %add3A_797 = arith.constant 16 : i32
    %add3A_798 = vector.broadcast %add3A_797 : i32 to vector<16xi32>
    %add3A_799 = arith.addi %gather3A_783, %add3A_798 : vector<16xi32>
    %select_n3A_800 = arith.select %lt3A_796, %add3A_799, %gather3A_783 : vector<16xi1>, vector<16xi32>
    %broadcast_in_dim3A_801 = vector.shape_cast %select_n3A_800 : vector<16xi32> to vector<16x1xi32>
    %gather3A_802 = vector.shape_cast %broadcast_in_dim3A_801 : vector<16x1xi32> to vector<16xi32>
    %gather3A_803 = tpu.dynamic_gather %select_n3A_108[%gather3A_802] in [0] : vector<16xf32>, vector<16xi32> -> vector<16xf32>
    %select_n3A_804 = arith.select %eq3A_30, %gather3A_803, %gather3A_793 : vector<16xi1>, vector<16xf32>
    %get3A_805 = arith.constant 272 : index
    %get3A_806 = tpu.vector_load %arg6[%get3A_805] {strides = array<i32>} : memref<2048xf32, #tpu.memory_space<vmem>>, vector<16xf32>,
    %get3A_807 = vector.shape_cast %get3A_806 : vector<16xf32> to vector<16xf32>
    %sub3A_808 = arith.subf %get3A_807, %select_n3A_804 : vector<16xf32>
    %mul3A_809 = arith.mulf %sub3A_808, %sub3A_808 : vector<16xf32>
    %add3A_810 = arith.addf %add3A_773, %mul3A_809 : vector<16xf32>
    %get3A_811 = arith.constant 144 : index
    %get3A_812 = tpu.vector_load %arg7[%get3A_811] {strides = array<i32>} : memref<1024xi32, #tpu.memory_space<vmem>>, vector<16xi32>,
    %get3A_813 = vector.shape_cast %get3A_812 : vector<16xi32> to vector<16xi32>
    %lt3A_814 = arith.constant 0 : i32
    %lt3A_815 = vector.broadcast %lt3A_814 : i32 to vector<16xi32>
    %lt3A_816 = arith.cmpi slt, %shift_right_arithmetic3A_23, %lt3A_815 : vector<16xi32>
    %add3A_817 = arith.constant 16 : i32
    %add3A_818 = vector.broadcast %add3A_817 : i32 to vector<16xi32>
    %add3A_819 = arith.addi %shift_right_arithmetic3A_23, %add3A_818 : vector<16xi32>
    %select_n3A_820 = arith.select %lt3A_816, %add3A_819, %shift_right_arithmetic3A_23 : vector<16xi1>, vector<16xi32>
    %broadcast_in_dim3A_821 = vector.shape_cast %select_n3A_820 : vector<16xi32> to vector<16x1xi32>
    %gather3A_822 = vector.shape_cast %broadcast_in_dim3A_821 : vector<16x1xi32> to vector<16xi32>
    %gather3A_823 = tpu.dynamic_gather %get3A_813[%gather3A_822] in [0] : vector<16xi32>, vector<16xi32> -> vector<16xi32>
    %lt3A_824 = arith.constant 0 : i32
    %lt3A_825 = vector.broadcast %lt3A_824 : i32 to vector<16xi32>
    %lt3A_826 = arith.cmpi slt, %gather3A_823, %lt3A_825 : vector<16xi32>
    %add3A_827 = arith.constant 16 : i32
    %add3A_828 = vector.broadcast %add3A_827 : i32 to vector<16xi32>
    %add3A_829 = arith.addi %gather3A_823, %add3A_828 : vector<16xi32>
    %select_n3A_830 = arith.select %lt3A_826, %add3A_829, %gather3A_823 : vector<16xi1>, vector<16xi32>
    %broadcast_in_dim3A_831 = vector.shape_cast %select_n3A_830 : vector<16xi32> to vector<16x1xi32>
    %gather3A_832 = vector.shape_cast %broadcast_in_dim3A_831 : vector<16x1xi32> to vector<16xi32>
    %gather3A_833 = tpu.dynamic_gather %select_n3A_69[%gather3A_832] in [0] : vector<16xf32>, vector<16xi32> -> vector<16xf32>
    %lt3A_834 = arith.constant 0 : i32
    %lt3A_835 = vector.broadcast %lt3A_834 : i32 to vector<16xi32>
    %lt3A_836 = arith.cmpi slt, %gather3A_823, %lt3A_835 : vector<16xi32>
    %add3A_837 = arith.constant 16 : i32
    %add3A_838 = vector.broadcast %add3A_837 : i32 to vector<16xi32>
    %add3A_839 = arith.addi %gather3A_823, %add3A_838 : vector<16xi32>
    %select_n3A_840 = arith.select %lt3A_836, %add3A_839, %gather3A_823 : vector<16xi1>, vector<16xi32>
    %broadcast_in_dim3A_841 = vector.shape_cast %select_n3A_840 : vector<16xi32> to vector<16x1xi32>
    %gather3A_842 = vector.shape_cast %broadcast_in_dim3A_841 : vector<16x1xi32> to vector<16xi32>
    %gather3A_843 = tpu.dynamic_gather %select_n3A_108[%gather3A_842] in [0] : vector<16xf32>, vector<16xi32> -> vector<16xf32>
    %select_n3A_844 = arith.select %eq3A_30, %gather3A_843, %gather3A_833 : vector<16xi1>, vector<16xf32>
    %get3A_845 = arith.constant 288 : index
    %get3A_846 = tpu.vector_load %arg6[%get3A_845] {strides = array<i32>} : memref<2048xf32, #tpu.memory_space<vmem>>, vector<16xf32>,
    %get3A_847 = vector.shape_cast %get3A_846 : vector<16xf32> to vector<16xf32>
    %sub3A_848 = arith.subf %get3A_847, %select_n3A_844 : vector<16xf32>
    %mul3A_849 = arith.mulf %sub3A_848, %sub3A_848 : vector<16xf32>
    %add3A_850 = arith.addf %add3A_810, %mul3A_849 : vector<16xf32>
    %lt3A_851 = arith.constant 0 : i32
    %lt3A_852 = vector.broadcast %lt3A_851 : i32 to vector<16xi32>
    %lt3A_853 = arith.cmpi slt, %add3A_26, %lt3A_852 : vector<16xi32>
    %add3A_854 = arith.constant 16 : i32
    %add3A_855 = vector.broadcast %add3A_854 : i32 to vector<16xi32>
    %add3A_856 = arith.addi %add3A_26, %add3A_855 : vector<16xi32>
    %select_n3A_857 = arith.select %lt3A_853, %add3A_856, %add3A_26 : vector<16xi1>, vector<16xi32>
    %broadcast_in_dim3A_858 = vector.shape_cast %select_n3A_857 : vector<16xi32> to vector<16x1xi32>
    %gather3A_859 = vector.shape_cast %broadcast_in_dim3A_858 : vector<16x1xi32> to vector<16xi32>
    %gather3A_860 = tpu.dynamic_gather %get3A_813[%gather3A_859] in [0] : vector<16xi32>, vector<16xi32> -> vector<16xi32>
    %lt3A_861 = arith.constant 0 : i32
    %lt3A_862 = vector.broadcast %lt3A_861 : i32 to vector<16xi32>
    %lt3A_863 = arith.cmpi slt, %gather3A_860, %lt3A_862 : vector<16xi32>
    %add3A_864 = arith.constant 16 : i32
    %add3A_865 = vector.broadcast %add3A_864 : i32 to vector<16xi32>
    %add3A_866 = arith.addi %gather3A_860, %add3A_865 : vector<16xi32>
    %select_n3A_867 = arith.select %lt3A_863, %add3A_866, %gather3A_860 : vector<16xi1>, vector<16xi32>
    %broadcast_in_dim3A_868 = vector.shape_cast %select_n3A_867 : vector<16xi32> to vector<16x1xi32>
    %gather3A_869 = vector.shape_cast %broadcast_in_dim3A_868 : vector<16x1xi32> to vector<16xi32>
    %gather3A_870 = tpu.dynamic_gather %select_n3A_69[%gather3A_869] in [0] : vector<16xf32>, vector<16xi32> -> vector<16xf32>
    %lt3A_871 = arith.constant 0 : i32
    %lt3A_872 = vector.broadcast %lt3A_871 : i32 to vector<16xi32>
    %lt3A_873 = arith.cmpi slt, %gather3A_860, %lt3A_872 : vector<16xi32>
    %add3A_874 = arith.constant 16 : i32
    %add3A_875 = vector.broadcast %add3A_874 : i32 to vector<16xi32>
    %add3A_876 = arith.addi %gather3A_860, %add3A_875 : vector<16xi32>
    %select_n3A_877 = arith.select %lt3A_873, %add3A_876, %gather3A_860 : vector<16xi1>, vector<16xi32>
    %broadcast_in_dim3A_878 = vector.shape_cast %select_n3A_877 : vector<16xi32> to vector<16x1xi32>
    %gather3A_879 = vector.shape_cast %broadcast_in_dim3A_878 : vector<16x1xi32> to vector<16xi32>
    %gather3A_880 = tpu.dynamic_gather %select_n3A_108[%gather3A_879] in [0] : vector<16xf32>, vector<16xi32> -> vector<16xf32>
    %select_n3A_881 = arith.select %eq3A_30, %gather3A_880, %gather3A_870 : vector<16xi1>, vector<16xf32>
    %get3A_882 = arith.constant 304 : index
    %get3A_883 = tpu.vector_load %arg6[%get3A_882] {strides = array<i32>} : memref<2048xf32, #tpu.memory_space<vmem>>, vector<16xf32>,
    %get3A_884 = vector.shape_cast %get3A_883 : vector<16xf32> to vector<16xf32>
    %sub3A_885 = arith.subf %get3A_884, %select_n3A_881 : vector<16xf32>
    %mul3A_886 = arith.mulf %sub3A_885, %sub3A_885 : vector<16xf32>
    %add3A_887 = arith.addf %add3A_850, %mul3A_886 : vector<16xf32>
    %get3A_888 = arith.constant 160 : index
    %get3A_889 = tpu.vector_load %arg7[%get3A_888] {strides = array<i32>} : memref<1024xi32, #tpu.memory_space<vmem>>, vector<16xi32>,
    %get3A_890 = vector.shape_cast %get3A_889 : vector<16xi32> to vector<16xi32>
    %lt3A_891 = arith.constant 0 : i32
    %lt3A_892 = vector.broadcast %lt3A_891 : i32 to vector<16xi32>
    %lt3A_893 = arith.cmpi slt, %shift_right_arithmetic3A_23, %lt3A_892 : vector<16xi32>
    %add3A_894 = arith.constant 16 : i32
    %add3A_895 = vector.broadcast %add3A_894 : i32 to vector<16xi32>
    %add3A_896 = arith.addi %shift_right_arithmetic3A_23, %add3A_895 : vector<16xi32>
    %select_n3A_897 = arith.select %lt3A_893, %add3A_896, %shift_right_arithmetic3A_23 : vector<16xi1>, vector<16xi32>
    %broadcast_in_dim3A_898 = vector.shape_cast %select_n3A_897 : vector<16xi32> to vector<16x1xi32>
    %gather3A_899 = vector.shape_cast %broadcast_in_dim3A_898 : vector<16x1xi32> to vector<16xi32>
    %gather3A_900 = tpu.dynamic_gather %get3A_890[%gather3A_899] in [0] : vector<16xi32>, vector<16xi32> -> vector<16xi32>
    %lt3A_901 = arith.constant 0 : i32
    %lt3A_902 = vector.broadcast %lt3A_901 : i32 to vector<16xi32>
    %lt3A_903 = arith.cmpi slt, %gather3A_900, %lt3A_902 : vector<16xi32>
    %add3A_904 = arith.constant 16 : i32
    %add3A_905 = vector.broadcast %add3A_904 : i32 to vector<16xi32>
    %add3A_906 = arith.addi %gather3A_900, %add3A_905 : vector<16xi32>
    %select_n3A_907 = arith.select %lt3A_903, %add3A_906, %gather3A_900 : vector<16xi1>, vector<16xi32>
    %broadcast_in_dim3A_908 = vector.shape_cast %select_n3A_907 : vector<16xi32> to vector<16x1xi32>
    %gather3A_909 = vector.shape_cast %broadcast_in_dim3A_908 : vector<16x1xi32> to vector<16xi32>
    %gather3A_910 = tpu.dynamic_gather %select_n3A_69[%gather3A_909] in [0] : vector<16xf32>, vector<16xi32> -> vector<16xf32>
    %lt3A_911 = arith.constant 0 : i32
    %lt3A_912 = vector.broadcast %lt3A_911 : i32 to vector<16xi32>
    %lt3A_913 = arith.cmpi slt, %gather3A_900, %lt3A_912 : vector<16xi32>
    %add3A_914 = arith.constant 16 : i32
    %add3A_915 = vector.broadcast %add3A_914 : i32 to vector<16xi32>
    %add3A_916 = arith.addi %gather3A_900, %add3A_915 : vector<16xi32>
    %select_n3A_917 = arith.select %lt3A_913, %add3A_916, %gather3A_900 : vector<16xi1>, vector<16xi32>
    %broadcast_in_dim3A_918 = vector.shape_cast %select_n3A_917 : vector<16xi32> to vector<16x1xi32>
    %gather3A_919 = vector.shape_cast %broadcast_in_dim3A_918 : vector<16x1xi32> to vector<16xi32>
    %gather3A_920 = tpu.dynamic_gather %select_n3A_108[%gather3A_919] in [0] : vector<16xf32>, vector<16xi32> -> vector<16xf32>
    %select_n3A_921 = arith.select %eq3A_30, %gather3A_920, %gather3A_910 : vector<16xi1>, vector<16xf32>
    %get3A_922 = arith.constant 320 : index
    %get3A_923 = tpu.vector_load %arg6[%get3A_922] {strides = array<i32>} : memref<2048xf32, #tpu.memory_space<vmem>>, vector<16xf32>,
    %get3A_924 = vector.shape_cast %get3A_923 : vector<16xf32> to vector<16xf32>
    %sub3A_925 = arith.subf %get3A_924, %select_n3A_921 : vector<16xf32>
    %mul3A_926 = arith.mulf %sub3A_925, %sub3A_925 : vector<16xf32>
    %add3A_927 = arith.addf %add3A_887, %mul3A_926 : vector<16xf32>
    %lt3A_928 = arith.constant 0 : i32
    %lt3A_929 = vector.broadcast %lt3A_928 : i32 to vector<16xi32>
    %lt3A_930 = arith.cmpi slt, %add3A_26, %lt3A_929 : vector<16xi32>
    %add3A_931 = arith.constant 16 : i32
    %add3A_932 = vector.broadcast %add3A_931 : i32 to vector<16xi32>
    %add3A_933 = arith.addi %add3A_26, %add3A_932 : vector<16xi32>
    %select_n3A_934 = arith.select %lt3A_930, %add3A_933, %add3A_26 : vector<16xi1>, vector<16xi32>
    %broadcast_in_dim3A_935 = vector.shape_cast %select_n3A_934 : vector<16xi32> to vector<16x1xi32>
    %gather3A_936 = vector.shape_cast %broadcast_in_dim3A_935 : vector<16x1xi32> to vector<16xi32>
    %gather3A_937 = tpu.dynamic_gather %get3A_890[%gather3A_936] in [0] : vector<16xi32>, vector<16xi32> -> vector<16xi32>
    %lt3A_938 = arith.constant 0 : i32
    %lt3A_939 = vector.broadcast %lt3A_938 : i32 to vector<16xi32>
    %lt3A_940 = arith.cmpi slt, %gather3A_937, %lt3A_939 : vector<16xi32>
    %add3A_941 = arith.constant 16 : i32
    %add3A_942 = vector.broadcast %add3A_941 : i32 to vector<16xi32>
    %add3A_943 = arith.addi %gather3A_937, %add3A_942 : vector<16xi32>
    %select_n3A_944 = arith.select %lt3A_940, %add3A_943, %gather3A_937 : vector<16xi1>, vector<16xi32>
    %broadcast_in_dim3A_945 = vector.shape_cast %select_n3A_944 : vector<16xi32> to vector<16x1xi32>
    %gather3A_946 = vector.shape_cast %broadcast_in_dim3A_945 : vector<16x1xi32> to vector<16xi32>
    %gather3A_947 = tpu.dynamic_gather %select_n3A_69[%gather3A_946] in [0] : vector<16xf32>, vector<16xi32> -> vector<16xf32>
    %lt3A_948 = arith.constant 0 : i32
    %lt3A_949 = vector.broadcast %lt3A_948 : i32 to vector<16xi32>
    %lt3A_950 = arith.cmpi slt, %gather3A_937, %lt3A_949 : vector<16xi32>
    %add3A_951 = arith.constant 16 : i32
    %add3A_952 = vector.broadcast %add3A_951 : i32 to vector<16xi32>
    %add3A_953 = arith.addi %gather3A_937, %add3A_952 : vector<16xi32>
    %select_n3A_954 = arith.select %lt3A_950, %add3A_953, %gather3A_937 : vector<16xi1>, vector<16xi32>
    %broadcast_in_dim3A_955 = vector.shape_cast %select_n3A_954 : vector<16xi32> to vector<16x1xi32>
    %gather3A_956 = vector.shape_cast %broadcast_in_dim3A_955 : vector<16x1xi32> to vector<16xi32>
    %gather3A_957 = tpu.dynamic_gather %select_n3A_108[%gather3A_956] in [0] : vector<16xf32>, vector<16xi32> -> vector<16xf32>
    %select_n3A_958 = arith.select %eq3A_30, %gather3A_957, %gather3A_947 : vector<16xi1>, vector<16xf32>
    %get3A_959 = arith.constant 336 : index
    %get3A_960 = tpu.vector_load %arg6[%get3A_959] {strides = array<i32>} : memref<2048xf32, #tpu.memory_space<vmem>>, vector<16xf32>,
    %get3A_961 = vector.shape_cast %get3A_960 : vector<16xf32> to vector<16xf32>
    %sub3A_962 = arith.subf %get3A_961, %select_n3A_958 : vector<16xf32>
    %mul3A_963 = arith.mulf %sub3A_962, %sub3A_962 : vector<16xf32>
    %add3A_964 = arith.addf %add3A_927, %mul3A_963 : vector<16xf32>
    %get3A_965 = arith.constant 176 : index
    %get3A_966 = tpu.vector_load %arg7[%get3A_965] {strides = array<i32>} : memref<1024xi32, #tpu.memory_space<vmem>>, vector<16xi32>,
    %get3A_967 = vector.shape_cast %get3A_966 : vector<16xi32> to vector<16xi32>
    %lt3A_968 = arith.constant 0 : i32
    %lt3A_969 = vector.broadcast %lt3A_968 : i32 to vector<16xi32>
    %lt3A_970 = arith.cmpi slt, %shift_right_arithmetic3A_23, %lt3A_969 : vector<16xi32>
    %add3A_971 = arith.constant 16 : i32
    %add3A_972 = vector.broadcast %add3A_971 : i32 to vector<16xi32>
    %add3A_973 = arith.addi %shift_right_arithmetic3A_23, %add3A_972 : vector<16xi32>
    %select_n3A_974 = arith.select %lt3A_970, %add3A_973, %shift_right_arithmetic3A_23 : vector<16xi1>, vector<16xi32>
    %broadcast_in_dim3A_975 = vector.shape_cast %select_n3A_974 : vector<16xi32> to vector<16x1xi32>
    %gather3A_976 = vector.shape_cast %broadcast_in_dim3A_975 : vector<16x1xi32> to vector<16xi32>
    %gather3A_977 = tpu.dynamic_gather %get3A_967[%gather3A_976] in [0] : vector<16xi32>, vector<16xi32> -> vector<16xi32>
    %lt3A_978 = arith.constant 0 : i32
    %lt3A_979 = vector.broadcast %lt3A_978 : i32 to vector<16xi32>
    %lt3A_980 = arith.cmpi slt, %gather3A_977, %lt3A_979 : vector<16xi32>
    %add3A_981 = arith.constant 16 : i32
    %add3A_982 = vector.broadcast %add3A_981 : i32 to vector<16xi32>
    %add3A_983 = arith.addi %gather3A_977, %add3A_982 : vector<16xi32>
    %select_n3A_984 = arith.select %lt3A_980, %add3A_983, %gather3A_977 : vector<16xi1>, vector<16xi32>
    %broadcast_in_dim3A_985 = vector.shape_cast %select_n3A_984 : vector<16xi32> to vector<16x1xi32>
    %gather3A_986 = vector.shape_cast %broadcast_in_dim3A_985 : vector<16x1xi32> to vector<16xi32>
    %gather3A_987 = tpu.dynamic_gather %select_n3A_69[%gather3A_986] in [0] : vector<16xf32>, vector<16xi32> -> vector<16xf32>
    %lt3A_988 = arith.constant 0 : i32
    %lt3A_989 = vector.broadcast %lt3A_988 : i32 to vector<16xi32>
    %lt3A_990 = arith.cmpi slt, %gather3A_977, %lt3A_989 : vector<16xi32>
    %add3A_991 = arith.constant 16 : i32
    %add3A_992 = vector.broadcast %add3A_991 : i32 to vector<16xi32>
    %add3A_993 = arith.addi %gather3A_977, %add3A_992 : vector<16xi32>
    %select_n3A_994 = arith.select %lt3A_990, %add3A_993, %gather3A_977 : vector<16xi1>, vector<16xi32>
    %broadcast_in_dim3A_995 = vector.shape_cast %select_n3A_994 : vector<16xi32> to vector<16x1xi32>
    %gather3A_996 = vector.shape_cast %broadcast_in_dim3A_995 : vector<16x1xi32> to vector<16xi32>
    %gather3A_997 = tpu.dynamic_gather %select_n3A_108[%gather3A_996] in [0] : vector<16xf32>, vector<16xi32> -> vector<16xf32>
    %select_n3A_998 = arith.select %eq3A_30, %gather3A_997, %gather3A_987 : vector<16xi1>, vector<16xf32>
    %get3A_999 = arith.constant 352 : index
    %get3A_1000 = tpu.vector_load %arg6[%get3A_999] {strides = array<i32>} : memref<2048xf32, #tpu.memory_space<vmem>>, vector<16xf32>,
    %get3A_1001 = vector.shape_cast %get3A_1000 : vector<16xf32> to vector<16xf32>
    %sub3A_1002 = arith.subf %get3A_1001, %select_n3A_998 : vector<16xf32>
    %mul3A_1003 = arith.mulf %sub3A_1002, %sub3A_1002 : vector<16xf32>
    %add3A_1004 = arith.addf %add3A_964, %mul3A_1003 : vector<16xf32>
    %lt3A_1005 = arith.constant 0 : i32
    %lt3A_1006 = vector.broadcast %lt3A_1005 : i32 to vector<16xi32>
    %lt3A_1007 = arith.cmpi slt, %add3A_26, %lt3A_1006 : vector<16xi32>
    %add3A_1008 = arith.constant 16 : i32
    %add3A_1009 = vector.broadcast %add3A_1008 : i32 to vector<16xi32>
    %add3A_1010 = arith.addi %add3A_26, %add3A_1009 : vector<16xi32>
    %select_n3A_1011 = arith.select %lt3A_1007, %add3A_1010, %add3A_26 : vector<16xi1>, vector<16xi32>
    %broadcast_in_dim3A_1012 = vector.shape_cast %select_n3A_1011 : vector<16xi32> to vector<16x1xi32>
    %gather3A_1013 = vector.shape_cast %broadcast_in_dim3A_1012 : vector<16x1xi32> to vector<16xi32>
    %gather3A_1014 = tpu.dynamic_gather %get3A_967[%gather3A_1013] in [0] : vector<16xi32>, vector<16xi32> -> vector<16xi32>
    %lt3A_1015 = arith.constant 0 : i32
    %lt3A_1016 = vector.broadcast %lt3A_1015 : i32 to vector<16xi32>
    %lt3A_1017 = arith.cmpi slt, %gather3A_1014, %lt3A_1016 : vector<16xi32>
    %add3A_1018 = arith.constant 16 : i32
    %add3A_1019 = vector.broadcast %add3A_1018 : i32 to vector<16xi32>
    %add3A_1020 = arith.addi %gather3A_1014, %add3A_1019 : vector<16xi32>
    %select_n3A_1021 = arith.select %lt3A_1017, %add3A_1020, %gather3A_1014 : vector<16xi1>, vector<16xi32>
    %broadcast_in_dim3A_1022 = vector.shape_cast %select_n3A_1021 : vector<16xi32> to vector<16x1xi32>
    %gather3A_1023 = vector.shape_cast %broadcast_in_dim3A_1022 : vector<16x1xi32> to vector<16xi32>
    %gather3A_1024 = tpu.dynamic_gather %select_n3A_69[%gather3A_1023] in [0] : vector<16xf32>, vector<16xi32> -> vector<16xf32>
    %lt3A_1025 = arith.constant 0 : i32
    %lt3A_1026 = vector.broadcast %lt3A_1025 : i32 to vector<16xi32>
    %lt3A_1027 = arith.cmpi slt, %gather3A_1014, %lt3A_1026 : vector<16xi32>
    %add3A_1028 = arith.constant 16 : i32
    %add3A_1029 = vector.broadcast %add3A_1028 : i32 to vector<16xi32>
    %add3A_1030 = arith.addi %gather3A_1014, %add3A_1029 : vector<16xi32>
    %select_n3A_1031 = arith.select %lt3A_1027, %add3A_1030, %gather3A_1014 : vector<16xi1>, vector<16xi32>
    %broadcast_in_dim3A_1032 = vector.shape_cast %select_n3A_1031 : vector<16xi32> to vector<16x1xi32>
    %gather3A_1033 = vector.shape_cast %broadcast_in_dim3A_1032 : vector<16x1xi32> to vector<16xi32>
    %gather3A_1034 = tpu.dynamic_gather %select_n3A_108[%gather3A_1033] in [0] : vector<16xf32>, vector<16xi32> -> vector<16xf32>
    %select_n3A_1035 = arith.select %eq3A_30, %gather3A_1034, %gather3A_1024 : vector<16xi1>, vector<16xf32>
    %get3A_1036 = arith.constant 368 : index
    %get3A_1037 = tpu.vector_load %arg6[%get3A_1036] {strides = array<i32>} : memref<2048xf32, #tpu.memory_space<vmem>>, vector<16xf32>,
    %get3A_1038 = vector.shape_cast %get3A_1037 : vector<16xf32> to vector<16xf32>
    %sub3A_1039 = arith.subf %get3A_1038, %select_n3A_1035 : vector<16xf32>
    %mul3A_1040 = arith.mulf %sub3A_1039, %sub3A_1039 : vector<16xf32>
    %add3A_1041 = arith.addf %add3A_1004, %mul3A_1040 : vector<16xf32>
    %get3A_1042 = arith.constant 192 : index
    %get3A_1043 = tpu.vector_load %arg7[%get3A_1042] {strides = array<i32>} : memref<1024xi32, #tpu.memory_space<vmem>>, vector<16xi32>,
    %get3A_1044 = vector.shape_cast %get3A_1043 : vector<16xi32> to vector<16xi32>
    %lt3A_1045 = arith.constant 0 : i32
    %lt3A_1046 = vector.broadcast %lt3A_1045 : i32 to vector<16xi32>
    %lt3A_1047 = arith.cmpi slt, %shift_right_arithmetic3A_23, %lt3A_1046 : vector<16xi32>
    %add3A_1048 = arith.constant 16 : i32
    %add3A_1049 = vector.broadcast %add3A_1048 : i32 to vector<16xi32>
    %add3A_1050 = arith.addi %shift_right_arithmetic3A_23, %add3A_1049 : vector<16xi32>
    %select_n3A_1051 = arith.select %lt3A_1047, %add3A_1050, %shift_right_arithmetic3A_23 : vector<16xi1>, vector<16xi32>
    %broadcast_in_dim3A_1052 = vector.shape_cast %select_n3A_1051 : vector<16xi32> to vector<16x1xi32>
    %gather3A_1053 = vector.shape_cast %broadcast_in_dim3A_1052 : vector<16x1xi32> to vector<16xi32>
    %gather3A_1054 = tpu.dynamic_gather %get3A_1044[%gather3A_1053] in [0] : vector<16xi32>, vector<16xi32> -> vector<16xi32>
    %lt3A_1055 = arith.constant 0 : i32
    %lt3A_1056 = vector.broadcast %lt3A_1055 : i32 to vector<16xi32>
    %lt3A_1057 = arith.cmpi slt, %gather3A_1054, %lt3A_1056 : vector<16xi32>
    %add3A_1058 = arith.constant 16 : i32
    %add3A_1059 = vector.broadcast %add3A_1058 : i32 to vector<16xi32>
    %add3A_1060 = arith.addi %gather3A_1054, %add3A_1059 : vector<16xi32>
    %select_n3A_1061 = arith.select %lt3A_1057, %add3A_1060, %gather3A_1054 : vector<16xi1>, vector<16xi32>
    %broadcast_in_dim3A_1062 = vector.shape_cast %select_n3A_1061 : vector<16xi32> to vector<16x1xi32>
    %gather3A_1063 = vector.shape_cast %broadcast_in_dim3A_1062 : vector<16x1xi32> to vector<16xi32>
    %gather3A_1064 = tpu.dynamic_gather %select_n3A_69[%gather3A_1063] in [0] : vector<16xf32>, vector<16xi32> -> vector<16xf32>
    %lt3A_1065 = arith.constant 0 : i32
    %lt3A_1066 = vector.broadcast %lt3A_1065 : i32 to vector<16xi32>
    %lt3A_1067 = arith.cmpi slt, %gather3A_1054, %lt3A_1066 : vector<16xi32>
    %add3A_1068 = arith.constant 16 : i32
    %add3A_1069 = vector.broadcast %add3A_1068 : i32 to vector<16xi32>
    %add3A_1070 = arith.addi %gather3A_1054, %add3A_1069 : vector<16xi32>
    %select_n3A_1071 = arith.select %lt3A_1067, %add3A_1070, %gather3A_1054 : vector<16xi1>, vector<16xi32>
    %broadcast_in_dim3A_1072 = vector.shape_cast %select_n3A_1071 : vector<16xi32> to vector<16x1xi32>
    %gather3A_1073 = vector.shape_cast %broadcast_in_dim3A_1072 : vector<16x1xi32> to vector<16xi32>
    %gather3A_1074 = tpu.dynamic_gather %select_n3A_108[%gather3A_1073] in [0] : vector<16xf32>, vector<16xi32> -> vector<16xf32>
    %select_n3A_1075 = arith.select %eq3A_30, %gather3A_1074, %gather3A_1064 : vector<16xi1>, vector<16xf32>
    %get3A_1076 = arith.constant 384 : index
    %get3A_1077 = tpu.vector_load %arg6[%get3A_1076] {strides = array<i32>} : memref<2048xf32, #tpu.memory_space<vmem>>, vector<16xf32>,
    %get3A_1078 = vector.shape_cast %get3A_1077 : vector<16xf32> to vector<16xf32>
    %sub3A_1079 = arith.subf %get3A_1078, %select_n3A_1075 : vector<16xf32>
    %mul3A_1080 = arith.mulf %sub3A_1079, %sub3A_1079 : vector<16xf32>
    %add3A_1081 = arith.addf %add3A_1041, %mul3A_1080 : vector<16xf32>
    %lt3A_1082 = arith.constant 0 : i32
    %lt3A_1083 = vector.broadcast %lt3A_1082 : i32 to vector<16xi32>
    %lt3A_1084 = arith.cmpi slt, %add3A_26, %lt3A_1083 : vector<16xi32>
    %add3A_1085 = arith.constant 16 : i32
    %add3A_1086 = vector.broadcast %add3A_1085 : i32 to vector<16xi32>
    %add3A_1087 = arith.addi %add3A_26, %add3A_1086 : vector<16xi32>
    %select_n3A_1088 = arith.select %lt3A_1084, %add3A_1087, %add3A_26 : vector<16xi1>, vector<16xi32>
    %broadcast_in_dim3A_1089 = vector.shape_cast %select_n3A_1088 : vector<16xi32> to vector<16x1xi32>
    %gather3A_1090 = vector.shape_cast %broadcast_in_dim3A_1089 : vector<16x1xi32> to vector<16xi32>
    %gather3A_1091 = tpu.dynamic_gather %get3A_1044[%gather3A_1090] in [0] : vector<16xi32>, vector<16xi32> -> vector<16xi32>
    %lt3A_1092 = arith.constant 0 : i32
    %lt3A_1093 = vector.broadcast %lt3A_1092 : i32 to vector<16xi32>
    %lt3A_1094 = arith.cmpi slt, %gather3A_1091, %lt3A_1093 : vector<16xi32>
    %add3A_1095 = arith.constant 16 : i32
    %add3A_1096 = vector.broadcast %add3A_1095 : i32 to vector<16xi32>
    %add3A_1097 = arith.addi %gather3A_1091, %add3A_1096 : vector<16xi32>
    %select_n3A_1098 = arith.select %lt3A_1094, %add3A_1097, %gather3A_1091 : vector<16xi1>, vector<16xi32>
    %broadcast_in_dim3A_1099 = vector.shape_cast %select_n3A_1098 : vector<16xi32> to vector<16x1xi32>
    %gather3A_1100 = vector.shape_cast %broadcast_in_dim3A_1099 : vector<16x1xi32> to vector<16xi32>
    %gather3A_1101 = tpu.dynamic_gather %select_n3A_69[%gather3A_1100] in [0] : vector<16xf32>, vector<16xi32> -> vector<16xf32>
    %lt3A_1102 = arith.constant 0 : i32
    %lt3A_1103 = vector.broadcast %lt3A_1102 : i32 to vector<16xi32>
    %lt3A_1104 = arith.cmpi slt, %gather3A_1091, %lt3A_1103 : vector<16xi32>
    %add3A_1105 = arith.constant 16 : i32
    %add3A_1106 = vector.broadcast %add3A_1105 : i32 to vector<16xi32>
    %add3A_1107 = arith.addi %gather3A_1091, %add3A_1106 : vector<16xi32>
    %select_n3A_1108 = arith.select %lt3A_1104, %add3A_1107, %gather3A_1091 : vector<16xi1>, vector<16xi32>
    %broadcast_in_dim3A_1109 = vector.shape_cast %select_n3A_1108 : vector<16xi32> to vector<16x1xi32>
    %gather3A_1110 = vector.shape_cast %broadcast_in_dim3A_1109 : vector<16x1xi32> to vector<16xi32>
    %gather3A_1111 = tpu.dynamic_gather %select_n3A_108[%gather3A_1110] in [0] : vector<16xf32>, vector<16xi32> -> vector<16xf32>
    %select_n3A_1112 = arith.select %eq3A_30, %gather3A_1111, %gather3A_1101 : vector<16xi1>, vector<16xf32>
    %get3A_1113 = arith.constant 400 : index
    %get3A_1114 = tpu.vector_load %arg6[%get3A_1113] {strides = array<i32>} : memref<2048xf32, #tpu.memory_space<vmem>>, vector<16xf32>,
    %get3A_1115 = vector.shape_cast %get3A_1114 : vector<16xf32> to vector<16xf32>
    %sub3A_1116 = arith.subf %get3A_1115, %select_n3A_1112 : vector<16xf32>
    %mul3A_1117 = arith.mulf %sub3A_1116, %sub3A_1116 : vector<16xf32>
    %add3A_1118 = arith.addf %add3A_1081, %mul3A_1117 : vector<16xf32>
    %get3A_1119 = arith.constant 208 : index
    %get3A_1120 = tpu.vector_load %arg7[%get3A_1119] {strides = array<i32>} : memref<1024xi32, #tpu.memory_space<vmem>>, vector<16xi32>,
    %get3A_1121 = vector.shape_cast %get3A_1120 : vector<16xi32> to vector<16xi32>
    %lt3A_1122 = arith.constant 0 : i32
    %lt3A_1123 = vector.broadcast %lt3A_1122 : i32 to vector<16xi32>
    %lt3A_1124 = arith.cmpi slt, %shift_right_arithmetic3A_23, %lt3A_1123 : vector<16xi32>
    %add3A_1125 = arith.constant 16 : i32
    %add3A_1126 = vector.broadcast %add3A_1125 : i32 to vector<16xi32>
    %add3A_1127 = arith.addi %shift_right_arithmetic3A_23, %add3A_1126 : vector<16xi32>
    %select_n3A_1128 = arith.select %lt3A_1124, %add3A_1127, %shift_right_arithmetic3A_23 : vector<16xi1>, vector<16xi32>
    %broadcast_in_dim3A_1129 = vector.shape_cast %select_n3A_1128 : vector<16xi32> to vector<16x1xi32>
    %gather3A_1130 = vector.shape_cast %broadcast_in_dim3A_1129 : vector<16x1xi32> to vector<16xi32>
    %gather3A_1131 = tpu.dynamic_gather %get3A_1121[%gather3A_1130] in [0] : vector<16xi32>, vector<16xi32> -> vector<16xi32>
    %lt3A_1132 = arith.constant 0 : i32
    %lt3A_1133 = vector.broadcast %lt3A_1132 : i32 to vector<16xi32>
    %lt3A_1134 = arith.cmpi slt, %gather3A_1131, %lt3A_1133 : vector<16xi32>
    %add3A_1135 = arith.constant 16 : i32
    %add3A_1136 = vector.broadcast %add3A_1135 : i32 to vector<16xi32>
    %add3A_1137 = arith.addi %gather3A_1131, %add3A_1136 : vector<16xi32>
    %select_n3A_1138 = arith.select %lt3A_1134, %add3A_1137, %gather3A_1131 : vector<16xi1>, vector<16xi32>
    %broadcast_in_dim3A_1139 = vector.shape_cast %select_n3A_1138 : vector<16xi32> to vector<16x1xi32>
    %gather3A_1140 = vector.shape_cast %broadcast_in_dim3A_1139 : vector<16x1xi32> to vector<16xi32>
    %gather3A_1141 = tpu.dynamic_gather %select_n3A_69[%gather3A_1140] in [0] : vector<16xf32>, vector<16xi32> -> vector<16xf32>
    %lt3A_1142 = arith.constant 0 : i32
    %lt3A_1143 = vector.broadcast %lt3A_1142 : i32 to vector<16xi32>
    %lt3A_1144 = arith.cmpi slt, %gather3A_1131, %lt3A_1143 : vector<16xi32>
    %add3A_1145 = arith.constant 16 : i32
    %add3A_1146 = vector.broadcast %add3A_1145 : i32 to vector<16xi32>
    %add3A_1147 = arith.addi %gather3A_1131, %add3A_1146 : vector<16xi32>
    %select_n3A_1148 = arith.select %lt3A_1144, %add3A_1147, %gather3A_1131 : vector<16xi1>, vector<16xi32>
    %broadcast_in_dim3A_1149 = vector.shape_cast %select_n3A_1148 : vector<16xi32> to vector<16x1xi32>
    %gather3A_1150 = vector.shape_cast %broadcast_in_dim3A_1149 : vector<16x1xi32> to vector<16xi32>
    %gather3A_1151 = tpu.dynamic_gather %select_n3A_108[%gather3A_1150] in [0] : vector<16xf32>, vector<16xi32> -> vector<16xf32>
    %select_n3A_1152 = arith.select %eq3A_30, %gather3A_1151, %gather3A_1141 : vector<16xi1>, vector<16xf32>
    %get3A_1153 = arith.constant 416 : index
    %get3A_1154 = tpu.vector_load %arg6[%get3A_1153] {strides = array<i32>} : memref<2048xf32, #tpu.memory_space<vmem>>, vector<16xf32>,
    %get3A_1155 = vector.shape_cast %get3A_1154 : vector<16xf32> to vector<16xf32>
    %sub3A_1156 = arith.subf %get3A_1155, %select_n3A_1152 : vector<16xf32>
    %mul3A_1157 = arith.mulf %sub3A_1156, %sub3A_1156 : vector<16xf32>
    %add3A_1158 = arith.addf %add3A_1118, %mul3A_1157 : vector<16xf32>
    %lt3A_1159 = arith.constant 0 : i32
    %lt3A_1160 = vector.broadcast %lt3A_1159 : i32 to vector<16xi32>
    %lt3A_1161 = arith.cmpi slt, %add3A_26, %lt3A_1160 : vector<16xi32>
    %add3A_1162 = arith.constant 16 : i32
    %add3A_1163 = vector.broadcast %add3A_1162 : i32 to vector<16xi32>
    %add3A_1164 = arith.addi %add3A_26, %add3A_1163 : vector<16xi32>
    %select_n3A_1165 = arith.select %lt3A_1161, %add3A_1164, %add3A_26 : vector<16xi1>, vector<16xi32>
    %broadcast_in_dim3A_1166 = vector.shape_cast %select_n3A_1165 : vector<16xi32> to vector<16x1xi32>
    %gather3A_1167 = vector.shape_cast %broadcast_in_dim3A_1166 : vector<16x1xi32> to vector<16xi32>
    %gather3A_1168 = tpu.dynamic_gather %get3A_1121[%gather3A_1167] in [0] : vector<16xi32>, vector<16xi32> -> vector<16xi32>
    %lt3A_1169 = arith.constant 0 : i32
    %lt3A_1170 = vector.broadcast %lt3A_1169 : i32 to vector<16xi32>
    %lt3A_1171 = arith.cmpi slt, %gather3A_1168, %lt3A_1170 : vector<16xi32>
    %add3A_1172 = arith.constant 16 : i32
    %add3A_1173 = vector.broadcast %add3A_1172 : i32 to vector<16xi32>
    %add3A_1174 = arith.addi %gather3A_1168, %add3A_1173 : vector<16xi32>
    %select_n3A_1175 = arith.select %lt3A_1171, %add3A_1174, %gather3A_1168 : vector<16xi1>, vector<16xi32>
    %broadcast_in_dim3A_1176 = vector.shape_cast %select_n3A_1175 : vector<16xi32> to vector<16x1xi32>
    %gather3A_1177 = vector.shape_cast %broadcast_in_dim3A_1176 : vector<16x1xi32> to vector<16xi32>
    %gather3A_1178 = tpu.dynamic_gather %select_n3A_69[%gather3A_1177] in [0] : vector<16xf32>, vector<16xi32> -> vector<16xf32>
    %lt3A_1179 = arith.constant 0 : i32
    %lt3A_1180 = vector.broadcast %lt3A_1179 : i32 to vector<16xi32>
    %lt3A_1181 = arith.cmpi slt, %gather3A_1168, %lt3A_1180 : vector<16xi32>
    %add3A_1182 = arith.constant 16 : i32
    %add3A_1183 = vector.broadcast %add3A_1182 : i32 to vector<16xi32>
    %add3A_1184 = arith.addi %gather3A_1168, %add3A_1183 : vector<16xi32>
    %select_n3A_1185 = arith.select %lt3A_1181, %add3A_1184, %gather3A_1168 : vector<16xi1>, vector<16xi32>
    %broadcast_in_dim3A_1186 = vector.shape_cast %select_n3A_1185 : vector<16xi32> to vector<16x1xi32>
    %gather3A_1187 = vector.shape_cast %broadcast_in_dim3A_1186 : vector<16x1xi32> to vector<16xi32>
    %gather3A_1188 = tpu.dynamic_gather %select_n3A_108[%gather3A_1187] in [0] : vector<16xf32>, vector<16xi32> -> vector<16xf32>
    %select_n3A_1189 = arith.select %eq3A_30, %gather3A_1188, %gather3A_1178 : vector<16xi1>, vector<16xf32>
    %get3A_1190 = arith.constant 432 : index
    %get3A_1191 = tpu.vector_load %arg6[%get3A_1190] {strides = array<i32>} : memref<2048xf32, #tpu.memory_space<vmem>>, vector<16xf32>,
    %get3A_1192 = vector.shape_cast %get3A_1191 : vector<16xf32> to vector<16xf32>
    %sub3A_1193 = arith.subf %get3A_1192, %select_n3A_1189 : vector<16xf32>
    %mul3A_1194 = arith.mulf %sub3A_1193, %sub3A_1193 : vector<16xf32>
    %add3A_1195 = arith.addf %add3A_1158, %mul3A_1194 : vector<16xf32>
    %get3A_1196 = arith.constant 224 : index
    %get3A_1197 = tpu.vector_load %arg7[%get3A_1196] {strides = array<i32>} : memref<1024xi32, #tpu.memory_space<vmem>>, vector<16xi32>,
    %get3A_1198 = vector.shape_cast %get3A_1197 : vector<16xi32> to vector<16xi32>
    %lt3A_1199 = arith.constant 0 : i32
    %lt3A_1200 = vector.broadcast %lt3A_1199 : i32 to vector<16xi32>
    %lt3A_1201 = arith.cmpi slt, %shift_right_arithmetic3A_23, %lt3A_1200 : vector<16xi32>
    %add3A_1202 = arith.constant 16 : i32
    %add3A_1203 = vector.broadcast %add3A_1202 : i32 to vector<16xi32>
    %add3A_1204 = arith.addi %shift_right_arithmetic3A_23, %add3A_1203 : vector<16xi32>
    %select_n3A_1205 = arith.select %lt3A_1201, %add3A_1204, %shift_right_arithmetic3A_23 : vector<16xi1>, vector<16xi32>
    %broadcast_in_dim3A_1206 = vector.shape_cast %select_n3A_1205 : vector<16xi32> to vector<16x1xi32>
    %gather3A_1207 = vector.shape_cast %broadcast_in_dim3A_1206 : vector<16x1xi32> to vector<16xi32>
    %gather3A_1208 = tpu.dynamic_gather %get3A_1198[%gather3A_1207] in [0] : vector<16xi32>, vector<16xi32> -> vector<16xi32>
    %lt3A_1209 = arith.constant 0 : i32
    %lt3A_1210 = vector.broadcast %lt3A_1209 : i32 to vector<16xi32>
    %lt3A_1211 = arith.cmpi slt, %gather3A_1208, %lt3A_1210 : vector<16xi32>
    %add3A_1212 = arith.constant 16 : i32
    %add3A_1213 = vector.broadcast %add3A_1212 : i32 to vector<16xi32>
    %add3A_1214 = arith.addi %gather3A_1208, %add3A_1213 : vector<16xi32>
    %select_n3A_1215 = arith.select %lt3A_1211, %add3A_1214, %gather3A_1208 : vector<16xi1>, vector<16xi32>
    %broadcast_in_dim3A_1216 = vector.shape_cast %select_n3A_1215 : vector<16xi32> to vector<16x1xi32>
    %gather3A_1217 = vector.shape_cast %broadcast_in_dim3A_1216 : vector<16x1xi32> to vector<16xi32>
    %gather3A_1218 = tpu.dynamic_gather %select_n3A_69[%gather3A_1217] in [0] : vector<16xf32>, vector<16xi32> -> vector<16xf32>
    %lt3A_1219 = arith.constant 0 : i32
    %lt3A_1220 = vector.broadcast %lt3A_1219 : i32 to vector<16xi32>
    %lt3A_1221 = arith.cmpi slt, %gather3A_1208, %lt3A_1220 : vector<16xi32>
    %add3A_1222 = arith.constant 16 : i32
    %add3A_1223 = vector.broadcast %add3A_1222 : i32 to vector<16xi32>
    %add3A_1224 = arith.addi %gather3A_1208, %add3A_1223 : vector<16xi32>
    %select_n3A_1225 = arith.select %lt3A_1221, %add3A_1224, %gather3A_1208 : vector<16xi1>, vector<16xi32>
    %broadcast_in_dim3A_1226 = vector.shape_cast %select_n3A_1225 : vector<16xi32> to vector<16x1xi32>
    %gather3A_1227 = vector.shape_cast %broadcast_in_dim3A_1226 : vector<16x1xi32> to vector<16xi32>
    %gather3A_1228 = tpu.dynamic_gather %select_n3A_108[%gather3A_1227] in [0] : vector<16xf32>, vector<16xi32> -> vector<16xf32>
    %select_n3A_1229 = arith.select %eq3A_30, %gather3A_1228, %gather3A_1218 : vector<16xi1>, vector<16xf32>
    %get3A_1230 = arith.constant 448 : index
    %get3A_1231 = tpu.vector_load %arg6[%get3A_1230] {strides = array<i32>} : memref<2048xf32, #tpu.memory_space<vmem>>, vector<16xf32>,
    %get3A_1232 = vector.shape_cast %get3A_1231 : vector<16xf32> to vector<16xf32>
    %sub3A_1233 = arith.subf %get3A_1232, %select_n3A_1229 : vector<16xf32>
    %mul3A_1234 = arith.mulf %sub3A_1233, %sub3A_1233 : vector<16xf32>
    %add3A_1235 = arith.addf %add3A_1195, %mul3A_1234 : vector<16xf32>
    %lt3A_1236 = arith.constant 0 : i32
    %lt3A_1237 = vector.broadcast %lt3A_1236 : i32 to vector<16xi32>
    %lt3A_1238 = arith.cmpi slt, %add3A_26, %lt3A_1237 : vector<16xi32>
    %add3A_1239 = arith.constant 16 : i32
    %add3A_1240 = vector.broadcast %add3A_1239 : i32 to vector<16xi32>
    %add3A_1241 = arith.addi %add3A_26, %add3A_1240 : vector<16xi32>
    %select_n3A_1242 = arith.select %lt3A_1238, %add3A_1241, %add3A_26 : vector<16xi1>, vector<16xi32>
    %broadcast_in_dim3A_1243 = vector.shape_cast %select_n3A_1242 : vector<16xi32> to vector<16x1xi32>
    %gather3A_1244 = vector.shape_cast %broadcast_in_dim3A_1243 : vector<16x1xi32> to vector<16xi32>
    %gather3A_1245 = tpu.dynamic_gather %get3A_1198[%gather3A_1244] in [0] : vector<16xi32>, vector<16xi32> -> vector<16xi32>
    %lt3A_1246 = arith.constant 0 : i32
    %lt3A_1247 = vector.broadcast %lt3A_1246 : i32 to vector<16xi32>
    %lt3A_1248 = arith.cmpi slt, %gather3A_1245, %lt3A_1247 : vector<16xi32>
    %add3A_1249 = arith.constant 16 : i32
    %add3A_1250 = vector.broadcast %add3A_1249 : i32 to vector<16xi32>
    %add3A_1251 = arith.addi %gather3A_1245, %add3A_1250 : vector<16xi32>
    %select_n3A_1252 = arith.select %lt3A_1248, %add3A_1251, %gather3A_1245 : vector<16xi1>, vector<16xi32>
    %broadcast_in_dim3A_1253 = vector.shape_cast %select_n3A_1252 : vector<16xi32> to vector<16x1xi32>
    %gather3A_1254 = vector.shape_cast %broadcast_in_dim3A_1253 : vector<16x1xi32> to vector<16xi32>
    %gather3A_1255 = tpu.dynamic_gather %select_n3A_69[%gather3A_1254] in [0] : vector<16xf32>, vector<16xi32> -> vector<16xf32>
    %lt3A_1256 = arith.constant 0 : i32
    %lt3A_1257 = vector.broadcast %lt3A_1256 : i32 to vector<16xi32>
    %lt3A_1258 = arith.cmpi slt, %gather3A_1245, %lt3A_1257 : vector<16xi32>
    %add3A_1259 = arith.constant 16 : i32
    %add3A_1260 = vector.broadcast %add3A_1259 : i32 to vector<16xi32>
    %add3A_1261 = arith.addi %gather3A_1245, %add3A_1260 : vector<16xi32>
    %select_n3A_1262 = arith.select %lt3A_1258, %add3A_1261, %gather3A_1245 : vector<16xi1>, vector<16xi32>
    %broadcast_in_dim3A_1263 = vector.shape_cast %select_n3A_1262 : vector<16xi32> to vector<16x1xi32>
    %gather3A_1264 = vector.shape_cast %broadcast_in_dim3A_1263 : vector<16x1xi32> to vector<16xi32>
    %gather3A_1265 = tpu.dynamic_gather %select_n3A_108[%gather3A_1264] in [0] : vector<16xf32>, vector<16xi32> -> vector<16xf32>
    %select_n3A_1266 = arith.select %eq3A_30, %gather3A_1265, %gather3A_1255 : vector<16xi1>, vector<16xf32>
    %get3A_1267 = arith.constant 464 : index
    %get3A_1268 = tpu.vector_load %arg6[%get3A_1267] {strides = array<i32>} : memref<2048xf32, #tpu.memory_space<vmem>>, vector<16xf32>,
    %get3A_1269 = vector.shape_cast %get3A_1268 : vector<16xf32> to vector<16xf32>
    %sub3A_1270 = arith.subf %get3A_1269, %select_n3A_1266 : vector<16xf32>
    %mul3A_1271 = arith.mulf %sub3A_1270, %sub3A_1270 : vector<16xf32>
    %add3A_1272 = arith.addf %add3A_1235, %mul3A_1271 : vector<16xf32>
    %get3A_1273 = arith.constant 240 : index
    %get3A_1274 = tpu.vector_load %arg7[%get3A_1273] {strides = array<i32>} : memref<1024xi32, #tpu.memory_space<vmem>>, vector<16xi32>,
    %get3A_1275 = vector.shape_cast %get3A_1274 : vector<16xi32> to vector<16xi32>
    %lt3A_1276 = arith.constant 0 : i32
    %lt3A_1277 = vector.broadcast %lt3A_1276 : i32 to vector<16xi32>
    %lt3A_1278 = arith.cmpi slt, %shift_right_arithmetic3A_23, %lt3A_1277 : vector<16xi32>
    %add3A_1279 = arith.constant 16 : i32
    %add3A_1280 = vector.broadcast %add3A_1279 : i32 to vector<16xi32>
    %add3A_1281 = arith.addi %shift_right_arithmetic3A_23, %add3A_1280 : vector<16xi32>
    %select_n3A_1282 = arith.select %lt3A_1278, %add3A_1281, %shift_right_arithmetic3A_23 : vector<16xi1>, vector<16xi32>
    %broadcast_in_dim3A_1283 = vector.shape_cast %select_n3A_1282 : vector<16xi32> to vector<16x1xi32>
    %gather3A_1284 = vector.shape_cast %broadcast_in_dim3A_1283 : vector<16x1xi32> to vector<16xi32>
    %gather3A_1285 = tpu.dynamic_gather %get3A_1275[%gather3A_1284] in [0] : vector<16xi32>, vector<16xi32> -> vector<16xi32>
    %lt3A_1286 = arith.constant 0 : i32
    %lt3A_1287 = vector.broadcast %lt3A_1286 : i32 to vector<16xi32>
    %lt3A_1288 = arith.cmpi slt, %gather3A_1285, %lt3A_1287 : vector<16xi32>
    %add3A_1289 = arith.constant 16 : i32
    %add3A_1290 = vector.broadcast %add3A_1289 : i32 to vector<16xi32>
    %add3A_1291 = arith.addi %gather3A_1285, %add3A_1290 : vector<16xi32>
    %select_n3A_1292 = arith.select %lt3A_1288, %add3A_1291, %gather3A_1285 : vector<16xi1>, vector<16xi32>
    %broadcast_in_dim3A_1293 = vector.shape_cast %select_n3A_1292 : vector<16xi32> to vector<16x1xi32>
    %gather3A_1294 = vector.shape_cast %broadcast_in_dim3A_1293 : vector<16x1xi32> to vector<16xi32>
    %gather3A_1295 = tpu.dynamic_gather %select_n3A_69[%gather3A_1294] in [0] : vector<16xf32>, vector<16xi32> -> vector<16xf32>
    %lt3A_1296 = arith.constant 0 : i32
    %lt3A_1297 = vector.broadcast %lt3A_1296 : i32 to vector<16xi32>
    %lt3A_1298 = arith.cmpi slt, %gather3A_1285, %lt3A_1297 : vector<16xi32>
    %add3A_1299 = arith.constant 16 : i32
    %add3A_1300 = vector.broadcast %add3A_1299 : i32 to vector<16xi32>
    %add3A_1301 = arith.addi %gather3A_1285, %add3A_1300 : vector<16xi32>
    %select_n3A_1302 = arith.select %lt3A_1298, %add3A_1301, %gather3A_1285 : vector<16xi1>, vector<16xi32>
    %broadcast_in_dim3A_1303 = vector.shape_cast %select_n3A_1302 : vector<16xi32> to vector<16x1xi32>
    %gather3A_1304 = vector.shape_cast %broadcast_in_dim3A_1303 : vector<16x1xi32> to vector<16xi32>
    %gather3A_1305 = tpu.dynamic_gather %select_n3A_108[%gather3A_1304] in [0] : vector<16xf32>, vector<16xi32> -> vector<16xf32>
    %select_n3A_1306 = arith.select %eq3A_30, %gather3A_1305, %gather3A_1295 : vector<16xi1>, vector<16xf32>
    %get3A_1307 = arith.constant 480 : index
    %get3A_1308 = tpu.vector_load %arg6[%get3A_1307] {strides = array<i32>} : memref<2048xf32, #tpu.memory_space<vmem>>, vector<16xf32>,
    %get3A_1309 = vector.shape_cast %get3A_1308 : vector<16xf32> to vector<16xf32>
    %sub3A_1310 = arith.subf %get3A_1309, %select_n3A_1306 : vector<16xf32>
    %mul3A_1311 = arith.mulf %sub3A_1310, %sub3A_1310 : vector<16xf32>
    %add3A_1312 = arith.addf %add3A_1272, %mul3A_1311 : vector<16xf32>
    %lt3A_1313 = arith.constant 0 : i32
    %lt3A_1314 = vector.broadcast %lt3A_1313 : i32 to vector<16xi32>
    %lt3A_1315 = arith.cmpi slt, %add3A_26, %lt3A_1314 : vector<16xi32>
    %add3A_1316 = arith.constant 16 : i32
    %add3A_1317 = vector.broadcast %add3A_1316 : i32 to vector<16xi32>
    %add3A_1318 = arith.addi %add3A_26, %add3A_1317 : vector<16xi32>
    %select_n3A_1319 = arith.select %lt3A_1315, %add3A_1318, %add3A_26 : vector<16xi1>, vector<16xi32>
    %broadcast_in_dim3A_1320 = vector.shape_cast %select_n3A_1319 : vector<16xi32> to vector<16x1xi32>
    %gather3A_1321 = vector.shape_cast %broadcast_in_dim3A_1320 : vector<16x1xi32> to vector<16xi32>
    %gather3A_1322 = tpu.dynamic_gather %get3A_1275[%gather3A_1321] in [0] : vector<16xi32>, vector<16xi32> -> vector<16xi32>
    %lt3A_1323 = arith.constant 0 : i32
    %lt3A_1324 = vector.broadcast %lt3A_1323 : i32 to vector<16xi32>
    %lt3A_1325 = arith.cmpi slt, %gather3A_1322, %lt3A_1324 : vector<16xi32>
    %add3A_1326 = arith.constant 16 : i32
    %add3A_1327 = vector.broadcast %add3A_1326 : i32 to vector<16xi32>
    %add3A_1328 = arith.addi %gather3A_1322, %add3A_1327 : vector<16xi32>
    %select_n3A_1329 = arith.select %lt3A_1325, %add3A_1328, %gather3A_1322 : vector<16xi1>, vector<16xi32>
    %broadcast_in_dim3A_1330 = vector.shape_cast %select_n3A_1329 : vector<16xi32> to vector<16x1xi32>
    %gather3A_1331 = vector.shape_cast %broadcast_in_dim3A_1330 : vector<16x1xi32> to vector<16xi32>
    %gather3A_1332 = tpu.dynamic_gather %select_n3A_69[%gather3A_1331] in [0] : vector<16xf32>, vector<16xi32> -> vector<16xf32>
    %lt3A_1333 = arith.constant 0 : i32
    %lt3A_1334 = vector.broadcast %lt3A_1333 : i32 to vector<16xi32>
    %lt3A_1335 = arith.cmpi slt, %gather3A_1322, %lt3A_1334 : vector<16xi32>
    %add3A_1336 = arith.constant 16 : i32
    %add3A_1337 = vector.broadcast %add3A_1336 : i32 to vector<16xi32>
    %add3A_1338 = arith.addi %gather3A_1322, %add3A_1337 : vector<16xi32>
    %select_n3A_1339 = arith.select %lt3A_1335, %add3A_1338, %gather3A_1322 : vector<16xi1>, vector<16xi32>
    %broadcast_in_dim3A_1340 = vector.shape_cast %select_n3A_1339 : vector<16xi32> to vector<16x1xi32>
    %gather3A_1341 = vector.shape_cast %broadcast_in_dim3A_1340 : vector<16x1xi32> to vector<16xi32>
    %gather3A_1342 = tpu.dynamic_gather %select_n3A_108[%gather3A_1341] in [0] : vector<16xf32>, vector<16xi32> -> vector<16xf32>
    %select_n3A_1343 = arith.select %eq3A_30, %gather3A_1342, %gather3A_1332 : vector<16xi1>, vector<16xf32>
    %get3A_1344 = arith.constant 496 : index
    %get3A_1345 = tpu.vector_load %arg6[%get3A_1344] {strides = array<i32>} : memref<2048xf32, #tpu.memory_space<vmem>>, vector<16xf32>,
    %get3A_1346 = vector.shape_cast %get3A_1345 : vector<16xf32> to vector<16xf32>
    %sub3A_1347 = arith.subf %get3A_1346, %select_n3A_1343 : vector<16xf32>
    %mul3A_1348 = arith.mulf %sub3A_1347, %sub3A_1347 : vector<16xf32>
    %add3A_1349 = arith.addf %add3A_1312, %mul3A_1348 : vector<16xf32>
    %get3A_1350 = arith.constant 256 : index
    %get3A_1351 = tpu.vector_load %arg7[%get3A_1350] {strides = array<i32>} : memref<1024xi32, #tpu.memory_space<vmem>>, vector<16xi32>,
    %get3A_1352 = vector.shape_cast %get3A_1351 : vector<16xi32> to vector<16xi32>
    %lt3A_1353 = arith.constant 0 : i32
    %lt3A_1354 = vector.broadcast %lt3A_1353 : i32 to vector<16xi32>
    %lt3A_1355 = arith.cmpi slt, %shift_right_arithmetic3A_23, %lt3A_1354 : vector<16xi32>
    %add3A_1356 = arith.constant 16 : i32
    %add3A_1357 = vector.broadcast %add3A_1356 : i32 to vector<16xi32>
    %add3A_1358 = arith.addi %shift_right_arithmetic3A_23, %add3A_1357 : vector<16xi32>
    %select_n3A_1359 = arith.select %lt3A_1355, %add3A_1358, %shift_right_arithmetic3A_23 : vector<16xi1>, vector<16xi32>
    %broadcast_in_dim3A_1360 = vector.shape_cast %select_n3A_1359 : vector<16xi32> to vector<16x1xi32>
    %gather3A_1361 = vector.shape_cast %broadcast_in_dim3A_1360 : vector<16x1xi32> to vector<16xi32>
    %gather3A_1362 = tpu.dynamic_gather %get3A_1352[%gather3A_1361] in [0] : vector<16xi32>, vector<16xi32> -> vector<16xi32>
    %lt3A_1363 = arith.constant 0 : i32
    %lt3A_1364 = vector.broadcast %lt3A_1363 : i32 to vector<16xi32>
    %lt3A_1365 = arith.cmpi slt, %gather3A_1362, %lt3A_1364 : vector<16xi32>
    %add3A_1366 = arith.constant 16 : i32
    %add3A_1367 = vector.broadcast %add3A_1366 : i32 to vector<16xi32>
    %add3A_1368 = arith.addi %gather3A_1362, %add3A_1367 : vector<16xi32>
    %select_n3A_1369 = arith.select %lt3A_1365, %add3A_1368, %gather3A_1362 : vector<16xi1>, vector<16xi32>
    %broadcast_in_dim3A_1370 = vector.shape_cast %select_n3A_1369 : vector<16xi32> to vector<16x1xi32>
    %gather3A_1371 = vector.shape_cast %broadcast_in_dim3A_1370 : vector<16x1xi32> to vector<16xi32>
    %gather3A_1372 = tpu.dynamic_gather %select_n3A_69[%gather3A_1371] in [0] : vector<16xf32>, vector<16xi32> -> vector<16xf32>
    %lt3A_1373 = arith.constant 0 : i32
    %lt3A_1374 = vector.broadcast %lt3A_1373 : i32 to vector<16xi32>
    %lt3A_1375 = arith.cmpi slt, %gather3A_1362, %lt3A_1374 : vector<16xi32>
    %add3A_1376 = arith.constant 16 : i32
    %add3A_1377 = vector.broadcast %add3A_1376 : i32 to vector<16xi32>
    %add3A_1378 = arith.addi %gather3A_1362, %add3A_1377 : vector<16xi32>
    %select_n3A_1379 = arith.select %lt3A_1375, %add3A_1378, %gather3A_1362 : vector<16xi1>, vector<16xi32>
    %broadcast_in_dim3A_1380 = vector.shape_cast %select_n3A_1379 : vector<16xi32> to vector<16x1xi32>
    %gather3A_1381 = vector.shape_cast %broadcast_in_dim3A_1380 : vector<16x1xi32> to vector<16xi32>
    %gather3A_1382 = tpu.dynamic_gather %select_n3A_108[%gather3A_1381] in [0] : vector<16xf32>, vector<16xi32> -> vector<16xf32>
    %select_n3A_1383 = arith.select %eq3A_30, %gather3A_1382, %gather3A_1372 : vector<16xi1>, vector<16xf32>
    %get3A_1384 = arith.constant 512 : index
    %get3A_1385 = tpu.vector_load %arg6[%get3A_1384] {strides = array<i32>} : memref<2048xf32, #tpu.memory_space<vmem>>, vector<16xf32>,
    %get3A_1386 = vector.shape_cast %get3A_1385 : vector<16xf32> to vector<16xf32>
    %sub3A_1387 = arith.subf %get3A_1386, %select_n3A_1383 : vector<16xf32>
    %mul3A_1388 = arith.mulf %sub3A_1387, %sub3A_1387 : vector<16xf32>
    %add3A_1389 = arith.addf %add3A_1349, %mul3A_1388 : vector<16xf32>
    %lt3A_1390 = arith.constant 0 : i32
    %lt3A_1391 = vector.broadcast %lt3A_1390 : i32 to vector<16xi32>
    %lt3A_1392 = arith.cmpi slt, %add3A_26, %lt3A_1391 : vector<16xi32>
    %add3A_1393 = arith.constant 16 : i32
    %add3A_1394 = vector.broadcast %add3A_1393 : i32 to vector<16xi32>
    %add3A_1395 = arith.addi %add3A_26, %add3A_1394 : vector<16xi32>
    %select_n3A_1396 = arith.select %lt3A_1392, %add3A_1395, %add3A_26 : vector<16xi1>, vector<16xi32>
    %broadcast_in_dim3A_1397 = vector.shape_cast %select_n3A_1396 : vector<16xi32> to vector<16x1xi32>
    %gather3A_1398 = vector.shape_cast %broadcast_in_dim3A_1397 : vector<16x1xi32> to vector<16xi32>
    %gather3A_1399 = tpu.dynamic_gather %get3A_1352[%gather3A_1398] in [0] : vector<16xi32>, vector<16xi32> -> vector<16xi32>
    %lt3A_1400 = arith.constant 0 : i32
    %lt3A_1401 = vector.broadcast %lt3A_1400 : i32 to vector<16xi32>
    %lt3A_1402 = arith.cmpi slt, %gather3A_1399, %lt3A_1401 : vector<16xi32>
    %add3A_1403 = arith.constant 16 : i32
    %add3A_1404 = vector.broadcast %add3A_1403 : i32 to vector<16xi32>
    %add3A_1405 = arith.addi %gather3A_1399, %add3A_1404 : vector<16xi32>
    %select_n3A_1406 = arith.select %lt3A_1402, %add3A_1405, %gather3A_1399 : vector<16xi1>, vector<16xi32>
    %broadcast_in_dim3A_1407 = vector.shape_cast %select_n3A_1406 : vector<16xi32> to vector<16x1xi32>
    %gather3A_1408 = vector.shape_cast %broadcast_in_dim3A_1407 : vector<16x1xi32> to vector<16xi32>
    %gather3A_1409 = tpu.dynamic_gather %select_n3A_69[%gather3A_1408] in [0] : vector<16xf32>, vector<16xi32> -> vector<16xf32>
    %lt3A_1410 = arith.constant 0 : i32
    %lt3A_1411 = vector.broadcast %lt3A_1410 : i32 to vector<16xi32>
    %lt3A_1412 = arith.cmpi slt, %gather3A_1399, %lt3A_1411 : vector<16xi32>
    %add3A_1413 = arith.constant 16 : i32
    %add3A_1414 = vector.broadcast %add3A_1413 : i32 to vector<16xi32>
    %add3A_1415 = arith.addi %gather3A_1399, %add3A_1414 : vector<16xi32>
    %select_n3A_1416 = arith.select %lt3A_1412, %add3A_1415, %gather3A_1399 : vector<16xi1>, vector<16xi32>
    %broadcast_in_dim3A_1417 = vector.shape_cast %select_n3A_1416 : vector<16xi32> to vector<16x1xi32>
    %gather3A_1418 = vector.shape_cast %broadcast_in_dim3A_1417 : vector<16x1xi32> to vector<16xi32>
    %gather3A_1419 = tpu.dynamic_gather %select_n3A_108[%gather3A_1418] in [0] : vector<16xf32>, vector<16xi32> -> vector<16xf32>
    %select_n3A_1420 = arith.select %eq3A_30, %gather3A_1419, %gather3A_1409 : vector<16xi1>, vector<16xf32>
    %get3A_1421 = arith.constant 528 : index
    %get3A_1422 = tpu.vector_load %arg6[%get3A_1421] {strides = array<i32>} : memref<2048xf32, #tpu.memory_space<vmem>>, vector<16xf32>,
    %get3A_1423 = vector.shape_cast %get3A_1422 : vector<16xf32> to vector<16xf32>
    %sub3A_1424 = arith.subf %get3A_1423, %select_n3A_1420 : vector<16xf32>
    %mul3A_1425 = arith.mulf %sub3A_1424, %sub3A_1424 : vector<16xf32>
    %add3A_1426 = arith.addf %add3A_1389, %mul3A_1425 : vector<16xf32>
    %get3A_1427 = arith.constant 272 : index
    %get3A_1428 = tpu.vector_load %arg7[%get3A_1427] {strides = array<i32>} : memref<1024xi32, #tpu.memory_space<vmem>>, vector<16xi32>,
    %get3A_1429 = vector.shape_cast %get3A_1428 : vector<16xi32> to vector<16xi32>
    %lt3A_1430 = arith.constant 0 : i32
    %lt3A_1431 = vector.broadcast %lt3A_1430 : i32 to vector<16xi32>
    %lt3A_1432 = arith.cmpi slt, %shift_right_arithmetic3A_23, %lt3A_1431 : vector<16xi32>
    %add3A_1433 = arith.constant 16 : i32
    %add3A_1434 = vector.broadcast %add3A_1433 : i32 to vector<16xi32>
    %add3A_1435 = arith.addi %shift_right_arithmetic3A_23, %add3A_1434 : vector<16xi32>
    %select_n3A_1436 = arith.select %lt3A_1432, %add3A_1435, %shift_right_arithmetic3A_23 : vector<16xi1>, vector<16xi32>
    %broadcast_in_dim3A_1437 = vector.shape_cast %select_n3A_1436 : vector<16xi32> to vector<16x1xi32>
    %gather3A_1438 = vector.shape_cast %broadcast_in_dim3A_1437 : vector<16x1xi32> to vector<16xi32>
    %gather3A_1439 = tpu.dynamic_gather %get3A_1429[%gather3A_1438] in [0] : vector<16xi32>, vector<16xi32> -> vector<16xi32>
    %lt3A_1440 = arith.constant 0 : i32
    %lt3A_1441 = vector.broadcast %lt3A_1440 : i32 to vector<16xi32>
    %lt3A_1442 = arith.cmpi slt, %gather3A_1439, %lt3A_1441 : vector<16xi32>
    %add3A_1443 = arith.constant 16 : i32
    %add3A_1444 = vector.broadcast %add3A_1443 : i32 to vector<16xi32>
    %add3A_1445 = arith.addi %gather3A_1439, %add3A_1444 : vector<16xi32>
    %select_n3A_1446 = arith.select %lt3A_1442, %add3A_1445, %gather3A_1439 : vector<16xi1>, vector<16xi32>
    %broadcast_in_dim3A_1447 = vector.shape_cast %select_n3A_1446 : vector<16xi32> to vector<16x1xi32>
    %gather3A_1448 = vector.shape_cast %broadcast_in_dim3A_1447 : vector<16x1xi32> to vector<16xi32>
    %gather3A_1449 = tpu.dynamic_gather %select_n3A_69[%gather3A_1448] in [0] : vector<16xf32>, vector<16xi32> -> vector<16xf32>
    %lt3A_1450 = arith.constant 0 : i32
    %lt3A_1451 = vector.broadcast %lt3A_1450 : i32 to vector<16xi32>
    %lt3A_1452 = arith.cmpi slt, %gather3A_1439, %lt3A_1451 : vector<16xi32>
    %add3A_1453 = arith.constant 16 : i32
    %add3A_1454 = vector.broadcast %add3A_1453 : i32 to vector<16xi32>
    %add3A_1455 = arith.addi %gather3A_1439, %add3A_1454 : vector<16xi32>
    %select_n3A_1456 = arith.select %lt3A_1452, %add3A_1455, %gather3A_1439 : vector<16xi1>, vector<16xi32>
    %broadcast_in_dim3A_1457 = vector.shape_cast %select_n3A_1456 : vector<16xi32> to vector<16x1xi32>
    %gather3A_1458 = vector.shape_cast %broadcast_in_dim3A_1457 : vector<16x1xi32> to vector<16xi32>
    %gather3A_1459 = tpu.dynamic_gather %select_n3A_108[%gather3A_1458] in [0] : vector<16xf32>, vector<16xi32> -> vector<16xf32>
    %select_n3A_1460 = arith.select %eq3A_30, %gather3A_1459, %gather3A_1449 : vector<16xi1>, vector<16xf32>
    %get3A_1461 = arith.constant 544 : index
    %get3A_1462 = tpu.vector_load %arg6[%get3A_1461] {strides = array<i32>} : memref<2048xf32, #tpu.memory_space<vmem>>, vector<16xf32>,
    %get3A_1463 = vector.shape_cast %get3A_1462 : vector<16xf32> to vector<16xf32>
    %sub3A_1464 = arith.subf %get3A_1463, %select_n3A_1460 : vector<16xf32>
    %mul3A_1465 = arith.mulf %sub3A_1464, %sub3A_1464 : vector<16xf32>
    %add3A_1466 = arith.addf %add3A_1426, %mul3A_1465 : vector<16xf32>
    %lt3A_1467 = arith.constant 0 : i32
    %lt3A_1468 = vector.broadcast %lt3A_1467 : i32 to vector<16xi32>
    %lt3A_1469 = arith.cmpi slt, %add3A_26, %lt3A_1468 : vector<16xi32>
    %add3A_1470 = arith.constant 16 : i32
    %add3A_1471 = vector.broadcast %add3A_1470 : i32 to vector<16xi32>
    %add3A_1472 = arith.addi %add3A_26, %add3A_1471 : vector<16xi32>
    %select_n3A_1473 = arith.select %lt3A_1469, %add3A_1472, %add3A_26 : vector<16xi1>, vector<16xi32>
    %broadcast_in_dim3A_1474 = vector.shape_cast %select_n3A_1473 : vector<16xi32> to vector<16x1xi32>
    %gather3A_1475 = vector.shape_cast %broadcast_in_dim3A_1474 : vector<16x1xi32> to vector<16xi32>
    %gather3A_1476 = tpu.dynamic_gather %get3A_1429[%gather3A_1475] in [0] : vector<16xi32>, vector<16xi32> -> vector<16xi32>
    %lt3A_1477 = arith.constant 0 : i32
    %lt3A_1478 = vector.broadcast %lt3A_1477 : i32 to vector<16xi32>
    %lt3A_1479 = arith.cmpi slt, %gather3A_1476, %lt3A_1478 : vector<16xi32>
    %add3A_1480 = arith.constant 16 : i32
    %add3A_1481 = vector.broadcast %add3A_1480 : i32 to vector<16xi32>
    %add3A_1482 = arith.addi %gather3A_1476, %add3A_1481 : vector<16xi32>
    %select_n3A_1483 = arith.select %lt3A_1479, %add3A_1482, %gather3A_1476 : vector<16xi1>, vector<16xi32>
    %broadcast_in_dim3A_1484 = vector.shape_cast %select_n3A_1483 : vector<16xi32> to vector<16x1xi32>
    %gather3A_1485 = vector.shape_cast %broadcast_in_dim3A_1484 : vector<16x1xi32> to vector<16xi32>
    %gather3A_1486 = tpu.dynamic_gather %select_n3A_69[%gather3A_1485] in [0] : vector<16xf32>, vector<16xi32> -> vector<16xf32>
    %lt3A_1487 = arith.constant 0 : i32
    %lt3A_1488 = vector.broadcast %lt3A_1487 : i32 to vector<16xi32>
    %lt3A_1489 = arith.cmpi slt, %gather3A_1476, %lt3A_1488 : vector<16xi32>
    %add3A_1490 = arith.constant 16 : i32
    %add3A_1491 = vector.broadcast %add3A_1490 : i32 to vector<16xi32>
    %add3A_1492 = arith.addi %gather3A_1476, %add3A_1491 : vector<16xi32>
    %select_n3A_1493 = arith.select %lt3A_1489, %add3A_1492, %gather3A_1476 : vector<16xi1>, vector<16xi32>
    %broadcast_in_dim3A_1494 = vector.shape_cast %select_n3A_1493 : vector<16xi32> to vector<16x1xi32>
    %gather3A_1495 = vector.shape_cast %broadcast_in_dim3A_1494 : vector<16x1xi32> to vector<16xi32>
    %gather3A_1496 = tpu.dynamic_gather %select_n3A_108[%gather3A_1495] in [0] : vector<16xf32>, vector<16xi32> -> vector<16xf32>
    %select_n3A_1497 = arith.select %eq3A_30, %gather3A_1496, %gather3A_1486 : vector<16xi1>, vector<16xf32>
    %get3A_1498 = arith.constant 560 : index
    %get3A_1499 = tpu.vector_load %arg6[%get3A_1498] {strides = array<i32>} : memref<2048xf32, #tpu.memory_space<vmem>>, vector<16xf32>,
    %get3A_1500 = vector.shape_cast %get3A_1499 : vector<16xf32> to vector<16xf32>
    %sub3A_1501 = arith.subf %get3A_1500, %select_n3A_1497 : vector<16xf32>
    %mul3A_1502 = arith.mulf %sub3A_1501, %sub3A_1501 : vector<16xf32>
    %add3A_1503 = arith.addf %add3A_1466, %mul3A_1502 : vector<16xf32>
    %get3A_1504 = arith.constant 288 : index
    %get3A_1505 = tpu.vector_load %arg7[%get3A_1504] {strides = array<i32>} : memref<1024xi32, #tpu.memory_space<vmem>>, vector<16xi32>,
    %get3A_1506 = vector.shape_cast %get3A_1505 : vector<16xi32> to vector<16xi32>
    %lt3A_1507 = arith.constant 0 : i32
    %lt3A_1508 = vector.broadcast %lt3A_1507 : i32 to vector<16xi32>
    %lt3A_1509 = arith.cmpi slt, %shift_right_arithmetic3A_23, %lt3A_1508 : vector<16xi32>
    %add3A_1510 = arith.constant 16 : i32
    %add3A_1511 = vector.broadcast %add3A_1510 : i32 to vector<16xi32>
    %add3A_1512 = arith.addi %shift_right_arithmetic3A_23, %add3A_1511 : vector<16xi32>
    %select_n3A_1513 = arith.select %lt3A_1509, %add3A_1512, %shift_right_arithmetic3A_23 : vector<16xi1>, vector<16xi32>
    %broadcast_in_dim3A_1514 = vector.shape_cast %select_n3A_1513 : vector<16xi32> to vector<16x1xi32>
    %gather3A_1515 = vector.shape_cast %broadcast_in_dim3A_1514 : vector<16x1xi32> to vector<16xi32>
    %gather3A_1516 = tpu.dynamic_gather %get3A_1506[%gather3A_1515] in [0] : vector<16xi32>, vector<16xi32> -> vector<16xi32>
    %lt3A_1517 = arith.constant 0 : i32
    %lt3A_1518 = vector.broadcast %lt3A_1517 : i32 to vector<16xi32>
    %lt3A_1519 = arith.cmpi slt, %gather3A_1516, %lt3A_1518 : vector<16xi32>
    %add3A_1520 = arith.constant 16 : i32
    %add3A_1521 = vector.broadcast %add3A_1520 : i32 to vector<16xi32>
    %add3A_1522 = arith.addi %gather3A_1516, %add3A_1521 : vector<16xi32>
    %select_n3A_1523 = arith.select %lt3A_1519, %add3A_1522, %gather3A_1516 : vector<16xi1>, vector<16xi32>
    %broadcast_in_dim3A_1524 = vector.shape_cast %select_n3A_1523 : vector<16xi32> to vector<16x1xi32>
    %gather3A_1525 = vector.shape_cast %broadcast_in_dim3A_1524 : vector<16x1xi32> to vector<16xi32>
    %gather3A_1526 = tpu.dynamic_gather %select_n3A_69[%gather3A_1525] in [0] : vector<16xf32>, vector<16xi32> -> vector<16xf32>
    %lt3A_1527 = arith.constant 0 : i32
    %lt3A_1528 = vector.broadcast %lt3A_1527 : i32 to vector<16xi32>
    %lt3A_1529 = arith.cmpi slt, %gather3A_1516, %lt3A_1528 : vector<16xi32>
    %add3A_1530 = arith.constant 16 : i32
    %add3A_1531 = vector.broadcast %add3A_1530 : i32 to vector<16xi32>
    %add3A_1532 = arith.addi %gather3A_1516, %add3A_1531 : vector<16xi32>
    %select_n3A_1533 = arith.select %lt3A_1529, %add3A_1532, %gather3A_1516 : vector<16xi1>, vector<16xi32>
    %broadcast_in_dim3A_1534 = vector.shape_cast %select_n3A_1533 : vector<16xi32> to vector<16x1xi32>
    %gather3A_1535 = vector.shape_cast %broadcast_in_dim3A_1534 : vector<16x1xi32> to vector<16xi32>
    %gather3A_1536 = tpu.dynamic_gather %select_n3A_108[%gather3A_1535] in [0] : vector<16xf32>, vector<16xi32> -> vector<16xf32>
    %select_n3A_1537 = arith.select %eq3A_30, %gather3A_1536, %gather3A_1526 : vector<16xi1>, vector<16xf32>
    %get3A_1538 = arith.constant 576 : index
    %get3A_1539 = tpu.vector_load %arg6[%get3A_1538] {strides = array<i32>} : memref<2048xf32, #tpu.memory_space<vmem>>, vector<16xf32>,
    %get3A_1540 = vector.shape_cast %get3A_1539 : vector<16xf32> to vector<16xf32>
    %sub3A_1541 = arith.subf %get3A_1540, %select_n3A_1537 : vector<16xf32>
    %mul3A_1542 = arith.mulf %sub3A_1541, %sub3A_1541 : vector<16xf32>
    %add3A_1543 = arith.addf %add3A_1503, %mul3A_1542 : vector<16xf32>
    %lt3A_1544 = arith.constant 0 : i32
    %lt3A_1545 = vector.broadcast %lt3A_1544 : i32 to vector<16xi32>
    %lt3A_1546 = arith.cmpi slt, %add3A_26, %lt3A_1545 : vector<16xi32>
    %add3A_1547 = arith.constant 16 : i32
    %add3A_1548 = vector.broadcast %add3A_1547 : i32 to vector<16xi32>
    %add3A_1549 = arith.addi %add3A_26, %add3A_1548 : vector<16xi32>
    %select_n3A_1550 = arith.select %lt3A_1546, %add3A_1549, %add3A_26 : vector<16xi1>, vector<16xi32>
    %broadcast_in_dim3A_1551 = vector.shape_cast %select_n3A_1550 : vector<16xi32> to vector<16x1xi32>
    %gather3A_1552 = vector.shape_cast %broadcast_in_dim3A_1551 : vector<16x1xi32> to vector<16xi32>
    %gather3A_1553 = tpu.dynamic_gather %get3A_1506[%gather3A_1552] in [0] : vector<16xi32>, vector<16xi32> -> vector<16xi32>
    %lt3A_1554 = arith.constant 0 : i32
    %lt3A_1555 = vector.broadcast %lt3A_1554 : i32 to vector<16xi32>
    %lt3A_1556 = arith.cmpi slt, %gather3A_1553, %lt3A_1555 : vector<16xi32>
    %add3A_1557 = arith.constant 16 : i32
    %add3A_1558 = vector.broadcast %add3A_1557 : i32 to vector<16xi32>
    %add3A_1559 = arith.addi %gather3A_1553, %add3A_1558 : vector<16xi32>
    %select_n3A_1560 = arith.select %lt3A_1556, %add3A_1559, %gather3A_1553 : vector<16xi1>, vector<16xi32>
    %broadcast_in_dim3A_1561 = vector.shape_cast %select_n3A_1560 : vector<16xi32> to vector<16x1xi32>
    %gather3A_1562 = vector.shape_cast %broadcast_in_dim3A_1561 : vector<16x1xi32> to vector<16xi32>
    %gather3A_1563 = tpu.dynamic_gather %select_n3A_69[%gather3A_1562] in [0] : vector<16xf32>, vector<16xi32> -> vector<16xf32>
    %lt3A_1564 = arith.constant 0 : i32
    %lt3A_1565 = vector.broadcast %lt3A_1564 : i32 to vector<16xi32>
    %lt3A_1566 = arith.cmpi slt, %gather3A_1553, %lt3A_1565 : vector<16xi32>
    %add3A_1567 = arith.constant 16 : i32
    %add3A_1568 = vector.broadcast %add3A_1567 : i32 to vector<16xi32>
    %add3A_1569 = arith.addi %gather3A_1553, %add3A_1568 : vector<16xi32>
    %select_n3A_1570 = arith.select %lt3A_1566, %add3A_1569, %gather3A_1553 : vector<16xi1>, vector<16xi32>
    %broadcast_in_dim3A_1571 = vector.shape_cast %select_n3A_1570 : vector<16xi32> to vector<16x1xi32>
    %gather3A_1572 = vector.shape_cast %broadcast_in_dim3A_1571 : vector<16x1xi32> to vector<16xi32>
    %gather3A_1573 = tpu.dynamic_gather %select_n3A_108[%gather3A_1572] in [0] : vector<16xf32>, vector<16xi32> -> vector<16xf32>
    %select_n3A_1574 = arith.select %eq3A_30, %gather3A_1573, %gather3A_1563 : vector<16xi1>, vector<16xf32>
    %get3A_1575 = arith.constant 592 : index
    %get3A_1576 = tpu.vector_load %arg6[%get3A_1575] {strides = array<i32>} : memref<2048xf32, #tpu.memory_space<vmem>>, vector<16xf32>,
    %get3A_1577 = vector.shape_cast %get3A_1576 : vector<16xf32> to vector<16xf32>
    %sub3A_1578 = arith.subf %get3A_1577, %select_n3A_1574 : vector<16xf32>
    %mul3A_1579 = arith.mulf %sub3A_1578, %sub3A_1578 : vector<16xf32>
    %add3A_1580 = arith.addf %add3A_1543, %mul3A_1579 : vector<16xf32>
    %get3A_1581 = arith.constant 304 : index
    %get3A_1582 = tpu.vector_load %arg7[%get3A_1581] {strides = array<i32>} : memref<1024xi32, #tpu.memory_space<vmem>>, vector<16xi32>,
    %get3A_1583 = vector.shape_cast %get3A_1582 : vector<16xi32> to vector<16xi32>
    %lt3A_1584 = arith.constant 0 : i32
    %lt3A_1585 = vector.broadcast %lt3A_1584 : i32 to vector<16xi32>
    %lt3A_1586 = arith.cmpi slt, %shift_right_arithmetic3A_23, %lt3A_1585 : vector<16xi32>
    %add3A_1587 = arith.constant 16 : i32
    %add3A_1588 = vector.broadcast %add3A_1587 : i32 to vector<16xi32>
    %add3A_1589 = arith.addi %shift_right_arithmetic3A_23, %add3A_1588 : vector<16xi32>
    %select_n3A_1590 = arith.select %lt3A_1586, %add3A_1589, %shift_right_arithmetic3A_23 : vector<16xi1>, vector<16xi32>
    %broadcast_in_dim3A_1591 = vector.shape_cast %select_n3A_1590 : vector<16xi32> to vector<16x1xi32>
    %gather3A_1592 = vector.shape_cast %broadcast_in_dim3A_1591 : vector<16x1xi32> to vector<16xi32>
    %gather3A_1593 = tpu.dynamic_gather %get3A_1583[%gather3A_1592] in [0] : vector<16xi32>, vector<16xi32> -> vector<16xi32>
    %lt3A_1594 = arith.constant 0 : i32
    %lt3A_1595 = vector.broadcast %lt3A_1594 : i32 to vector<16xi32>
    %lt3A_1596 = arith.cmpi slt, %gather3A_1593, %lt3A_1595 : vector<16xi32>
    %add3A_1597 = arith.constant 16 : i32
    %add3A_1598 = vector.broadcast %add3A_1597 : i32 to vector<16xi32>
    %add3A_1599 = arith.addi %gather3A_1593, %add3A_1598 : vector<16xi32>
    %select_n3A_1600 = arith.select %lt3A_1596, %add3A_1599, %gather3A_1593 : vector<16xi1>, vector<16xi32>
    %broadcast_in_dim3A_1601 = vector.shape_cast %select_n3A_1600 : vector<16xi32> to vector<16x1xi32>
    %gather3A_1602 = vector.shape_cast %broadcast_in_dim3A_1601 : vector<16x1xi32> to vector<16xi32>
    %gather3A_1603 = tpu.dynamic_gather %select_n3A_69[%gather3A_1602] in [0] : vector<16xf32>, vector<16xi32> -> vector<16xf32>
    %lt3A_1604 = arith.constant 0 : i32
    %lt3A_1605 = vector.broadcast %lt3A_1604 : i32 to vector<16xi32>
    %lt3A_1606 = arith.cmpi slt, %gather3A_1593, %lt3A_1605 : vector<16xi32>
    %add3A_1607 = arith.constant 16 : i32
    %add3A_1608 = vector.broadcast %add3A_1607 : i32 to vector<16xi32>
    %add3A_1609 = arith.addi %gather3A_1593, %add3A_1608 : vector<16xi32>
    %select_n3A_1610 = arith.select %lt3A_1606, %add3A_1609, %gather3A_1593 : vector<16xi1>, vector<16xi32>
    %broadcast_in_dim3A_1611 = vector.shape_cast %select_n3A_1610 : vector<16xi32> to vector<16x1xi32>
    %gather3A_1612 = vector.shape_cast %broadcast_in_dim3A_1611 : vector<16x1xi32> to vector<16xi32>
    %gather3A_1613 = tpu.dynamic_gather %select_n3A_108[%gather3A_1612] in [0] : vector<16xf32>, vector<16xi32> -> vector<16xf32>
    %select_n3A_1614 = arith.select %eq3A_30, %gather3A_1613, %gather3A_1603 : vector<16xi1>, vector<16xf32>
    %get3A_1615 = arith.constant 608 : index
    %get3A_1616 = tpu.vector_load %arg6[%get3A_1615] {strides = array<i32>} : memref<2048xf32, #tpu.memory_space<vmem>>, vector<16xf32>,
    %get3A_1617 = vector.shape_cast %get3A_1616 : vector<16xf32> to vector<16xf32>
    %sub3A_1618 = arith.subf %get3A_1617, %select_n3A_1614 : vector<16xf32>
    %mul3A_1619 = arith.mulf %sub3A_1618, %sub3A_1618 : vector<16xf32>
    %add3A_1620 = arith.addf %add3A_1580, %mul3A_1619 : vector<16xf32>
    %lt3A_1621 = arith.constant 0 : i32
    %lt3A_1622 = vector.broadcast %lt3A_1621 : i32 to vector<16xi32>
    %lt3A_1623 = arith.cmpi slt, %add3A_26, %lt3A_1622 : vector<16xi32>
    %add3A_1624 = arith.constant 16 : i32
    %add3A_1625 = vector.broadcast %add3A_1624 : i32 to vector<16xi32>
    %add3A_1626 = arith.addi %add3A_26, %add3A_1625 : vector<16xi32>
    %select_n3A_1627 = arith.select %lt3A_1623, %add3A_1626, %add3A_26 : vector<16xi1>, vector<16xi32>
    %broadcast_in_dim3A_1628 = vector.shape_cast %select_n3A_1627 : vector<16xi32> to vector<16x1xi32>
    %gather3A_1629 = vector.shape_cast %broadcast_in_dim3A_1628 : vector<16x1xi32> to vector<16xi32>
    %gather3A_1630 = tpu.dynamic_gather %get3A_1583[%gather3A_1629] in [0] : vector<16xi32>, vector<16xi32> -> vector<16xi32>
    %lt3A_1631 = arith.constant 0 : i32
    %lt3A_1632 = vector.broadcast %lt3A_1631 : i32 to vector<16xi32>
    %lt3A_1633 = arith.cmpi slt, %gather3A_1630, %lt3A_1632 : vector<16xi32>
    %add3A_1634 = arith.constant 16 : i32
    %add3A_1635 = vector.broadcast %add3A_1634 : i32 to vector<16xi32>
    %add3A_1636 = arith.addi %gather3A_1630, %add3A_1635 : vector<16xi32>
    %select_n3A_1637 = arith.select %lt3A_1633, %add3A_1636, %gather3A_1630 : vector<16xi1>, vector<16xi32>
    %broadcast_in_dim3A_1638 = vector.shape_cast %select_n3A_1637 : vector<16xi32> to vector<16x1xi32>
    %gather3A_1639 = vector.shape_cast %broadcast_in_dim3A_1638 : vector<16x1xi32> to vector<16xi32>
    %gather3A_1640 = tpu.dynamic_gather %select_n3A_69[%gather3A_1639] in [0] : vector<16xf32>, vector<16xi32> -> vector<16xf32>
    %lt3A_1641 = arith.constant 0 : i32
    %lt3A_1642 = vector.broadcast %lt3A_1641 : i32 to vector<16xi32>
    %lt3A_1643 = arith.cmpi slt, %gather3A_1630, %lt3A_1642 : vector<16xi32>
    %add3A_1644 = arith.constant 16 : i32
    %add3A_1645 = vector.broadcast %add3A_1644 : i32 to vector<16xi32>
    %add3A_1646 = arith.addi %gather3A_1630, %add3A_1645 : vector<16xi32>
    %select_n3A_1647 = arith.select %lt3A_1643, %add3A_1646, %gather3A_1630 : vector<16xi1>, vector<16xi32>
    %broadcast_in_dim3A_1648 = vector.shape_cast %select_n3A_1647 : vector<16xi32> to vector<16x1xi32>
    %gather3A_1649 = vector.shape_cast %broadcast_in_dim3A_1648 : vector<16x1xi32> to vector<16xi32>
    %gather3A_1650 = tpu.dynamic_gather %select_n3A_108[%gather3A_1649] in [0] : vector<16xf32>, vector<16xi32> -> vector<16xf32>
    %select_n3A_1651 = arith.select %eq3A_30, %gather3A_1650, %gather3A_1640 : vector<16xi1>, vector<16xf32>
    %get3A_1652 = arith.constant 624 : index
    %get3A_1653 = tpu.vector_load %arg6[%get3A_1652] {strides = array<i32>} : memref<2048xf32, #tpu.memory_space<vmem>>, vector<16xf32>,
    %get3A_1654 = vector.shape_cast %get3A_1653 : vector<16xf32> to vector<16xf32>
    %sub3A_1655 = arith.subf %get3A_1654, %select_n3A_1651 : vector<16xf32>
    %mul3A_1656 = arith.mulf %sub3A_1655, %sub3A_1655 : vector<16xf32>
    %add3A_1657 = arith.addf %add3A_1620, %mul3A_1656 : vector<16xf32>
    %get3A_1658 = arith.constant 320 : index
    %get3A_1659 = tpu.vector_load %arg7[%get3A_1658] {strides = array<i32>} : memref<1024xi32, #tpu.memory_space<vmem>>, vector<16xi32>,
    %get3A_1660 = vector.shape_cast %get3A_1659 : vector<16xi32> to vector<16xi32>
    %lt3A_1661 = arith.constant 0 : i32
    %lt3A_1662 = vector.broadcast %lt3A_1661 : i32 to vector<16xi32>
    %lt3A_1663 = arith.cmpi slt, %shift_right_arithmetic3A_23, %lt3A_1662 : vector<16xi32>
    %add3A_1664 = arith.constant 16 : i32
    %add3A_1665 = vector.broadcast %add3A_1664 : i32 to vector<16xi32>
    %add3A_1666 = arith.addi %shift_right_arithmetic3A_23, %add3A_1665 : vector<16xi32>
    %select_n3A_1667 = arith.select %lt3A_1663, %add3A_1666, %shift_right_arithmetic3A_23 : vector<16xi1>, vector<16xi32>
    %broadcast_in_dim3A_1668 = vector.shape_cast %select_n3A_1667 : vector<16xi32> to vector<16x1xi32>
    %gather3A_1669 = vector.shape_cast %broadcast_in_dim3A_1668 : vector<16x1xi32> to vector<16xi32>
    %gather3A_1670 = tpu.dynamic_gather %get3A_1660[%gather3A_1669] in [0] : vector<16xi32>, vector<16xi32> -> vector<16xi32>
    %lt3A_1671 = arith.constant 0 : i32
    %lt3A_1672 = vector.broadcast %lt3A_1671 : i32 to vector<16xi32>
    %lt3A_1673 = arith.cmpi slt, %gather3A_1670, %lt3A_1672 : vector<16xi32>
    %add3A_1674 = arith.constant 16 : i32
    %add3A_1675 = vector.broadcast %add3A_1674 : i32 to vector<16xi32>
    %add3A_1676 = arith.addi %gather3A_1670, %add3A_1675 : vector<16xi32>
    %select_n3A_1677 = arith.select %lt3A_1673, %add3A_1676, %gather3A_1670 : vector<16xi1>, vector<16xi32>
    %broadcast_in_dim3A_1678 = vector.shape_cast %select_n3A_1677 : vector<16xi32> to vector<16x1xi32>
    %gather3A_1679 = vector.shape_cast %broadcast_in_dim3A_1678 : vector<16x1xi32> to vector<16xi32>
    %gather3A_1680 = tpu.dynamic_gather %select_n3A_69[%gather3A_1679] in [0] : vector<16xf32>, vector<16xi32> -> vector<16xf32>
    %lt3A_1681 = arith.constant 0 : i32
    %lt3A_1682 = vector.broadcast %lt3A_1681 : i32 to vector<16xi32>
    %lt3A_1683 = arith.cmpi slt, %gather3A_1670, %lt3A_1682 : vector<16xi32>
    %add3A_1684 = arith.constant 16 : i32
    %add3A_1685 = vector.broadcast %add3A_1684 : i32 to vector<16xi32>
    %add3A_1686 = arith.addi %gather3A_1670, %add3A_1685 : vector<16xi32>
    %select_n3A_1687 = arith.select %lt3A_1683, %add3A_1686, %gather3A_1670 : vector<16xi1>, vector<16xi32>
    %broadcast_in_dim3A_1688 = vector.shape_cast %select_n3A_1687 : vector<16xi32> to vector<16x1xi32>
    %gather3A_1689 = vector.shape_cast %broadcast_in_dim3A_1688 : vector<16x1xi32> to vector<16xi32>
    %gather3A_1690 = tpu.dynamic_gather %select_n3A_108[%gather3A_1689] in [0] : vector<16xf32>, vector<16xi32> -> vector<16xf32>
    %select_n3A_1691 = arith.select %eq3A_30, %gather3A_1690, %gather3A_1680 : vector<16xi1>, vector<16xf32>
    %get3A_1692 = arith.constant 640 : index
    %get3A_1693 = tpu.vector_load %arg6[%get3A_1692] {strides = array<i32>} : memref<2048xf32, #tpu.memory_space<vmem>>, vector<16xf32>,
    %get3A_1694 = vector.shape_cast %get3A_1693 : vector<16xf32> to vector<16xf32>
    %sub3A_1695 = arith.subf %get3A_1694, %select_n3A_1691 : vector<16xf32>
    %mul3A_1696 = arith.mulf %sub3A_1695, %sub3A_1695 : vector<16xf32>
    %add3A_1697 = arith.addf %add3A_1657, %mul3A_1696 : vector<16xf32>
    %lt3A_1698 = arith.constant 0 : i32
    %lt3A_1699 = vector.broadcast %lt3A_1698 : i32 to vector<16xi32>
    %lt3A_1700 = arith.cmpi slt, %add3A_26, %lt3A_1699 : vector<16xi32>
    %add3A_1701 = arith.constant 16 : i32
    %add3A_1702 = vector.broadcast %add3A_1701 : i32 to vector<16xi32>
    %add3A_1703 = arith.addi %add3A_26, %add3A_1702 : vector<16xi32>
    %select_n3A_1704 = arith.select %lt3A_1700, %add3A_1703, %add3A_26 : vector<16xi1>, vector<16xi32>
    %broadcast_in_dim3A_1705 = vector.shape_cast %select_n3A_1704 : vector<16xi32> to vector<16x1xi32>
    %gather3A_1706 = vector.shape_cast %broadcast_in_dim3A_1705 : vector<16x1xi32> to vector<16xi32>
    %gather3A_1707 = tpu.dynamic_gather %get3A_1660[%gather3A_1706] in [0] : vector<16xi32>, vector<16xi32> -> vector<16xi32>
    %lt3A_1708 = arith.constant 0 : i32
    %lt3A_1709 = vector.broadcast %lt3A_1708 : i32 to vector<16xi32>
    %lt3A_1710 = arith.cmpi slt, %gather3A_1707, %lt3A_1709 : vector<16xi32>
    %add3A_1711 = arith.constant 16 : i32
    %add3A_1712 = vector.broadcast %add3A_1711 : i32 to vector<16xi32>
    %add3A_1713 = arith.addi %gather3A_1707, %add3A_1712 : vector<16xi32>
    %select_n3A_1714 = arith.select %lt3A_1710, %add3A_1713, %gather3A_1707 : vector<16xi1>, vector<16xi32>
    %broadcast_in_dim3A_1715 = vector.shape_cast %select_n3A_1714 : vector<16xi32> to vector<16x1xi32>
    %gather3A_1716 = vector.shape_cast %broadcast_in_dim3A_1715 : vector<16x1xi32> to vector<16xi32>
    %gather3A_1717 = tpu.dynamic_gather %select_n3A_69[%gather3A_1716] in [0] : vector<16xf32>, vector<16xi32> -> vector<16xf32>
    %lt3A_1718 = arith.constant 0 : i32
    %lt3A_1719 = vector.broadcast %lt3A_1718 : i32 to vector<16xi32>
    %lt3A_1720 = arith.cmpi slt, %gather3A_1707, %lt3A_1719 : vector<16xi32>
    %add3A_1721 = arith.constant 16 : i32
    %add3A_1722 = vector.broadcast %add3A_1721 : i32 to vector<16xi32>
    %add3A_1723 = arith.addi %gather3A_1707, %add3A_1722 : vector<16xi32>
    %select_n3A_1724 = arith.select %lt3A_1720, %add3A_1723, %gather3A_1707 : vector<16xi1>, vector<16xi32>
    %broadcast_in_dim3A_1725 = vector.shape_cast %select_n3A_1724 : vector<16xi32> to vector<16x1xi32>
    %gather3A_1726 = vector.shape_cast %broadcast_in_dim3A_1725 : vector<16x1xi32> to vector<16xi32>
    %gather3A_1727 = tpu.dynamic_gather %select_n3A_108[%gather3A_1726] in [0] : vector<16xf32>, vector<16xi32> -> vector<16xf32>
    %select_n3A_1728 = arith.select %eq3A_30, %gather3A_1727, %gather3A_1717 : vector<16xi1>, vector<16xf32>
    %get3A_1729 = arith.constant 656 : index
    %get3A_1730 = tpu.vector_load %arg6[%get3A_1729] {strides = array<i32>} : memref<2048xf32, #tpu.memory_space<vmem>>, vector<16xf32>,
    %get3A_1731 = vector.shape_cast %get3A_1730 : vector<16xf32> to vector<16xf32>
    %sub3A_1732 = arith.subf %get3A_1731, %select_n3A_1728 : vector<16xf32>
    %mul3A_1733 = arith.mulf %sub3A_1732, %sub3A_1732 : vector<16xf32>
    %add3A_1734 = arith.addf %add3A_1697, %mul3A_1733 : vector<16xf32>
    %get3A_1735 = arith.constant 336 : index
    %get3A_1736 = tpu.vector_load %arg7[%get3A_1735] {strides = array<i32>} : memref<1024xi32, #tpu.memory_space<vmem>>, vector<16xi32>,
    %get3A_1737 = vector.shape_cast %get3A_1736 : vector<16xi32> to vector<16xi32>
    %lt3A_1738 = arith.constant 0 : i32
    %lt3A_1739 = vector.broadcast %lt3A_1738 : i32 to vector<16xi32>
    %lt3A_1740 = arith.cmpi slt, %shift_right_arithmetic3A_23, %lt3A_1739 : vector<16xi32>
    %add3A_1741 = arith.constant 16 : i32
    %add3A_1742 = vector.broadcast %add3A_1741 : i32 to vector<16xi32>
    %add3A_1743 = arith.addi %shift_right_arithmetic3A_23, %add3A_1742 : vector<16xi32>
    %select_n3A_1744 = arith.select %lt3A_1740, %add3A_1743, %shift_right_arithmetic3A_23 : vector<16xi1>, vector<16xi32>
    %broadcast_in_dim3A_1745 = vector.shape_cast %select_n3A_1744 : vector<16xi32> to vector<16x1xi32>
    %gather3A_1746 = vector.shape_cast %broadcast_in_dim3A_1745 : vector<16x1xi32> to vector<16xi32>
    %gather3A_1747 = tpu.dynamic_gather %get3A_1737[%gather3A_1746] in [0] : vector<16xi32>, vector<16xi32> -> vector<16xi32>
    %lt3A_1748 = arith.constant 0 : i32
    %lt3A_1749 = vector.broadcast %lt3A_1748 : i32 to vector<16xi32>
    %lt3A_1750 = arith.cmpi slt, %gather3A_1747, %lt3A_1749 : vector<16xi32>
    %add3A_1751 = arith.constant 16 : i32
    %add3A_1752 = vector.broadcast %add3A_1751 : i32 to vector<16xi32>
    %add3A_1753 = arith.addi %gather3A_1747, %add3A_1752 : vector<16xi32>
    %select_n3A_1754 = arith.select %lt3A_1750, %add3A_1753, %gather3A_1747 : vector<16xi1>, vector<16xi32>
    %broadcast_in_dim3A_1755 = vector.shape_cast %select_n3A_1754 : vector<16xi32> to vector<16x1xi32>
    %gather3A_1756 = vector.shape_cast %broadcast_in_dim3A_1755 : vector<16x1xi32> to vector<16xi32>
    %gather3A_1757 = tpu.dynamic_gather %select_n3A_69[%gather3A_1756] in [0] : vector<16xf32>, vector<16xi32> -> vector<16xf32>
    %lt3A_1758 = arith.constant 0 : i32
    %lt3A_1759 = vector.broadcast %lt3A_1758 : i32 to vector<16xi32>
    %lt3A_1760 = arith.cmpi slt, %gather3A_1747, %lt3A_1759 : vector<16xi32>
    %add3A_1761 = arith.constant 16 : i32
    %add3A_1762 = vector.broadcast %add3A_1761 : i32 to vector<16xi32>
    %add3A_1763 = arith.addi %gather3A_1747, %add3A_1762 : vector<16xi32>
    %select_n3A_1764 = arith.select %lt3A_1760, %add3A_1763, %gather3A_1747 : vector<16xi1>, vector<16xi32>
    %broadcast_in_dim3A_1765 = vector.shape_cast %select_n3A_1764 : vector<16xi32> to vector<16x1xi32>
    %gather3A_1766 = vector.shape_cast %broadcast_in_dim3A_1765 : vector<16x1xi32> to vector<16xi32>
    %gather3A_1767 = tpu.dynamic_gather %select_n3A_108[%gather3A_1766] in [0] : vector<16xf32>, vector<16xi32> -> vector<16xf32>
    %select_n3A_1768 = arith.select %eq3A_30, %gather3A_1767, %gather3A_1757 : vector<16xi1>, vector<16xf32>
    %get3A_1769 = arith.constant 672 : index
    %get3A_1770 = tpu.vector_load %arg6[%get3A_1769] {strides = array<i32>} : memref<2048xf32, #tpu.memory_space<vmem>>, vector<16xf32>,
    %get3A_1771 = vector.shape_cast %get3A_1770 : vector<16xf32> to vector<16xf32>
    %sub3A_1772 = arith.subf %get3A_1771, %select_n3A_1768 : vector<16xf32>
    %mul3A_1773 = arith.mulf %sub3A_1772, %sub3A_1772 : vector<16xf32>
    %add3A_1774 = arith.addf %add3A_1734, %mul3A_1773 : vector<16xf32>
    %lt3A_1775 = arith.constant 0 : i32
    %lt3A_1776 = vector.broadcast %lt3A_1775 : i32 to vector<16xi32>
    %lt3A_1777 = arith.cmpi slt, %add3A_26, %lt3A_1776 : vector<16xi32>
    %add3A_1778 = arith.constant 16 : i32
    %add3A_1779 = vector.broadcast %add3A_1778 : i32 to vector<16xi32>
    %add3A_1780 = arith.addi %add3A_26, %add3A_1779 : vector<16xi32>
    %select_n3A_1781 = arith.select %lt3A_1777, %add3A_1780, %add3A_26 : vector<16xi1>, vector<16xi32>
    %broadcast_in_dim3A_1782 = vector.shape_cast %select_n3A_1781 : vector<16xi32> to vector<16x1xi32>
    %gather3A_1783 = vector.shape_cast %broadcast_in_dim3A_1782 : vector<16x1xi32> to vector<16xi32>
    %gather3A_1784 = tpu.dynamic_gather %get3A_1737[%gather3A_1783] in [0] : vector<16xi32>, vector<16xi32> -> vector<16xi32>
    %lt3A_1785 = arith.constant 0 : i32
    %lt3A_1786 = vector.broadcast %lt3A_1785 : i32 to vector<16xi32>
    %lt3A_1787 = arith.cmpi slt, %gather3A_1784, %lt3A_1786 : vector<16xi32>
    %add3A_1788 = arith.constant 16 : i32
    %add3A_1789 = vector.broadcast %add3A_1788 : i32 to vector<16xi32>
    %add3A_1790 = arith.addi %gather3A_1784, %add3A_1789 : vector<16xi32>
    %select_n3A_1791 = arith.select %lt3A_1787, %add3A_1790, %gather3A_1784 : vector<16xi1>, vector<16xi32>
    %broadcast_in_dim3A_1792 = vector.shape_cast %select_n3A_1791 : vector<16xi32> to vector<16x1xi32>
    %gather3A_1793 = vector.shape_cast %broadcast_in_dim3A_1792 : vector<16x1xi32> to vector<16xi32>
    %gather3A_1794 = tpu.dynamic_gather %select_n3A_69[%gather3A_1793] in [0] : vector<16xf32>, vector<16xi32> -> vector<16xf32>
    %lt3A_1795 = arith.constant 0 : i32
    %lt3A_1796 = vector.broadcast %lt3A_1795 : i32 to vector<16xi32>
    %lt3A_1797 = arith.cmpi slt, %gather3A_1784, %lt3A_1796 : vector<16xi32>
    %add3A_1798 = arith.constant 16 : i32
    %add3A_1799 = vector.broadcast %add3A_1798 : i32 to vector<16xi32>
    %add3A_1800 = arith.addi %gather3A_1784, %add3A_1799 : vector<16xi32>
    %select_n3A_1801 = arith.select %lt3A_1797, %add3A_1800, %gather3A_1784 : vector<16xi1>, vector<16xi32>
    %broadcast_in_dim3A_1802 = vector.shape_cast %select_n3A_1801 : vector<16xi32> to vector<16x1xi32>
    %gather3A_1803 = vector.shape_cast %broadcast_in_dim3A_1802 : vector<16x1xi32> to vector<16xi32>
    %gather3A_1804 = tpu.dynamic_gather %select_n3A_108[%gather3A_1803] in [0] : vector<16xf32>, vector<16xi32> -> vector<16xf32>
    %select_n3A_1805 = arith.select %eq3A_30, %gather3A_1804, %gather3A_1794 : vector<16xi1>, vector<16xf32>
    %get3A_1806 = arith.constant 688 : index
    %get3A_1807 = tpu.vector_load %arg6[%get3A_1806] {strides = array<i32>} : memref<2048xf32, #tpu.memory_space<vmem>>, vector<16xf32>,
    %get3A_1808 = vector.shape_cast %get3A_1807 : vector<16xf32> to vector<16xf32>
    %sub3A_1809 = arith.subf %get3A_1808, %select_n3A_1805 : vector<16xf32>
    %mul3A_1810 = arith.mulf %sub3A_1809, %sub3A_1809 : vector<16xf32>
    %add3A_1811 = arith.addf %add3A_1774, %mul3A_1810 : vector<16xf32>
    %get3A_1812 = arith.constant 352 : index
    %get3A_1813 = tpu.vector_load %arg7[%get3A_1812] {strides = array<i32>} : memref<1024xi32, #tpu.memory_space<vmem>>, vector<16xi32>,
    %get3A_1814 = vector.shape_cast %get3A_1813 : vector<16xi32> to vector<16xi32>
    %lt3A_1815 = arith.constant 0 : i32
    %lt3A_1816 = vector.broadcast %lt3A_1815 : i32 to vector<16xi32>
    %lt3A_1817 = arith.cmpi slt, %shift_right_arithmetic3A_23, %lt3A_1816 : vector<16xi32>
    %add3A_1818 = arith.constant 16 : i32
    %add3A_1819 = vector.broadcast %add3A_1818 : i32 to vector<16xi32>
    %add3A_1820 = arith.addi %shift_right_arithmetic3A_23, %add3A_1819 : vector<16xi32>
    %select_n3A_1821 = arith.select %lt3A_1817, %add3A_1820, %shift_right_arithmetic3A_23 : vector<16xi1>, vector<16xi32>
    %broadcast_in_dim3A_1822 = vector.shape_cast %select_n3A_1821 : vector<16xi32> to vector<16x1xi32>
    %gather3A_1823 = vector.shape_cast %broadcast_in_dim3A_1822 : vector<16x1xi32> to vector<16xi32>
    %gather3A_1824 = tpu.dynamic_gather %get3A_1814[%gather3A_1823] in [0] : vector<16xi32>, vector<16xi32> -> vector<16xi32>
    %lt3A_1825 = arith.constant 0 : i32
    %lt3A_1826 = vector.broadcast %lt3A_1825 : i32 to vector<16xi32>
    %lt3A_1827 = arith.cmpi slt, %gather3A_1824, %lt3A_1826 : vector<16xi32>
    %add3A_1828 = arith.constant 16 : i32
    %add3A_1829 = vector.broadcast %add3A_1828 : i32 to vector<16xi32>
    %add3A_1830 = arith.addi %gather3A_1824, %add3A_1829 : vector<16xi32>
    %select_n3A_1831 = arith.select %lt3A_1827, %add3A_1830, %gather3A_1824 : vector<16xi1>, vector<16xi32>
    %broadcast_in_dim3A_1832 = vector.shape_cast %select_n3A_1831 : vector<16xi32> to vector<16x1xi32>
    %gather3A_1833 = vector.shape_cast %broadcast_in_dim3A_1832 : vector<16x1xi32> to vector<16xi32>
    %gather3A_1834 = tpu.dynamic_gather %select_n3A_69[%gather3A_1833] in [0] : vector<16xf32>, vector<16xi32> -> vector<16xf32>
    %lt3A_1835 = arith.constant 0 : i32
    %lt3A_1836 = vector.broadcast %lt3A_1835 : i32 to vector<16xi32>
    %lt3A_1837 = arith.cmpi slt, %gather3A_1824, %lt3A_1836 : vector<16xi32>
    %add3A_1838 = arith.constant 16 : i32
    %add3A_1839 = vector.broadcast %add3A_1838 : i32 to vector<16xi32>
    %add3A_1840 = arith.addi %gather3A_1824, %add3A_1839 : vector<16xi32>
    %select_n3A_1841 = arith.select %lt3A_1837, %add3A_1840, %gather3A_1824 : vector<16xi1>, vector<16xi32>
    %broadcast_in_dim3A_1842 = vector.shape_cast %select_n3A_1841 : vector<16xi32> to vector<16x1xi32>
    %gather3A_1843 = vector.shape_cast %broadcast_in_dim3A_1842 : vector<16x1xi32> to vector<16xi32>
    %gather3A_1844 = tpu.dynamic_gather %select_n3A_108[%gather3A_1843] in [0] : vector<16xf32>, vector<16xi32> -> vector<16xf32>
    %select_n3A_1845 = arith.select %eq3A_30, %gather3A_1844, %gather3A_1834 : vector<16xi1>, vector<16xf32>
    %get3A_1846 = arith.constant 704 : index
    %get3A_1847 = tpu.vector_load %arg6[%get3A_1846] {strides = array<i32>} : memref<2048xf32, #tpu.memory_space<vmem>>, vector<16xf32>,
    %get3A_1848 = vector.shape_cast %get3A_1847 : vector<16xf32> to vector<16xf32>
    %sub3A_1849 = arith.subf %get3A_1848, %select_n3A_1845 : vector<16xf32>
    %mul3A_1850 = arith.mulf %sub3A_1849, %sub3A_1849 : vector<16xf32>
    %add3A_1851 = arith.addf %add3A_1811, %mul3A_1850 : vector<16xf32>
    %lt3A_1852 = arith.constant 0 : i32
    %lt3A_1853 = vector.broadcast %lt3A_1852 : i32 to vector<16xi32>
    %lt3A_1854 = arith.cmpi slt, %add3A_26, %lt3A_1853 : vector<16xi32>
    %add3A_1855 = arith.constant 16 : i32
    %add3A_1856 = vector.broadcast %add3A_1855 : i32 to vector<16xi32>
    %add3A_1857 = arith.addi %add3A_26, %add3A_1856 : vector<16xi32>
    %select_n3A_1858 = arith.select %lt3A_1854, %add3A_1857, %add3A_26 : vector<16xi1>, vector<16xi32>
    %broadcast_in_dim3A_1859 = vector.shape_cast %select_n3A_1858 : vector<16xi32> to vector<16x1xi32>
    %gather3A_1860 = vector.shape_cast %broadcast_in_dim3A_1859 : vector<16x1xi32> to vector<16xi32>
    %gather3A_1861 = tpu.dynamic_gather %get3A_1814[%gather3A_1860] in [0] : vector<16xi32>, vector<16xi32> -> vector<16xi32>
    %lt3A_1862 = arith.constant 0 : i32
    %lt3A_1863 = vector.broadcast %lt3A_1862 : i32 to vector<16xi32>
    %lt3A_1864 = arith.cmpi slt, %gather3A_1861, %lt3A_1863 : vector<16xi32>
    %add3A_1865 = arith.constant 16 : i32
    %add3A_1866 = vector.broadcast %add3A_1865 : i32 to vector<16xi32>
    %add3A_1867 = arith.addi %gather3A_1861, %add3A_1866 : vector<16xi32>
    %select_n3A_1868 = arith.select %lt3A_1864, %add3A_1867, %gather3A_1861 : vector<16xi1>, vector<16xi32>
    %broadcast_in_dim3A_1869 = vector.shape_cast %select_n3A_1868 : vector<16xi32> to vector<16x1xi32>
    %gather3A_1870 = vector.shape_cast %broadcast_in_dim3A_1869 : vector<16x1xi32> to vector<16xi32>
    %gather3A_1871 = tpu.dynamic_gather %select_n3A_69[%gather3A_1870] in [0] : vector<16xf32>, vector<16xi32> -> vector<16xf32>
    %lt3A_1872 = arith.constant 0 : i32
    %lt3A_1873 = vector.broadcast %lt3A_1872 : i32 to vector<16xi32>
    %lt3A_1874 = arith.cmpi slt, %gather3A_1861, %lt3A_1873 : vector<16xi32>
    %add3A_1875 = arith.constant 16 : i32
    %add3A_1876 = vector.broadcast %add3A_1875 : i32 to vector<16xi32>
    %add3A_1877 = arith.addi %gather3A_1861, %add3A_1876 : vector<16xi32>
    %select_n3A_1878 = arith.select %lt3A_1874, %add3A_1877, %gather3A_1861 : vector<16xi1>, vector<16xi32>
    %broadcast_in_dim3A_1879 = vector.shape_cast %select_n3A_1878 : vector<16xi32> to vector<16x1xi32>
    %gather3A_1880 = vector.shape_cast %broadcast_in_dim3A_1879 : vector<16x1xi32> to vector<16xi32>
    %gather3A_1881 = tpu.dynamic_gather %select_n3A_108[%gather3A_1880] in [0] : vector<16xf32>, vector<16xi32> -> vector<16xf32>
    %select_n3A_1882 = arith.select %eq3A_30, %gather3A_1881, %gather3A_1871 : vector<16xi1>, vector<16xf32>
    %get3A_1883 = arith.constant 720 : index
    %get3A_1884 = tpu.vector_load %arg6[%get3A_1883] {strides = array<i32>} : memref<2048xf32, #tpu.memory_space<vmem>>, vector<16xf32>,
    %get3A_1885 = vector.shape_cast %get3A_1884 : vector<16xf32> to vector<16xf32>
    %sub3A_1886 = arith.subf %get3A_1885, %select_n3A_1882 : vector<16xf32>
    %mul3A_1887 = arith.mulf %sub3A_1886, %sub3A_1886 : vector<16xf32>
    %add3A_1888 = arith.addf %add3A_1851, %mul3A_1887 : vector<16xf32>
    %get3A_1889 = arith.constant 368 : index
    %get3A_1890 = tpu.vector_load %arg7[%get3A_1889] {strides = array<i32>} : memref<1024xi32, #tpu.memory_space<vmem>>, vector<16xi32>,
    %get3A_1891 = vector.shape_cast %get3A_1890 : vector<16xi32> to vector<16xi32>
    %lt3A_1892 = arith.constant 0 : i32
    %lt3A_1893 = vector.broadcast %lt3A_1892 : i32 to vector<16xi32>
    %lt3A_1894 = arith.cmpi slt, %shift_right_arithmetic3A_23, %lt3A_1893 : vector<16xi32>
    %add3A_1895 = arith.constant 16 : i32
    %add3A_1896 = vector.broadcast %add3A_1895 : i32 to vector<16xi32>
    %add3A_1897 = arith.addi %shift_right_arithmetic3A_23, %add3A_1896 : vector<16xi32>
    %select_n3A_1898 = arith.select %lt3A_1894, %add3A_1897, %shift_right_arithmetic3A_23 : vector<16xi1>, vector<16xi32>
    %broadcast_in_dim3A_1899 = vector.shape_cast %select_n3A_1898 : vector<16xi32> to vector<16x1xi32>
    %gather3A_1900 = vector.shape_cast %broadcast_in_dim3A_1899 : vector<16x1xi32> to vector<16xi32>
    %gather3A_1901 = tpu.dynamic_gather %get3A_1891[%gather3A_1900] in [0] : vector<16xi32>, vector<16xi32> -> vector<16xi32>
    %lt3A_1902 = arith.constant 0 : i32
    %lt3A_1903 = vector.broadcast %lt3A_1902 : i32 to vector<16xi32>
    %lt3A_1904 = arith.cmpi slt, %gather3A_1901, %lt3A_1903 : vector<16xi32>
    %add3A_1905 = arith.constant 16 : i32
    %add3A_1906 = vector.broadcast %add3A_1905 : i32 to vector<16xi32>
    %add3A_1907 = arith.addi %gather3A_1901, %add3A_1906 : vector<16xi32>
    %select_n3A_1908 = arith.select %lt3A_1904, %add3A_1907, %gather3A_1901 : vector<16xi1>, vector<16xi32>
    %broadcast_in_dim3A_1909 = vector.shape_cast %select_n3A_1908 : vector<16xi32> to vector<16x1xi32>
    %gather3A_1910 = vector.shape_cast %broadcast_in_dim3A_1909 : vector<16x1xi32> to vector<16xi32>
    %gather3A_1911 = tpu.dynamic_gather %select_n3A_69[%gather3A_1910] in [0] : vector<16xf32>, vector<16xi32> -> vector<16xf32>
    %lt3A_1912 = arith.constant 0 : i32
    %lt3A_1913 = vector.broadcast %lt3A_1912 : i32 to vector<16xi32>
    %lt3A_1914 = arith.cmpi slt, %gather3A_1901, %lt3A_1913 : vector<16xi32>
    %add3A_1915 = arith.constant 16 : i32
    %add3A_1916 = vector.broadcast %add3A_1915 : i32 to vector<16xi32>
    %add3A_1917 = arith.addi %gather3A_1901, %add3A_1916 : vector<16xi32>
    %select_n3A_1918 = arith.select %lt3A_1914, %add3A_1917, %gather3A_1901 : vector<16xi1>, vector<16xi32>
    %broadcast_in_dim3A_1919 = vector.shape_cast %select_n3A_1918 : vector<16xi32> to vector<16x1xi32>
    %gather3A_1920 = vector.shape_cast %broadcast_in_dim3A_1919 : vector<16x1xi32> to vector<16xi32>
    %gather3A_1921 = tpu.dynamic_gather %select_n3A_108[%gather3A_1920] in [0] : vector<16xf32>, vector<16xi32> -> vector<16xf32>
    %select_n3A_1922 = arith.select %eq3A_30, %gather3A_1921, %gather3A_1911 : vector<16xi1>, vector<16xf32>
    %get3A_1923 = arith.constant 736 : index
    %get3A_1924 = tpu.vector_load %arg6[%get3A_1923] {strides = array<i32>} : memref<2048xf32, #tpu.memory_space<vmem>>, vector<16xf32>,
    %get3A_1925 = vector.shape_cast %get3A_1924 : vector<16xf32> to vector<16xf32>
    %sub3A_1926 = arith.subf %get3A_1925, %select_n3A_1922 : vector<16xf32>
    %mul3A_1927 = arith.mulf %sub3A_1926, %sub3A_1926 : vector<16xf32>
    %add3A_1928 = arith.addf %add3A_1888, %mul3A_1927 : vector<16xf32>
    %lt3A_1929 = arith.constant 0 : i32
    %lt3A_1930 = vector.broadcast %lt3A_1929 : i32 to vector<16xi32>
    %lt3A_1931 = arith.cmpi slt, %add3A_26, %lt3A_1930 : vector<16xi32>
    %add3A_1932 = arith.constant 16 : i32
    %add3A_1933 = vector.broadcast %add3A_1932 : i32 to vector<16xi32>
    %add3A_1934 = arith.addi %add3A_26, %add3A_1933 : vector<16xi32>
    %select_n3A_1935 = arith.select %lt3A_1931, %add3A_1934, %add3A_26 : vector<16xi1>, vector<16xi32>
    %broadcast_in_dim3A_1936 = vector.shape_cast %select_n3A_1935 : vector<16xi32> to vector<16x1xi32>
    %gather3A_1937 = vector.shape_cast %broadcast_in_dim3A_1936 : vector<16x1xi32> to vector<16xi32>
    %gather3A_1938 = tpu.dynamic_gather %get3A_1891[%gather3A_1937] in [0] : vector<16xi32>, vector<16xi32> -> vector<16xi32>
    %lt3A_1939 = arith.constant 0 : i32
    %lt3A_1940 = vector.broadcast %lt3A_1939 : i32 to vector<16xi32>
    %lt3A_1941 = arith.cmpi slt, %gather3A_1938, %lt3A_1940 : vector<16xi32>
    %add3A_1942 = arith.constant 16 : i32
    %add3A_1943 = vector.broadcast %add3A_1942 : i32 to vector<16xi32>
    %add3A_1944 = arith.addi %gather3A_1938, %add3A_1943 : vector<16xi32>
    %select_n3A_1945 = arith.select %lt3A_1941, %add3A_1944, %gather3A_1938 : vector<16xi1>, vector<16xi32>
    %broadcast_in_dim3A_1946 = vector.shape_cast %select_n3A_1945 : vector<16xi32> to vector<16x1xi32>
    %gather3A_1947 = vector.shape_cast %broadcast_in_dim3A_1946 : vector<16x1xi32> to vector<16xi32>
    %gather3A_1948 = tpu.dynamic_gather %select_n3A_69[%gather3A_1947] in [0] : vector<16xf32>, vector<16xi32> -> vector<16xf32>
    %lt3A_1949 = arith.constant 0 : i32
    %lt3A_1950 = vector.broadcast %lt3A_1949 : i32 to vector<16xi32>
    %lt3A_1951 = arith.cmpi slt, %gather3A_1938, %lt3A_1950 : vector<16xi32>
    %add3A_1952 = arith.constant 16 : i32
    %add3A_1953 = vector.broadcast %add3A_1952 : i32 to vector<16xi32>
    %add3A_1954 = arith.addi %gather3A_1938, %add3A_1953 : vector<16xi32>
    %select_n3A_1955 = arith.select %lt3A_1951, %add3A_1954, %gather3A_1938 : vector<16xi1>, vector<16xi32>
    %broadcast_in_dim3A_1956 = vector.shape_cast %select_n3A_1955 : vector<16xi32> to vector<16x1xi32>
    %gather3A_1957 = vector.shape_cast %broadcast_in_dim3A_1956 : vector<16x1xi32> to vector<16xi32>
    %gather3A_1958 = tpu.dynamic_gather %select_n3A_108[%gather3A_1957] in [0] : vector<16xf32>, vector<16xi32> -> vector<16xf32>
    %select_n3A_1959 = arith.select %eq3A_30, %gather3A_1958, %gather3A_1948 : vector<16xi1>, vector<16xf32>
    %get3A_1960 = arith.constant 752 : index
    %get3A_1961 = tpu.vector_load %arg6[%get3A_1960] {strides = array<i32>} : memref<2048xf32, #tpu.memory_space<vmem>>, vector<16xf32>,
    %get3A_1962 = vector.shape_cast %get3A_1961 : vector<16xf32> to vector<16xf32>
    %sub3A_1963 = arith.subf %get3A_1962, %select_n3A_1959 : vector<16xf32>
    %mul3A_1964 = arith.mulf %sub3A_1963, %sub3A_1963 : vector<16xf32>
    %add3A_1965 = arith.addf %add3A_1928, %mul3A_1964 : vector<16xf32>
    %get3A_1966 = arith.constant 384 : index
    %get3A_1967 = tpu.vector_load %arg7[%get3A_1966] {strides = array<i32>} : memref<1024xi32, #tpu.memory_space<vmem>>, vector<16xi32>,
    %get3A_1968 = vector.shape_cast %get3A_1967 : vector<16xi32> to vector<16xi32>
    %lt3A_1969 = arith.constant 0 : i32
    %lt3A_1970 = vector.broadcast %lt3A_1969 : i32 to vector<16xi32>
    %lt3A_1971 = arith.cmpi slt, %shift_right_arithmetic3A_23, %lt3A_1970 : vector<16xi32>
    %add3A_1972 = arith.constant 16 : i32
    %add3A_1973 = vector.broadcast %add3A_1972 : i32 to vector<16xi32>
    %add3A_1974 = arith.addi %shift_right_arithmetic3A_23, %add3A_1973 : vector<16xi32>
    %select_n3A_1975 = arith.select %lt3A_1971, %add3A_1974, %shift_right_arithmetic3A_23 : vector<16xi1>, vector<16xi32>
    %broadcast_in_dim3A_1976 = vector.shape_cast %select_n3A_1975 : vector<16xi32> to vector<16x1xi32>
    %gather3A_1977 = vector.shape_cast %broadcast_in_dim3A_1976 : vector<16x1xi32> to vector<16xi32>
    %gather3A_1978 = tpu.dynamic_gather %get3A_1968[%gather3A_1977] in [0] : vector<16xi32>, vector<16xi32> -> vector<16xi32>
    %lt3A_1979 = arith.constant 0 : i32
    %lt3A_1980 = vector.broadcast %lt3A_1979 : i32 to vector<16xi32>
    %lt3A_1981 = arith.cmpi slt, %gather3A_1978, %lt3A_1980 : vector<16xi32>
    %add3A_1982 = arith.constant 16 : i32
    %add3A_1983 = vector.broadcast %add3A_1982 : i32 to vector<16xi32>
    %add3A_1984 = arith.addi %gather3A_1978, %add3A_1983 : vector<16xi32>
    %select_n3A_1985 = arith.select %lt3A_1981, %add3A_1984, %gather3A_1978 : vector<16xi1>, vector<16xi32>
    %broadcast_in_dim3A_1986 = vector.shape_cast %select_n3A_1985 : vector<16xi32> to vector<16x1xi32>
    %gather3A_1987 = vector.shape_cast %broadcast_in_dim3A_1986 : vector<16x1xi32> to vector<16xi32>
    %gather3A_1988 = tpu.dynamic_gather %select_n3A_69[%gather3A_1987] in [0] : vector<16xf32>, vector<16xi32> -> vector<16xf32>
    %lt3A_1989 = arith.constant 0 : i32
    %lt3A_1990 = vector.broadcast %lt3A_1989 : i32 to vector<16xi32>
    %lt3A_1991 = arith.cmpi slt, %gather3A_1978, %lt3A_1990 : vector<16xi32>
    %add3A_1992 = arith.constant 16 : i32
    %add3A_1993 = vector.broadcast %add3A_1992 : i32 to vector<16xi32>
    %add3A_1994 = arith.addi %gather3A_1978, %add3A_1993 : vector<16xi32>
    %select_n3A_1995 = arith.select %lt3A_1991, %add3A_1994, %gather3A_1978 : vector<16xi1>, vector<16xi32>
    %broadcast_in_dim3A_1996 = vector.shape_cast %select_n3A_1995 : vector<16xi32> to vector<16x1xi32>
    %gather3A_1997 = vector.shape_cast %broadcast_in_dim3A_1996 : vector<16x1xi32> to vector<16xi32>
    %gather3A_1998 = tpu.dynamic_gather %select_n3A_108[%gather3A_1997] in [0] : vector<16xf32>, vector<16xi32> -> vector<16xf32>
    %select_n3A_1999 = arith.select %eq3A_30, %gather3A_1998, %gather3A_1988 : vector<16xi1>, vector<16xf32>
    %get3A_2000 = arith.constant 768 : index
    %get3A_2001 = tpu.vector_load %arg6[%get3A_2000] {strides = array<i32>} : memref<2048xf32, #tpu.memory_space<vmem>>, vector<16xf32>,
    %get3A_2002 = vector.shape_cast %get3A_2001 : vector<16xf32> to vector<16xf32>
    %sub3A_2003 = arith.subf %get3A_2002, %select_n3A_1999 : vector<16xf32>
    %mul3A_2004 = arith.mulf %sub3A_2003, %sub3A_2003 : vector<16xf32>
    %add3A_2005 = arith.addf %add3A_1965, %mul3A_2004 : vector<16xf32>
    %lt3A_2006 = arith.constant 0 : i32
    %lt3A_2007 = vector.broadcast %lt3A_2006 : i32 to vector<16xi32>
    %lt3A_2008 = arith.cmpi slt, %add3A_26, %lt3A_2007 : vector<16xi32>
    %add3A_2009 = arith.constant 16 : i32
    %add3A_2010 = vector.broadcast %add3A_2009 : i32 to vector<16xi32>
    %add3A_2011 = arith.addi %add3A_26, %add3A_2010 : vector<16xi32>
    %select_n3A_2012 = arith.select %lt3A_2008, %add3A_2011, %add3A_26 : vector<16xi1>, vector<16xi32>
    %broadcast_in_dim3A_2013 = vector.shape_cast %select_n3A_2012 : vector<16xi32> to vector<16x1xi32>
    %gather3A_2014 = vector.shape_cast %broadcast_in_dim3A_2013 : vector<16x1xi32> to vector<16xi32>
    %gather3A_2015 = tpu.dynamic_gather %get3A_1968[%gather3A_2014] in [0] : vector<16xi32>, vector<16xi32> -> vector<16xi32>
    %lt3A_2016 = arith.constant 0 : i32
    %lt3A_2017 = vector.broadcast %lt3A_2016 : i32 to vector<16xi32>
    %lt3A_2018 = arith.cmpi slt, %gather3A_2015, %lt3A_2017 : vector<16xi32>
    %add3A_2019 = arith.constant 16 : i32
    %add3A_2020 = vector.broadcast %add3A_2019 : i32 to vector<16xi32>
    %add3A_2021 = arith.addi %gather3A_2015, %add3A_2020 : vector<16xi32>
    %select_n3A_2022 = arith.select %lt3A_2018, %add3A_2021, %gather3A_2015 : vector<16xi1>, vector<16xi32>
    %broadcast_in_dim3A_2023 = vector.shape_cast %select_n3A_2022 : vector<16xi32> to vector<16x1xi32>
    %gather3A_2024 = vector.shape_cast %broadcast_in_dim3A_2023 : vector<16x1xi32> to vector<16xi32>
    %gather3A_2025 = tpu.dynamic_gather %select_n3A_69[%gather3A_2024] in [0] : vector<16xf32>, vector<16xi32> -> vector<16xf32>
    %lt3A_2026 = arith.constant 0 : i32
    %lt3A_2027 = vector.broadcast %lt3A_2026 : i32 to vector<16xi32>
    %lt3A_2028 = arith.cmpi slt, %gather3A_2015, %lt3A_2027 : vector<16xi32>
    %add3A_2029 = arith.constant 16 : i32
    %add3A_2030 = vector.broadcast %add3A_2029 : i32 to vector<16xi32>
    %add3A_2031 = arith.addi %gather3A_2015, %add3A_2030 : vector<16xi32>
    %select_n3A_2032 = arith.select %lt3A_2028, %add3A_2031, %gather3A_2015 : vector<16xi1>, vector<16xi32>
    %broadcast_in_dim3A_2033 = vector.shape_cast %select_n3A_2032 : vector<16xi32> to vector<16x1xi32>
    %gather3A_2034 = vector.shape_cast %broadcast_in_dim3A_2033 : vector<16x1xi32> to vector<16xi32>
    %gather3A_2035 = tpu.dynamic_gather %select_n3A_108[%gather3A_2034] in [0] : vector<16xf32>, vector<16xi32> -> vector<16xf32>
    %select_n3A_2036 = arith.select %eq3A_30, %gather3A_2035, %gather3A_2025 : vector<16xi1>, vector<16xf32>
    %get3A_2037 = arith.constant 784 : index
    %get3A_2038 = tpu.vector_load %arg6[%get3A_2037] {strides = array<i32>} : memref<2048xf32, #tpu.memory_space<vmem>>, vector<16xf32>,
    %get3A_2039 = vector.shape_cast %get3A_2038 : vector<16xf32> to vector<16xf32>
    %sub3A_2040 = arith.subf %get3A_2039, %select_n3A_2036 : vector<16xf32>
    %mul3A_2041 = arith.mulf %sub3A_2040, %sub3A_2040 : vector<16xf32>
    %add3A_2042 = arith.addf %add3A_2005, %mul3A_2041 : vector<16xf32>
    %get3A_2043 = arith.constant 400 : index
    %get3A_2044 = tpu.vector_load %arg7[%get3A_2043] {strides = array<i32>} : memref<1024xi32, #tpu.memory_space<vmem>>, vector<16xi32>,
    %get3A_2045 = vector.shape_cast %get3A_2044 : vector<16xi32> to vector<16xi32>
    %lt3A_2046 = arith.constant 0 : i32
    %lt3A_2047 = vector.broadcast %lt3A_2046 : i32 to vector<16xi32>
    %lt3A_2048 = arith.cmpi slt, %shift_right_arithmetic3A_23, %lt3A_2047 : vector<16xi32>
    %add3A_2049 = arith.constant 16 : i32
    %add3A_2050 = vector.broadcast %add3A_2049 : i32 to vector<16xi32>
    %add3A_2051 = arith.addi %shift_right_arithmetic3A_23, %add3A_2050 : vector<16xi32>
    %select_n3A_2052 = arith.select %lt3A_2048, %add3A_2051, %shift_right_arithmetic3A_23 : vector<16xi1>, vector<16xi32>
    %broadcast_in_dim3A_2053 = vector.shape_cast %select_n3A_2052 : vector<16xi32> to vector<16x1xi32>
    %gather3A_2054 = vector.shape_cast %broadcast_in_dim3A_2053 : vector<16x1xi32> to vector<16xi32>
    %gather3A_2055 = tpu.dynamic_gather %get3A_2045[%gather3A_2054] in [0] : vector<16xi32>, vector<16xi32> -> vector<16xi32>
    %lt3A_2056 = arith.constant 0 : i32
    %lt3A_2057 = vector.broadcast %lt3A_2056 : i32 to vector<16xi32>
    %lt3A_2058 = arith.cmpi slt, %gather3A_2055, %lt3A_2057 : vector<16xi32>
    %add3A_2059 = arith.constant 16 : i32
    %add3A_2060 = vector.broadcast %add3A_2059 : i32 to vector<16xi32>
    %add3A_2061 = arith.addi %gather3A_2055, %add3A_2060 : vector<16xi32>
    %select_n3A_2062 = arith.select %lt3A_2058, %add3A_2061, %gather3A_2055 : vector<16xi1>, vector<16xi32>
    %broadcast_in_dim3A_2063 = vector.shape_cast %select_n3A_2062 : vector<16xi32> to vector<16x1xi32>
    %gather3A_2064 = vector.shape_cast %broadcast_in_dim3A_2063 : vector<16x1xi32> to vector<16xi32>
    %gather3A_2065 = tpu.dynamic_gather %select_n3A_69[%gather3A_2064] in [0] : vector<16xf32>, vector<16xi32> -> vector<16xf32>
    %lt3A_2066 = arith.constant 0 : i32
    %lt3A_2067 = vector.broadcast %lt3A_2066 : i32 to vector<16xi32>
    %lt3A_2068 = arith.cmpi slt, %gather3A_2055, %lt3A_2067 : vector<16xi32>
    %add3A_2069 = arith.constant 16 : i32
    %add3A_2070 = vector.broadcast %add3A_2069 : i32 to vector<16xi32>
    %add3A_2071 = arith.addi %gather3A_2055, %add3A_2070 : vector<16xi32>
    %select_n3A_2072 = arith.select %lt3A_2068, %add3A_2071, %gather3A_2055 : vector<16xi1>, vector<16xi32>
    %broadcast_in_dim3A_2073 = vector.shape_cast %select_n3A_2072 : vector<16xi32> to vector<16x1xi32>
    %gather3A_2074 = vector.shape_cast %broadcast_in_dim3A_2073 : vector<16x1xi32> to vector<16xi32>
    %gather3A_2075 = tpu.dynamic_gather %select_n3A_108[%gather3A_2074] in [0] : vector<16xf32>, vector<16xi32> -> vector<16xf32>
    %select_n3A_2076 = arith.select %eq3A_30, %gather3A_2075, %gather3A_2065 : vector<16xi1>, vector<16xf32>
    %get3A_2077 = arith.constant 800 : index
    %get3A_2078 = tpu.vector_load %arg6[%get3A_2077] {strides = array<i32>} : memref<2048xf32, #tpu.memory_space<vmem>>, vector<16xf32>,
    %get3A_2079 = vector.shape_cast %get3A_2078 : vector<16xf32> to vector<16xf32>
    %sub3A_2080 = arith.subf %get3A_2079, %select_n3A_2076 : vector<16xf32>
    %mul3A_2081 = arith.mulf %sub3A_2080, %sub3A_2080 : vector<16xf32>
    %add3A_2082 = arith.addf %add3A_2042, %mul3A_2081 : vector<16xf32>
    %lt3A_2083 = arith.constant 0 : i32
    %lt3A_2084 = vector.broadcast %lt3A_2083 : i32 to vector<16xi32>
    %lt3A_2085 = arith.cmpi slt, %add3A_26, %lt3A_2084 : vector<16xi32>
    %add3A_2086 = arith.constant 16 : i32
    %add3A_2087 = vector.broadcast %add3A_2086 : i32 to vector<16xi32>
    %add3A_2088 = arith.addi %add3A_26, %add3A_2087 : vector<16xi32>
    %select_n3A_2089 = arith.select %lt3A_2085, %add3A_2088, %add3A_26 : vector<16xi1>, vector<16xi32>
    %broadcast_in_dim3A_2090 = vector.shape_cast %select_n3A_2089 : vector<16xi32> to vector<16x1xi32>
    %gather3A_2091 = vector.shape_cast %broadcast_in_dim3A_2090 : vector<16x1xi32> to vector<16xi32>
    %gather3A_2092 = tpu.dynamic_gather %get3A_2045[%gather3A_2091] in [0] : vector<16xi32>, vector<16xi32> -> vector<16xi32>
    %lt3A_2093 = arith.constant 0 : i32
    %lt3A_2094 = vector.broadcast %lt3A_2093 : i32 to vector<16xi32>
    %lt3A_2095 = arith.cmpi slt, %gather3A_2092, %lt3A_2094 : vector<16xi32>
    %add3A_2096 = arith.constant 16 : i32
    %add3A_2097 = vector.broadcast %add3A_2096 : i32 to vector<16xi32>
    %add3A_2098 = arith.addi %gather3A_2092, %add3A_2097 : vector<16xi32>
    %select_n3A_2099 = arith.select %lt3A_2095, %add3A_2098, %gather3A_2092 : vector<16xi1>, vector<16xi32>
    %broadcast_in_dim3A_2100 = vector.shape_cast %select_n3A_2099 : vector<16xi32> to vector<16x1xi32>
    %gather3A_2101 = vector.shape_cast %broadcast_in_dim3A_2100 : vector<16x1xi32> to vector<16xi32>
    %gather3A_2102 = tpu.dynamic_gather %select_n3A_69[%gather3A_2101] in [0] : vector<16xf32>, vector<16xi32> -> vector<16xf32>
    %lt3A_2103 = arith.constant 0 : i32
    %lt3A_2104 = vector.broadcast %lt3A_2103 : i32 to vector<16xi32>
    %lt3A_2105 = arith.cmpi slt, %gather3A_2092, %lt3A_2104 : vector<16xi32>
    %add3A_2106 = arith.constant 16 : i32
    %add3A_2107 = vector.broadcast %add3A_2106 : i32 to vector<16xi32>
    %add3A_2108 = arith.addi %gather3A_2092, %add3A_2107 : vector<16xi32>
    %select_n3A_2109 = arith.select %lt3A_2105, %add3A_2108, %gather3A_2092 : vector<16xi1>, vector<16xi32>
    %broadcast_in_dim3A_2110 = vector.shape_cast %select_n3A_2109 : vector<16xi32> to vector<16x1xi32>
    %gather3A_2111 = vector.shape_cast %broadcast_in_dim3A_2110 : vector<16x1xi32> to vector<16xi32>
    %gather3A_2112 = tpu.dynamic_gather %select_n3A_108[%gather3A_2111] in [0] : vector<16xf32>, vector<16xi32> -> vector<16xf32>
    %select_n3A_2113 = arith.select %eq3A_30, %gather3A_2112, %gather3A_2102 : vector<16xi1>, vector<16xf32>
    %get3A_2114 = arith.constant 816 : index
    %get3A_2115 = tpu.vector_load %arg6[%get3A_2114] {strides = array<i32>} : memref<2048xf32, #tpu.memory_space<vmem>>, vector<16xf32>,
    %get3A_2116 = vector.shape_cast %get3A_2115 : vector<16xf32> to vector<16xf32>
    %sub3A_2117 = arith.subf %get3A_2116, %select_n3A_2113 : vector<16xf32>
    %mul3A_2118 = arith.mulf %sub3A_2117, %sub3A_2117 : vector<16xf32>
    %add3A_2119 = arith.addf %add3A_2082, %mul3A_2118 : vector<16xf32>
    %get3A_2120 = arith.constant 416 : index
    %get3A_2121 = tpu.vector_load %arg7[%get3A_2120] {strides = array<i32>} : memref<1024xi32, #tpu.memory_space<vmem>>, vector<16xi32>,
    %get3A_2122 = vector.shape_cast %get3A_2121 : vector<16xi32> to vector<16xi32>
    %lt3A_2123 = arith.constant 0 : i32
    %lt3A_2124 = vector.broadcast %lt3A_2123 : i32 to vector<16xi32>
    %lt3A_2125 = arith.cmpi slt, %shift_right_arithmetic3A_23, %lt3A_2124 : vector<16xi32>
    %add3A_2126 = arith.constant 16 : i32
    %add3A_2127 = vector.broadcast %add3A_2126 : i32 to vector<16xi32>
    %add3A_2128 = arith.addi %shift_right_arithmetic3A_23, %add3A_2127 : vector<16xi32>
    %select_n3A_2129 = arith.select %lt3A_2125, %add3A_2128, %shift_right_arithmetic3A_23 : vector<16xi1>, vector<16xi32>
    %broadcast_in_dim3A_2130 = vector.shape_cast %select_n3A_2129 : vector<16xi32> to vector<16x1xi32>
    %gather3A_2131 = vector.shape_cast %broadcast_in_dim3A_2130 : vector<16x1xi32> to vector<16xi32>
    %gather3A_2132 = tpu.dynamic_gather %get3A_2122[%gather3A_2131] in [0] : vector<16xi32>, vector<16xi32> -> vector<16xi32>
    %lt3A_2133 = arith.constant 0 : i32
    %lt3A_2134 = vector.broadcast %lt3A_2133 : i32 to vector<16xi32>
    %lt3A_2135 = arith.cmpi slt, %gather3A_2132, %lt3A_2134 : vector<16xi32>
    %add3A_2136 = arith.constant 16 : i32
    %add3A_2137 = vector.broadcast %add3A_2136 : i32 to vector<16xi32>
    %add3A_2138 = arith.addi %gather3A_2132, %add3A_2137 : vector<16xi32>
    %select_n3A_2139 = arith.select %lt3A_2135, %add3A_2138, %gather3A_2132 : vector<16xi1>, vector<16xi32>
    %broadcast_in_dim3A_2140 = vector.shape_cast %select_n3A_2139 : vector<16xi32> to vector<16x1xi32>
    %gather3A_2141 = vector.shape_cast %broadcast_in_dim3A_2140 : vector<16x1xi32> to vector<16xi32>
    %gather3A_2142 = tpu.dynamic_gather %select_n3A_69[%gather3A_2141] in [0] : vector<16xf32>, vector<16xi32> -> vector<16xf32>
    %lt3A_2143 = arith.constant 0 : i32
    %lt3A_2144 = vector.broadcast %lt3A_2143 : i32 to vector<16xi32>
    %lt3A_2145 = arith.cmpi slt, %gather3A_2132, %lt3A_2144 : vector<16xi32>
    %add3A_2146 = arith.constant 16 : i32
    %add3A_2147 = vector.broadcast %add3A_2146 : i32 to vector<16xi32>
    %add3A_2148 = arith.addi %gather3A_2132, %add3A_2147 : vector<16xi32>
    %select_n3A_2149 = arith.select %lt3A_2145, %add3A_2148, %gather3A_2132 : vector<16xi1>, vector<16xi32>
    %broadcast_in_dim3A_2150 = vector.shape_cast %select_n3A_2149 : vector<16xi32> to vector<16x1xi32>
    %gather3A_2151 = vector.shape_cast %broadcast_in_dim3A_2150 : vector<16x1xi32> to vector<16xi32>
    %gather3A_2152 = tpu.dynamic_gather %select_n3A_108[%gather3A_2151] in [0] : vector<16xf32>, vector<16xi32> -> vector<16xf32>
    %select_n3A_2153 = arith.select %eq3A_30, %gather3A_2152, %gather3A_2142 : vector<16xi1>, vector<16xf32>
    %get3A_2154 = arith.constant 832 : index
    %get3A_2155 = tpu.vector_load %arg6[%get3A_2154] {strides = array<i32>} : memref<2048xf32, #tpu.memory_space<vmem>>, vector<16xf32>,
    %get3A_2156 = vector.shape_cast %get3A_2155 : vector<16xf32> to vector<16xf32>
    %sub3A_2157 = arith.subf %get3A_2156, %select_n3A_2153 : vector<16xf32>
    %mul3A_2158 = arith.mulf %sub3A_2157, %sub3A_2157 : vector<16xf32>
    %add3A_2159 = arith.addf %add3A_2119, %mul3A_2158 : vector<16xf32>
    %lt3A_2160 = arith.constant 0 : i32
    %lt3A_2161 = vector.broadcast %lt3A_2160 : i32 to vector<16xi32>
    %lt3A_2162 = arith.cmpi slt, %add3A_26, %lt3A_2161 : vector<16xi32>
    %add3A_2163 = arith.constant 16 : i32
    %add3A_2164 = vector.broadcast %add3A_2163 : i32 to vector<16xi32>
    %add3A_2165 = arith.addi %add3A_26, %add3A_2164 : vector<16xi32>
    %select_n3A_2166 = arith.select %lt3A_2162, %add3A_2165, %add3A_26 : vector<16xi1>, vector<16xi32>
    %broadcast_in_dim3A_2167 = vector.shape_cast %select_n3A_2166 : vector<16xi32> to vector<16x1xi32>
    %gather3A_2168 = vector.shape_cast %broadcast_in_dim3A_2167 : vector<16x1xi32> to vector<16xi32>
    %gather3A_2169 = tpu.dynamic_gather %get3A_2122[%gather3A_2168] in [0] : vector<16xi32>, vector<16xi32> -> vector<16xi32>
    %lt3A_2170 = arith.constant 0 : i32
    %lt3A_2171 = vector.broadcast %lt3A_2170 : i32 to vector<16xi32>
    %lt3A_2172 = arith.cmpi slt, %gather3A_2169, %lt3A_2171 : vector<16xi32>
    %add3A_2173 = arith.constant 16 : i32
    %add3A_2174 = vector.broadcast %add3A_2173 : i32 to vector<16xi32>
    %add3A_2175 = arith.addi %gather3A_2169, %add3A_2174 : vector<16xi32>
    %select_n3A_2176 = arith.select %lt3A_2172, %add3A_2175, %gather3A_2169 : vector<16xi1>, vector<16xi32>
    %broadcast_in_dim3A_2177 = vector.shape_cast %select_n3A_2176 : vector<16xi32> to vector<16x1xi32>
    %gather3A_2178 = vector.shape_cast %broadcast_in_dim3A_2177 : vector<16x1xi32> to vector<16xi32>
    %gather3A_2179 = tpu.dynamic_gather %select_n3A_69[%gather3A_2178] in [0] : vector<16xf32>, vector<16xi32> -> vector<16xf32>
    %lt3A_2180 = arith.constant 0 : i32
    %lt3A_2181 = vector.broadcast %lt3A_2180 : i32 to vector<16xi32>
    %lt3A_2182 = arith.cmpi slt, %gather3A_2169, %lt3A_2181 : vector<16xi32>
    %add3A_2183 = arith.constant 16 : i32
    %add3A_2184 = vector.broadcast %add3A_2183 : i32 to vector<16xi32>
    %add3A_2185 = arith.addi %gather3A_2169, %add3A_2184 : vector<16xi32>
    %select_n3A_2186 = arith.select %lt3A_2182, %add3A_2185, %gather3A_2169 : vector<16xi1>, vector<16xi32>
    %broadcast_in_dim3A_2187 = vector.shape_cast %select_n3A_2186 : vector<16xi32> to vector<16x1xi32>
    %gather3A_2188 = vector.shape_cast %broadcast_in_dim3A_2187 : vector<16x1xi32> to vector<16xi32>
    %gather3A_2189 = tpu.dynamic_gather %select_n3A_108[%gather3A_2188] in [0] : vector<16xf32>, vector<16xi32> -> vector<16xf32>
    %select_n3A_2190 = arith.select %eq3A_30, %gather3A_2189, %gather3A_2179 : vector<16xi1>, vector<16xf32>
    %get3A_2191 = arith.constant 848 : index
    %get3A_2192 = tpu.vector_load %arg6[%get3A_2191] {strides = array<i32>} : memref<2048xf32, #tpu.memory_space<vmem>>, vector<16xf32>,
    %get3A_2193 = vector.shape_cast %get3A_2192 : vector<16xf32> to vector<16xf32>
    %sub3A_2194 = arith.subf %get3A_2193, %select_n3A_2190 : vector<16xf32>
    %mul3A_2195 = arith.mulf %sub3A_2194, %sub3A_2194 : vector<16xf32>
    %add3A_2196 = arith.addf %add3A_2159, %mul3A_2195 : vector<16xf32>
    %get3A_2197 = arith.constant 432 : index
    %get3A_2198 = tpu.vector_load %arg7[%get3A_2197] {strides = array<i32>} : memref<1024xi32, #tpu.memory_space<vmem>>, vector<16xi32>,
    %get3A_2199 = vector.shape_cast %get3A_2198 : vector<16xi32> to vector<16xi32>
    %lt3A_2200 = arith.constant 0 : i32
    %lt3A_2201 = vector.broadcast %lt3A_2200 : i32 to vector<16xi32>
    %lt3A_2202 = arith.cmpi slt, %shift_right_arithmetic3A_23, %lt3A_2201 : vector<16xi32>
    %add3A_2203 = arith.constant 16 : i32
    %add3A_2204 = vector.broadcast %add3A_2203 : i32 to vector<16xi32>
    %add3A_2205 = arith.addi %shift_right_arithmetic3A_23, %add3A_2204 : vector<16xi32>
    %select_n3A_2206 = arith.select %lt3A_2202, %add3A_2205, %shift_right_arithmetic3A_23 : vector<16xi1>, vector<16xi32>
    %broadcast_in_dim3A_2207 = vector.shape_cast %select_n3A_2206 : vector<16xi32> to vector<16x1xi32>
    %gather3A_2208 = vector.shape_cast %broadcast_in_dim3A_2207 : vector<16x1xi32> to vector<16xi32>
    %gather3A_2209 = tpu.dynamic_gather %get3A_2199[%gather3A_2208] in [0] : vector<16xi32>, vector<16xi32> -> vector<16xi32>
    %lt3A_2210 = arith.constant 0 : i32
    %lt3A_2211 = vector.broadcast %lt3A_2210 : i32 to vector<16xi32>
    %lt3A_2212 = arith.cmpi slt, %gather3A_2209, %lt3A_2211 : vector<16xi32>
    %add3A_2213 = arith.constant 16 : i32
    %add3A_2214 = vector.broadcast %add3A_2213 : i32 to vector<16xi32>
    %add3A_2215 = arith.addi %gather3A_2209, %add3A_2214 : vector<16xi32>
    %select_n3A_2216 = arith.select %lt3A_2212, %add3A_2215, %gather3A_2209 : vector<16xi1>, vector<16xi32>
    %broadcast_in_dim3A_2217 = vector.shape_cast %select_n3A_2216 : vector<16xi32> to vector<16x1xi32>
    %gather3A_2218 = vector.shape_cast %broadcast_in_dim3A_2217 : vector<16x1xi32> to vector<16xi32>
    %gather3A_2219 = tpu.dynamic_gather %select_n3A_69[%gather3A_2218] in [0] : vector<16xf32>, vector<16xi32> -> vector<16xf32>
    %lt3A_2220 = arith.constant 0 : i32
    %lt3A_2221 = vector.broadcast %lt3A_2220 : i32 to vector<16xi32>
    %lt3A_2222 = arith.cmpi slt, %gather3A_2209, %lt3A_2221 : vector<16xi32>
    %add3A_2223 = arith.constant 16 : i32
    %add3A_2224 = vector.broadcast %add3A_2223 : i32 to vector<16xi32>
    %add3A_2225 = arith.addi %gather3A_2209, %add3A_2224 : vector<16xi32>
    %select_n3A_2226 = arith.select %lt3A_2222, %add3A_2225, %gather3A_2209 : vector<16xi1>, vector<16xi32>
    %broadcast_in_dim3A_2227 = vector.shape_cast %select_n3A_2226 : vector<16xi32> to vector<16x1xi32>
    %gather3A_2228 = vector.shape_cast %broadcast_in_dim3A_2227 : vector<16x1xi32> to vector<16xi32>
    %gather3A_2229 = tpu.dynamic_gather %select_n3A_108[%gather3A_2228] in [0] : vector<16xf32>, vector<16xi32> -> vector<16xf32>
    %select_n3A_2230 = arith.select %eq3A_30, %gather3A_2229, %gather3A_2219 : vector<16xi1>, vector<16xf32>
    %get3A_2231 = arith.constant 864 : index
    %get3A_2232 = tpu.vector_load %arg6[%get3A_2231] {strides = array<i32>} : memref<2048xf32, #tpu.memory_space<vmem>>, vector<16xf32>,
    %get3A_2233 = vector.shape_cast %get3A_2232 : vector<16xf32> to vector<16xf32>
    %sub3A_2234 = arith.subf %get3A_2233, %select_n3A_2230 : vector<16xf32>
    %mul3A_2235 = arith.mulf %sub3A_2234, %sub3A_2234 : vector<16xf32>
    %add3A_2236 = arith.addf %add3A_2196, %mul3A_2235 : vector<16xf32>
    %lt3A_2237 = arith.constant 0 : i32
    %lt3A_2238 = vector.broadcast %lt3A_2237 : i32 to vector<16xi32>
    %lt3A_2239 = arith.cmpi slt, %add3A_26, %lt3A_2238 : vector<16xi32>
    %add3A_2240 = arith.constant 16 : i32
    %add3A_2241 = vector.broadcast %add3A_2240 : i32 to vector<16xi32>
    %add3A_2242 = arith.addi %add3A_26, %add3A_2241 : vector<16xi32>
    %select_n3A_2243 = arith.select %lt3A_2239, %add3A_2242, %add3A_26 : vector<16xi1>, vector<16xi32>
    %broadcast_in_dim3A_2244 = vector.shape_cast %select_n3A_2243 : vector<16xi32> to vector<16x1xi32>
    %gather3A_2245 = vector.shape_cast %broadcast_in_dim3A_2244 : vector<16x1xi32> to vector<16xi32>
    %gather3A_2246 = tpu.dynamic_gather %get3A_2199[%gather3A_2245] in [0] : vector<16xi32>, vector<16xi32> -> vector<16xi32>
    %lt3A_2247 = arith.constant 0 : i32
    %lt3A_2248 = vector.broadcast %lt3A_2247 : i32 to vector<16xi32>
    %lt3A_2249 = arith.cmpi slt, %gather3A_2246, %lt3A_2248 : vector<16xi32>
    %add3A_2250 = arith.constant 16 : i32
    %add3A_2251 = vector.broadcast %add3A_2250 : i32 to vector<16xi32>
    %add3A_2252 = arith.addi %gather3A_2246, %add3A_2251 : vector<16xi32>
    %select_n3A_2253 = arith.select %lt3A_2249, %add3A_2252, %gather3A_2246 : vector<16xi1>, vector<16xi32>
    %broadcast_in_dim3A_2254 = vector.shape_cast %select_n3A_2253 : vector<16xi32> to vector<16x1xi32>
    %gather3A_2255 = vector.shape_cast %broadcast_in_dim3A_2254 : vector<16x1xi32> to vector<16xi32>
    %gather3A_2256 = tpu.dynamic_gather %select_n3A_69[%gather3A_2255] in [0] : vector<16xf32>, vector<16xi32> -> vector<16xf32>
    %lt3A_2257 = arith.constant 0 : i32
    %lt3A_2258 = vector.broadcast %lt3A_2257 : i32 to vector<16xi32>
    %lt3A_2259 = arith.cmpi slt, %gather3A_2246, %lt3A_2258 : vector<16xi32>
    %add3A_2260 = arith.constant 16 : i32
    %add3A_2261 = vector.broadcast %add3A_2260 : i32 to vector<16xi32>
    %add3A_2262 = arith.addi %gather3A_2246, %add3A_2261 : vector<16xi32>
    %select_n3A_2263 = arith.select %lt3A_2259, %add3A_2262, %gather3A_2246 : vector<16xi1>, vector<16xi32>
    %broadcast_in_dim3A_2264 = vector.shape_cast %select_n3A_2263 : vector<16xi32> to vector<16x1xi32>
    %gather3A_2265 = vector.shape_cast %broadcast_in_dim3A_2264 : vector<16x1xi32> to vector<16xi32>
    %gather3A_2266 = tpu.dynamic_gather %select_n3A_108[%gather3A_2265] in [0] : vector<16xf32>, vector<16xi32> -> vector<16xf32>
    %select_n3A_2267 = arith.select %eq3A_30, %gather3A_2266, %gather3A_2256 : vector<16xi1>, vector<16xf32>
    %get3A_2268 = arith.constant 880 : index
    %get3A_2269 = tpu.vector_load %arg6[%get3A_2268] {strides = array<i32>} : memref<2048xf32, #tpu.memory_space<vmem>>, vector<16xf32>,
    %get3A_2270 = vector.shape_cast %get3A_2269 : vector<16xf32> to vector<16xf32>
    %sub3A_2271 = arith.subf %get3A_2270, %select_n3A_2267 : vector<16xf32>
    %mul3A_2272 = arith.mulf %sub3A_2271, %sub3A_2271 : vector<16xf32>
    %add3A_2273 = arith.addf %add3A_2236, %mul3A_2272 : vector<16xf32>
    %get3A_2274 = arith.constant 448 : index
    %get3A_2275 = tpu.vector_load %arg7[%get3A_2274] {strides = array<i32>} : memref<1024xi32, #tpu.memory_space<vmem>>, vector<16xi32>,
    %get3A_2276 = vector.shape_cast %get3A_2275 : vector<16xi32> to vector<16xi32>
    %lt3A_2277 = arith.constant 0 : i32
    %lt3A_2278 = vector.broadcast %lt3A_2277 : i32 to vector<16xi32>
    %lt3A_2279 = arith.cmpi slt, %shift_right_arithmetic3A_23, %lt3A_2278 : vector<16xi32>
    %add3A_2280 = arith.constant 16 : i32
    %add3A_2281 = vector.broadcast %add3A_2280 : i32 to vector<16xi32>
    %add3A_2282 = arith.addi %shift_right_arithmetic3A_23, %add3A_2281 : vector<16xi32>
    %select_n3A_2283 = arith.select %lt3A_2279, %add3A_2282, %shift_right_arithmetic3A_23 : vector<16xi1>, vector<16xi32>
    %broadcast_in_dim3A_2284 = vector.shape_cast %select_n3A_2283 : vector<16xi32> to vector<16x1xi32>
    %gather3A_2285 = vector.shape_cast %broadcast_in_dim3A_2284 : vector<16x1xi32> to vector<16xi32>
    %gather3A_2286 = tpu.dynamic_gather %get3A_2276[%gather3A_2285] in [0] : vector<16xi32>, vector<16xi32> -> vector<16xi32>
    %lt3A_2287 = arith.constant 0 : i32
    %lt3A_2288 = vector.broadcast %lt3A_2287 : i32 to vector<16xi32>
    %lt3A_2289 = arith.cmpi slt, %gather3A_2286, %lt3A_2288 : vector<16xi32>
    %add3A_2290 = arith.constant 16 : i32
    %add3A_2291 = vector.broadcast %add3A_2290 : i32 to vector<16xi32>
    %add3A_2292 = arith.addi %gather3A_2286, %add3A_2291 : vector<16xi32>
    %select_n3A_2293 = arith.select %lt3A_2289, %add3A_2292, %gather3A_2286 : vector<16xi1>, vector<16xi32>
    %broadcast_in_dim3A_2294 = vector.shape_cast %select_n3A_2293 : vector<16xi32> to vector<16x1xi32>
    %gather3A_2295 = vector.shape_cast %broadcast_in_dim3A_2294 : vector<16x1xi32> to vector<16xi32>
    %gather3A_2296 = tpu.dynamic_gather %select_n3A_69[%gather3A_2295] in [0] : vector<16xf32>, vector<16xi32> -> vector<16xf32>
    %lt3A_2297 = arith.constant 0 : i32
    %lt3A_2298 = vector.broadcast %lt3A_2297 : i32 to vector<16xi32>
    %lt3A_2299 = arith.cmpi slt, %gather3A_2286, %lt3A_2298 : vector<16xi32>
    %add3A_2300 = arith.constant 16 : i32
    %add3A_2301 = vector.broadcast %add3A_2300 : i32 to vector<16xi32>
    %add3A_2302 = arith.addi %gather3A_2286, %add3A_2301 : vector<16xi32>
    %select_n3A_2303 = arith.select %lt3A_2299, %add3A_2302, %gather3A_2286 : vector<16xi1>, vector<16xi32>
    %broadcast_in_dim3A_2304 = vector.shape_cast %select_n3A_2303 : vector<16xi32> to vector<16x1xi32>
    %gather3A_2305 = vector.shape_cast %broadcast_in_dim3A_2304 : vector<16x1xi32> to vector<16xi32>
    %gather3A_2306 = tpu.dynamic_gather %select_n3A_108[%gather3A_2305] in [0] : vector<16xf32>, vector<16xi32> -> vector<16xf32>
    %select_n3A_2307 = arith.select %eq3A_30, %gather3A_2306, %gather3A_2296 : vector<16xi1>, vector<16xf32>
    %get3A_2308 = arith.constant 896 : index
    %get3A_2309 = tpu.vector_load %arg6[%get3A_2308] {strides = array<i32>} : memref<2048xf32, #tpu.memory_space<vmem>>, vector<16xf32>,
    %get3A_2310 = vector.shape_cast %get3A_2309 : vector<16xf32> to vector<16xf32>
    %sub3A_2311 = arith.subf %get3A_2310, %select_n3A_2307 : vector<16xf32>
    %mul3A_2312 = arith.mulf %sub3A_2311, %sub3A_2311 : vector<16xf32>
    %add3A_2313 = arith.addf %add3A_2273, %mul3A_2312 : vector<16xf32>
    %lt3A_2314 = arith.constant 0 : i32
    %lt3A_2315 = vector.broadcast %lt3A_2314 : i32 to vector<16xi32>
    %lt3A_2316 = arith.cmpi slt, %add3A_26, %lt3A_2315 : vector<16xi32>
    %add3A_2317 = arith.constant 16 : i32
    %add3A_2318 = vector.broadcast %add3A_2317 : i32 to vector<16xi32>
    %add3A_2319 = arith.addi %add3A_26, %add3A_2318 : vector<16xi32>
    %select_n3A_2320 = arith.select %lt3A_2316, %add3A_2319, %add3A_26 : vector<16xi1>, vector<16xi32>
    %broadcast_in_dim3A_2321 = vector.shape_cast %select_n3A_2320 : vector<16xi32> to vector<16x1xi32>
    %gather3A_2322 = vector.shape_cast %broadcast_in_dim3A_2321 : vector<16x1xi32> to vector<16xi32>
    %gather3A_2323 = tpu.dynamic_gather %get3A_2276[%gather3A_2322] in [0] : vector<16xi32>, vector<16xi32> -> vector<16xi32>
    %lt3A_2324 = arith.constant 0 : i32
    %lt3A_2325 = vector.broadcast %lt3A_2324 : i32 to vector<16xi32>
    %lt3A_2326 = arith.cmpi slt, %gather3A_2323, %lt3A_2325 : vector<16xi32>
    %add3A_2327 = arith.constant 16 : i32
    %add3A_2328 = vector.broadcast %add3A_2327 : i32 to vector<16xi32>
    %add3A_2329 = arith.addi %gather3A_2323, %add3A_2328 : vector<16xi32>
    %select_n3A_2330 = arith.select %lt3A_2326, %add3A_2329, %gather3A_2323 : vector<16xi1>, vector<16xi32>
    %broadcast_in_dim3A_2331 = vector.shape_cast %select_n3A_2330 : vector<16xi32> to vector<16x1xi32>
    %gather3A_2332 = vector.shape_cast %broadcast_in_dim3A_2331 : vector<16x1xi32> to vector<16xi32>
    %gather3A_2333 = tpu.dynamic_gather %select_n3A_69[%gather3A_2332] in [0] : vector<16xf32>, vector<16xi32> -> vector<16xf32>
    %lt3A_2334 = arith.constant 0 : i32
    %lt3A_2335 = vector.broadcast %lt3A_2334 : i32 to vector<16xi32>
    %lt3A_2336 = arith.cmpi slt, %gather3A_2323, %lt3A_2335 : vector<16xi32>
    %add3A_2337 = arith.constant 16 : i32
    %add3A_2338 = vector.broadcast %add3A_2337 : i32 to vector<16xi32>
    %add3A_2339 = arith.addi %gather3A_2323, %add3A_2338 : vector<16xi32>
    %select_n3A_2340 = arith.select %lt3A_2336, %add3A_2339, %gather3A_2323 : vector<16xi1>, vector<16xi32>
    %broadcast_in_dim3A_2341 = vector.shape_cast %select_n3A_2340 : vector<16xi32> to vector<16x1xi32>
    %gather3A_2342 = vector.shape_cast %broadcast_in_dim3A_2341 : vector<16x1xi32> to vector<16xi32>
    %gather3A_2343 = tpu.dynamic_gather %select_n3A_108[%gather3A_2342] in [0] : vector<16xf32>, vector<16xi32> -> vector<16xf32>
    %select_n3A_2344 = arith.select %eq3A_30, %gather3A_2343, %gather3A_2333 : vector<16xi1>, vector<16xf32>
    %get3A_2345 = arith.constant 912 : index
    %get3A_2346 = tpu.vector_load %arg6[%get3A_2345] {strides = array<i32>} : memref<2048xf32, #tpu.memory_space<vmem>>, vector<16xf32>,
    %get3A_2347 = vector.shape_cast %get3A_2346 : vector<16xf32> to vector<16xf32>
    %sub3A_2348 = arith.subf %get3A_2347, %select_n3A_2344 : vector<16xf32>
    %mul3A_2349 = arith.mulf %sub3A_2348, %sub3A_2348 : vector<16xf32>
    %add3A_2350 = arith.addf %add3A_2313, %mul3A_2349 : vector<16xf32>
    %get3A_2351 = arith.constant 464 : index
    %get3A_2352 = tpu.vector_load %arg7[%get3A_2351] {strides = array<i32>} : memref<1024xi32, #tpu.memory_space<vmem>>, vector<16xi32>,
    %get3A_2353 = vector.shape_cast %get3A_2352 : vector<16xi32> to vector<16xi32>
    %lt3A_2354 = arith.constant 0 : i32
    %lt3A_2355 = vector.broadcast %lt3A_2354 : i32 to vector<16xi32>
    %lt3A_2356 = arith.cmpi slt, %shift_right_arithmetic3A_23, %lt3A_2355 : vector<16xi32>
    %add3A_2357 = arith.constant 16 : i32
    %add3A_2358 = vector.broadcast %add3A_2357 : i32 to vector<16xi32>
    %add3A_2359 = arith.addi %shift_right_arithmetic3A_23, %add3A_2358 : vector<16xi32>
    %select_n3A_2360 = arith.select %lt3A_2356, %add3A_2359, %shift_right_arithmetic3A_23 : vector<16xi1>, vector<16xi32>
    %broadcast_in_dim3A_2361 = vector.shape_cast %select_n3A_2360 : vector<16xi32> to vector<16x1xi32>
    %gather3A_2362 = vector.shape_cast %broadcast_in_dim3A_2361 : vector<16x1xi32> to vector<16xi32>
    %gather3A_2363 = tpu.dynamic_gather %get3A_2353[%gather3A_2362] in [0] : vector<16xi32>, vector<16xi32> -> vector<16xi32>
    %lt3A_2364 = arith.constant 0 : i32
    %lt3A_2365 = vector.broadcast %lt3A_2364 : i32 to vector<16xi32>
    %lt3A_2366 = arith.cmpi slt, %gather3A_2363, %lt3A_2365 : vector<16xi32>
    %add3A_2367 = arith.constant 16 : i32
    %add3A_2368 = vector.broadcast %add3A_2367 : i32 to vector<16xi32>
    %add3A_2369 = arith.addi %gather3A_2363, %add3A_2368 : vector<16xi32>
    %select_n3A_2370 = arith.select %lt3A_2366, %add3A_2369, %gather3A_2363 : vector<16xi1>, vector<16xi32>
    %broadcast_in_dim3A_2371 = vector.shape_cast %select_n3A_2370 : vector<16xi32> to vector<16x1xi32>
    %gather3A_2372 = vector.shape_cast %broadcast_in_dim3A_2371 : vector<16x1xi32> to vector<16xi32>
    %gather3A_2373 = tpu.dynamic_gather %select_n3A_69[%gather3A_2372] in [0] : vector<16xf32>, vector<16xi32> -> vector<16xf32>
    %lt3A_2374 = arith.constant 0 : i32
    %lt3A_2375 = vector.broadcast %lt3A_2374 : i32 to vector<16xi32>
    %lt3A_2376 = arith.cmpi slt, %gather3A_2363, %lt3A_2375 : vector<16xi32>
    %add3A_2377 = arith.constant 16 : i32
    %add3A_2378 = vector.broadcast %add3A_2377 : i32 to vector<16xi32>
    %add3A_2379 = arith.addi %gather3A_2363, %add3A_2378 : vector<16xi32>
    %select_n3A_2380 = arith.select %lt3A_2376, %add3A_2379, %gather3A_2363 : vector<16xi1>, vector<16xi32>
    %broadcast_in_dim3A_2381 = vector.shape_cast %select_n3A_2380 : vector<16xi32> to vector<16x1xi32>
    %gather3A_2382 = vector.shape_cast %broadcast_in_dim3A_2381 : vector<16x1xi32> to vector<16xi32>
    %gather3A_2383 = tpu.dynamic_gather %select_n3A_108[%gather3A_2382] in [0] : vector<16xf32>, vector<16xi32> -> vector<16xf32>
    %select_n3A_2384 = arith.select %eq3A_30, %gather3A_2383, %gather3A_2373 : vector<16xi1>, vector<16xf32>
    %get3A_2385 = arith.constant 928 : index
    %get3A_2386 = tpu.vector_load %arg6[%get3A_2385] {strides = array<i32>} : memref<2048xf32, #tpu.memory_space<vmem>>, vector<16xf32>,
    %get3A_2387 = vector.shape_cast %get3A_2386 : vector<16xf32> to vector<16xf32>
    %sub3A_2388 = arith.subf %get3A_2387, %select_n3A_2384 : vector<16xf32>
    %mul3A_2389 = arith.mulf %sub3A_2388, %sub3A_2388 : vector<16xf32>
    %add3A_2390 = arith.addf %add3A_2350, %mul3A_2389 : vector<16xf32>
    %lt3A_2391 = arith.constant 0 : i32
    %lt3A_2392 = vector.broadcast %lt3A_2391 : i32 to vector<16xi32>
    %lt3A_2393 = arith.cmpi slt, %add3A_26, %lt3A_2392 : vector<16xi32>
    %add3A_2394 = arith.constant 16 : i32
    %add3A_2395 = vector.broadcast %add3A_2394 : i32 to vector<16xi32>
    %add3A_2396 = arith.addi %add3A_26, %add3A_2395 : vector<16xi32>
    %select_n3A_2397 = arith.select %lt3A_2393, %add3A_2396, %add3A_26 : vector<16xi1>, vector<16xi32>
    %broadcast_in_dim3A_2398 = vector.shape_cast %select_n3A_2397 : vector<16xi32> to vector<16x1xi32>
    %gather3A_2399 = vector.shape_cast %broadcast_in_dim3A_2398 : vector<16x1xi32> to vector<16xi32>
    %gather3A_2400 = tpu.dynamic_gather %get3A_2353[%gather3A_2399] in [0] : vector<16xi32>, vector<16xi32> -> vector<16xi32>
    %lt3A_2401 = arith.constant 0 : i32
    %lt3A_2402 = vector.broadcast %lt3A_2401 : i32 to vector<16xi32>
    %lt3A_2403 = arith.cmpi slt, %gather3A_2400, %lt3A_2402 : vector<16xi32>
    %add3A_2404 = arith.constant 16 : i32
    %add3A_2405 = vector.broadcast %add3A_2404 : i32 to vector<16xi32>
    %add3A_2406 = arith.addi %gather3A_2400, %add3A_2405 : vector<16xi32>
    %select_n3A_2407 = arith.select %lt3A_2403, %add3A_2406, %gather3A_2400 : vector<16xi1>, vector<16xi32>
    %broadcast_in_dim3A_2408 = vector.shape_cast %select_n3A_2407 : vector<16xi32> to vector<16x1xi32>
    %gather3A_2409 = vector.shape_cast %broadcast_in_dim3A_2408 : vector<16x1xi32> to vector<16xi32>
    %gather3A_2410 = tpu.dynamic_gather %select_n3A_69[%gather3A_2409] in [0] : vector<16xf32>, vector<16xi32> -> vector<16xf32>
    %lt3A_2411 = arith.constant 0 : i32
    %lt3A_2412 = vector.broadcast %lt3A_2411 : i32 to vector<16xi32>
    %lt3A_2413 = arith.cmpi slt, %gather3A_2400, %lt3A_2412 : vector<16xi32>
    %add3A_2414 = arith.constant 16 : i32
    %add3A_2415 = vector.broadcast %add3A_2414 : i32 to vector<16xi32>
    %add3A_2416 = arith.addi %gather3A_2400, %add3A_2415 : vector<16xi32>
    %select_n3A_2417 = arith.select %lt3A_2413, %add3A_2416, %gather3A_2400 : vector<16xi1>, vector<16xi32>
    %broadcast_in_dim3A_2418 = vector.shape_cast %select_n3A_2417 : vector<16xi32> to vector<16x1xi32>
    %gather3A_2419 = vector.shape_cast %broadcast_in_dim3A_2418 : vector<16x1xi32> to vector<16xi32>
    %gather3A_2420 = tpu.dynamic_gather %select_n3A_108[%gather3A_2419] in [0] : vector<16xf32>, vector<16xi32> -> vector<16xf32>
    %select_n3A_2421 = arith.select %eq3A_30, %gather3A_2420, %gather3A_2410 : vector<16xi1>, vector<16xf32>
    %get3A_2422 = arith.constant 944 : index
    %get3A_2423 = tpu.vector_load %arg6[%get3A_2422] {strides = array<i32>} : memref<2048xf32, #tpu.memory_space<vmem>>, vector<16xf32>,
    %get3A_2424 = vector.shape_cast %get3A_2423 : vector<16xf32> to vector<16xf32>
    %sub3A_2425 = arith.subf %get3A_2424, %select_n3A_2421 : vector<16xf32>
    %mul3A_2426 = arith.mulf %sub3A_2425, %sub3A_2425 : vector<16xf32>
    %add3A_2427 = arith.addf %add3A_2390, %mul3A_2426 : vector<16xf32>
    %get3A_2428 = arith.constant 480 : index
    %get3A_2429 = tpu.vector_load %arg7[%get3A_2428] {strides = array<i32>} : memref<1024xi32, #tpu.memory_space<vmem>>, vector<16xi32>,
    %get3A_2430 = vector.shape_cast %get3A_2429 : vector<16xi32> to vector<16xi32>
    %lt3A_2431 = arith.constant 0 : i32
    %lt3A_2432 = vector.broadcast %lt3A_2431 : i32 to vector<16xi32>
    %lt3A_2433 = arith.cmpi slt, %shift_right_arithmetic3A_23, %lt3A_2432 : vector<16xi32>
    %add3A_2434 = arith.constant 16 : i32
    %add3A_2435 = vector.broadcast %add3A_2434 : i32 to vector<16xi32>
    %add3A_2436 = arith.addi %shift_right_arithmetic3A_23, %add3A_2435 : vector<16xi32>
    %select_n3A_2437 = arith.select %lt3A_2433, %add3A_2436, %shift_right_arithmetic3A_23 : vector<16xi1>, vector<16xi32>
    %broadcast_in_dim3A_2438 = vector.shape_cast %select_n3A_2437 : vector<16xi32> to vector<16x1xi32>
    %gather3A_2439 = vector.shape_cast %broadcast_in_dim3A_2438 : vector<16x1xi32> to vector<16xi32>
    %gather3A_2440 = tpu.dynamic_gather %get3A_2430[%gather3A_2439] in [0] : vector<16xi32>, vector<16xi32> -> vector<16xi32>
    %lt3A_2441 = arith.constant 0 : i32
    %lt3A_2442 = vector.broadcast %lt3A_2441 : i32 to vector<16xi32>
    %lt3A_2443 = arith.cmpi slt, %gather3A_2440, %lt3A_2442 : vector<16xi32>
    %add3A_2444 = arith.constant 16 : i32
    %add3A_2445 = vector.broadcast %add3A_2444 : i32 to vector<16xi32>
    %add3A_2446 = arith.addi %gather3A_2440, %add3A_2445 : vector<16xi32>
    %select_n3A_2447 = arith.select %lt3A_2443, %add3A_2446, %gather3A_2440 : vector<16xi1>, vector<16xi32>
    %broadcast_in_dim3A_2448 = vector.shape_cast %select_n3A_2447 : vector<16xi32> to vector<16x1xi32>
    %gather3A_2449 = vector.shape_cast %broadcast_in_dim3A_2448 : vector<16x1xi32> to vector<16xi32>
    %gather3A_2450 = tpu.dynamic_gather %select_n3A_69[%gather3A_2449] in [0] : vector<16xf32>, vector<16xi32> -> vector<16xf32>
    %lt3A_2451 = arith.constant 0 : i32
    %lt3A_2452 = vector.broadcast %lt3A_2451 : i32 to vector<16xi32>
    %lt3A_2453 = arith.cmpi slt, %gather3A_2440, %lt3A_2452 : vector<16xi32>
    %add3A_2454 = arith.constant 16 : i32
    %add3A_2455 = vector.broadcast %add3A_2454 : i32 to vector<16xi32>
    %add3A_2456 = arith.addi %gather3A_2440, %add3A_2455 : vector<16xi32>
    %select_n3A_2457 = arith.select %lt3A_2453, %add3A_2456, %gather3A_2440 : vector<16xi1>, vector<16xi32>
    %broadcast_in_dim3A_2458 = vector.shape_cast %select_n3A_2457 : vector<16xi32> to vector<16x1xi32>
    %gather3A_2459 = vector.shape_cast %broadcast_in_dim3A_2458 : vector<16x1xi32> to vector<16xi32>
    %gather3A_2460 = tpu.dynamic_gather %select_n3A_108[%gather3A_2459] in [0] : vector<16xf32>, vector<16xi32> -> vector<16xf32>
    %select_n3A_2461 = arith.select %eq3A_30, %gather3A_2460, %gather3A_2450 : vector<16xi1>, vector<16xf32>
    %get3A_2462 = arith.constant 960 : index
    %get3A_2463 = tpu.vector_load %arg6[%get3A_2462] {strides = array<i32>} : memref<2048xf32, #tpu.memory_space<vmem>>, vector<16xf32>,
    %get3A_2464 = vector.shape_cast %get3A_2463 : vector<16xf32> to vector<16xf32>
    %sub3A_2465 = arith.subf %get3A_2464, %select_n3A_2461 : vector<16xf32>
    %mul3A_2466 = arith.mulf %sub3A_2465, %sub3A_2465 : vector<16xf32>
    %add3A_2467 = arith.addf %add3A_2427, %mul3A_2466 : vector<16xf32>
    %lt3A_2468 = arith.constant 0 : i32
    %lt3A_2469 = vector.broadcast %lt3A_2468 : i32 to vector<16xi32>
    %lt3A_2470 = arith.cmpi slt, %add3A_26, %lt3A_2469 : vector<16xi32>
    %add3A_2471 = arith.constant 16 : i32
    %add3A_2472 = vector.broadcast %add3A_2471 : i32 to vector<16xi32>
    %add3A_2473 = arith.addi %add3A_26, %add3A_2472 : vector<16xi32>
    %select_n3A_2474 = arith.select %lt3A_2470, %add3A_2473, %add3A_26 : vector<16xi1>, vector<16xi32>
    %broadcast_in_dim3A_2475 = vector.shape_cast %select_n3A_2474 : vector<16xi32> to vector<16x1xi32>
    %gather3A_2476 = vector.shape_cast %broadcast_in_dim3A_2475 : vector<16x1xi32> to vector<16xi32>
    %gather3A_2477 = tpu.dynamic_gather %get3A_2430[%gather3A_2476] in [0] : vector<16xi32>, vector<16xi32> -> vector<16xi32>
    %lt3A_2478 = arith.constant 0 : i32
    %lt3A_2479 = vector.broadcast %lt3A_2478 : i32 to vector<16xi32>
    %lt3A_2480 = arith.cmpi slt, %gather3A_2477, %lt3A_2479 : vector<16xi32>
    %add3A_2481 = arith.constant 16 : i32
    %add3A_2482 = vector.broadcast %add3A_2481 : i32 to vector<16xi32>
    %add3A_2483 = arith.addi %gather3A_2477, %add3A_2482 : vector<16xi32>
    %select_n3A_2484 = arith.select %lt3A_2480, %add3A_2483, %gather3A_2477 : vector<16xi1>, vector<16xi32>
    %broadcast_in_dim3A_2485 = vector.shape_cast %select_n3A_2484 : vector<16xi32> to vector<16x1xi32>
    %gather3A_2486 = vector.shape_cast %broadcast_in_dim3A_2485 : vector<16x1xi32> to vector<16xi32>
    %gather3A_2487 = tpu.dynamic_gather %select_n3A_69[%gather3A_2486] in [0] : vector<16xf32>, vector<16xi32> -> vector<16xf32>
    %lt3A_2488 = arith.constant 0 : i32
    %lt3A_2489 = vector.broadcast %lt3A_2488 : i32 to vector<16xi32>
    %lt3A_2490 = arith.cmpi slt, %gather3A_2477, %lt3A_2489 : vector<16xi32>
    %add3A_2491 = arith.constant 16 : i32
    %add3A_2492 = vector.broadcast %add3A_2491 : i32 to vector<16xi32>
    %add3A_2493 = arith.addi %gather3A_2477, %add3A_2492 : vector<16xi32>
    %select_n3A_2494 = arith.select %lt3A_2490, %add3A_2493, %gather3A_2477 : vector<16xi1>, vector<16xi32>
    %broadcast_in_dim3A_2495 = vector.shape_cast %select_n3A_2494 : vector<16xi32> to vector<16x1xi32>
    %gather3A_2496 = vector.shape_cast %broadcast_in_dim3A_2495 : vector<16x1xi32> to vector<16xi32>
    %gather3A_2497 = tpu.dynamic_gather %select_n3A_108[%gather3A_2496] in [0] : vector<16xf32>, vector<16xi32> -> vector<16xf32>
    %select_n3A_2498 = arith.select %eq3A_30, %gather3A_2497, %gather3A_2487 : vector<16xi1>, vector<16xf32>
    %get3A_2499 = arith.constant 976 : index
    %get3A_2500 = tpu.vector_load %arg6[%get3A_2499] {strides = array<i32>} : memref<2048xf32, #tpu.memory_space<vmem>>, vector<16xf32>,
    %get3A_2501 = vector.shape_cast %get3A_2500 : vector<16xf32> to vector<16xf32>
    %sub3A_2502 = arith.subf %get3A_2501, %select_n3A_2498 : vector<16xf32>
    %mul3A_2503 = arith.mulf %sub3A_2502, %sub3A_2502 : vector<16xf32>
    %add3A_2504 = arith.addf %add3A_2467, %mul3A_2503 : vector<16xf32>
    %get3A_2505 = arith.constant 496 : index
    %get3A_2506 = tpu.vector_load %arg7[%get3A_2505] {strides = array<i32>} : memref<1024xi32, #tpu.memory_space<vmem>>, vector<16xi32>,
    %get3A_2507 = vector.shape_cast %get3A_2506 : vector<16xi32> to vector<16xi32>
    %lt3A_2508 = arith.constant 0 : i32
    %lt3A_2509 = vector.broadcast %lt3A_2508 : i32 to vector<16xi32>
    %lt3A_2510 = arith.cmpi slt, %shift_right_arithmetic3A_23, %lt3A_2509 : vector<16xi32>
    %add3A_2511 = arith.constant 16 : i32
    %add3A_2512 = vector.broadcast %add3A_2511 : i32 to vector<16xi32>
    %add3A_2513 = arith.addi %shift_right_arithmetic3A_23, %add3A_2512 : vector<16xi32>
    %select_n3A_2514 = arith.select %lt3A_2510, %add3A_2513, %shift_right_arithmetic3A_23 : vector<16xi1>, vector<16xi32>
    %broadcast_in_dim3A_2515 = vector.shape_cast %select_n3A_2514 : vector<16xi32> to vector<16x1xi32>
    %gather3A_2516 = vector.shape_cast %broadcast_in_dim3A_2515 : vector<16x1xi32> to vector<16xi32>
    %gather3A_2517 = tpu.dynamic_gather %get3A_2507[%gather3A_2516] in [0] : vector<16xi32>, vector<16xi32> -> vector<16xi32>
    %lt3A_2518 = arith.constant 0 : i32
    %lt3A_2519 = vector.broadcast %lt3A_2518 : i32 to vector<16xi32>
    %lt3A_2520 = arith.cmpi slt, %gather3A_2517, %lt3A_2519 : vector<16xi32>
    %add3A_2521 = arith.constant 16 : i32
    %add3A_2522 = vector.broadcast %add3A_2521 : i32 to vector<16xi32>
    %add3A_2523 = arith.addi %gather3A_2517, %add3A_2522 : vector<16xi32>
    %select_n3A_2524 = arith.select %lt3A_2520, %add3A_2523, %gather3A_2517 : vector<16xi1>, vector<16xi32>
    %broadcast_in_dim3A_2525 = vector.shape_cast %select_n3A_2524 : vector<16xi32> to vector<16x1xi32>
    %gather3A_2526 = vector.shape_cast %broadcast_in_dim3A_2525 : vector<16x1xi32> to vector<16xi32>
    %gather3A_2527 = tpu.dynamic_gather %select_n3A_69[%gather3A_2526] in [0] : vector<16xf32>, vector<16xi32> -> vector<16xf32>
    %lt3A_2528 = arith.constant 0 : i32
    %lt3A_2529 = vector.broadcast %lt3A_2528 : i32 to vector<16xi32>
    %lt3A_2530 = arith.cmpi slt, %gather3A_2517, %lt3A_2529 : vector<16xi32>
    %add3A_2531 = arith.constant 16 : i32
    %add3A_2532 = vector.broadcast %add3A_2531 : i32 to vector<16xi32>
    %add3A_2533 = arith.addi %gather3A_2517, %add3A_2532 : vector<16xi32>
    %select_n3A_2534 = arith.select %lt3A_2530, %add3A_2533, %gather3A_2517 : vector<16xi1>, vector<16xi32>
    %broadcast_in_dim3A_2535 = vector.shape_cast %select_n3A_2534 : vector<16xi32> to vector<16x1xi32>
    %gather3A_2536 = vector.shape_cast %broadcast_in_dim3A_2535 : vector<16x1xi32> to vector<16xi32>
    %gather3A_2537 = tpu.dynamic_gather %select_n3A_108[%gather3A_2536] in [0] : vector<16xf32>, vector<16xi32> -> vector<16xf32>
    %select_n3A_2538 = arith.select %eq3A_30, %gather3A_2537, %gather3A_2527 : vector<16xi1>, vector<16xf32>
    %get3A_2539 = arith.constant 992 : index
    %get3A_2540 = tpu.vector_load %arg6[%get3A_2539] {strides = array<i32>} : memref<2048xf32, #tpu.memory_space<vmem>>, vector<16xf32>,
    %get3A_2541 = vector.shape_cast %get3A_2540 : vector<16xf32> to vector<16xf32>
    %sub3A_2542 = arith.subf %get3A_2541, %select_n3A_2538 : vector<16xf32>
    %mul3A_2543 = arith.mulf %sub3A_2542, %sub3A_2542 : vector<16xf32>
    %add3A_2544 = arith.addf %add3A_2504, %mul3A_2543 : vector<16xf32>
    %lt3A_2545 = arith.constant 0 : i32
    %lt3A_2546 = vector.broadcast %lt3A_2545 : i32 to vector<16xi32>
    %lt3A_2547 = arith.cmpi slt, %add3A_26, %lt3A_2546 : vector<16xi32>
    %add3A_2548 = arith.constant 16 : i32
    %add3A_2549 = vector.broadcast %add3A_2548 : i32 to vector<16xi32>
    %add3A_2550 = arith.addi %add3A_26, %add3A_2549 : vector<16xi32>
    %select_n3A_2551 = arith.select %lt3A_2547, %add3A_2550, %add3A_26 : vector<16xi1>, vector<16xi32>
    %broadcast_in_dim3A_2552 = vector.shape_cast %select_n3A_2551 : vector<16xi32> to vector<16x1xi32>
    %gather3A_2553 = vector.shape_cast %broadcast_in_dim3A_2552 : vector<16x1xi32> to vector<16xi32>
    %gather3A_2554 = tpu.dynamic_gather %get3A_2507[%gather3A_2553] in [0] : vector<16xi32>, vector<16xi32> -> vector<16xi32>
    %lt3A_2555 = arith.constant 0 : i32
    %lt3A_2556 = vector.broadcast %lt3A_2555 : i32 to vector<16xi32>
    %lt3A_2557 = arith.cmpi slt, %gather3A_2554, %lt3A_2556 : vector<16xi32>
    %add3A_2558 = arith.constant 16 : i32
    %add3A_2559 = vector.broadcast %add3A_2558 : i32 to vector<16xi32>
    %add3A_2560 = arith.addi %gather3A_2554, %add3A_2559 : vector<16xi32>
    %select_n3A_2561 = arith.select %lt3A_2557, %add3A_2560, %gather3A_2554 : vector<16xi1>, vector<16xi32>
    %broadcast_in_dim3A_2562 = vector.shape_cast %select_n3A_2561 : vector<16xi32> to vector<16x1xi32>
    %gather3A_2563 = vector.shape_cast %broadcast_in_dim3A_2562 : vector<16x1xi32> to vector<16xi32>
    %gather3A_2564 = tpu.dynamic_gather %select_n3A_69[%gather3A_2563] in [0] : vector<16xf32>, vector<16xi32> -> vector<16xf32>
    %lt3A_2565 = arith.constant 0 : i32
    %lt3A_2566 = vector.broadcast %lt3A_2565 : i32 to vector<16xi32>
    %lt3A_2567 = arith.cmpi slt, %gather3A_2554, %lt3A_2566 : vector<16xi32>
    %add3A_2568 = arith.constant 16 : i32
    %add3A_2569 = vector.broadcast %add3A_2568 : i32 to vector<16xi32>
    %add3A_2570 = arith.addi %gather3A_2554, %add3A_2569 : vector<16xi32>
    %select_n3A_2571 = arith.select %lt3A_2567, %add3A_2570, %gather3A_2554 : vector<16xi1>, vector<16xi32>
    %broadcast_in_dim3A_2572 = vector.shape_cast %select_n3A_2571 : vector<16xi32> to vector<16x1xi32>
    %gather3A_2573 = vector.shape_cast %broadcast_in_dim3A_2572 : vector<16x1xi32> to vector<16xi32>
    %gather3A_2574 = tpu.dynamic_gather %select_n3A_108[%gather3A_2573] in [0] : vector<16xf32>, vector<16xi32> -> vector<16xf32>
    %select_n3A_2575 = arith.select %eq3A_30, %gather3A_2574, %gather3A_2564 : vector<16xi1>, vector<16xf32>
    %get3A_2576 = arith.constant 1008 : index
    %get3A_2577 = tpu.vector_load %arg6[%get3A_2576] {strides = array<i32>} : memref<2048xf32, #tpu.memory_space<vmem>>, vector<16xf32>,
    %get3A_2578 = vector.shape_cast %get3A_2577 : vector<16xf32> to vector<16xf32>
    %sub3A_2579 = arith.subf %get3A_2578, %select_n3A_2575 : vector<16xf32>
    %mul3A_2580 = arith.mulf %sub3A_2579, %sub3A_2579 : vector<16xf32>
    %add3A_2581 = arith.addf %add3A_2544, %mul3A_2580 : vector<16xf32>
    %dma_wait3A_2582 = arith.constant 1024 : i32
    %dma_wait3A_2583 = tpu.memref_slice %arg6[%dma_wait3A_2582] : memref<2048xf32, #tpu.memory_space<vmem>> -> memref<1024xf32, #tpu.memory_space<vmem>>
    %dma_wait3A_2584 = tpu.memref_slice %arg2[%add3A_15] : memref<32768xf32, #tpu.memory_space<hbm>> -> memref<1024xf32, #tpu.memory_space<hbm>>
    %dma_wait3A_2585 = arith.constant 1024 : i32
    %dma_wait3A_2586 = tpu.memref_slice %arg6[%dma_wait3A_2585] : memref<2048xf32, #tpu.memory_space<vmem>> -> memref<1024xf32, #tpu.memory_space<vmem>>
    %dma_wait3A_2587 = tpu.memref_slice %arg2[%add3A_15] : memref<32768xf32, #tpu.memory_space<hbm>> -> memref<1024xf32, #tpu.memory_space<hbm>>
    tpu.wait_dma2 semaphore(%arg15 : memref<!tpu.dma_semaphore, #tpu.memory_space<semaphore_mem>>) src(%dma_wait3A_2587 : memref<1024xf32, #tpu.memory_space<hbm>>) dst(%dma_wait3A_2586 : memref<1024xf32, #tpu.memory_space<vmem>>)
    %get3A_2588 = arith.constant 512 : index
    %get3A_2589 = tpu.vector_load %arg7[%get3A_2588] {strides = array<i32>} : memref<1024xi32, #tpu.memory_space<vmem>>, vector<16xi32>,
    %get3A_2590 = vector.shape_cast %get3A_2589 : vector<16xi32> to vector<16xi32>
    %lt3A_2591 = arith.constant 0 : i32
    %lt3A_2592 = vector.broadcast %lt3A_2591 : i32 to vector<16xi32>
    %lt3A_2593 = arith.cmpi slt, %shift_right_arithmetic3A_23, %lt3A_2592 : vector<16xi32>
    %add3A_2594 = arith.constant 16 : i32
    %add3A_2595 = vector.broadcast %add3A_2594 : i32 to vector<16xi32>
    %add3A_2596 = arith.addi %shift_right_arithmetic3A_23, %add3A_2595 : vector<16xi32>
    %select_n3A_2597 = arith.select %lt3A_2593, %add3A_2596, %shift_right_arithmetic3A_23 : vector<16xi1>, vector<16xi32>
    %broadcast_in_dim3A_2598 = vector.shape_cast %select_n3A_2597 : vector<16xi32> to vector<16x1xi32>
    %gather3A_2599 = vector.shape_cast %broadcast_in_dim3A_2598 : vector<16x1xi32> to vector<16xi32>
    %gather3A_2600 = tpu.dynamic_gather %get3A_2590[%gather3A_2599] in [0] : vector<16xi32>, vector<16xi32> -> vector<16xi32>
    %lt3A_2601 = arith.constant 0 : i32
    %lt3A_2602 = vector.broadcast %lt3A_2601 : i32 to vector<16xi32>
    %lt3A_2603 = arith.cmpi slt, %gather3A_2600, %lt3A_2602 : vector<16xi32>
    %add3A_2604 = arith.constant 16 : i32
    %add3A_2605 = vector.broadcast %add3A_2604 : i32 to vector<16xi32>
    %add3A_2606 = arith.addi %gather3A_2600, %add3A_2605 : vector<16xi32>
    %select_n3A_2607 = arith.select %lt3A_2603, %add3A_2606, %gather3A_2600 : vector<16xi1>, vector<16xi32>
    %broadcast_in_dim3A_2608 = vector.shape_cast %select_n3A_2607 : vector<16xi32> to vector<16x1xi32>
    %gather3A_2609 = vector.shape_cast %broadcast_in_dim3A_2608 : vector<16x1xi32> to vector<16xi32>
    %gather3A_2610 = tpu.dynamic_gather %select_n3A_69[%gather3A_2609] in [0] : vector<16xf32>, vector<16xi32> -> vector<16xf32>
    %lt3A_2611 = arith.constant 0 : i32
    %lt3A_2612 = vector.broadcast %lt3A_2611 : i32 to vector<16xi32>
    %lt3A_2613 = arith.cmpi slt, %gather3A_2600, %lt3A_2612 : vector<16xi32>
    %add3A_2614 = arith.constant 16 : i32
    %add3A_2615 = vector.broadcast %add3A_2614 : i32 to vector<16xi32>
    %add3A_2616 = arith.addi %gather3A_2600, %add3A_2615 : vector<16xi32>
    %select_n3A_2617 = arith.select %lt3A_2613, %add3A_2616, %gather3A_2600 : vector<16xi1>, vector<16xi32>
    %broadcast_in_dim3A_2618 = vector.shape_cast %select_n3A_2617 : vector<16xi32> to vector<16x1xi32>
    %gather3A_2619 = vector.shape_cast %broadcast_in_dim3A_2618 : vector<16x1xi32> to vector<16xi32>
    %gather3A_2620 = tpu.dynamic_gather %select_n3A_108[%gather3A_2619] in [0] : vector<16xf32>, vector<16xi32> -> vector<16xf32>
    %select_n3A_2621 = arith.select %eq3A_30, %gather3A_2620, %gather3A_2610 : vector<16xi1>, vector<16xf32>
    %get3A_2622 = arith.constant 1024 : index
    %get3A_2623 = tpu.vector_load %arg6[%get3A_2622] {strides = array<i32>} : memref<2048xf32, #tpu.memory_space<vmem>>, vector<16xf32>,
    %get3A_2624 = vector.shape_cast %get3A_2623 : vector<16xf32> to vector<16xf32>
    %sub3A_2625 = arith.subf %get3A_2624, %select_n3A_2621 : vector<16xf32>
    %mul3A_2626 = arith.mulf %sub3A_2625, %sub3A_2625 : vector<16xf32>
    %add3A_2627 = arith.addf %add3A_2581, %mul3A_2626 : vector<16xf32>
    %lt3A_2628 = arith.constant 0 : i32
    %lt3A_2629 = vector.broadcast %lt3A_2628 : i32 to vector<16xi32>
    %lt3A_2630 = arith.cmpi slt, %add3A_26, %lt3A_2629 : vector<16xi32>
    %add3A_2631 = arith.constant 16 : i32
    %add3A_2632 = vector.broadcast %add3A_2631 : i32 to vector<16xi32>
    %add3A_2633 = arith.addi %add3A_26, %add3A_2632 : vector<16xi32>
    %select_n3A_2634 = arith.select %lt3A_2630, %add3A_2633, %add3A_26 : vector<16xi1>, vector<16xi32>
    %broadcast_in_dim3A_2635 = vector.shape_cast %select_n3A_2634 : vector<16xi32> to vector<16x1xi32>
    %gather3A_2636 = vector.shape_cast %broadcast_in_dim3A_2635 : vector<16x1xi32> to vector<16xi32>
    %gather3A_2637 = tpu.dynamic_gather %get3A_2590[%gather3A_2636] in [0] : vector<16xi32>, vector<16xi32> -> vector<16xi32>
    %lt3A_2638 = arith.constant 0 : i32
    %lt3A_2639 = vector.broadcast %lt3A_2638 : i32 to vector<16xi32>
    %lt3A_2640 = arith.cmpi slt, %gather3A_2637, %lt3A_2639 : vector<16xi32>
    %add3A_2641 = arith.constant 16 : i32
    %add3A_2642 = vector.broadcast %add3A_2641 : i32 to vector<16xi32>
    %add3A_2643 = arith.addi %gather3A_2637, %add3A_2642 : vector<16xi32>
    %select_n3A_2644 = arith.select %lt3A_2640, %add3A_2643, %gather3A_2637 : vector<16xi1>, vector<16xi32>
    %broadcast_in_dim3A_2645 = vector.shape_cast %select_n3A_2644 : vector<16xi32> to vector<16x1xi32>
    %gather3A_2646 = vector.shape_cast %broadcast_in_dim3A_2645 : vector<16x1xi32> to vector<16xi32>
    %gather3A_2647 = tpu.dynamic_gather %select_n3A_69[%gather3A_2646] in [0] : vector<16xf32>, vector<16xi32> -> vector<16xf32>
    %lt3A_2648 = arith.constant 0 : i32
    %lt3A_2649 = vector.broadcast %lt3A_2648 : i32 to vector<16xi32>
    %lt3A_2650 = arith.cmpi slt, %gather3A_2637, %lt3A_2649 : vector<16xi32>
    %add3A_2651 = arith.constant 16 : i32
    %add3A_2652 = vector.broadcast %add3A_2651 : i32 to vector<16xi32>
    %add3A_2653 = arith.addi %gather3A_2637, %add3A_2652 : vector<16xi32>
    %select_n3A_2654 = arith.select %lt3A_2650, %add3A_2653, %gather3A_2637 : vector<16xi1>, vector<16xi32>
    %broadcast_in_dim3A_2655 = vector.shape_cast %select_n3A_2654 : vector<16xi32> to vector<16x1xi32>
    %gather3A_2656 = vector.shape_cast %broadcast_in_dim3A_2655 : vector<16x1xi32> to vector<16xi32>
    %gather3A_2657 = tpu.dynamic_gather %select_n3A_108[%gather3A_2656] in [0] : vector<16xf32>, vector<16xi32> -> vector<16xf32>
    %select_n3A_2658 = arith.select %eq3A_30, %gather3A_2657, %gather3A_2647 : vector<16xi1>, vector<16xf32>
    %get3A_2659 = arith.constant 1040 : index
    %get3A_2660 = tpu.vector_load %arg6[%get3A_2659] {strides = array<i32>} : memref<2048xf32, #tpu.memory_space<vmem>>, vector<16xf32>,
    %get3A_2661 = vector.shape_cast %get3A_2660 : vector<16xf32> to vector<16xf32>
    %sub3A_2662 = arith.subf %get3A_2661, %select_n3A_2658 : vector<16xf32>
    %mul3A_2663 = arith.mulf %sub3A_2662, %sub3A_2662 : vector<16xf32>
    %add3A_2664 = arith.addf %add3A_2627, %mul3A_2663 : vector<16xf32>
    %get3A_2665 = arith.constant 528 : index
    %get3A_2666 = tpu.vector_load %arg7[%get3A_2665] {strides = array<i32>} : memref<1024xi32, #tpu.memory_space<vmem>>, vector<16xi32>,
    %get3A_2667 = vector.shape_cast %get3A_2666 : vector<16xi32> to vector<16xi32>
    %lt3A_2668 = arith.constant 0 : i32
    %lt3A_2669 = vector.broadcast %lt3A_2668 : i32 to vector<16xi32>
    %lt3A_2670 = arith.cmpi slt, %shift_right_arithmetic3A_23, %lt3A_2669 : vector<16xi32>
    %add3A_2671 = arith.constant 16 : i32
    %add3A_2672 = vector.broadcast %add3A_2671 : i32 to vector<16xi32>
    %add3A_2673 = arith.addi %shift_right_arithmetic3A_23, %add3A_2672 : vector<16xi32>
    %select_n3A_2674 = arith.select %lt3A_2670, %add3A_2673, %shift_right_arithmetic3A_23 : vector<16xi1>, vector<16xi32>
    %broadcast_in_dim3A_2675 = vector.shape_cast %select_n3A_2674 : vector<16xi32> to vector<16x1xi32>
    %gather3A_2676 = vector.shape_cast %broadcast_in_dim3A_2675 : vector<16x1xi32> to vector<16xi32>
    %gather3A_2677 = tpu.dynamic_gather %get3A_2667[%gather3A_2676] in [0] : vector<16xi32>, vector<16xi32> -> vector<16xi32>
    %lt3A_2678 = arith.constant 0 : i32
    %lt3A_2679 = vector.broadcast %lt3A_2678 : i32 to vector<16xi32>
    %lt3A_2680 = arith.cmpi slt, %gather3A_2677, %lt3A_2679 : vector<16xi32>
    %add3A_2681 = arith.constant 16 : i32
    %add3A_2682 = vector.broadcast %add3A_2681 : i32 to vector<16xi32>
    %add3A_2683 = arith.addi %gather3A_2677, %add3A_2682 : vector<16xi32>
    %select_n3A_2684 = arith.select %lt3A_2680, %add3A_2683, %gather3A_2677 : vector<16xi1>, vector<16xi32>
    %broadcast_in_dim3A_2685 = vector.shape_cast %select_n3A_2684 : vector<16xi32> to vector<16x1xi32>
    %gather3A_2686 = vector.shape_cast %broadcast_in_dim3A_2685 : vector<16x1xi32> to vector<16xi32>
    %gather3A_2687 = tpu.dynamic_gather %select_n3A_69[%gather3A_2686] in [0] : vector<16xf32>, vector<16xi32> -> vector<16xf32>
    %lt3A_2688 = arith.constant 0 : i32
    %lt3A_2689 = vector.broadcast %lt3A_2688 : i32 to vector<16xi32>
    %lt3A_2690 = arith.cmpi slt, %gather3A_2677, %lt3A_2689 : vector<16xi32>
    %add3A_2691 = arith.constant 16 : i32
    %add3A_2692 = vector.broadcast %add3A_2691 : i32 to vector<16xi32>
    %add3A_2693 = arith.addi %gather3A_2677, %add3A_2692 : vector<16xi32>
    %select_n3A_2694 = arith.select %lt3A_2690, %add3A_2693, %gather3A_2677 : vector<16xi1>, vector<16xi32>
    %broadcast_in_dim3A_2695 = vector.shape_cast %select_n3A_2694 : vector<16xi32> to vector<16x1xi32>
    %gather3A_2696 = vector.shape_cast %broadcast_in_dim3A_2695 : vector<16x1xi32> to vector<16xi32>
    %gather3A_2697 = tpu.dynamic_gather %select_n3A_108[%gather3A_2696] in [0] : vector<16xf32>, vector<16xi32> -> vector<16xf32>
    %select_n3A_2698 = arith.select %eq3A_30, %gather3A_2697, %gather3A_2687 : vector<16xi1>, vector<16xf32>
    %get3A_2699 = arith.constant 1056 : index
    %get3A_2700 = tpu.vector_load %arg6[%get3A_2699] {strides = array<i32>} : memref<2048xf32, #tpu.memory_space<vmem>>, vector<16xf32>,
    %get3A_2701 = vector.shape_cast %get3A_2700 : vector<16xf32> to vector<16xf32>
    %sub3A_2702 = arith.subf %get3A_2701, %select_n3A_2698 : vector<16xf32>
    %mul3A_2703 = arith.mulf %sub3A_2702, %sub3A_2702 : vector<16xf32>
    %add3A_2704 = arith.addf %add3A_2664, %mul3A_2703 : vector<16xf32>
    %lt3A_2705 = arith.constant 0 : i32
    %lt3A_2706 = vector.broadcast %lt3A_2705 : i32 to vector<16xi32>
    %lt3A_2707 = arith.cmpi slt, %add3A_26, %lt3A_2706 : vector<16xi32>
    %add3A_2708 = arith.constant 16 : i32
    %add3A_2709 = vector.broadcast %add3A_2708 : i32 to vector<16xi32>
    %add3A_2710 = arith.addi %add3A_26, %add3A_2709 : vector<16xi32>
    %select_n3A_2711 = arith.select %lt3A_2707, %add3A_2710, %add3A_26 : vector<16xi1>, vector<16xi32>
    %broadcast_in_dim3A_2712 = vector.shape_cast %select_n3A_2711 : vector<16xi32> to vector<16x1xi32>
    %gather3A_2713 = vector.shape_cast %broadcast_in_dim3A_2712 : vector<16x1xi32> to vector<16xi32>
    %gather3A_2714 = tpu.dynamic_gather %get3A_2667[%gather3A_2713] in [0] : vector<16xi32>, vector<16xi32> -> vector<16xi32>
    %lt3A_2715 = arith.constant 0 : i32
    %lt3A_2716 = vector.broadcast %lt3A_2715 : i32 to vector<16xi32>
    %lt3A_2717 = arith.cmpi slt, %gather3A_2714, %lt3A_2716 : vector<16xi32>
    %add3A_2718 = arith.constant 16 : i32
    %add3A_2719 = vector.broadcast %add3A_2718 : i32 to vector<16xi32>
    %add3A_2720 = arith.addi %gather3A_2714, %add3A_2719 : vector<16xi32>
    %select_n3A_2721 = arith.select %lt3A_2717, %add3A_2720, %gather3A_2714 : vector<16xi1>, vector<16xi32>
    %broadcast_in_dim3A_2722 = vector.shape_cast %select_n3A_2721 : vector<16xi32> to vector<16x1xi32>
    %gather3A_2723 = vector.shape_cast %broadcast_in_dim3A_2722 : vector<16x1xi32> to vector<16xi32>
    %gather3A_2724 = tpu.dynamic_gather %select_n3A_69[%gather3A_2723] in [0] : vector<16xf32>, vector<16xi32> -> vector<16xf32>
    %lt3A_2725 = arith.constant 0 : i32
    %lt3A_2726 = vector.broadcast %lt3A_2725 : i32 to vector<16xi32>
    %lt3A_2727 = arith.cmpi slt, %gather3A_2714, %lt3A_2726 : vector<16xi32>
    %add3A_2728 = arith.constant 16 : i32
    %add3A_2729 = vector.broadcast %add3A_2728 : i32 to vector<16xi32>
    %add3A_2730 = arith.addi %gather3A_2714, %add3A_2729 : vector<16xi32>
    %select_n3A_2731 = arith.select %lt3A_2727, %add3A_2730, %gather3A_2714 : vector<16xi1>, vector<16xi32>
    %broadcast_in_dim3A_2732 = vector.shape_cast %select_n3A_2731 : vector<16xi32> to vector<16x1xi32>
    %gather3A_2733 = vector.shape_cast %broadcast_in_dim3A_2732 : vector<16x1xi32> to vector<16xi32>
    %gather3A_2734 = tpu.dynamic_gather %select_n3A_108[%gather3A_2733] in [0] : vector<16xf32>, vector<16xi32> -> vector<16xf32>
    %select_n3A_2735 = arith.select %eq3A_30, %gather3A_2734, %gather3A_2724 : vector<16xi1>, vector<16xf32>
    %get3A_2736 = arith.constant 1072 : index
    %get3A_2737 = tpu.vector_load %arg6[%get3A_2736] {strides = array<i32>} : memref<2048xf32, #tpu.memory_space<vmem>>, vector<16xf32>,
    %get3A_2738 = vector.shape_cast %get3A_2737 : vector<16xf32> to vector<16xf32>
    %sub3A_2739 = arith.subf %get3A_2738, %select_n3A_2735 : vector<16xf32>
    %mul3A_2740 = arith.mulf %sub3A_2739, %sub3A_2739 : vector<16xf32>
    %add3A_2741 = arith.addf %add3A_2704, %mul3A_2740 : vector<16xf32>
    %get3A_2742 = arith.constant 544 : index
    %get3A_2743 = tpu.vector_load %arg7[%get3A_2742] {strides = array<i32>} : memref<1024xi32, #tpu.memory_space<vmem>>, vector<16xi32>,
    %get3A_2744 = vector.shape_cast %get3A_2743 : vector<16xi32> to vector<16xi32>
    %lt3A_2745 = arith.constant 0 : i32
    %lt3A_2746 = vector.broadcast %lt3A_2745 : i32 to vector<16xi32>
    %lt3A_2747 = arith.cmpi slt, %shift_right_arithmetic3A_23, %lt3A_2746 : vector<16xi32>
    %add3A_2748 = arith.constant 16 : i32
    %add3A_2749 = vector.broadcast %add3A_2748 : i32 to vector<16xi32>
    %add3A_2750 = arith.addi %shift_right_arithmetic3A_23, %add3A_2749 : vector<16xi32>
    %select_n3A_2751 = arith.select %lt3A_2747, %add3A_2750, %shift_right_arithmetic3A_23 : vector<16xi1>, vector<16xi32>
    %broadcast_in_dim3A_2752 = vector.shape_cast %select_n3A_2751 : vector<16xi32> to vector<16x1xi32>
    %gather3A_2753 = vector.shape_cast %broadcast_in_dim3A_2752 : vector<16x1xi32> to vector<16xi32>
    %gather3A_2754 = tpu.dynamic_gather %get3A_2744[%gather3A_2753] in [0] : vector<16xi32>, vector<16xi32> -> vector<16xi32>
    %lt3A_2755 = arith.constant 0 : i32
    %lt3A_2756 = vector.broadcast %lt3A_2755 : i32 to vector<16xi32>
    %lt3A_2757 = arith.cmpi slt, %gather3A_2754, %lt3A_2756 : vector<16xi32>
    %add3A_2758 = arith.constant 16 : i32
    %add3A_2759 = vector.broadcast %add3A_2758 : i32 to vector<16xi32>
    %add3A_2760 = arith.addi %gather3A_2754, %add3A_2759 : vector<16xi32>
    %select_n3A_2761 = arith.select %lt3A_2757, %add3A_2760, %gather3A_2754 : vector<16xi1>, vector<16xi32>
    %broadcast_in_dim3A_2762 = vector.shape_cast %select_n3A_2761 : vector<16xi32> to vector<16x1xi32>
    %gather3A_2763 = vector.shape_cast %broadcast_in_dim3A_2762 : vector<16x1xi32> to vector<16xi32>
    %gather3A_2764 = tpu.dynamic_gather %select_n3A_69[%gather3A_2763] in [0] : vector<16xf32>, vector<16xi32> -> vector<16xf32>
    %lt3A_2765 = arith.constant 0 : i32
    %lt3A_2766 = vector.broadcast %lt3A_2765 : i32 to vector<16xi32>
    %lt3A_2767 = arith.cmpi slt, %gather3A_2754, %lt3A_2766 : vector<16xi32>
    %add3A_2768 = arith.constant 16 : i32
    %add3A_2769 = vector.broadcast %add3A_2768 : i32 to vector<16xi32>
    %add3A_2770 = arith.addi %gather3A_2754, %add3A_2769 : vector<16xi32>
    %select_n3A_2771 = arith.select %lt3A_2767, %add3A_2770, %gather3A_2754 : vector<16xi1>, vector<16xi32>
    %broadcast_in_dim3A_2772 = vector.shape_cast %select_n3A_2771 : vector<16xi32> to vector<16x1xi32>
    %gather3A_2773 = vector.shape_cast %broadcast_in_dim3A_2772 : vector<16x1xi32> to vector<16xi32>
    %gather3A_2774 = tpu.dynamic_gather %select_n3A_108[%gather3A_2773] in [0] : vector<16xf32>, vector<16xi32> -> vector<16xf32>
    %select_n3A_2775 = arith.select %eq3A_30, %gather3A_2774, %gather3A_2764 : vector<16xi1>, vector<16xf32>
    %get3A_2776 = arith.constant 1088 : index
    %get3A_2777 = tpu.vector_load %arg6[%get3A_2776] {strides = array<i32>} : memref<2048xf32, #tpu.memory_space<vmem>>, vector<16xf32>,
    %get3A_2778 = vector.shape_cast %get3A_2777 : vector<16xf32> to vector<16xf32>
    %sub3A_2779 = arith.subf %get3A_2778, %select_n3A_2775 : vector<16xf32>
    %mul3A_2780 = arith.mulf %sub3A_2779, %sub3A_2779 : vector<16xf32>
    %add3A_2781 = arith.addf %add3A_2741, %mul3A_2780 : vector<16xf32>
    %lt3A_2782 = arith.constant 0 : i32
    %lt3A_2783 = vector.broadcast %lt3A_2782 : i32 to vector<16xi32>
    %lt3A_2784 = arith.cmpi slt, %add3A_26, %lt3A_2783 : vector<16xi32>
    %add3A_2785 = arith.constant 16 : i32
    %add3A_2786 = vector.broadcast %add3A_2785 : i32 to vector<16xi32>
    %add3A_2787 = arith.addi %add3A_26, %add3A_2786 : vector<16xi32>
    %select_n3A_2788 = arith.select %lt3A_2784, %add3A_2787, %add3A_26 : vector<16xi1>, vector<16xi32>
    %broadcast_in_dim3A_2789 = vector.shape_cast %select_n3A_2788 : vector<16xi32> to vector<16x1xi32>
    %gather3A_2790 = vector.shape_cast %broadcast_in_dim3A_2789 : vector<16x1xi32> to vector<16xi32>
    %gather3A_2791 = tpu.dynamic_gather %get3A_2744[%gather3A_2790] in [0] : vector<16xi32>, vector<16xi32> -> vector<16xi32>
    %lt3A_2792 = arith.constant 0 : i32
    %lt3A_2793 = vector.broadcast %lt3A_2792 : i32 to vector<16xi32>
    %lt3A_2794 = arith.cmpi slt, %gather3A_2791, %lt3A_2793 : vector<16xi32>
    %add3A_2795 = arith.constant 16 : i32
    %add3A_2796 = vector.broadcast %add3A_2795 : i32 to vector<16xi32>
    %add3A_2797 = arith.addi %gather3A_2791, %add3A_2796 : vector<16xi32>
    %select_n3A_2798 = arith.select %lt3A_2794, %add3A_2797, %gather3A_2791 : vector<16xi1>, vector<16xi32>
    %broadcast_in_dim3A_2799 = vector.shape_cast %select_n3A_2798 : vector<16xi32> to vector<16x1xi32>
    %gather3A_2800 = vector.shape_cast %broadcast_in_dim3A_2799 : vector<16x1xi32> to vector<16xi32>
    %gather3A_2801 = tpu.dynamic_gather %select_n3A_69[%gather3A_2800] in [0] : vector<16xf32>, vector<16xi32> -> vector<16xf32>
    %lt3A_2802 = arith.constant 0 : i32
    %lt3A_2803 = vector.broadcast %lt3A_2802 : i32 to vector<16xi32>
    %lt3A_2804 = arith.cmpi slt, %gather3A_2791, %lt3A_2803 : vector<16xi32>
    %add3A_2805 = arith.constant 16 : i32
    %add3A_2806 = vector.broadcast %add3A_2805 : i32 to vector<16xi32>
    %add3A_2807 = arith.addi %gather3A_2791, %add3A_2806 : vector<16xi32>
    %select_n3A_2808 = arith.select %lt3A_2804, %add3A_2807, %gather3A_2791 : vector<16xi1>, vector<16xi32>
    %broadcast_in_dim3A_2809 = vector.shape_cast %select_n3A_2808 : vector<16xi32> to vector<16x1xi32>
    %gather3A_2810 = vector.shape_cast %broadcast_in_dim3A_2809 : vector<16x1xi32> to vector<16xi32>
    %gather3A_2811 = tpu.dynamic_gather %select_n3A_108[%gather3A_2810] in [0] : vector<16xf32>, vector<16xi32> -> vector<16xf32>
    %select_n3A_2812 = arith.select %eq3A_30, %gather3A_2811, %gather3A_2801 : vector<16xi1>, vector<16xf32>
    %get3A_2813 = arith.constant 1104 : index
    %get3A_2814 = tpu.vector_load %arg6[%get3A_2813] {strides = array<i32>} : memref<2048xf32, #tpu.memory_space<vmem>>, vector<16xf32>,
    %get3A_2815 = vector.shape_cast %get3A_2814 : vector<16xf32> to vector<16xf32>
    %sub3A_2816 = arith.subf %get3A_2815, %select_n3A_2812 : vector<16xf32>
    %mul3A_2817 = arith.mulf %sub3A_2816, %sub3A_2816 : vector<16xf32>
    %add3A_2818 = arith.addf %add3A_2781, %mul3A_2817 : vector<16xf32>
    %get3A_2819 = arith.constant 560 : index
    %get3A_2820 = tpu.vector_load %arg7[%get3A_2819] {strides = array<i32>} : memref<1024xi32, #tpu.memory_space<vmem>>, vector<16xi32>,
    %get3A_2821 = vector.shape_cast %get3A_2820 : vector<16xi32> to vector<16xi32>
    %lt3A_2822 = arith.constant 0 : i32
    %lt3A_2823 = vector.broadcast %lt3A_2822 : i32 to vector<16xi32>
    %lt3A_2824 = arith.cmpi slt, %shift_right_arithmetic3A_23, %lt3A_2823 : vector<16xi32>
    %add3A_2825 = arith.constant 16 : i32
    %add3A_2826 = vector.broadcast %add3A_2825 : i32 to vector<16xi32>
    %add3A_2827 = arith.addi %shift_right_arithmetic3A_23, %add3A_2826 : vector<16xi32>
    %select_n3A_2828 = arith.select %lt3A_2824, %add3A_2827, %shift_right_arithmetic3A_23 : vector<16xi1>, vector<16xi32>
    %broadcast_in_dim3A_2829 = vector.shape_cast %select_n3A_2828 : vector<16xi32> to vector<16x1xi32>
    %gather3A_2830 = vector.shape_cast %broadcast_in_dim3A_2829 : vector<16x1xi32> to vector<16xi32>
    %gather3A_2831 = tpu.dynamic_gather %get3A_2821[%gather3A_2830] in [0] : vector<16xi32>, vector<16xi32> -> vector<16xi32>
    %lt3A_2832 = arith.constant 0 : i32
    %lt3A_2833 = vector.broadcast %lt3A_2832 : i32 to vector<16xi32>
    %lt3A_2834 = arith.cmpi slt, %gather3A_2831, %lt3A_2833 : vector<16xi32>
    %add3A_2835 = arith.constant 16 : i32
    %add3A_2836 = vector.broadcast %add3A_2835 : i32 to vector<16xi32>
    %add3A_2837 = arith.addi %gather3A_2831, %add3A_2836 : vector<16xi32>
    %select_n3A_2838 = arith.select %lt3A_2834, %add3A_2837, %gather3A_2831 : vector<16xi1>, vector<16xi32>
    %broadcast_in_dim3A_2839 = vector.shape_cast %select_n3A_2838 : vector<16xi32> to vector<16x1xi32>
    %gather3A_2840 = vector.shape_cast %broadcast_in_dim3A_2839 : vector<16x1xi32> to vector<16xi32>
    %gather3A_2841 = tpu.dynamic_gather %select_n3A_69[%gather3A_2840] in [0] : vector<16xf32>, vector<16xi32> -> vector<16xf32>
    %lt3A_2842 = arith.constant 0 : i32
    %lt3A_2843 = vector.broadcast %lt3A_2842 : i32 to vector<16xi32>
    %lt3A_2844 = arith.cmpi slt, %gather3A_2831, %lt3A_2843 : vector<16xi32>
    %add3A_2845 = arith.constant 16 : i32
    %add3A_2846 = vector.broadcast %add3A_2845 : i32 to vector<16xi32>
    %add3A_2847 = arith.addi %gather3A_2831, %add3A_2846 : vector<16xi32>
    %select_n3A_2848 = arith.select %lt3A_2844, %add3A_2847, %gather3A_2831 : vector<16xi1>, vector<16xi32>
    %broadcast_in_dim3A_2849 = vector.shape_cast %select_n3A_2848 : vector<16xi32> to vector<16x1xi32>
    %gather3A_2850 = vector.shape_cast %broadcast_in_dim3A_2849 : vector<16x1xi32> to vector<16xi32>
    %gather3A_2851 = tpu.dynamic_gather %select_n3A_108[%gather3A_2850] in [0] : vector<16xf32>, vector<16xi32> -> vector<16xf32>
    %select_n3A_2852 = arith.select %eq3A_30, %gather3A_2851, %gather3A_2841 : vector<16xi1>, vector<16xf32>
    %get3A_2853 = arith.constant 1120 : index
    %get3A_2854 = tpu.vector_load %arg6[%get3A_2853] {strides = array<i32>} : memref<2048xf32, #tpu.memory_space<vmem>>, vector<16xf32>,
    %get3A_2855 = vector.shape_cast %get3A_2854 : vector<16xf32> to vector<16xf32>
    %sub3A_2856 = arith.subf %get3A_2855, %select_n3A_2852 : vector<16xf32>
    %mul3A_2857 = arith.mulf %sub3A_2856, %sub3A_2856 : vector<16xf32>
    %add3A_2858 = arith.addf %add3A_2818, %mul3A_2857 : vector<16xf32>
    %lt3A_2859 = arith.constant 0 : i32
    %lt3A_2860 = vector.broadcast %lt3A_2859 : i32 to vector<16xi32>
    %lt3A_2861 = arith.cmpi slt, %add3A_26, %lt3A_2860 : vector<16xi32>
    %add3A_2862 = arith.constant 16 : i32
    %add3A_2863 = vector.broadcast %add3A_2862 : i32 to vector<16xi32>
    %add3A_2864 = arith.addi %add3A_26, %add3A_2863 : vector<16xi32>
    %select_n3A_2865 = arith.select %lt3A_2861, %add3A_2864, %add3A_26 : vector<16xi1>, vector<16xi32>
    %broadcast_in_dim3A_2866 = vector.shape_cast %select_n3A_2865 : vector<16xi32> to vector<16x1xi32>
    %gather3A_2867 = vector.shape_cast %broadcast_in_dim3A_2866 : vector<16x1xi32> to vector<16xi32>
    %gather3A_2868 = tpu.dynamic_gather %get3A_2821[%gather3A_2867] in [0] : vector<16xi32>, vector<16xi32> -> vector<16xi32>
    %lt3A_2869 = arith.constant 0 : i32
    %lt3A_2870 = vector.broadcast %lt3A_2869 : i32 to vector<16xi32>
    %lt3A_2871 = arith.cmpi slt, %gather3A_2868, %lt3A_2870 : vector<16xi32>
    %add3A_2872 = arith.constant 16 : i32
    %add3A_2873 = vector.broadcast %add3A_2872 : i32 to vector<16xi32>
    %add3A_2874 = arith.addi %gather3A_2868, %add3A_2873 : vector<16xi32>
    %select_n3A_2875 = arith.select %lt3A_2871, %add3A_2874, %gather3A_2868 : vector<16xi1>, vector<16xi32>
    %broadcast_in_dim3A_2876 = vector.shape_cast %select_n3A_2875 : vector<16xi32> to vector<16x1xi32>
    %gather3A_2877 = vector.shape_cast %broadcast_in_dim3A_2876 : vector<16x1xi32> to vector<16xi32>
    %gather3A_2878 = tpu.dynamic_gather %select_n3A_69[%gather3A_2877] in [0] : vector<16xf32>, vector<16xi32> -> vector<16xf32>
    %lt3A_2879 = arith.constant 0 : i32
    %lt3A_2880 = vector.broadcast %lt3A_2879 : i32 to vector<16xi32>
    %lt3A_2881 = arith.cmpi slt, %gather3A_2868, %lt3A_2880 : vector<16xi32>
    %add3A_2882 = arith.constant 16 : i32
    %add3A_2883 = vector.broadcast %add3A_2882 : i32 to vector<16xi32>
    %add3A_2884 = arith.addi %gather3A_2868, %add3A_2883 : vector<16xi32>
    %select_n3A_2885 = arith.select %lt3A_2881, %add3A_2884, %gather3A_2868 : vector<16xi1>, vector<16xi32>
    %broadcast_in_dim3A_2886 = vector.shape_cast %select_n3A_2885 : vector<16xi32> to vector<16x1xi32>
    %gather3A_2887 = vector.shape_cast %broadcast_in_dim3A_2886 : vector<16x1xi32> to vector<16xi32>
    %gather3A_2888 = tpu.dynamic_gather %select_n3A_108[%gather3A_2887] in [0] : vector<16xf32>, vector<16xi32> -> vector<16xf32>
    %select_n3A_2889 = arith.select %eq3A_30, %gather3A_2888, %gather3A_2878 : vector<16xi1>, vector<16xf32>
    %get3A_2890 = arith.constant 1136 : index
    %get3A_2891 = tpu.vector_load %arg6[%get3A_2890] {strides = array<i32>} : memref<2048xf32, #tpu.memory_space<vmem>>, vector<16xf32>,
    %get3A_2892 = vector.shape_cast %get3A_2891 : vector<16xf32> to vector<16xf32>
    %sub3A_2893 = arith.subf %get3A_2892, %select_n3A_2889 : vector<16xf32>
    %mul3A_2894 = arith.mulf %sub3A_2893, %sub3A_2893 : vector<16xf32>
    %add3A_2895 = arith.addf %add3A_2858, %mul3A_2894 : vector<16xf32>
    %get3A_2896 = arith.constant 576 : index
    %get3A_2897 = tpu.vector_load %arg7[%get3A_2896] {strides = array<i32>} : memref<1024xi32, #tpu.memory_space<vmem>>, vector<16xi32>,
    %get3A_2898 = vector.shape_cast %get3A_2897 : vector<16xi32> to vector<16xi32>
    %lt3A_2899 = arith.constant 0 : i32
    %lt3A_2900 = vector.broadcast %lt3A_2899 : i32 to vector<16xi32>
    %lt3A_2901 = arith.cmpi slt, %shift_right_arithmetic3A_23, %lt3A_2900 : vector<16xi32>
    %add3A_2902 = arith.constant 16 : i32
    %add3A_2903 = vector.broadcast %add3A_2902 : i32 to vector<16xi32>
    %add3A_2904 = arith.addi %shift_right_arithmetic3A_23, %add3A_2903 : vector<16xi32>
    %select_n3A_2905 = arith.select %lt3A_2901, %add3A_2904, %shift_right_arithmetic3A_23 : vector<16xi1>, vector<16xi32>
    %broadcast_in_dim3A_2906 = vector.shape_cast %select_n3A_2905 : vector<16xi32> to vector<16x1xi32>
    %gather3A_2907 = vector.shape_cast %broadcast_in_dim3A_2906 : vector<16x1xi32> to vector<16xi32>
    %gather3A_2908 = tpu.dynamic_gather %get3A_2898[%gather3A_2907] in [0] : vector<16xi32>, vector<16xi32> -> vector<16xi32>
    %lt3A_2909 = arith.constant 0 : i32
    %lt3A_2910 = vector.broadcast %lt3A_2909 : i32 to vector<16xi32>
    %lt3A_2911 = arith.cmpi slt, %gather3A_2908, %lt3A_2910 : vector<16xi32>
    %add3A_2912 = arith.constant 16 : i32
    %add3A_2913 = vector.broadcast %add3A_2912 : i32 to vector<16xi32>
    %add3A_2914 = arith.addi %gather3A_2908, %add3A_2913 : vector<16xi32>
    %select_n3A_2915 = arith.select %lt3A_2911, %add3A_2914, %gather3A_2908 : vector<16xi1>, vector<16xi32>
    %broadcast_in_dim3A_2916 = vector.shape_cast %select_n3A_2915 : vector<16xi32> to vector<16x1xi32>
    %gather3A_2917 = vector.shape_cast %broadcast_in_dim3A_2916 : vector<16x1xi32> to vector<16xi32>
    %gather3A_2918 = tpu.dynamic_gather %select_n3A_69[%gather3A_2917] in [0] : vector<16xf32>, vector<16xi32> -> vector<16xf32>
    %lt3A_2919 = arith.constant 0 : i32
    %lt3A_2920 = vector.broadcast %lt3A_2919 : i32 to vector<16xi32>
    %lt3A_2921 = arith.cmpi slt, %gather3A_2908, %lt3A_2920 : vector<16xi32>
    %add3A_2922 = arith.constant 16 : i32
    %add3A_2923 = vector.broadcast %add3A_2922 : i32 to vector<16xi32>
    %add3A_2924 = arith.addi %gather3A_2908, %add3A_2923 : vector<16xi32>
    %select_n3A_2925 = arith.select %lt3A_2921, %add3A_2924, %gather3A_2908 : vector<16xi1>, vector<16xi32>
    %broadcast_in_dim3A_2926 = vector.shape_cast %select_n3A_2925 : vector<16xi32> to vector<16x1xi32>
    %gather3A_2927 = vector.shape_cast %broadcast_in_dim3A_2926 : vector<16x1xi32> to vector<16xi32>
    %gather3A_2928 = tpu.dynamic_gather %select_n3A_108[%gather3A_2927] in [0] : vector<16xf32>, vector<16xi32> -> vector<16xf32>
    %select_n3A_2929 = arith.select %eq3A_30, %gather3A_2928, %gather3A_2918 : vector<16xi1>, vector<16xf32>
    %get3A_2930 = arith.constant 1152 : index
    %get3A_2931 = tpu.vector_load %arg6[%get3A_2930] {strides = array<i32>} : memref<2048xf32, #tpu.memory_space<vmem>>, vector<16xf32>,
    %get3A_2932 = vector.shape_cast %get3A_2931 : vector<16xf32> to vector<16xf32>
    %sub3A_2933 = arith.subf %get3A_2932, %select_n3A_2929 : vector<16xf32>
    %mul3A_2934 = arith.mulf %sub3A_2933, %sub3A_2933 : vector<16xf32>
    %add3A_2935 = arith.addf %add3A_2895, %mul3A_2934 : vector<16xf32>
    %lt3A_2936 = arith.constant 0 : i32
    %lt3A_2937 = vector.broadcast %lt3A_2936 : i32 to vector<16xi32>
    %lt3A_2938 = arith.cmpi slt, %add3A_26, %lt3A_2937 : vector<16xi32>
    %add3A_2939 = arith.constant 16 : i32
    %add3A_2940 = vector.broadcast %add3A_2939 : i32 to vector<16xi32>
    %add3A_2941 = arith.addi %add3A_26, %add3A_2940 : vector<16xi32>
    %select_n3A_2942 = arith.select %lt3A_2938, %add3A_2941, %add3A_26 : vector<16xi1>, vector<16xi32>
    %broadcast_in_dim3A_2943 = vector.shape_cast %select_n3A_2942 : vector<16xi32> to vector<16x1xi32>
    %gather3A_2944 = vector.shape_cast %broadcast_in_dim3A_2943 : vector<16x1xi32> to vector<16xi32>
    %gather3A_2945 = tpu.dynamic_gather %get3A_2898[%gather3A_2944] in [0] : vector<16xi32>, vector<16xi32> -> vector<16xi32>
    %lt3A_2946 = arith.constant 0 : i32
    %lt3A_2947 = vector.broadcast %lt3A_2946 : i32 to vector<16xi32>
    %lt3A_2948 = arith.cmpi slt, %gather3A_2945, %lt3A_2947 : vector<16xi32>
    %add3A_2949 = arith.constant 16 : i32
    %add3A_2950 = vector.broadcast %add3A_2949 : i32 to vector<16xi32>
    %add3A_2951 = arith.addi %gather3A_2945, %add3A_2950 : vector<16xi32>
    %select_n3A_2952 = arith.select %lt3A_2948, %add3A_2951, %gather3A_2945 : vector<16xi1>, vector<16xi32>
    %broadcast_in_dim3A_2953 = vector.shape_cast %select_n3A_2952 : vector<16xi32> to vector<16x1xi32>
    %gather3A_2954 = vector.shape_cast %broadcast_in_dim3A_2953 : vector<16x1xi32> to vector<16xi32>
    %gather3A_2955 = tpu.dynamic_gather %select_n3A_69[%gather3A_2954] in [0] : vector<16xf32>, vector<16xi32> -> vector<16xf32>
    %lt3A_2956 = arith.constant 0 : i32
    %lt3A_2957 = vector.broadcast %lt3A_2956 : i32 to vector<16xi32>
    %lt3A_2958 = arith.cmpi slt, %gather3A_2945, %lt3A_2957 : vector<16xi32>
    %add3A_2959 = arith.constant 16 : i32
    %add3A_2960 = vector.broadcast %add3A_2959 : i32 to vector<16xi32>
    %add3A_2961 = arith.addi %gather3A_2945, %add3A_2960 : vector<16xi32>
    %select_n3A_2962 = arith.select %lt3A_2958, %add3A_2961, %gather3A_2945 : vector<16xi1>, vector<16xi32>
    %broadcast_in_dim3A_2963 = vector.shape_cast %select_n3A_2962 : vector<16xi32> to vector<16x1xi32>
    %gather3A_2964 = vector.shape_cast %broadcast_in_dim3A_2963 : vector<16x1xi32> to vector<16xi32>
    %gather3A_2965 = tpu.dynamic_gather %select_n3A_108[%gather3A_2964] in [0] : vector<16xf32>, vector<16xi32> -> vector<16xf32>
    %select_n3A_2966 = arith.select %eq3A_30, %gather3A_2965, %gather3A_2955 : vector<16xi1>, vector<16xf32>
    %get3A_2967 = arith.constant 1168 : index
    %get3A_2968 = tpu.vector_load %arg6[%get3A_2967] {strides = array<i32>} : memref<2048xf32, #tpu.memory_space<vmem>>, vector<16xf32>,
    %get3A_2969 = vector.shape_cast %get3A_2968 : vector<16xf32> to vector<16xf32>
    %sub3A_2970 = arith.subf %get3A_2969, %select_n3A_2966 : vector<16xf32>
    %mul3A_2971 = arith.mulf %sub3A_2970, %sub3A_2970 : vector<16xf32>
    %add3A_2972 = arith.addf %add3A_2935, %mul3A_2971 : vector<16xf32>
    %get3A_2973 = arith.constant 592 : index
    %get3A_2974 = tpu.vector_load %arg7[%get3A_2973] {strides = array<i32>} : memref<1024xi32, #tpu.memory_space<vmem>>, vector<16xi32>,
    %get3A_2975 = vector.shape_cast %get3A_2974 : vector<16xi32> to vector<16xi32>
    %lt3A_2976 = arith.constant 0 : i32
    %lt3A_2977 = vector.broadcast %lt3A_2976 : i32 to vector<16xi32>
    %lt3A_2978 = arith.cmpi slt, %shift_right_arithmetic3A_23, %lt3A_2977 : vector<16xi32>
    %add3A_2979 = arith.constant 16 : i32
    %add3A_2980 = vector.broadcast %add3A_2979 : i32 to vector<16xi32>
    %add3A_2981 = arith.addi %shift_right_arithmetic3A_23, %add3A_2980 : vector<16xi32>
    %select_n3A_2982 = arith.select %lt3A_2978, %add3A_2981, %shift_right_arithmetic3A_23 : vector<16xi1>, vector<16xi32>
    %broadcast_in_dim3A_2983 = vector.shape_cast %select_n3A_2982 : vector<16xi32> to vector<16x1xi32>
    %gather3A_2984 = vector.shape_cast %broadcast_in_dim3A_2983 : vector<16x1xi32> to vector<16xi32>
    %gather3A_2985 = tpu.dynamic_gather %get3A_2975[%gather3A_2984] in [0] : vector<16xi32>, vector<16xi32> -> vector<16xi32>
    %lt3A_2986 = arith.constant 0 : i32
    %lt3A_2987 = vector.broadcast %lt3A_2986 : i32 to vector<16xi32>
    %lt3A_2988 = arith.cmpi slt, %gather3A_2985, %lt3A_2987 : vector<16xi32>
    %add3A_2989 = arith.constant 16 : i32
    %add3A_2990 = vector.broadcast %add3A_2989 : i32 to vector<16xi32>
    %add3A_2991 = arith.addi %gather3A_2985, %add3A_2990 : vector<16xi32>
    %select_n3A_2992 = arith.select %lt3A_2988, %add3A_2991, %gather3A_2985 : vector<16xi1>, vector<16xi32>
    %broadcast_in_dim3A_2993 = vector.shape_cast %select_n3A_2992 : vector<16xi32> to vector<16x1xi32>
    %gather3A_2994 = vector.shape_cast %broadcast_in_dim3A_2993 : vector<16x1xi32> to vector<16xi32>
    %gather3A_2995 = tpu.dynamic_gather %select_n3A_69[%gather3A_2994] in [0] : vector<16xf32>, vector<16xi32> -> vector<16xf32>
    %lt3A_2996 = arith.constant 0 : i32
    %lt3A_2997 = vector.broadcast %lt3A_2996 : i32 to vector<16xi32>
    %lt3A_2998 = arith.cmpi slt, %gather3A_2985, %lt3A_2997 : vector<16xi32>
    %add3A_2999 = arith.constant 16 : i32
    %add3A_3000 = vector.broadcast %add3A_2999 : i32 to vector<16xi32>
    %add3A_3001 = arith.addi %gather3A_2985, %add3A_3000 : vector<16xi32>
    %select_n3A_3002 = arith.select %lt3A_2998, %add3A_3001, %gather3A_2985 : vector<16xi1>, vector<16xi32>
    %broadcast_in_dim3A_3003 = vector.shape_cast %select_n3A_3002 : vector<16xi32> to vector<16x1xi32>
    %gather3A_3004 = vector.shape_cast %broadcast_in_dim3A_3003 : vector<16x1xi32> to vector<16xi32>
    %gather3A_3005 = tpu.dynamic_gather %select_n3A_108[%gather3A_3004] in [0] : vector<16xf32>, vector<16xi32> -> vector<16xf32>
    %select_n3A_3006 = arith.select %eq3A_30, %gather3A_3005, %gather3A_2995 : vector<16xi1>, vector<16xf32>
    %get3A_3007 = arith.constant 1184 : index
    %get3A_3008 = tpu.vector_load %arg6[%get3A_3007] {strides = array<i32>} : memref<2048xf32, #tpu.memory_space<vmem>>, vector<16xf32>,
    %get3A_3009 = vector.shape_cast %get3A_3008 : vector<16xf32> to vector<16xf32>
    %sub3A_3010 = arith.subf %get3A_3009, %select_n3A_3006 : vector<16xf32>
    %mul3A_3011 = arith.mulf %sub3A_3010, %sub3A_3010 : vector<16xf32>
    %add3A_3012 = arith.addf %add3A_2972, %mul3A_3011 : vector<16xf32>
    %lt3A_3013 = arith.constant 0 : i32
    %lt3A_3014 = vector.broadcast %lt3A_3013 : i32 to vector<16xi32>
    %lt3A_3015 = arith.cmpi slt, %add3A_26, %lt3A_3014 : vector<16xi32>
    %add3A_3016 = arith.constant 16 : i32
    %add3A_3017 = vector.broadcast %add3A_3016 : i32 to vector<16xi32>
    %add3A_3018 = arith.addi %add3A_26, %add3A_3017 : vector<16xi32>
    %select_n3A_3019 = arith.select %lt3A_3015, %add3A_3018, %add3A_26 : vector<16xi1>, vector<16xi32>
    %broadcast_in_dim3A_3020 = vector.shape_cast %select_n3A_3019 : vector<16xi32> to vector<16x1xi32>
    %gather3A_3021 = vector.shape_cast %broadcast_in_dim3A_3020 : vector<16x1xi32> to vector<16xi32>
    %gather3A_3022 = tpu.dynamic_gather %get3A_2975[%gather3A_3021] in [0] : vector<16xi32>, vector<16xi32> -> vector<16xi32>
    %lt3A_3023 = arith.constant 0 : i32
    %lt3A_3024 = vector.broadcast %lt3A_3023 : i32 to vector<16xi32>
    %lt3A_3025 = arith.cmpi slt, %gather3A_3022, %lt3A_3024 : vector<16xi32>
    %add3A_3026 = arith.constant 16 : i32
    %add3A_3027 = vector.broadcast %add3A_3026 : i32 to vector<16xi32>
    %add3A_3028 = arith.addi %gather3A_3022, %add3A_3027 : vector<16xi32>
    %select_n3A_3029 = arith.select %lt3A_3025, %add3A_3028, %gather3A_3022 : vector<16xi1>, vector<16xi32>
    %broadcast_in_dim3A_3030 = vector.shape_cast %select_n3A_3029 : vector<16xi32> to vector<16x1xi32>
    %gather3A_3031 = vector.shape_cast %broadcast_in_dim3A_3030 : vector<16x1xi32> to vector<16xi32>
    %gather3A_3032 = tpu.dynamic_gather %select_n3A_69[%gather3A_3031] in [0] : vector<16xf32>, vector<16xi32> -> vector<16xf32>
    %lt3A_3033 = arith.constant 0 : i32
    %lt3A_3034 = vector.broadcast %lt3A_3033 : i32 to vector<16xi32>
    %lt3A_3035 = arith.cmpi slt, %gather3A_3022, %lt3A_3034 : vector<16xi32>
    %add3A_3036 = arith.constant 16 : i32
    %add3A_3037 = vector.broadcast %add3A_3036 : i32 to vector<16xi32>
    %add3A_3038 = arith.addi %gather3A_3022, %add3A_3037 : vector<16xi32>
    %select_n3A_3039 = arith.select %lt3A_3035, %add3A_3038, %gather3A_3022 : vector<16xi1>, vector<16xi32>
    %broadcast_in_dim3A_3040 = vector.shape_cast %select_n3A_3039 : vector<16xi32> to vector<16x1xi32>
    %gather3A_3041 = vector.shape_cast %broadcast_in_dim3A_3040 : vector<16x1xi32> to vector<16xi32>
    %gather3A_3042 = tpu.dynamic_gather %select_n3A_108[%gather3A_3041] in [0] : vector<16xf32>, vector<16xi32> -> vector<16xf32>
    %select_n3A_3043 = arith.select %eq3A_30, %gather3A_3042, %gather3A_3032 : vector<16xi1>, vector<16xf32>
    %get3A_3044 = arith.constant 1200 : index
    %get3A_3045 = tpu.vector_load %arg6[%get3A_3044] {strides = array<i32>} : memref<2048xf32, #tpu.memory_space<vmem>>, vector<16xf32>,
    %get3A_3046 = vector.shape_cast %get3A_3045 : vector<16xf32> to vector<16xf32>
    %sub3A_3047 = arith.subf %get3A_3046, %select_n3A_3043 : vector<16xf32>
    %mul3A_3048 = arith.mulf %sub3A_3047, %sub3A_3047 : vector<16xf32>
    %add3A_3049 = arith.addf %add3A_3012, %mul3A_3048 : vector<16xf32>
    %get3A_3050 = arith.constant 608 : index
    %get3A_3051 = tpu.vector_load %arg7[%get3A_3050] {strides = array<i32>} : memref<1024xi32, #tpu.memory_space<vmem>>, vector<16xi32>,
    %get3A_3052 = vector.shape_cast %get3A_3051 : vector<16xi32> to vector<16xi32>
    %lt3A_3053 = arith.constant 0 : i32
    %lt3A_3054 = vector.broadcast %lt3A_3053 : i32 to vector<16xi32>
    %lt3A_3055 = arith.cmpi slt, %shift_right_arithmetic3A_23, %lt3A_3054 : vector<16xi32>
    %add3A_3056 = arith.constant 16 : i32
    %add3A_3057 = vector.broadcast %add3A_3056 : i32 to vector<16xi32>
    %add3A_3058 = arith.addi %shift_right_arithmetic3A_23, %add3A_3057 : vector<16xi32>
    %select_n3A_3059 = arith.select %lt3A_3055, %add3A_3058, %shift_right_arithmetic3A_23 : vector<16xi1>, vector<16xi32>
    %broadcast_in_dim3A_3060 = vector.shape_cast %select_n3A_3059 : vector<16xi32> to vector<16x1xi32>
    %gather3A_3061 = vector.shape_cast %broadcast_in_dim3A_3060 : vector<16x1xi32> to vector<16xi32>
    %gather3A_3062 = tpu.dynamic_gather %get3A_3052[%gather3A_3061] in [0] : vector<16xi32>, vector<16xi32> -> vector<16xi32>
    %lt3A_3063 = arith.constant 0 : i32
    %lt3A_3064 = vector.broadcast %lt3A_3063 : i32 to vector<16xi32>
    %lt3A_3065 = arith.cmpi slt, %gather3A_3062, %lt3A_3064 : vector<16xi32>
    %add3A_3066 = arith.constant 16 : i32
    %add3A_3067 = vector.broadcast %add3A_3066 : i32 to vector<16xi32>
    %add3A_3068 = arith.addi %gather3A_3062, %add3A_3067 : vector<16xi32>
    %select_n3A_3069 = arith.select %lt3A_3065, %add3A_3068, %gather3A_3062 : vector<16xi1>, vector<16xi32>
    %broadcast_in_dim3A_3070 = vector.shape_cast %select_n3A_3069 : vector<16xi32> to vector<16x1xi32>
    %gather3A_3071 = vector.shape_cast %broadcast_in_dim3A_3070 : vector<16x1xi32> to vector<16xi32>
    %gather3A_3072 = tpu.dynamic_gather %select_n3A_69[%gather3A_3071] in [0] : vector<16xf32>, vector<16xi32> -> vector<16xf32>
    %lt3A_3073 = arith.constant 0 : i32
    %lt3A_3074 = vector.broadcast %lt3A_3073 : i32 to vector<16xi32>
    %lt3A_3075 = arith.cmpi slt, %gather3A_3062, %lt3A_3074 : vector<16xi32>
    %add3A_3076 = arith.constant 16 : i32
    %add3A_3077 = vector.broadcast %add3A_3076 : i32 to vector<16xi32>
    %add3A_3078 = arith.addi %gather3A_3062, %add3A_3077 : vector<16xi32>
    %select_n3A_3079 = arith.select %lt3A_3075, %add3A_3078, %gather3A_3062 : vector<16xi1>, vector<16xi32>
    %broadcast_in_dim3A_3080 = vector.shape_cast %select_n3A_3079 : vector<16xi32> to vector<16x1xi32>
    %gather3A_3081 = vector.shape_cast %broadcast_in_dim3A_3080 : vector<16x1xi32> to vector<16xi32>
    %gather3A_3082 = tpu.dynamic_gather %select_n3A_108[%gather3A_3081] in [0] : vector<16xf32>, vector<16xi32> -> vector<16xf32>
    %select_n3A_3083 = arith.select %eq3A_30, %gather3A_3082, %gather3A_3072 : vector<16xi1>, vector<16xf32>
    %get3A_3084 = arith.constant 1216 : index
    %get3A_3085 = tpu.vector_load %arg6[%get3A_3084] {strides = array<i32>} : memref<2048xf32, #tpu.memory_space<vmem>>, vector<16xf32>,
    %get3A_3086 = vector.shape_cast %get3A_3085 : vector<16xf32> to vector<16xf32>
    %sub3A_3087 = arith.subf %get3A_3086, %select_n3A_3083 : vector<16xf32>
    %mul3A_3088 = arith.mulf %sub3A_3087, %sub3A_3087 : vector<16xf32>
    %add3A_3089 = arith.addf %add3A_3049, %mul3A_3088 : vector<16xf32>
    %lt3A_3090 = arith.constant 0 : i32
    %lt3A_3091 = vector.broadcast %lt3A_3090 : i32 to vector<16xi32>
    %lt3A_3092 = arith.cmpi slt, %add3A_26, %lt3A_3091 : vector<16xi32>
    %add3A_3093 = arith.constant 16 : i32
    %add3A_3094 = vector.broadcast %add3A_3093 : i32 to vector<16xi32>
    %add3A_3095 = arith.addi %add3A_26, %add3A_3094 : vector<16xi32>
    %select_n3A_3096 = arith.select %lt3A_3092, %add3A_3095, %add3A_26 : vector<16xi1>, vector<16xi32>
    %broadcast_in_dim3A_3097 = vector.shape_cast %select_n3A_3096 : vector<16xi32> to vector<16x1xi32>
    %gather3A_3098 = vector.shape_cast %broadcast_in_dim3A_3097 : vector<16x1xi32> to vector<16xi32>
    %gather3A_3099 = tpu.dynamic_gather %get3A_3052[%gather3A_3098] in [0] : vector<16xi32>, vector<16xi32> -> vector<16xi32>
    %lt3A_3100 = arith.constant 0 : i32
    %lt3A_3101 = vector.broadcast %lt3A_3100 : i32 to vector<16xi32>
    %lt3A_3102 = arith.cmpi slt, %gather3A_3099, %lt3A_3101 : vector<16xi32>
    %add3A_3103 = arith.constant 16 : i32
    %add3A_3104 = vector.broadcast %add3A_3103 : i32 to vector<16xi32>
    %add3A_3105 = arith.addi %gather3A_3099, %add3A_3104 : vector<16xi32>
    %select_n3A_3106 = arith.select %lt3A_3102, %add3A_3105, %gather3A_3099 : vector<16xi1>, vector<16xi32>
    %broadcast_in_dim3A_3107 = vector.shape_cast %select_n3A_3106 : vector<16xi32> to vector<16x1xi32>
    %gather3A_3108 = vector.shape_cast %broadcast_in_dim3A_3107 : vector<16x1xi32> to vector<16xi32>
    %gather3A_3109 = tpu.dynamic_gather %select_n3A_69[%gather3A_3108] in [0] : vector<16xf32>, vector<16xi32> -> vector<16xf32>
    %lt3A_3110 = arith.constant 0 : i32
    %lt3A_3111 = vector.broadcast %lt3A_3110 : i32 to vector<16xi32>
    %lt3A_3112 = arith.cmpi slt, %gather3A_3099, %lt3A_3111 : vector<16xi32>
    %add3A_3113 = arith.constant 16 : i32
    %add3A_3114 = vector.broadcast %add3A_3113 : i32 to vector<16xi32>
    %add3A_3115 = arith.addi %gather3A_3099, %add3A_3114 : vector<16xi32>
    %select_n3A_3116 = arith.select %lt3A_3112, %add3A_3115, %gather3A_3099 : vector<16xi1>, vector<16xi32>
    %broadcast_in_dim3A_3117 = vector.shape_cast %select_n3A_3116 : vector<16xi32> to vector<16x1xi32>
    %gather3A_3118 = vector.shape_cast %broadcast_in_dim3A_3117 : vector<16x1xi32> to vector<16xi32>
    %gather3A_3119 = tpu.dynamic_gather %select_n3A_108[%gather3A_3118] in [0] : vector<16xf32>, vector<16xi32> -> vector<16xf32>
    %select_n3A_3120 = arith.select %eq3A_30, %gather3A_3119, %gather3A_3109 : vector<16xi1>, vector<16xf32>
    %get3A_3121 = arith.constant 1232 : index
    %get3A_3122 = tpu.vector_load %arg6[%get3A_3121] {strides = array<i32>} : memref<2048xf32, #tpu.memory_space<vmem>>, vector<16xf32>,
    %get3A_3123 = vector.shape_cast %get3A_3122 : vector<16xf32> to vector<16xf32>
    %sub3A_3124 = arith.subf %get3A_3123, %select_n3A_3120 : vector<16xf32>
    %mul3A_3125 = arith.mulf %sub3A_3124, %sub3A_3124 : vector<16xf32>
    %add3A_3126 = arith.addf %add3A_3089, %mul3A_3125 : vector<16xf32>
    %get3A_3127 = arith.constant 624 : index
    %get3A_3128 = tpu.vector_load %arg7[%get3A_3127] {strides = array<i32>} : memref<1024xi32, #tpu.memory_space<vmem>>, vector<16xi32>,
    %get3A_3129 = vector.shape_cast %get3A_3128 : vector<16xi32> to vector<16xi32>
    %lt3A_3130 = arith.constant 0 : i32
    %lt3A_3131 = vector.broadcast %lt3A_3130 : i32 to vector<16xi32>
    %lt3A_3132 = arith.cmpi slt, %shift_right_arithmetic3A_23, %lt3A_3131 : vector<16xi32>
    %add3A_3133 = arith.constant 16 : i32
    %add3A_3134 = vector.broadcast %add3A_3133 : i32 to vector<16xi32>
    %add3A_3135 = arith.addi %shift_right_arithmetic3A_23, %add3A_3134 : vector<16xi32>
    %select_n3A_3136 = arith.select %lt3A_3132, %add3A_3135, %shift_right_arithmetic3A_23 : vector<16xi1>, vector<16xi32>
    %broadcast_in_dim3A_3137 = vector.shape_cast %select_n3A_3136 : vector<16xi32> to vector<16x1xi32>
    %gather3A_3138 = vector.shape_cast %broadcast_in_dim3A_3137 : vector<16x1xi32> to vector<16xi32>
    %gather3A_3139 = tpu.dynamic_gather %get3A_3129[%gather3A_3138] in [0] : vector<16xi32>, vector<16xi32> -> vector<16xi32>
    %lt3A_3140 = arith.constant 0 : i32
    %lt3A_3141 = vector.broadcast %lt3A_3140 : i32 to vector<16xi32>
    %lt3A_3142 = arith.cmpi slt, %gather3A_3139, %lt3A_3141 : vector<16xi32>
    %add3A_3143 = arith.constant 16 : i32
    %add3A_3144 = vector.broadcast %add3A_3143 : i32 to vector<16xi32>
    %add3A_3145 = arith.addi %gather3A_3139, %add3A_3144 : vector<16xi32>
    %select_n3A_3146 = arith.select %lt3A_3142, %add3A_3145, %gather3A_3139 : vector<16xi1>, vector<16xi32>
    %broadcast_in_dim3A_3147 = vector.shape_cast %select_n3A_3146 : vector<16xi32> to vector<16x1xi32>
    %gather3A_3148 = vector.shape_cast %broadcast_in_dim3A_3147 : vector<16x1xi32> to vector<16xi32>
    %gather3A_3149 = tpu.dynamic_gather %select_n3A_69[%gather3A_3148] in [0] : vector<16xf32>, vector<16xi32> -> vector<16xf32>
    %lt3A_3150 = arith.constant 0 : i32
    %lt3A_3151 = vector.broadcast %lt3A_3150 : i32 to vector<16xi32>
    %lt3A_3152 = arith.cmpi slt, %gather3A_3139, %lt3A_3151 : vector<16xi32>
    %add3A_3153 = arith.constant 16 : i32
    %add3A_3154 = vector.broadcast %add3A_3153 : i32 to vector<16xi32>
    %add3A_3155 = arith.addi %gather3A_3139, %add3A_3154 : vector<16xi32>
    %select_n3A_3156 = arith.select %lt3A_3152, %add3A_3155, %gather3A_3139 : vector<16xi1>, vector<16xi32>
    %broadcast_in_dim3A_3157 = vector.shape_cast %select_n3A_3156 : vector<16xi32> to vector<16x1xi32>
    %gather3A_3158 = vector.shape_cast %broadcast_in_dim3A_3157 : vector<16x1xi32> to vector<16xi32>
    %gather3A_3159 = tpu.dynamic_gather %select_n3A_108[%gather3A_3158] in [0] : vector<16xf32>, vector<16xi32> -> vector<16xf32>
    %select_n3A_3160 = arith.select %eq3A_30, %gather3A_3159, %gather3A_3149 : vector<16xi1>, vector<16xf32>
    %get3A_3161 = arith.constant 1248 : index
    %get3A_3162 = tpu.vector_load %arg6[%get3A_3161] {strides = array<i32>} : memref<2048xf32, #tpu.memory_space<vmem>>, vector<16xf32>,
    %get3A_3163 = vector.shape_cast %get3A_3162 : vector<16xf32> to vector<16xf32>
    %sub3A_3164 = arith.subf %get3A_3163, %select_n3A_3160 : vector<16xf32>
    %mul3A_3165 = arith.mulf %sub3A_3164, %sub3A_3164 : vector<16xf32>
    %add3A_3166 = arith.addf %add3A_3126, %mul3A_3165 : vector<16xf32>
    %lt3A_3167 = arith.constant 0 : i32
    %lt3A_3168 = vector.broadcast %lt3A_3167 : i32 to vector<16xi32>
    %lt3A_3169 = arith.cmpi slt, %add3A_26, %lt3A_3168 : vector<16xi32>
    %add3A_3170 = arith.constant 16 : i32
    %add3A_3171 = vector.broadcast %add3A_3170 : i32 to vector<16xi32>
    %add3A_3172 = arith.addi %add3A_26, %add3A_3171 : vector<16xi32>
    %select_n3A_3173 = arith.select %lt3A_3169, %add3A_3172, %add3A_26 : vector<16xi1>, vector<16xi32>
    %broadcast_in_dim3A_3174 = vector.shape_cast %select_n3A_3173 : vector<16xi32> to vector<16x1xi32>
    %gather3A_3175 = vector.shape_cast %broadcast_in_dim3A_3174 : vector<16x1xi32> to vector<16xi32>
    %gather3A_3176 = tpu.dynamic_gather %get3A_3129[%gather3A_3175] in [0] : vector<16xi32>, vector<16xi32> -> vector<16xi32>
    %lt3A_3177 = arith.constant 0 : i32
    %lt3A_3178 = vector.broadcast %lt3A_3177 : i32 to vector<16xi32>
    %lt3A_3179 = arith.cmpi slt, %gather3A_3176, %lt3A_3178 : vector<16xi32>
    %add3A_3180 = arith.constant 16 : i32
    %add3A_3181 = vector.broadcast %add3A_3180 : i32 to vector<16xi32>
    %add3A_3182 = arith.addi %gather3A_3176, %add3A_3181 : vector<16xi32>
    %select_n3A_3183 = arith.select %lt3A_3179, %add3A_3182, %gather3A_3176 : vector<16xi1>, vector<16xi32>
    %broadcast_in_dim3A_3184 = vector.shape_cast %select_n3A_3183 : vector<16xi32> to vector<16x1xi32>
    %gather3A_3185 = vector.shape_cast %broadcast_in_dim3A_3184 : vector<16x1xi32> to vector<16xi32>
    %gather3A_3186 = tpu.dynamic_gather %select_n3A_69[%gather3A_3185] in [0] : vector<16xf32>, vector<16xi32> -> vector<16xf32>
    %lt3A_3187 = arith.constant 0 : i32
    %lt3A_3188 = vector.broadcast %lt3A_3187 : i32 to vector<16xi32>
    %lt3A_3189 = arith.cmpi slt, %gather3A_3176, %lt3A_3188 : vector<16xi32>
    %add3A_3190 = arith.constant 16 : i32
    %add3A_3191 = vector.broadcast %add3A_3190 : i32 to vector<16xi32>
    %add3A_3192 = arith.addi %gather3A_3176, %add3A_3191 : vector<16xi32>
    %select_n3A_3193 = arith.select %lt3A_3189, %add3A_3192, %gather3A_3176 : vector<16xi1>, vector<16xi32>
    %broadcast_in_dim3A_3194 = vector.shape_cast %select_n3A_3193 : vector<16xi32> to vector<16x1xi32>
    %gather3A_3195 = vector.shape_cast %broadcast_in_dim3A_3194 : vector<16x1xi32> to vector<16xi32>
    %gather3A_3196 = tpu.dynamic_gather %select_n3A_108[%gather3A_3195] in [0] : vector<16xf32>, vector<16xi32> -> vector<16xf32>
    %select_n3A_3197 = arith.select %eq3A_30, %gather3A_3196, %gather3A_3186 : vector<16xi1>, vector<16xf32>
    %get3A_3198 = arith.constant 1264 : index
    %get3A_3199 = tpu.vector_load %arg6[%get3A_3198] {strides = array<i32>} : memref<2048xf32, #tpu.memory_space<vmem>>, vector<16xf32>,
    %get3A_3200 = vector.shape_cast %get3A_3199 : vector<16xf32> to vector<16xf32>
    %sub3A_3201 = arith.subf %get3A_3200, %select_n3A_3197 : vector<16xf32>
    %mul3A_3202 = arith.mulf %sub3A_3201, %sub3A_3201 : vector<16xf32>
    %add3A_3203 = arith.addf %add3A_3166, %mul3A_3202 : vector<16xf32>
    %get3A_3204 = arith.constant 640 : index
    %get3A_3205 = tpu.vector_load %arg7[%get3A_3204] {strides = array<i32>} : memref<1024xi32, #tpu.memory_space<vmem>>, vector<16xi32>,
    %get3A_3206 = vector.shape_cast %get3A_3205 : vector<16xi32> to vector<16xi32>
    %lt3A_3207 = arith.constant 0 : i32
    %lt3A_3208 = vector.broadcast %lt3A_3207 : i32 to vector<16xi32>
    %lt3A_3209 = arith.cmpi slt, %shift_right_arithmetic3A_23, %lt3A_3208 : vector<16xi32>
    %add3A_3210 = arith.constant 16 : i32
    %add3A_3211 = vector.broadcast %add3A_3210 : i32 to vector<16xi32>
    %add3A_3212 = arith.addi %shift_right_arithmetic3A_23, %add3A_3211 : vector<16xi32>
    %select_n3A_3213 = arith.select %lt3A_3209, %add3A_3212, %shift_right_arithmetic3A_23 : vector<16xi1>, vector<16xi32>
    %broadcast_in_dim3A_3214 = vector.shape_cast %select_n3A_3213 : vector<16xi32> to vector<16x1xi32>
    %gather3A_3215 = vector.shape_cast %broadcast_in_dim3A_3214 : vector<16x1xi32> to vector<16xi32>
    %gather3A_3216 = tpu.dynamic_gather %get3A_3206[%gather3A_3215] in [0] : vector<16xi32>, vector<16xi32> -> vector<16xi32>
    %lt3A_3217 = arith.constant 0 : i32
    %lt3A_3218 = vector.broadcast %lt3A_3217 : i32 to vector<16xi32>
    %lt3A_3219 = arith.cmpi slt, %gather3A_3216, %lt3A_3218 : vector<16xi32>
    %add3A_3220 = arith.constant 16 : i32
    %add3A_3221 = vector.broadcast %add3A_3220 : i32 to vector<16xi32>
    %add3A_3222 = arith.addi %gather3A_3216, %add3A_3221 : vector<16xi32>
    %select_n3A_3223 = arith.select %lt3A_3219, %add3A_3222, %gather3A_3216 : vector<16xi1>, vector<16xi32>
    %broadcast_in_dim3A_3224 = vector.shape_cast %select_n3A_3223 : vector<16xi32> to vector<16x1xi32>
    %gather3A_3225 = vector.shape_cast %broadcast_in_dim3A_3224 : vector<16x1xi32> to vector<16xi32>
    %gather3A_3226 = tpu.dynamic_gather %select_n3A_69[%gather3A_3225] in [0] : vector<16xf32>, vector<16xi32> -> vector<16xf32>
    %lt3A_3227 = arith.constant 0 : i32
    %lt3A_3228 = vector.broadcast %lt3A_3227 : i32 to vector<16xi32>
    %lt3A_3229 = arith.cmpi slt, %gather3A_3216, %lt3A_3228 : vector<16xi32>
    %add3A_3230 = arith.constant 16 : i32
    %add3A_3231 = vector.broadcast %add3A_3230 : i32 to vector<16xi32>
    %add3A_3232 = arith.addi %gather3A_3216, %add3A_3231 : vector<16xi32>
    %select_n3A_3233 = arith.select %lt3A_3229, %add3A_3232, %gather3A_3216 : vector<16xi1>, vector<16xi32>
    %broadcast_in_dim3A_3234 = vector.shape_cast %select_n3A_3233 : vector<16xi32> to vector<16x1xi32>
    %gather3A_3235 = vector.shape_cast %broadcast_in_dim3A_3234 : vector<16x1xi32> to vector<16xi32>
    %gather3A_3236 = tpu.dynamic_gather %select_n3A_108[%gather3A_3235] in [0] : vector<16xf32>, vector<16xi32> -> vector<16xf32>
    %select_n3A_3237 = arith.select %eq3A_30, %gather3A_3236, %gather3A_3226 : vector<16xi1>, vector<16xf32>
    %get3A_3238 = arith.constant 1280 : index
    %get3A_3239 = tpu.vector_load %arg6[%get3A_3238] {strides = array<i32>} : memref<2048xf32, #tpu.memory_space<vmem>>, vector<16xf32>,
    %get3A_3240 = vector.shape_cast %get3A_3239 : vector<16xf32> to vector<16xf32>
    %sub3A_3241 = arith.subf %get3A_3240, %select_n3A_3237 : vector<16xf32>
    %mul3A_3242 = arith.mulf %sub3A_3241, %sub3A_3241 : vector<16xf32>
    %add3A_3243 = arith.addf %add3A_3203, %mul3A_3242 : vector<16xf32>
    %lt3A_3244 = arith.constant 0 : i32
    %lt3A_3245 = vector.broadcast %lt3A_3244 : i32 to vector<16xi32>
    %lt3A_3246 = arith.cmpi slt, %add3A_26, %lt3A_3245 : vector<16xi32>
    %add3A_3247 = arith.constant 16 : i32
    %add3A_3248 = vector.broadcast %add3A_3247 : i32 to vector<16xi32>
    %add3A_3249 = arith.addi %add3A_26, %add3A_3248 : vector<16xi32>
    %select_n3A_3250 = arith.select %lt3A_3246, %add3A_3249, %add3A_26 : vector<16xi1>, vector<16xi32>
    %broadcast_in_dim3A_3251 = vector.shape_cast %select_n3A_3250 : vector<16xi32> to vector<16x1xi32>
    %gather3A_3252 = vector.shape_cast %broadcast_in_dim3A_3251 : vector<16x1xi32> to vector<16xi32>
    %gather3A_3253 = tpu.dynamic_gather %get3A_3206[%gather3A_3252] in [0] : vector<16xi32>, vector<16xi32> -> vector<16xi32>
    %lt3A_3254 = arith.constant 0 : i32
    %lt3A_3255 = vector.broadcast %lt3A_3254 : i32 to vector<16xi32>
    %lt3A_3256 = arith.cmpi slt, %gather3A_3253, %lt3A_3255 : vector<16xi32>
    %add3A_3257 = arith.constant 16 : i32
    %add3A_3258 = vector.broadcast %add3A_3257 : i32 to vector<16xi32>
    %add3A_3259 = arith.addi %gather3A_3253, %add3A_3258 : vector<16xi32>
    %select_n3A_3260 = arith.select %lt3A_3256, %add3A_3259, %gather3A_3253 : vector<16xi1>, vector<16xi32>
    %broadcast_in_dim3A_3261 = vector.shape_cast %select_n3A_3260 : vector<16xi32> to vector<16x1xi32>
    %gather3A_3262 = vector.shape_cast %broadcast_in_dim3A_3261 : vector<16x1xi32> to vector<16xi32>
    %gather3A_3263 = tpu.dynamic_gather %select_n3A_69[%gather3A_3262] in [0] : vector<16xf32>, vector<16xi32> -> vector<16xf32>
    %lt3A_3264 = arith.constant 0 : i32
    %lt3A_3265 = vector.broadcast %lt3A_3264 : i32 to vector<16xi32>
    %lt3A_3266 = arith.cmpi slt, %gather3A_3253, %lt3A_3265 : vector<16xi32>
    %add3A_3267 = arith.constant 16 : i32
    %add3A_3268 = vector.broadcast %add3A_3267 : i32 to vector<16xi32>
    %add3A_3269 = arith.addi %gather3A_3253, %add3A_3268 : vector<16xi32>
    %select_n3A_3270 = arith.select %lt3A_3266, %add3A_3269, %gather3A_3253 : vector<16xi1>, vector<16xi32>
    %broadcast_in_dim3A_3271 = vector.shape_cast %select_n3A_3270 : vector<16xi32> to vector<16x1xi32>
    %gather3A_3272 = vector.shape_cast %broadcast_in_dim3A_3271 : vector<16x1xi32> to vector<16xi32>
    %gather3A_3273 = tpu.dynamic_gather %select_n3A_108[%gather3A_3272] in [0] : vector<16xf32>, vector<16xi32> -> vector<16xf32>
    %select_n3A_3274 = arith.select %eq3A_30, %gather3A_3273, %gather3A_3263 : vector<16xi1>, vector<16xf32>
    %get3A_3275 = arith.constant 1296 : index
    %get3A_3276 = tpu.vector_load %arg6[%get3A_3275] {strides = array<i32>} : memref<2048xf32, #tpu.memory_space<vmem>>, vector<16xf32>,
    %get3A_3277 = vector.shape_cast %get3A_3276 : vector<16xf32> to vector<16xf32>
    %sub3A_3278 = arith.subf %get3A_3277, %select_n3A_3274 : vector<16xf32>
    %mul3A_3279 = arith.mulf %sub3A_3278, %sub3A_3278 : vector<16xf32>
    %add3A_3280 = arith.addf %add3A_3243, %mul3A_3279 : vector<16xf32>
    %get3A_3281 = arith.constant 656 : index
    %get3A_3282 = tpu.vector_load %arg7[%get3A_3281] {strides = array<i32>} : memref<1024xi32, #tpu.memory_space<vmem>>, vector<16xi32>,
    %get3A_3283 = vector.shape_cast %get3A_3282 : vector<16xi32> to vector<16xi32>
    %lt3A_3284 = arith.constant 0 : i32
    %lt3A_3285 = vector.broadcast %lt3A_3284 : i32 to vector<16xi32>
    %lt3A_3286 = arith.cmpi slt, %shift_right_arithmetic3A_23, %lt3A_3285 : vector<16xi32>
    %add3A_3287 = arith.constant 16 : i32
    %add3A_3288 = vector.broadcast %add3A_3287 : i32 to vector<16xi32>
    %add3A_3289 = arith.addi %shift_right_arithmetic3A_23, %add3A_3288 : vector<16xi32>
    %select_n3A_3290 = arith.select %lt3A_3286, %add3A_3289, %shift_right_arithmetic3A_23 : vector<16xi1>, vector<16xi32>
    %broadcast_in_dim3A_3291 = vector.shape_cast %select_n3A_3290 : vector<16xi32> to vector<16x1xi32>
    %gather3A_3292 = vector.shape_cast %broadcast_in_dim3A_3291 : vector<16x1xi32> to vector<16xi32>
    %gather3A_3293 = tpu.dynamic_gather %get3A_3283[%gather3A_3292] in [0] : vector<16xi32>, vector<16xi32> -> vector<16xi32>
    %lt3A_3294 = arith.constant 0 : i32
    %lt3A_3295 = vector.broadcast %lt3A_3294 : i32 to vector<16xi32>
    %lt3A_3296 = arith.cmpi slt, %gather3A_3293, %lt3A_3295 : vector<16xi32>
    %add3A_3297 = arith.constant 16 : i32
    %add3A_3298 = vector.broadcast %add3A_3297 : i32 to vector<16xi32>
    %add3A_3299 = arith.addi %gather3A_3293, %add3A_3298 : vector<16xi32>
    %select_n3A_3300 = arith.select %lt3A_3296, %add3A_3299, %gather3A_3293 : vector<16xi1>, vector<16xi32>
    %broadcast_in_dim3A_3301 = vector.shape_cast %select_n3A_3300 : vector<16xi32> to vector<16x1xi32>
    %gather3A_3302 = vector.shape_cast %broadcast_in_dim3A_3301 : vector<16x1xi32> to vector<16xi32>
    %gather3A_3303 = tpu.dynamic_gather %select_n3A_69[%gather3A_3302] in [0] : vector<16xf32>, vector<16xi32> -> vector<16xf32>
    %lt3A_3304 = arith.constant 0 : i32
    %lt3A_3305 = vector.broadcast %lt3A_3304 : i32 to vector<16xi32>
    %lt3A_3306 = arith.cmpi slt, %gather3A_3293, %lt3A_3305 : vector<16xi32>
    %add3A_3307 = arith.constant 16 : i32
    %add3A_3308 = vector.broadcast %add3A_3307 : i32 to vector<16xi32>
    %add3A_3309 = arith.addi %gather3A_3293, %add3A_3308 : vector<16xi32>
    %select_n3A_3310 = arith.select %lt3A_3306, %add3A_3309, %gather3A_3293 : vector<16xi1>, vector<16xi32>
    %broadcast_in_dim3A_3311 = vector.shape_cast %select_n3A_3310 : vector<16xi32> to vector<16x1xi32>
    %gather3A_3312 = vector.shape_cast %broadcast_in_dim3A_3311 : vector<16x1xi32> to vector<16xi32>
    %gather3A_3313 = tpu.dynamic_gather %select_n3A_108[%gather3A_3312] in [0] : vector<16xf32>, vector<16xi32> -> vector<16xf32>
    %select_n3A_3314 = arith.select %eq3A_30, %gather3A_3313, %gather3A_3303 : vector<16xi1>, vector<16xf32>
    %get3A_3315 = arith.constant 1312 : index
    %get3A_3316 = tpu.vector_load %arg6[%get3A_3315] {strides = array<i32>} : memref<2048xf32, #tpu.memory_space<vmem>>, vector<16xf32>,
    %get3A_3317 = vector.shape_cast %get3A_3316 : vector<16xf32> to vector<16xf32>
    %sub3A_3318 = arith.subf %get3A_3317, %select_n3A_3314 : vector<16xf32>
    %mul3A_3319 = arith.mulf %sub3A_3318, %sub3A_3318 : vector<16xf32>
    %add3A_3320 = arith.addf %add3A_3280, %mul3A_3319 : vector<16xf32>
    %lt3A_3321 = arith.constant 0 : i32
    %lt3A_3322 = vector.broadcast %lt3A_3321 : i32 to vector<16xi32>
    %lt3A_3323 = arith.cmpi slt, %add3A_26, %lt3A_3322 : vector<16xi32>
    %add3A_3324 = arith.constant 16 : i32
    %add3A_3325 = vector.broadcast %add3A_3324 : i32 to vector<16xi32>
    %add3A_3326 = arith.addi %add3A_26, %add3A_3325 : vector<16xi32>
    %select_n3A_3327 = arith.select %lt3A_3323, %add3A_3326, %add3A_26 : vector<16xi1>, vector<16xi32>
    %broadcast_in_dim3A_3328 = vector.shape_cast %select_n3A_3327 : vector<16xi32> to vector<16x1xi32>
    %gather3A_3329 = vector.shape_cast %broadcast_in_dim3A_3328 : vector<16x1xi32> to vector<16xi32>
    %gather3A_3330 = tpu.dynamic_gather %get3A_3283[%gather3A_3329] in [0] : vector<16xi32>, vector<16xi32> -> vector<16xi32>
    %lt3A_3331 = arith.constant 0 : i32
    %lt3A_3332 = vector.broadcast %lt3A_3331 : i32 to vector<16xi32>
    %lt3A_3333 = arith.cmpi slt, %gather3A_3330, %lt3A_3332 : vector<16xi32>
    %add3A_3334 = arith.constant 16 : i32
    %add3A_3335 = vector.broadcast %add3A_3334 : i32 to vector<16xi32>
    %add3A_3336 = arith.addi %gather3A_3330, %add3A_3335 : vector<16xi32>
    %select_n3A_3337 = arith.select %lt3A_3333, %add3A_3336, %gather3A_3330 : vector<16xi1>, vector<16xi32>
    %broadcast_in_dim3A_3338 = vector.shape_cast %select_n3A_3337 : vector<16xi32> to vector<16x1xi32>
    %gather3A_3339 = vector.shape_cast %broadcast_in_dim3A_3338 : vector<16x1xi32> to vector<16xi32>
    %gather3A_3340 = tpu.dynamic_gather %select_n3A_69[%gather3A_3339] in [0] : vector<16xf32>, vector<16xi32> -> vector<16xf32>
    %lt3A_3341 = arith.constant 0 : i32
    %lt3A_3342 = vector.broadcast %lt3A_3341 : i32 to vector<16xi32>
    %lt3A_3343 = arith.cmpi slt, %gather3A_3330, %lt3A_3342 : vector<16xi32>
    %add3A_3344 = arith.constant 16 : i32
    %add3A_3345 = vector.broadcast %add3A_3344 : i32 to vector<16xi32>
    %add3A_3346 = arith.addi %gather3A_3330, %add3A_3345 : vector<16xi32>
    %select_n3A_3347 = arith.select %lt3A_3343, %add3A_3346, %gather3A_3330 : vector<16xi1>, vector<16xi32>
    %broadcast_in_dim3A_3348 = vector.shape_cast %select_n3A_3347 : vector<16xi32> to vector<16x1xi32>
    %gather3A_3349 = vector.shape_cast %broadcast_in_dim3A_3348 : vector<16x1xi32> to vector<16xi32>
    %gather3A_3350 = tpu.dynamic_gather %select_n3A_108[%gather3A_3349] in [0] : vector<16xf32>, vector<16xi32> -> vector<16xf32>
    %select_n3A_3351 = arith.select %eq3A_30, %gather3A_3350, %gather3A_3340 : vector<16xi1>, vector<16xf32>
    %get3A_3352 = arith.constant 1328 : index
    %get3A_3353 = tpu.vector_load %arg6[%get3A_3352] {strides = array<i32>} : memref<2048xf32, #tpu.memory_space<vmem>>, vector<16xf32>,
    %get3A_3354 = vector.shape_cast %get3A_3353 : vector<16xf32> to vector<16xf32>
    %sub3A_3355 = arith.subf %get3A_3354, %select_n3A_3351 : vector<16xf32>
    %mul3A_3356 = arith.mulf %sub3A_3355, %sub3A_3355 : vector<16xf32>
    %add3A_3357 = arith.addf %add3A_3320, %mul3A_3356 : vector<16xf32>
    %get3A_3358 = arith.constant 672 : index
    %get3A_3359 = tpu.vector_load %arg7[%get3A_3358] {strides = array<i32>} : memref<1024xi32, #tpu.memory_space<vmem>>, vector<16xi32>,
    %get3A_3360 = vector.shape_cast %get3A_3359 : vector<16xi32> to vector<16xi32>
    %lt3A_3361 = arith.constant 0 : i32
    %lt3A_3362 = vector.broadcast %lt3A_3361 : i32 to vector<16xi32>
    %lt3A_3363 = arith.cmpi slt, %shift_right_arithmetic3A_23, %lt3A_3362 : vector<16xi32>
    %add3A_3364 = arith.constant 16 : i32
    %add3A_3365 = vector.broadcast %add3A_3364 : i32 to vector<16xi32>
    %add3A_3366 = arith.addi %shift_right_arithmetic3A_23, %add3A_3365 : vector<16xi32>
    %select_n3A_3367 = arith.select %lt3A_3363, %add3A_3366, %shift_right_arithmetic3A_23 : vector<16xi1>, vector<16xi32>
    %broadcast_in_dim3A_3368 = vector.shape_cast %select_n3A_3367 : vector<16xi32> to vector<16x1xi32>
    %gather3A_3369 = vector.shape_cast %broadcast_in_dim3A_3368 : vector<16x1xi32> to vector<16xi32>
    %gather3A_3370 = tpu.dynamic_gather %get3A_3360[%gather3A_3369] in [0] : vector<16xi32>, vector<16xi32> -> vector<16xi32>
    %lt3A_3371 = arith.constant 0 : i32
    %lt3A_3372 = vector.broadcast %lt3A_3371 : i32 to vector<16xi32>
    %lt3A_3373 = arith.cmpi slt, %gather3A_3370, %lt3A_3372 : vector<16xi32>
    %add3A_3374 = arith.constant 16 : i32
    %add3A_3375 = vector.broadcast %add3A_3374 : i32 to vector<16xi32>
    %add3A_3376 = arith.addi %gather3A_3370, %add3A_3375 : vector<16xi32>
    %select_n3A_3377 = arith.select %lt3A_3373, %add3A_3376, %gather3A_3370 : vector<16xi1>, vector<16xi32>
    %broadcast_in_dim3A_3378 = vector.shape_cast %select_n3A_3377 : vector<16xi32> to vector<16x1xi32>
    %gather3A_3379 = vector.shape_cast %broadcast_in_dim3A_3378 : vector<16x1xi32> to vector<16xi32>
    %gather3A_3380 = tpu.dynamic_gather %select_n3A_69[%gather3A_3379] in [0] : vector<16xf32>, vector<16xi32> -> vector<16xf32>
    %lt3A_3381 = arith.constant 0 : i32
    %lt3A_3382 = vector.broadcast %lt3A_3381 : i32 to vector<16xi32>
    %lt3A_3383 = arith.cmpi slt, %gather3A_3370, %lt3A_3382 : vector<16xi32>
    %add3A_3384 = arith.constant 16 : i32
    %add3A_3385 = vector.broadcast %add3A_3384 : i32 to vector<16xi32>
    %add3A_3386 = arith.addi %gather3A_3370, %add3A_3385 : vector<16xi32>
    %select_n3A_3387 = arith.select %lt3A_3383, %add3A_3386, %gather3A_3370 : vector<16xi1>, vector<16xi32>
    %broadcast_in_dim3A_3388 = vector.shape_cast %select_n3A_3387 : vector<16xi32> to vector<16x1xi32>
    %gather3A_3389 = vector.shape_cast %broadcast_in_dim3A_3388 : vector<16x1xi32> to vector<16xi32>
    %gather3A_3390 = tpu.dynamic_gather %select_n3A_108[%gather3A_3389] in [0] : vector<16xf32>, vector<16xi32> -> vector<16xf32>
    %select_n3A_3391 = arith.select %eq3A_30, %gather3A_3390, %gather3A_3380 : vector<16xi1>, vector<16xf32>
    %get3A_3392 = arith.constant 1344 : index
    %get3A_3393 = tpu.vector_load %arg6[%get3A_3392] {strides = array<i32>} : memref<2048xf32, #tpu.memory_space<vmem>>, vector<16xf32>,
    %get3A_3394 = vector.shape_cast %get3A_3393 : vector<16xf32> to vector<16xf32>
    %sub3A_3395 = arith.subf %get3A_3394, %select_n3A_3391 : vector<16xf32>
    %mul3A_3396 = arith.mulf %sub3A_3395, %sub3A_3395 : vector<16xf32>
    %add3A_3397 = arith.addf %add3A_3357, %mul3A_3396 : vector<16xf32>
    %lt3A_3398 = arith.constant 0 : i32
    %lt3A_3399 = vector.broadcast %lt3A_3398 : i32 to vector<16xi32>
    %lt3A_3400 = arith.cmpi slt, %add3A_26, %lt3A_3399 : vector<16xi32>
    %add3A_3401 = arith.constant 16 : i32
    %add3A_3402 = vector.broadcast %add3A_3401 : i32 to vector<16xi32>
    %add3A_3403 = arith.addi %add3A_26, %add3A_3402 : vector<16xi32>
    %select_n3A_3404 = arith.select %lt3A_3400, %add3A_3403, %add3A_26 : vector<16xi1>, vector<16xi32>
    %broadcast_in_dim3A_3405 = vector.shape_cast %select_n3A_3404 : vector<16xi32> to vector<16x1xi32>
    %gather3A_3406 = vector.shape_cast %broadcast_in_dim3A_3405 : vector<16x1xi32> to vector<16xi32>
    %gather3A_3407 = tpu.dynamic_gather %get3A_3360[%gather3A_3406] in [0] : vector<16xi32>, vector<16xi32> -> vector<16xi32>
    %lt3A_3408 = arith.constant 0 : i32
    %lt3A_3409 = vector.broadcast %lt3A_3408 : i32 to vector<16xi32>
    %lt3A_3410 = arith.cmpi slt, %gather3A_3407, %lt3A_3409 : vector<16xi32>
    %add3A_3411 = arith.constant 16 : i32
    %add3A_3412 = vector.broadcast %add3A_3411 : i32 to vector<16xi32>
    %add3A_3413 = arith.addi %gather3A_3407, %add3A_3412 : vector<16xi32>
    %select_n3A_3414 = arith.select %lt3A_3410, %add3A_3413, %gather3A_3407 : vector<16xi1>, vector<16xi32>
    %broadcast_in_dim3A_3415 = vector.shape_cast %select_n3A_3414 : vector<16xi32> to vector<16x1xi32>
    %gather3A_3416 = vector.shape_cast %broadcast_in_dim3A_3415 : vector<16x1xi32> to vector<16xi32>
    %gather3A_3417 = tpu.dynamic_gather %select_n3A_69[%gather3A_3416] in [0] : vector<16xf32>, vector<16xi32> -> vector<16xf32>
    %lt3A_3418 = arith.constant 0 : i32
    %lt3A_3419 = vector.broadcast %lt3A_3418 : i32 to vector<16xi32>
    %lt3A_3420 = arith.cmpi slt, %gather3A_3407, %lt3A_3419 : vector<16xi32>
    %add3A_3421 = arith.constant 16 : i32
    %add3A_3422 = vector.broadcast %add3A_3421 : i32 to vector<16xi32>
    %add3A_3423 = arith.addi %gather3A_3407, %add3A_3422 : vector<16xi32>
    %select_n3A_3424 = arith.select %lt3A_3420, %add3A_3423, %gather3A_3407 : vector<16xi1>, vector<16xi32>
    %broadcast_in_dim3A_3425 = vector.shape_cast %select_n3A_3424 : vector<16xi32> to vector<16x1xi32>
    %gather3A_3426 = vector.shape_cast %broadcast_in_dim3A_3425 : vector<16x1xi32> to vector<16xi32>
    %gather3A_3427 = tpu.dynamic_gather %select_n3A_108[%gather3A_3426] in [0] : vector<16xf32>, vector<16xi32> -> vector<16xf32>
    %select_n3A_3428 = arith.select %eq3A_30, %gather3A_3427, %gather3A_3417 : vector<16xi1>, vector<16xf32>
    %get3A_3429 = arith.constant 1360 : index
    %get3A_3430 = tpu.vector_load %arg6[%get3A_3429] {strides = array<i32>} : memref<2048xf32, #tpu.memory_space<vmem>>, vector<16xf32>,
    %get3A_3431 = vector.shape_cast %get3A_3430 : vector<16xf32> to vector<16xf32>
    %sub3A_3432 = arith.subf %get3A_3431, %select_n3A_3428 : vector<16xf32>
    %mul3A_3433 = arith.mulf %sub3A_3432, %sub3A_3432 : vector<16xf32>
    %add3A_3434 = arith.addf %add3A_3397, %mul3A_3433 : vector<16xf32>
    %get3A_3435 = arith.constant 688 : index
    %get3A_3436 = tpu.vector_load %arg7[%get3A_3435] {strides = array<i32>} : memref<1024xi32, #tpu.memory_space<vmem>>, vector<16xi32>,
    %get3A_3437 = vector.shape_cast %get3A_3436 : vector<16xi32> to vector<16xi32>
    %lt3A_3438 = arith.constant 0 : i32
    %lt3A_3439 = vector.broadcast %lt3A_3438 : i32 to vector<16xi32>
    %lt3A_3440 = arith.cmpi slt, %shift_right_arithmetic3A_23, %lt3A_3439 : vector<16xi32>
    %add3A_3441 = arith.constant 16 : i32
    %add3A_3442 = vector.broadcast %add3A_3441 : i32 to vector<16xi32>
    %add3A_3443 = arith.addi %shift_right_arithmetic3A_23, %add3A_3442 : vector<16xi32>
    %select_n3A_3444 = arith.select %lt3A_3440, %add3A_3443, %shift_right_arithmetic3A_23 : vector<16xi1>, vector<16xi32>
    %broadcast_in_dim3A_3445 = vector.shape_cast %select_n3A_3444 : vector<16xi32> to vector<16x1xi32>
    %gather3A_3446 = vector.shape_cast %broadcast_in_dim3A_3445 : vector<16x1xi32> to vector<16xi32>
    %gather3A_3447 = tpu.dynamic_gather %get3A_3437[%gather3A_3446] in [0] : vector<16xi32>, vector<16xi32> -> vector<16xi32>
    %lt3A_3448 = arith.constant 0 : i32
    %lt3A_3449 = vector.broadcast %lt3A_3448 : i32 to vector<16xi32>
    %lt3A_3450 = arith.cmpi slt, %gather3A_3447, %lt3A_3449 : vector<16xi32>
    %add3A_3451 = arith.constant 16 : i32
    %add3A_3452 = vector.broadcast %add3A_3451 : i32 to vector<16xi32>
    %add3A_3453 = arith.addi %gather3A_3447, %add3A_3452 : vector<16xi32>
    %select_n3A_3454 = arith.select %lt3A_3450, %add3A_3453, %gather3A_3447 : vector<16xi1>, vector<16xi32>
    %broadcast_in_dim3A_3455 = vector.shape_cast %select_n3A_3454 : vector<16xi32> to vector<16x1xi32>
    %gather3A_3456 = vector.shape_cast %broadcast_in_dim3A_3455 : vector<16x1xi32> to vector<16xi32>
    %gather3A_3457 = tpu.dynamic_gather %select_n3A_69[%gather3A_3456] in [0] : vector<16xf32>, vector<16xi32> -> vector<16xf32>
    %lt3A_3458 = arith.constant 0 : i32
    %lt3A_3459 = vector.broadcast %lt3A_3458 : i32 to vector<16xi32>
    %lt3A_3460 = arith.cmpi slt, %gather3A_3447, %lt3A_3459 : vector<16xi32>
    %add3A_3461 = arith.constant 16 : i32
    %add3A_3462 = vector.broadcast %add3A_3461 : i32 to vector<16xi32>
    %add3A_3463 = arith.addi %gather3A_3447, %add3A_3462 : vector<16xi32>
    %select_n3A_3464 = arith.select %lt3A_3460, %add3A_3463, %gather3A_3447 : vector<16xi1>, vector<16xi32>
    %broadcast_in_dim3A_3465 = vector.shape_cast %select_n3A_3464 : vector<16xi32> to vector<16x1xi32>
    %gather3A_3466 = vector.shape_cast %broadcast_in_dim3A_3465 : vector<16x1xi32> to vector<16xi32>
    %gather3A_3467 = tpu.dynamic_gather %select_n3A_108[%gather3A_3466] in [0] : vector<16xf32>, vector<16xi32> -> vector<16xf32>
    %select_n3A_3468 = arith.select %eq3A_30, %gather3A_3467, %gather3A_3457 : vector<16xi1>, vector<16xf32>
    %get3A_3469 = arith.constant 1376 : index
    %get3A_3470 = tpu.vector_load %arg6[%get3A_3469] {strides = array<i32>} : memref<2048xf32, #tpu.memory_space<vmem>>, vector<16xf32>,
    %get3A_3471 = vector.shape_cast %get3A_3470 : vector<16xf32> to vector<16xf32>
    %sub3A_3472 = arith.subf %get3A_3471, %select_n3A_3468 : vector<16xf32>
    %mul3A_3473 = arith.mulf %sub3A_3472, %sub3A_3472 : vector<16xf32>
    %add3A_3474 = arith.addf %add3A_3434, %mul3A_3473 : vector<16xf32>
    %lt3A_3475 = arith.constant 0 : i32
    %lt3A_3476 = vector.broadcast %lt3A_3475 : i32 to vector<16xi32>
    %lt3A_3477 = arith.cmpi slt, %add3A_26, %lt3A_3476 : vector<16xi32>
    %add3A_3478 = arith.constant 16 : i32
    %add3A_3479 = vector.broadcast %add3A_3478 : i32 to vector<16xi32>
    %add3A_3480 = arith.addi %add3A_26, %add3A_3479 : vector<16xi32>
    %select_n3A_3481 = arith.select %lt3A_3477, %add3A_3480, %add3A_26 : vector<16xi1>, vector<16xi32>
    %broadcast_in_dim3A_3482 = vector.shape_cast %select_n3A_3481 : vector<16xi32> to vector<16x1xi32>
    %gather3A_3483 = vector.shape_cast %broadcast_in_dim3A_3482 : vector<16x1xi32> to vector<16xi32>
    %gather3A_3484 = tpu.dynamic_gather %get3A_3437[%gather3A_3483] in [0] : vector<16xi32>, vector<16xi32> -> vector<16xi32>
    %lt3A_3485 = arith.constant 0 : i32
    %lt3A_3486 = vector.broadcast %lt3A_3485 : i32 to vector<16xi32>
    %lt3A_3487 = arith.cmpi slt, %gather3A_3484, %lt3A_3486 : vector<16xi32>
    %add3A_3488 = arith.constant 16 : i32
    %add3A_3489 = vector.broadcast %add3A_3488 : i32 to vector<16xi32>
    %add3A_3490 = arith.addi %gather3A_3484, %add3A_3489 : vector<16xi32>
    %select_n3A_3491 = arith.select %lt3A_3487, %add3A_3490, %gather3A_3484 : vector<16xi1>, vector<16xi32>
    %broadcast_in_dim3A_3492 = vector.shape_cast %select_n3A_3491 : vector<16xi32> to vector<16x1xi32>
    %gather3A_3493 = vector.shape_cast %broadcast_in_dim3A_3492 : vector<16x1xi32> to vector<16xi32>
    %gather3A_3494 = tpu.dynamic_gather %select_n3A_69[%gather3A_3493] in [0] : vector<16xf32>, vector<16xi32> -> vector<16xf32>
    %lt3A_3495 = arith.constant 0 : i32
    %lt3A_3496 = vector.broadcast %lt3A_3495 : i32 to vector<16xi32>
    %lt3A_3497 = arith.cmpi slt, %gather3A_3484, %lt3A_3496 : vector<16xi32>
    %add3A_3498 = arith.constant 16 : i32
    %add3A_3499 = vector.broadcast %add3A_3498 : i32 to vector<16xi32>
    %add3A_3500 = arith.addi %gather3A_3484, %add3A_3499 : vector<16xi32>
    %select_n3A_3501 = arith.select %lt3A_3497, %add3A_3500, %gather3A_3484 : vector<16xi1>, vector<16xi32>
    %broadcast_in_dim3A_3502 = vector.shape_cast %select_n3A_3501 : vector<16xi32> to vector<16x1xi32>
    %gather3A_3503 = vector.shape_cast %broadcast_in_dim3A_3502 : vector<16x1xi32> to vector<16xi32>
    %gather3A_3504 = tpu.dynamic_gather %select_n3A_108[%gather3A_3503] in [0] : vector<16xf32>, vector<16xi32> -> vector<16xf32>
    %select_n3A_3505 = arith.select %eq3A_30, %gather3A_3504, %gather3A_3494 : vector<16xi1>, vector<16xf32>
    %get3A_3506 = arith.constant 1392 : index
    %get3A_3507 = tpu.vector_load %arg6[%get3A_3506] {strides = array<i32>} : memref<2048xf32, #tpu.memory_space<vmem>>, vector<16xf32>,
    %get3A_3508 = vector.shape_cast %get3A_3507 : vector<16xf32> to vector<16xf32>
    %sub3A_3509 = arith.subf %get3A_3508, %select_n3A_3505 : vector<16xf32>
    %mul3A_3510 = arith.mulf %sub3A_3509, %sub3A_3509 : vector<16xf32>
    %add3A_3511 = arith.addf %add3A_3474, %mul3A_3510 : vector<16xf32>
    %get3A_3512 = arith.constant 704 : index
    %get3A_3513 = tpu.vector_load %arg7[%get3A_3512] {strides = array<i32>} : memref<1024xi32, #tpu.memory_space<vmem>>, vector<16xi32>,
    %get3A_3514 = vector.shape_cast %get3A_3513 : vector<16xi32> to vector<16xi32>
    %lt3A_3515 = arith.constant 0 : i32
    %lt3A_3516 = vector.broadcast %lt3A_3515 : i32 to vector<16xi32>
    %lt3A_3517 = arith.cmpi slt, %shift_right_arithmetic3A_23, %lt3A_3516 : vector<16xi32>
    %add3A_3518 = arith.constant 16 : i32
    %add3A_3519 = vector.broadcast %add3A_3518 : i32 to vector<16xi32>
    %add3A_3520 = arith.addi %shift_right_arithmetic3A_23, %add3A_3519 : vector<16xi32>
    %select_n3A_3521 = arith.select %lt3A_3517, %add3A_3520, %shift_right_arithmetic3A_23 : vector<16xi1>, vector<16xi32>
    %broadcast_in_dim3A_3522 = vector.shape_cast %select_n3A_3521 : vector<16xi32> to vector<16x1xi32>
    %gather3A_3523 = vector.shape_cast %broadcast_in_dim3A_3522 : vector<16x1xi32> to vector<16xi32>
    %gather3A_3524 = tpu.dynamic_gather %get3A_3514[%gather3A_3523] in [0] : vector<16xi32>, vector<16xi32> -> vector<16xi32>
    %lt3A_3525 = arith.constant 0 : i32
    %lt3A_3526 = vector.broadcast %lt3A_3525 : i32 to vector<16xi32>
    %lt3A_3527 = arith.cmpi slt, %gather3A_3524, %lt3A_3526 : vector<16xi32>
    %add3A_3528 = arith.constant 16 : i32
    %add3A_3529 = vector.broadcast %add3A_3528 : i32 to vector<16xi32>
    %add3A_3530 = arith.addi %gather3A_3524, %add3A_3529 : vector<16xi32>
    %select_n3A_3531 = arith.select %lt3A_3527, %add3A_3530, %gather3A_3524 : vector<16xi1>, vector<16xi32>
    %broadcast_in_dim3A_3532 = vector.shape_cast %select_n3A_3531 : vector<16xi32> to vector<16x1xi32>
    %gather3A_3533 = vector.shape_cast %broadcast_in_dim3A_3532 : vector<16x1xi32> to vector<16xi32>
    %gather3A_3534 = tpu.dynamic_gather %select_n3A_69[%gather3A_3533] in [0] : vector<16xf32>, vector<16xi32> -> vector<16xf32>
    %lt3A_3535 = arith.constant 0 : i32
    %lt3A_3536 = vector.broadcast %lt3A_3535 : i32 to vector<16xi32>
    %lt3A_3537 = arith.cmpi slt, %gather3A_3524, %lt3A_3536 : vector<16xi32>
    %add3A_3538 = arith.constant 16 : i32
    %add3A_3539 = vector.broadcast %add3A_3538 : i32 to vector<16xi32>
    %add3A_3540 = arith.addi %gather3A_3524, %add3A_3539 : vector<16xi32>
    %select_n3A_3541 = arith.select %lt3A_3537, %add3A_3540, %gather3A_3524 : vector<16xi1>, vector<16xi32>
    %broadcast_in_dim3A_3542 = vector.shape_cast %select_n3A_3541 : vector<16xi32> to vector<16x1xi32>
    %gather3A_3543 = vector.shape_cast %broadcast_in_dim3A_3542 : vector<16x1xi32> to vector<16xi32>
    %gather3A_3544 = tpu.dynamic_gather %select_n3A_108[%gather3A_3543] in [0] : vector<16xf32>, vector<16xi32> -> vector<16xf32>
    %select_n3A_3545 = arith.select %eq3A_30, %gather3A_3544, %gather3A_3534 : vector<16xi1>, vector<16xf32>
    %get3A_3546 = arith.constant 1408 : index
    %get3A_3547 = tpu.vector_load %arg6[%get3A_3546] {strides = array<i32>} : memref<2048xf32, #tpu.memory_space<vmem>>, vector<16xf32>,
    %get3A_3548 = vector.shape_cast %get3A_3547 : vector<16xf32> to vector<16xf32>
    %sub3A_3549 = arith.subf %get3A_3548, %select_n3A_3545 : vector<16xf32>
    %mul3A_3550 = arith.mulf %sub3A_3549, %sub3A_3549 : vector<16xf32>
    %add3A_3551 = arith.addf %add3A_3511, %mul3A_3550 : vector<16xf32>
    %lt3A_3552 = arith.constant 0 : i32
    %lt3A_3553 = vector.broadcast %lt3A_3552 : i32 to vector<16xi32>
    %lt3A_3554 = arith.cmpi slt, %add3A_26, %lt3A_3553 : vector<16xi32>
    %add3A_3555 = arith.constant 16 : i32
    %add3A_3556 = vector.broadcast %add3A_3555 : i32 to vector<16xi32>
    %add3A_3557 = arith.addi %add3A_26, %add3A_3556 : vector<16xi32>
    %select_n3A_3558 = arith.select %lt3A_3554, %add3A_3557, %add3A_26 : vector<16xi1>, vector<16xi32>
    %broadcast_in_dim3A_3559 = vector.shape_cast %select_n3A_3558 : vector<16xi32> to vector<16x1xi32>
    %gather3A_3560 = vector.shape_cast %broadcast_in_dim3A_3559 : vector<16x1xi32> to vector<16xi32>
    %gather3A_3561 = tpu.dynamic_gather %get3A_3514[%gather3A_3560] in [0] : vector<16xi32>, vector<16xi32> -> vector<16xi32>
    %lt3A_3562 = arith.constant 0 : i32
    %lt3A_3563 = vector.broadcast %lt3A_3562 : i32 to vector<16xi32>
    %lt3A_3564 = arith.cmpi slt, %gather3A_3561, %lt3A_3563 : vector<16xi32>
    %add3A_3565 = arith.constant 16 : i32
    %add3A_3566 = vector.broadcast %add3A_3565 : i32 to vector<16xi32>
    %add3A_3567 = arith.addi %gather3A_3561, %add3A_3566 : vector<16xi32>
    %select_n3A_3568 = arith.select %lt3A_3564, %add3A_3567, %gather3A_3561 : vector<16xi1>, vector<16xi32>
    %broadcast_in_dim3A_3569 = vector.shape_cast %select_n3A_3568 : vector<16xi32> to vector<16x1xi32>
    %gather3A_3570 = vector.shape_cast %broadcast_in_dim3A_3569 : vector<16x1xi32> to vector<16xi32>
    %gather3A_3571 = tpu.dynamic_gather %select_n3A_69[%gather3A_3570] in [0] : vector<16xf32>, vector<16xi32> -> vector<16xf32>
    %lt3A_3572 = arith.constant 0 : i32
    %lt3A_3573 = vector.broadcast %lt3A_3572 : i32 to vector<16xi32>
    %lt3A_3574 = arith.cmpi slt, %gather3A_3561, %lt3A_3573 : vector<16xi32>
    %add3A_3575 = arith.constant 16 : i32
    %add3A_3576 = vector.broadcast %add3A_3575 : i32 to vector<16xi32>
    %add3A_3577 = arith.addi %gather3A_3561, %add3A_3576 : vector<16xi32>
    %select_n3A_3578 = arith.select %lt3A_3574, %add3A_3577, %gather3A_3561 : vector<16xi1>, vector<16xi32>
    %broadcast_in_dim3A_3579 = vector.shape_cast %select_n3A_3578 : vector<16xi32> to vector<16x1xi32>
    %gather3A_3580 = vector.shape_cast %broadcast_in_dim3A_3579 : vector<16x1xi32> to vector<16xi32>
    %gather3A_3581 = tpu.dynamic_gather %select_n3A_108[%gather3A_3580] in [0] : vector<16xf32>, vector<16xi32> -> vector<16xf32>
    %select_n3A_3582 = arith.select %eq3A_30, %gather3A_3581, %gather3A_3571 : vector<16xi1>, vector<16xf32>
    %get3A_3583 = arith.constant 1424 : index
    %get3A_3584 = tpu.vector_load %arg6[%get3A_3583] {strides = array<i32>} : memref<2048xf32, #tpu.memory_space<vmem>>, vector<16xf32>,
    %get3A_3585 = vector.shape_cast %get3A_3584 : vector<16xf32> to vector<16xf32>
    %sub3A_3586 = arith.subf %get3A_3585, %select_n3A_3582 : vector<16xf32>
    %mul3A_3587 = arith.mulf %sub3A_3586, %sub3A_3586 : vector<16xf32>
    %add3A_3588 = arith.addf %add3A_3551, %mul3A_3587 : vector<16xf32>
    %get3A_3589 = arith.constant 720 : index
    %get3A_3590 = tpu.vector_load %arg7[%get3A_3589] {strides = array<i32>} : memref<1024xi32, #tpu.memory_space<vmem>>, vector<16xi32>,
    %get3A_3591 = vector.shape_cast %get3A_3590 : vector<16xi32> to vector<16xi32>
    %lt3A_3592 = arith.constant 0 : i32
    %lt3A_3593 = vector.broadcast %lt3A_3592 : i32 to vector<16xi32>
    %lt3A_3594 = arith.cmpi slt, %shift_right_arithmetic3A_23, %lt3A_3593 : vector<16xi32>
    %add3A_3595 = arith.constant 16 : i32
    %add3A_3596 = vector.broadcast %add3A_3595 : i32 to vector<16xi32>
    %add3A_3597 = arith.addi %shift_right_arithmetic3A_23, %add3A_3596 : vector<16xi32>
    %select_n3A_3598 = arith.select %lt3A_3594, %add3A_3597, %shift_right_arithmetic3A_23 : vector<16xi1>, vector<16xi32>
    %broadcast_in_dim3A_3599 = vector.shape_cast %select_n3A_3598 : vector<16xi32> to vector<16x1xi32>
    %gather3A_3600 = vector.shape_cast %broadcast_in_dim3A_3599 : vector<16x1xi32> to vector<16xi32>
    %gather3A_3601 = tpu.dynamic_gather %get3A_3591[%gather3A_3600] in [0] : vector<16xi32>, vector<16xi32> -> vector<16xi32>
    %lt3A_3602 = arith.constant 0 : i32
    %lt3A_3603 = vector.broadcast %lt3A_3602 : i32 to vector<16xi32>
    %lt3A_3604 = arith.cmpi slt, %gather3A_3601, %lt3A_3603 : vector<16xi32>
    %add3A_3605 = arith.constant 16 : i32
    %add3A_3606 = vector.broadcast %add3A_3605 : i32 to vector<16xi32>
    %add3A_3607 = arith.addi %gather3A_3601, %add3A_3606 : vector<16xi32>
    %select_n3A_3608 = arith.select %lt3A_3604, %add3A_3607, %gather3A_3601 : vector<16xi1>, vector<16xi32>
    %broadcast_in_dim3A_3609 = vector.shape_cast %select_n3A_3608 : vector<16xi32> to vector<16x1xi32>
    %gather3A_3610 = vector.shape_cast %broadcast_in_dim3A_3609 : vector<16x1xi32> to vector<16xi32>
    %gather3A_3611 = tpu.dynamic_gather %select_n3A_69[%gather3A_3610] in [0] : vector<16xf32>, vector<16xi32> -> vector<16xf32>
    %lt3A_3612 = arith.constant 0 : i32
    %lt3A_3613 = vector.broadcast %lt3A_3612 : i32 to vector<16xi32>
    %lt3A_3614 = arith.cmpi slt, %gather3A_3601, %lt3A_3613 : vector<16xi32>
    %add3A_3615 = arith.constant 16 : i32
    %add3A_3616 = vector.broadcast %add3A_3615 : i32 to vector<16xi32>
    %add3A_3617 = arith.addi %gather3A_3601, %add3A_3616 : vector<16xi32>
    %select_n3A_3618 = arith.select %lt3A_3614, %add3A_3617, %gather3A_3601 : vector<16xi1>, vector<16xi32>
    %broadcast_in_dim3A_3619 = vector.shape_cast %select_n3A_3618 : vector<16xi32> to vector<16x1xi32>
    %gather3A_3620 = vector.shape_cast %broadcast_in_dim3A_3619 : vector<16x1xi32> to vector<16xi32>
    %gather3A_3621 = tpu.dynamic_gather %select_n3A_108[%gather3A_3620] in [0] : vector<16xf32>, vector<16xi32> -> vector<16xf32>
    %select_n3A_3622 = arith.select %eq3A_30, %gather3A_3621, %gather3A_3611 : vector<16xi1>, vector<16xf32>
    %get3A_3623 = arith.constant 1440 : index
    %get3A_3624 = tpu.vector_load %arg6[%get3A_3623] {strides = array<i32>} : memref<2048xf32, #tpu.memory_space<vmem>>, vector<16xf32>,
    %get3A_3625 = vector.shape_cast %get3A_3624 : vector<16xf32> to vector<16xf32>
    %sub3A_3626 = arith.subf %get3A_3625, %select_n3A_3622 : vector<16xf32>
    %mul3A_3627 = arith.mulf %sub3A_3626, %sub3A_3626 : vector<16xf32>
    %add3A_3628 = arith.addf %add3A_3588, %mul3A_3627 : vector<16xf32>
    %lt3A_3629 = arith.constant 0 : i32
    %lt3A_3630 = vector.broadcast %lt3A_3629 : i32 to vector<16xi32>
    %lt3A_3631 = arith.cmpi slt, %add3A_26, %lt3A_3630 : vector<16xi32>
    %add3A_3632 = arith.constant 16 : i32
    %add3A_3633 = vector.broadcast %add3A_3632 : i32 to vector<16xi32>
    %add3A_3634 = arith.addi %add3A_26, %add3A_3633 : vector<16xi32>
    %select_n3A_3635 = arith.select %lt3A_3631, %add3A_3634, %add3A_26 : vector<16xi1>, vector<16xi32>
    %broadcast_in_dim3A_3636 = vector.shape_cast %select_n3A_3635 : vector<16xi32> to vector<16x1xi32>
    %gather3A_3637 = vector.shape_cast %broadcast_in_dim3A_3636 : vector<16x1xi32> to vector<16xi32>
    %gather3A_3638 = tpu.dynamic_gather %get3A_3591[%gather3A_3637] in [0] : vector<16xi32>, vector<16xi32> -> vector<16xi32>
    %lt3A_3639 = arith.constant 0 : i32
    %lt3A_3640 = vector.broadcast %lt3A_3639 : i32 to vector<16xi32>
    %lt3A_3641 = arith.cmpi slt, %gather3A_3638, %lt3A_3640 : vector<16xi32>
    %add3A_3642 = arith.constant 16 : i32
    %add3A_3643 = vector.broadcast %add3A_3642 : i32 to vector<16xi32>
    %add3A_3644 = arith.addi %gather3A_3638, %add3A_3643 : vector<16xi32>
    %select_n3A_3645 = arith.select %lt3A_3641, %add3A_3644, %gather3A_3638 : vector<16xi1>, vector<16xi32>
    %broadcast_in_dim3A_3646 = vector.shape_cast %select_n3A_3645 : vector<16xi32> to vector<16x1xi32>
    %gather3A_3647 = vector.shape_cast %broadcast_in_dim3A_3646 : vector<16x1xi32> to vector<16xi32>
    %gather3A_3648 = tpu.dynamic_gather %select_n3A_69[%gather3A_3647] in [0] : vector<16xf32>, vector<16xi32> -> vector<16xf32>
    %lt3A_3649 = arith.constant 0 : i32
    %lt3A_3650 = vector.broadcast %lt3A_3649 : i32 to vector<16xi32>
    %lt3A_3651 = arith.cmpi slt, %gather3A_3638, %lt3A_3650 : vector<16xi32>
    %add3A_3652 = arith.constant 16 : i32
    %add3A_3653 = vector.broadcast %add3A_3652 : i32 to vector<16xi32>
    %add3A_3654 = arith.addi %gather3A_3638, %add3A_3653 : vector<16xi32>
    %select_n3A_3655 = arith.select %lt3A_3651, %add3A_3654, %gather3A_3638 : vector<16xi1>, vector<16xi32>
    %broadcast_in_dim3A_3656 = vector.shape_cast %select_n3A_3655 : vector<16xi32> to vector<16x1xi32>
    %gather3A_3657 = vector.shape_cast %broadcast_in_dim3A_3656 : vector<16x1xi32> to vector<16xi32>
    %gather3A_3658 = tpu.dynamic_gather %select_n3A_108[%gather3A_3657] in [0] : vector<16xf32>, vector<16xi32> -> vector<16xf32>
    %select_n3A_3659 = arith.select %eq3A_30, %gather3A_3658, %gather3A_3648 : vector<16xi1>, vector<16xf32>
    %get3A_3660 = arith.constant 1456 : index
    %get3A_3661 = tpu.vector_load %arg6[%get3A_3660] {strides = array<i32>} : memref<2048xf32, #tpu.memory_space<vmem>>, vector<16xf32>,
    %get3A_3662 = vector.shape_cast %get3A_3661 : vector<16xf32> to vector<16xf32>
    %sub3A_3663 = arith.subf %get3A_3662, %select_n3A_3659 : vector<16xf32>
    %mul3A_3664 = arith.mulf %sub3A_3663, %sub3A_3663 : vector<16xf32>
    %add3A_3665 = arith.addf %add3A_3628, %mul3A_3664 : vector<16xf32>
    %get3A_3666 = arith.constant 736 : index
    %get3A_3667 = tpu.vector_load %arg7[%get3A_3666] {strides = array<i32>} : memref<1024xi32, #tpu.memory_space<vmem>>, vector<16xi32>,
    %get3A_3668 = vector.shape_cast %get3A_3667 : vector<16xi32> to vector<16xi32>
    %lt3A_3669 = arith.constant 0 : i32
    %lt3A_3670 = vector.broadcast %lt3A_3669 : i32 to vector<16xi32>
    %lt3A_3671 = arith.cmpi slt, %shift_right_arithmetic3A_23, %lt3A_3670 : vector<16xi32>
    %add3A_3672 = arith.constant 16 : i32
    %add3A_3673 = vector.broadcast %add3A_3672 : i32 to vector<16xi32>
    %add3A_3674 = arith.addi %shift_right_arithmetic3A_23, %add3A_3673 : vector<16xi32>
    %select_n3A_3675 = arith.select %lt3A_3671, %add3A_3674, %shift_right_arithmetic3A_23 : vector<16xi1>, vector<16xi32>
    %broadcast_in_dim3A_3676 = vector.shape_cast %select_n3A_3675 : vector<16xi32> to vector<16x1xi32>
    %gather3A_3677 = vector.shape_cast %broadcast_in_dim3A_3676 : vector<16x1xi32> to vector<16xi32>
    %gather3A_3678 = tpu.dynamic_gather %get3A_3668[%gather3A_3677] in [0] : vector<16xi32>, vector<16xi32> -> vector<16xi32>
    %lt3A_3679 = arith.constant 0 : i32
    %lt3A_3680 = vector.broadcast %lt3A_3679 : i32 to vector<16xi32>
    %lt3A_3681 = arith.cmpi slt, %gather3A_3678, %lt3A_3680 : vector<16xi32>
    %add3A_3682 = arith.constant 16 : i32
    %add3A_3683 = vector.broadcast %add3A_3682 : i32 to vector<16xi32>
    %add3A_3684 = arith.addi %gather3A_3678, %add3A_3683 : vector<16xi32>
    %select_n3A_3685 = arith.select %lt3A_3681, %add3A_3684, %gather3A_3678 : vector<16xi1>, vector<16xi32>
    %broadcast_in_dim3A_3686 = vector.shape_cast %select_n3A_3685 : vector<16xi32> to vector<16x1xi32>
    %gather3A_3687 = vector.shape_cast %broadcast_in_dim3A_3686 : vector<16x1xi32> to vector<16xi32>
    %gather3A_3688 = tpu.dynamic_gather %select_n3A_69[%gather3A_3687] in [0] : vector<16xf32>, vector<16xi32> -> vector<16xf32>
    %lt3A_3689 = arith.constant 0 : i32
    %lt3A_3690 = vector.broadcast %lt3A_3689 : i32 to vector<16xi32>
    %lt3A_3691 = arith.cmpi slt, %gather3A_3678, %lt3A_3690 : vector<16xi32>
    %add3A_3692 = arith.constant 16 : i32
    %add3A_3693 = vector.broadcast %add3A_3692 : i32 to vector<16xi32>
    %add3A_3694 = arith.addi %gather3A_3678, %add3A_3693 : vector<16xi32>
    %select_n3A_3695 = arith.select %lt3A_3691, %add3A_3694, %gather3A_3678 : vector<16xi1>, vector<16xi32>
    %broadcast_in_dim3A_3696 = vector.shape_cast %select_n3A_3695 : vector<16xi32> to vector<16x1xi32>
    %gather3A_3697 = vector.shape_cast %broadcast_in_dim3A_3696 : vector<16x1xi32> to vector<16xi32>
    %gather3A_3698 = tpu.dynamic_gather %select_n3A_108[%gather3A_3697] in [0] : vector<16xf32>, vector<16xi32> -> vector<16xf32>
    %select_n3A_3699 = arith.select %eq3A_30, %gather3A_3698, %gather3A_3688 : vector<16xi1>, vector<16xf32>
    %get3A_3700 = arith.constant 1472 : index
    %get3A_3701 = tpu.vector_load %arg6[%get3A_3700] {strides = array<i32>} : memref<2048xf32, #tpu.memory_space<vmem>>, vector<16xf32>,
    %get3A_3702 = vector.shape_cast %get3A_3701 : vector<16xf32> to vector<16xf32>
    %sub3A_3703 = arith.subf %get3A_3702, %select_n3A_3699 : vector<16xf32>
    %mul3A_3704 = arith.mulf %sub3A_3703, %sub3A_3703 : vector<16xf32>
    %add3A_3705 = arith.addf %add3A_3665, %mul3A_3704 : vector<16xf32>
    %lt3A_3706 = arith.constant 0 : i32
    %lt3A_3707 = vector.broadcast %lt3A_3706 : i32 to vector<16xi32>
    %lt3A_3708 = arith.cmpi slt, %add3A_26, %lt3A_3707 : vector<16xi32>
    %add3A_3709 = arith.constant 16 : i32
    %add3A_3710 = vector.broadcast %add3A_3709 : i32 to vector<16xi32>
    %add3A_3711 = arith.addi %add3A_26, %add3A_3710 : vector<16xi32>
    %select_n3A_3712 = arith.select %lt3A_3708, %add3A_3711, %add3A_26 : vector<16xi1>, vector<16xi32>
    %broadcast_in_dim3A_3713 = vector.shape_cast %select_n3A_3712 : vector<16xi32> to vector<16x1xi32>
    %gather3A_3714 = vector.shape_cast %broadcast_in_dim3A_3713 : vector<16x1xi32> to vector<16xi32>
    %gather3A_3715 = tpu.dynamic_gather %get3A_3668[%gather3A_3714] in [0] : vector<16xi32>, vector<16xi32> -> vector<16xi32>
    %lt3A_3716 = arith.constant 0 : i32
    %lt3A_3717 = vector.broadcast %lt3A_3716 : i32 to vector<16xi32>
    %lt3A_3718 = arith.cmpi slt, %gather3A_3715, %lt3A_3717 : vector<16xi32>
    %add3A_3719 = arith.constant 16 : i32
    %add3A_3720 = vector.broadcast %add3A_3719 : i32 to vector<16xi32>
    %add3A_3721 = arith.addi %gather3A_3715, %add3A_3720 : vector<16xi32>
    %select_n3A_3722 = arith.select %lt3A_3718, %add3A_3721, %gather3A_3715 : vector<16xi1>, vector<16xi32>
    %broadcast_in_dim3A_3723 = vector.shape_cast %select_n3A_3722 : vector<16xi32> to vector<16x1xi32>
    %gather3A_3724 = vector.shape_cast %broadcast_in_dim3A_3723 : vector<16x1xi32> to vector<16xi32>
    %gather3A_3725 = tpu.dynamic_gather %select_n3A_69[%gather3A_3724] in [0] : vector<16xf32>, vector<16xi32> -> vector<16xf32>
    %lt3A_3726 = arith.constant 0 : i32
    %lt3A_3727 = vector.broadcast %lt3A_3726 : i32 to vector<16xi32>
    %lt3A_3728 = arith.cmpi slt, %gather3A_3715, %lt3A_3727 : vector<16xi32>
    %add3A_3729 = arith.constant 16 : i32
    %add3A_3730 = vector.broadcast %add3A_3729 : i32 to vector<16xi32>
    %add3A_3731 = arith.addi %gather3A_3715, %add3A_3730 : vector<16xi32>
    %select_n3A_3732 = arith.select %lt3A_3728, %add3A_3731, %gather3A_3715 : vector<16xi1>, vector<16xi32>
    %broadcast_in_dim3A_3733 = vector.shape_cast %select_n3A_3732 : vector<16xi32> to vector<16x1xi32>
    %gather3A_3734 = vector.shape_cast %broadcast_in_dim3A_3733 : vector<16x1xi32> to vector<16xi32>
    %gather3A_3735 = tpu.dynamic_gather %select_n3A_108[%gather3A_3734] in [0] : vector<16xf32>, vector<16xi32> -> vector<16xf32>
    %select_n3A_3736 = arith.select %eq3A_30, %gather3A_3735, %gather3A_3725 : vector<16xi1>, vector<16xf32>
    %get3A_3737 = arith.constant 1488 : index
    %get3A_3738 = tpu.vector_load %arg6[%get3A_3737] {strides = array<i32>} : memref<2048xf32, #tpu.memory_space<vmem>>, vector<16xf32>,
    %get3A_3739 = vector.shape_cast %get3A_3738 : vector<16xf32> to vector<16xf32>
    %sub3A_3740 = arith.subf %get3A_3739, %select_n3A_3736 : vector<16xf32>
    %mul3A_3741 = arith.mulf %sub3A_3740, %sub3A_3740 : vector<16xf32>
    %add3A_3742 = arith.addf %add3A_3705, %mul3A_3741 : vector<16xf32>
    %get3A_3743 = arith.constant 752 : index
    %get3A_3744 = tpu.vector_load %arg7[%get3A_3743] {strides = array<i32>} : memref<1024xi32, #tpu.memory_space<vmem>>, vector<16xi32>,
    %get3A_3745 = vector.shape_cast %get3A_3744 : vector<16xi32> to vector<16xi32>
    %lt3A_3746 = arith.constant 0 : i32
    %lt3A_3747 = vector.broadcast %lt3A_3746 : i32 to vector<16xi32>
    %lt3A_3748 = arith.cmpi slt, %shift_right_arithmetic3A_23, %lt3A_3747 : vector<16xi32>
    %add3A_3749 = arith.constant 16 : i32
    %add3A_3750 = vector.broadcast %add3A_3749 : i32 to vector<16xi32>
    %add3A_3751 = arith.addi %shift_right_arithmetic3A_23, %add3A_3750 : vector<16xi32>
    %select_n3A_3752 = arith.select %lt3A_3748, %add3A_3751, %shift_right_arithmetic3A_23 : vector<16xi1>, vector<16xi32>
    %broadcast_in_dim3A_3753 = vector.shape_cast %select_n3A_3752 : vector<16xi32> to vector<16x1xi32>
    %gather3A_3754 = vector.shape_cast %broadcast_in_dim3A_3753 : vector<16x1xi32> to vector<16xi32>
    %gather3A_3755 = tpu.dynamic_gather %get3A_3745[%gather3A_3754] in [0] : vector<16xi32>, vector<16xi32> -> vector<16xi32>
    %lt3A_3756 = arith.constant 0 : i32
    %lt3A_3757 = vector.broadcast %lt3A_3756 : i32 to vector<16xi32>
    %lt3A_3758 = arith.cmpi slt, %gather3A_3755, %lt3A_3757 : vector<16xi32>
    %add3A_3759 = arith.constant 16 : i32
    %add3A_3760 = vector.broadcast %add3A_3759 : i32 to vector<16xi32>
    %add3A_3761 = arith.addi %gather3A_3755, %add3A_3760 : vector<16xi32>
    %select_n3A_3762 = arith.select %lt3A_3758, %add3A_3761, %gather3A_3755 : vector<16xi1>, vector<16xi32>
    %broadcast_in_dim3A_3763 = vector.shape_cast %select_n3A_3762 : vector<16xi32> to vector<16x1xi32>
    %gather3A_3764 = vector.shape_cast %broadcast_in_dim3A_3763 : vector<16x1xi32> to vector<16xi32>
    %gather3A_3765 = tpu.dynamic_gather %select_n3A_69[%gather3A_3764] in [0] : vector<16xf32>, vector<16xi32> -> vector<16xf32>
    %lt3A_3766 = arith.constant 0 : i32
    %lt3A_3767 = vector.broadcast %lt3A_3766 : i32 to vector<16xi32>
    %lt3A_3768 = arith.cmpi slt, %gather3A_3755, %lt3A_3767 : vector<16xi32>
    %add3A_3769 = arith.constant 16 : i32
    %add3A_3770 = vector.broadcast %add3A_3769 : i32 to vector<16xi32>
    %add3A_3771 = arith.addi %gather3A_3755, %add3A_3770 : vector<16xi32>
    %select_n3A_3772 = arith.select %lt3A_3768, %add3A_3771, %gather3A_3755 : vector<16xi1>, vector<16xi32>
    %broadcast_in_dim3A_3773 = vector.shape_cast %select_n3A_3772 : vector<16xi32> to vector<16x1xi32>
    %gather3A_3774 = vector.shape_cast %broadcast_in_dim3A_3773 : vector<16x1xi32> to vector<16xi32>
    %gather3A_3775 = tpu.dynamic_gather %select_n3A_108[%gather3A_3774] in [0] : vector<16xf32>, vector<16xi32> -> vector<16xf32>
    %select_n3A_3776 = arith.select %eq3A_30, %gather3A_3775, %gather3A_3765 : vector<16xi1>, vector<16xf32>
    %get3A_3777 = arith.constant 1504 : index
    %get3A_3778 = tpu.vector_load %arg6[%get3A_3777] {strides = array<i32>} : memref<2048xf32, #tpu.memory_space<vmem>>, vector<16xf32>,
    %get3A_3779 = vector.shape_cast %get3A_3778 : vector<16xf32> to vector<16xf32>
    %sub3A_3780 = arith.subf %get3A_3779, %select_n3A_3776 : vector<16xf32>
    %mul3A_3781 = arith.mulf %sub3A_3780, %sub3A_3780 : vector<16xf32>
    %add3A_3782 = arith.addf %add3A_3742, %mul3A_3781 : vector<16xf32>
    %lt3A_3783 = arith.constant 0 : i32
    %lt3A_3784 = vector.broadcast %lt3A_3783 : i32 to vector<16xi32>
    %lt3A_3785 = arith.cmpi slt, %add3A_26, %lt3A_3784 : vector<16xi32>
    %add3A_3786 = arith.constant 16 : i32
    %add3A_3787 = vector.broadcast %add3A_3786 : i32 to vector<16xi32>
    %add3A_3788 = arith.addi %add3A_26, %add3A_3787 : vector<16xi32>
    %select_n3A_3789 = arith.select %lt3A_3785, %add3A_3788, %add3A_26 : vector<16xi1>, vector<16xi32>
    %broadcast_in_dim3A_3790 = vector.shape_cast %select_n3A_3789 : vector<16xi32> to vector<16x1xi32>
    %gather3A_3791 = vector.shape_cast %broadcast_in_dim3A_3790 : vector<16x1xi32> to vector<16xi32>
    %gather3A_3792 = tpu.dynamic_gather %get3A_3745[%gather3A_3791] in [0] : vector<16xi32>, vector<16xi32> -> vector<16xi32>
    %lt3A_3793 = arith.constant 0 : i32
    %lt3A_3794 = vector.broadcast %lt3A_3793 : i32 to vector<16xi32>
    %lt3A_3795 = arith.cmpi slt, %gather3A_3792, %lt3A_3794 : vector<16xi32>
    %add3A_3796 = arith.constant 16 : i32
    %add3A_3797 = vector.broadcast %add3A_3796 : i32 to vector<16xi32>
    %add3A_3798 = arith.addi %gather3A_3792, %add3A_3797 : vector<16xi32>
    %select_n3A_3799 = arith.select %lt3A_3795, %add3A_3798, %gather3A_3792 : vector<16xi1>, vector<16xi32>
    %broadcast_in_dim3A_3800 = vector.shape_cast %select_n3A_3799 : vector<16xi32> to vector<16x1xi32>
    %gather3A_3801 = vector.shape_cast %broadcast_in_dim3A_3800 : vector<16x1xi32> to vector<16xi32>
    %gather3A_3802 = tpu.dynamic_gather %select_n3A_69[%gather3A_3801] in [0] : vector<16xf32>, vector<16xi32> -> vector<16xf32>
    %lt3A_3803 = arith.constant 0 : i32
    %lt3A_3804 = vector.broadcast %lt3A_3803 : i32 to vector<16xi32>
    %lt3A_3805 = arith.cmpi slt, %gather3A_3792, %lt3A_3804 : vector<16xi32>
    %add3A_3806 = arith.constant 16 : i32
    %add3A_3807 = vector.broadcast %add3A_3806 : i32 to vector<16xi32>
    %add3A_3808 = arith.addi %gather3A_3792, %add3A_3807 : vector<16xi32>
    %select_n3A_3809 = arith.select %lt3A_3805, %add3A_3808, %gather3A_3792 : vector<16xi1>, vector<16xi32>
    %broadcast_in_dim3A_3810 = vector.shape_cast %select_n3A_3809 : vector<16xi32> to vector<16x1xi32>
    %gather3A_3811 = vector.shape_cast %broadcast_in_dim3A_3810 : vector<16x1xi32> to vector<16xi32>
    %gather3A_3812 = tpu.dynamic_gather %select_n3A_108[%gather3A_3811] in [0] : vector<16xf32>, vector<16xi32> -> vector<16xf32>
    %select_n3A_3813 = arith.select %eq3A_30, %gather3A_3812, %gather3A_3802 : vector<16xi1>, vector<16xf32>
    %get3A_3814 = arith.constant 1520 : index
    %get3A_3815 = tpu.vector_load %arg6[%get3A_3814] {strides = array<i32>} : memref<2048xf32, #tpu.memory_space<vmem>>, vector<16xf32>,
    %get3A_3816 = vector.shape_cast %get3A_3815 : vector<16xf32> to vector<16xf32>
    %sub3A_3817 = arith.subf %get3A_3816, %select_n3A_3813 : vector<16xf32>
    %mul3A_3818 = arith.mulf %sub3A_3817, %sub3A_3817 : vector<16xf32>
    %add3A_3819 = arith.addf %add3A_3782, %mul3A_3818 : vector<16xf32>
    %get3A_3820 = arith.constant 768 : index
    %get3A_3821 = tpu.vector_load %arg7[%get3A_3820] {strides = array<i32>} : memref<1024xi32, #tpu.memory_space<vmem>>, vector<16xi32>,
    %get3A_3822 = vector.shape_cast %get3A_3821 : vector<16xi32> to vector<16xi32>
    %lt3A_3823 = arith.constant 0 : i32
    %lt3A_3824 = vector.broadcast %lt3A_3823 : i32 to vector<16xi32>
    %lt3A_3825 = arith.cmpi slt, %shift_right_arithmetic3A_23, %lt3A_3824 : vector<16xi32>
    %add3A_3826 = arith.constant 16 : i32
    %add3A_3827 = vector.broadcast %add3A_3826 : i32 to vector<16xi32>
    %add3A_3828 = arith.addi %shift_right_arithmetic3A_23, %add3A_3827 : vector<16xi32>
    %select_n3A_3829 = arith.select %lt3A_3825, %add3A_3828, %shift_right_arithmetic3A_23 : vector<16xi1>, vector<16xi32>
    %broadcast_in_dim3A_3830 = vector.shape_cast %select_n3A_3829 : vector<16xi32> to vector<16x1xi32>
    %gather3A_3831 = vector.shape_cast %broadcast_in_dim3A_3830 : vector<16x1xi32> to vector<16xi32>
    %gather3A_3832 = tpu.dynamic_gather %get3A_3822[%gather3A_3831] in [0] : vector<16xi32>, vector<16xi32> -> vector<16xi32>
    %lt3A_3833 = arith.constant 0 : i32
    %lt3A_3834 = vector.broadcast %lt3A_3833 : i32 to vector<16xi32>
    %lt3A_3835 = arith.cmpi slt, %gather3A_3832, %lt3A_3834 : vector<16xi32>
    %add3A_3836 = arith.constant 16 : i32
    %add3A_3837 = vector.broadcast %add3A_3836 : i32 to vector<16xi32>
    %add3A_3838 = arith.addi %gather3A_3832, %add3A_3837 : vector<16xi32>
    %select_n3A_3839 = arith.select %lt3A_3835, %add3A_3838, %gather3A_3832 : vector<16xi1>, vector<16xi32>
    %broadcast_in_dim3A_3840 = vector.shape_cast %select_n3A_3839 : vector<16xi32> to vector<16x1xi32>
    %gather3A_3841 = vector.shape_cast %broadcast_in_dim3A_3840 : vector<16x1xi32> to vector<16xi32>
    %gather3A_3842 = tpu.dynamic_gather %select_n3A_69[%gather3A_3841] in [0] : vector<16xf32>, vector<16xi32> -> vector<16xf32>
    %lt3A_3843 = arith.constant 0 : i32
    %lt3A_3844 = vector.broadcast %lt3A_3843 : i32 to vector<16xi32>
    %lt3A_3845 = arith.cmpi slt, %gather3A_3832, %lt3A_3844 : vector<16xi32>
    %add3A_3846 = arith.constant 16 : i32
    %add3A_3847 = vector.broadcast %add3A_3846 : i32 to vector<16xi32>
    %add3A_3848 = arith.addi %gather3A_3832, %add3A_3847 : vector<16xi32>
    %select_n3A_3849 = arith.select %lt3A_3845, %add3A_3848, %gather3A_3832 : vector<16xi1>, vector<16xi32>
    %broadcast_in_dim3A_3850 = vector.shape_cast %select_n3A_3849 : vector<16xi32> to vector<16x1xi32>
    %gather3A_3851 = vector.shape_cast %broadcast_in_dim3A_3850 : vector<16x1xi32> to vector<16xi32>
    %gather3A_3852 = tpu.dynamic_gather %select_n3A_108[%gather3A_3851] in [0] : vector<16xf32>, vector<16xi32> -> vector<16xf32>
    %select_n3A_3853 = arith.select %eq3A_30, %gather3A_3852, %gather3A_3842 : vector<16xi1>, vector<16xf32>
    %get3A_3854 = arith.constant 1536 : index
    %get3A_3855 = tpu.vector_load %arg6[%get3A_3854] {strides = array<i32>} : memref<2048xf32, #tpu.memory_space<vmem>>, vector<16xf32>,
    %get3A_3856 = vector.shape_cast %get3A_3855 : vector<16xf32> to vector<16xf32>
    %sub3A_3857 = arith.subf %get3A_3856, %select_n3A_3853 : vector<16xf32>
    %mul3A_3858 = arith.mulf %sub3A_3857, %sub3A_3857 : vector<16xf32>
    %add3A_3859 = arith.addf %add3A_3819, %mul3A_3858 : vector<16xf32>
    %lt3A_3860 = arith.constant 0 : i32
    %lt3A_3861 = vector.broadcast %lt3A_3860 : i32 to vector<16xi32>
    %lt3A_3862 = arith.cmpi slt, %add3A_26, %lt3A_3861 : vector<16xi32>
    %add3A_3863 = arith.constant 16 : i32
    %add3A_3864 = vector.broadcast %add3A_3863 : i32 to vector<16xi32>
    %add3A_3865 = arith.addi %add3A_26, %add3A_3864 : vector<16xi32>
    %select_n3A_3866 = arith.select %lt3A_3862, %add3A_3865, %add3A_26 : vector<16xi1>, vector<16xi32>
    %broadcast_in_dim3A_3867 = vector.shape_cast %select_n3A_3866 : vector<16xi32> to vector<16x1xi32>
    %gather3A_3868 = vector.shape_cast %broadcast_in_dim3A_3867 : vector<16x1xi32> to vector<16xi32>
    %gather3A_3869 = tpu.dynamic_gather %get3A_3822[%gather3A_3868] in [0] : vector<16xi32>, vector<16xi32> -> vector<16xi32>
    %lt3A_3870 = arith.constant 0 : i32
    %lt3A_3871 = vector.broadcast %lt3A_3870 : i32 to vector<16xi32>
    %lt3A_3872 = arith.cmpi slt, %gather3A_3869, %lt3A_3871 : vector<16xi32>
    %add3A_3873 = arith.constant 16 : i32
    %add3A_3874 = vector.broadcast %add3A_3873 : i32 to vector<16xi32>
    %add3A_3875 = arith.addi %gather3A_3869, %add3A_3874 : vector<16xi32>
    %select_n3A_3876 = arith.select %lt3A_3872, %add3A_3875, %gather3A_3869 : vector<16xi1>, vector<16xi32>
    %broadcast_in_dim3A_3877 = vector.shape_cast %select_n3A_3876 : vector<16xi32> to vector<16x1xi32>
    %gather3A_3878 = vector.shape_cast %broadcast_in_dim3A_3877 : vector<16x1xi32> to vector<16xi32>
    %gather3A_3879 = tpu.dynamic_gather %select_n3A_69[%gather3A_3878] in [0] : vector<16xf32>, vector<16xi32> -> vector<16xf32>
    %lt3A_3880 = arith.constant 0 : i32
    %lt3A_3881 = vector.broadcast %lt3A_3880 : i32 to vector<16xi32>
    %lt3A_3882 = arith.cmpi slt, %gather3A_3869, %lt3A_3881 : vector<16xi32>
    %add3A_3883 = arith.constant 16 : i32
    %add3A_3884 = vector.broadcast %add3A_3883 : i32 to vector<16xi32>
    %add3A_3885 = arith.addi %gather3A_3869, %add3A_3884 : vector<16xi32>
    %select_n3A_3886 = arith.select %lt3A_3882, %add3A_3885, %gather3A_3869 : vector<16xi1>, vector<16xi32>
    %broadcast_in_dim3A_3887 = vector.shape_cast %select_n3A_3886 : vector<16xi32> to vector<16x1xi32>
    %gather3A_3888 = vector.shape_cast %broadcast_in_dim3A_3887 : vector<16x1xi32> to vector<16xi32>
    %gather3A_3889 = tpu.dynamic_gather %select_n3A_108[%gather3A_3888] in [0] : vector<16xf32>, vector<16xi32> -> vector<16xf32>
    %select_n3A_3890 = arith.select %eq3A_30, %gather3A_3889, %gather3A_3879 : vector<16xi1>, vector<16xf32>
    %get3A_3891 = arith.constant 1552 : index
    %get3A_3892 = tpu.vector_load %arg6[%get3A_3891] {strides = array<i32>} : memref<2048xf32, #tpu.memory_space<vmem>>, vector<16xf32>,
    %get3A_3893 = vector.shape_cast %get3A_3892 : vector<16xf32> to vector<16xf32>
    %sub3A_3894 = arith.subf %get3A_3893, %select_n3A_3890 : vector<16xf32>
    %mul3A_3895 = arith.mulf %sub3A_3894, %sub3A_3894 : vector<16xf32>
    %add3A_3896 = arith.addf %add3A_3859, %mul3A_3895 : vector<16xf32>
    %get3A_3897 = arith.constant 784 : index
    %get3A_3898 = tpu.vector_load %arg7[%get3A_3897] {strides = array<i32>} : memref<1024xi32, #tpu.memory_space<vmem>>, vector<16xi32>,
    %get3A_3899 = vector.shape_cast %get3A_3898 : vector<16xi32> to vector<16xi32>
    %lt3A_3900 = arith.constant 0 : i32
    %lt3A_3901 = vector.broadcast %lt3A_3900 : i32 to vector<16xi32>
    %lt3A_3902 = arith.cmpi slt, %shift_right_arithmetic3A_23, %lt3A_3901 : vector<16xi32>
    %add3A_3903 = arith.constant 16 : i32
    %add3A_3904 = vector.broadcast %add3A_3903 : i32 to vector<16xi32>
    %add3A_3905 = arith.addi %shift_right_arithmetic3A_23, %add3A_3904 : vector<16xi32>
    %select_n3A_3906 = arith.select %lt3A_3902, %add3A_3905, %shift_right_arithmetic3A_23 : vector<16xi1>, vector<16xi32>
    %broadcast_in_dim3A_3907 = vector.shape_cast %select_n3A_3906 : vector<16xi32> to vector<16x1xi32>
    %gather3A_3908 = vector.shape_cast %broadcast_in_dim3A_3907 : vector<16x1xi32> to vector<16xi32>
    %gather3A_3909 = tpu.dynamic_gather %get3A_3899[%gather3A_3908] in [0] : vector<16xi32>, vector<16xi32> -> vector<16xi32>
    %lt3A_3910 = arith.constant 0 : i32
    %lt3A_3911 = vector.broadcast %lt3A_3910 : i32 to vector<16xi32>
    %lt3A_3912 = arith.cmpi slt, %gather3A_3909, %lt3A_3911 : vector<16xi32>
    %add3A_3913 = arith.constant 16 : i32
    %add3A_3914 = vector.broadcast %add3A_3913 : i32 to vector<16xi32>
    %add3A_3915 = arith.addi %gather3A_3909, %add3A_3914 : vector<16xi32>
    %select_n3A_3916 = arith.select %lt3A_3912, %add3A_3915, %gather3A_3909 : vector<16xi1>, vector<16xi32>
    %broadcast_in_dim3A_3917 = vector.shape_cast %select_n3A_3916 : vector<16xi32> to vector<16x1xi32>
    %gather3A_3918 = vector.shape_cast %broadcast_in_dim3A_3917 : vector<16x1xi32> to vector<16xi32>
    %gather3A_3919 = tpu.dynamic_gather %select_n3A_69[%gather3A_3918] in [0] : vector<16xf32>, vector<16xi32> -> vector<16xf32>
    %lt3A_3920 = arith.constant 0 : i32
    %lt3A_3921 = vector.broadcast %lt3A_3920 : i32 to vector<16xi32>
    %lt3A_3922 = arith.cmpi slt, %gather3A_3909, %lt3A_3921 : vector<16xi32>
    %add3A_3923 = arith.constant 16 : i32
    %add3A_3924 = vector.broadcast %add3A_3923 : i32 to vector<16xi32>
    %add3A_3925 = arith.addi %gather3A_3909, %add3A_3924 : vector<16xi32>
    %select_n3A_3926 = arith.select %lt3A_3922, %add3A_3925, %gather3A_3909 : vector<16xi1>, vector<16xi32>
    %broadcast_in_dim3A_3927 = vector.shape_cast %select_n3A_3926 : vector<16xi32> to vector<16x1xi32>
    %gather3A_3928 = vector.shape_cast %broadcast_in_dim3A_3927 : vector<16x1xi32> to vector<16xi32>
    %gather3A_3929 = tpu.dynamic_gather %select_n3A_108[%gather3A_3928] in [0] : vector<16xf32>, vector<16xi32> -> vector<16xf32>
    %select_n3A_3930 = arith.select %eq3A_30, %gather3A_3929, %gather3A_3919 : vector<16xi1>, vector<16xf32>
    %get3A_3931 = arith.constant 1568 : index
    %get3A_3932 = tpu.vector_load %arg6[%get3A_3931] {strides = array<i32>} : memref<2048xf32, #tpu.memory_space<vmem>>, vector<16xf32>,
    %get3A_3933 = vector.shape_cast %get3A_3932 : vector<16xf32> to vector<16xf32>
    %sub3A_3934 = arith.subf %get3A_3933, %select_n3A_3930 : vector<16xf32>
    %mul3A_3935 = arith.mulf %sub3A_3934, %sub3A_3934 : vector<16xf32>
    %add3A_3936 = arith.addf %add3A_3896, %mul3A_3935 : vector<16xf32>
    %lt3A_3937 = arith.constant 0 : i32
    %lt3A_3938 = vector.broadcast %lt3A_3937 : i32 to vector<16xi32>
    %lt3A_3939 = arith.cmpi slt, %add3A_26, %lt3A_3938 : vector<16xi32>
    %add3A_3940 = arith.constant 16 : i32
    %add3A_3941 = vector.broadcast %add3A_3940 : i32 to vector<16xi32>
    %add3A_3942 = arith.addi %add3A_26, %add3A_3941 : vector<16xi32>
    %select_n3A_3943 = arith.select %lt3A_3939, %add3A_3942, %add3A_26 : vector<16xi1>, vector<16xi32>
    %broadcast_in_dim3A_3944 = vector.shape_cast %select_n3A_3943 : vector<16xi32> to vector<16x1xi32>
    %gather3A_3945 = vector.shape_cast %broadcast_in_dim3A_3944 : vector<16x1xi32> to vector<16xi32>
    %gather3A_3946 = tpu.dynamic_gather %get3A_3899[%gather3A_3945] in [0] : vector<16xi32>, vector<16xi32> -> vector<16xi32>
    %lt3A_3947 = arith.constant 0 : i32
    %lt3A_3948 = vector.broadcast %lt3A_3947 : i32 to vector<16xi32>
    %lt3A_3949 = arith.cmpi slt, %gather3A_3946, %lt3A_3948 : vector<16xi32>
    %add3A_3950 = arith.constant 16 : i32
    %add3A_3951 = vector.broadcast %add3A_3950 : i32 to vector<16xi32>
    %add3A_3952 = arith.addi %gather3A_3946, %add3A_3951 : vector<16xi32>
    %select_n3A_3953 = arith.select %lt3A_3949, %add3A_3952, %gather3A_3946 : vector<16xi1>, vector<16xi32>
    %broadcast_in_dim3A_3954 = vector.shape_cast %select_n3A_3953 : vector<16xi32> to vector<16x1xi32>
    %gather3A_3955 = vector.shape_cast %broadcast_in_dim3A_3954 : vector<16x1xi32> to vector<16xi32>
    %gather3A_3956 = tpu.dynamic_gather %select_n3A_69[%gather3A_3955] in [0] : vector<16xf32>, vector<16xi32> -> vector<16xf32>
    %lt3A_3957 = arith.constant 0 : i32
    %lt3A_3958 = vector.broadcast %lt3A_3957 : i32 to vector<16xi32>
    %lt3A_3959 = arith.cmpi slt, %gather3A_3946, %lt3A_3958 : vector<16xi32>
    %add3A_3960 = arith.constant 16 : i32
    %add3A_3961 = vector.broadcast %add3A_3960 : i32 to vector<16xi32>
    %add3A_3962 = arith.addi %gather3A_3946, %add3A_3961 : vector<16xi32>
    %select_n3A_3963 = arith.select %lt3A_3959, %add3A_3962, %gather3A_3946 : vector<16xi1>, vector<16xi32>
    %broadcast_in_dim3A_3964 = vector.shape_cast %select_n3A_3963 : vector<16xi32> to vector<16x1xi32>
    %gather3A_3965 = vector.shape_cast %broadcast_in_dim3A_3964 : vector<16x1xi32> to vector<16xi32>
    %gather3A_3966 = tpu.dynamic_gather %select_n3A_108[%gather3A_3965] in [0] : vector<16xf32>, vector<16xi32> -> vector<16xf32>
    %select_n3A_3967 = arith.select %eq3A_30, %gather3A_3966, %gather3A_3956 : vector<16xi1>, vector<16xf32>
    %get3A_3968 = arith.constant 1584 : index
    %get3A_3969 = tpu.vector_load %arg6[%get3A_3968] {strides = array<i32>} : memref<2048xf32, #tpu.memory_space<vmem>>, vector<16xf32>,
    %get3A_3970 = vector.shape_cast %get3A_3969 : vector<16xf32> to vector<16xf32>
    %sub3A_3971 = arith.subf %get3A_3970, %select_n3A_3967 : vector<16xf32>
    %mul3A_3972 = arith.mulf %sub3A_3971, %sub3A_3971 : vector<16xf32>
    %add3A_3973 = arith.addf %add3A_3936, %mul3A_3972 : vector<16xf32>
    %get3A_3974 = arith.constant 800 : index
    %get3A_3975 = tpu.vector_load %arg7[%get3A_3974] {strides = array<i32>} : memref<1024xi32, #tpu.memory_space<vmem>>, vector<16xi32>,
    %get3A_3976 = vector.shape_cast %get3A_3975 : vector<16xi32> to vector<16xi32>
    %lt3A_3977 = arith.constant 0 : i32
    %lt3A_3978 = vector.broadcast %lt3A_3977 : i32 to vector<16xi32>
    %lt3A_3979 = arith.cmpi slt, %shift_right_arithmetic3A_23, %lt3A_3978 : vector<16xi32>
    %add3A_3980 = arith.constant 16 : i32
    %add3A_3981 = vector.broadcast %add3A_3980 : i32 to vector<16xi32>
    %add3A_3982 = arith.addi %shift_right_arithmetic3A_23, %add3A_3981 : vector<16xi32>
    %select_n3A_3983 = arith.select %lt3A_3979, %add3A_3982, %shift_right_arithmetic3A_23 : vector<16xi1>, vector<16xi32>
    %broadcast_in_dim3A_3984 = vector.shape_cast %select_n3A_3983 : vector<16xi32> to vector<16x1xi32>
    %gather3A_3985 = vector.shape_cast %broadcast_in_dim3A_3984 : vector<16x1xi32> to vector<16xi32>
    %gather3A_3986 = tpu.dynamic_gather %get3A_3976[%gather3A_3985] in [0] : vector<16xi32>, vector<16xi32> -> vector<16xi32>
    %lt3A_3987 = arith.constant 0 : i32
    %lt3A_3988 = vector.broadcast %lt3A_3987 : i32 to vector<16xi32>
    %lt3A_3989 = arith.cmpi slt, %gather3A_3986, %lt3A_3988 : vector<16xi32>
    %add3A_3990 = arith.constant 16 : i32
    %add3A_3991 = vector.broadcast %add3A_3990 : i32 to vector<16xi32>
    %add3A_3992 = arith.addi %gather3A_3986, %add3A_3991 : vector<16xi32>
    %select_n3A_3993 = arith.select %lt3A_3989, %add3A_3992, %gather3A_3986 : vector<16xi1>, vector<16xi32>
    %broadcast_in_dim3A_3994 = vector.shape_cast %select_n3A_3993 : vector<16xi32> to vector<16x1xi32>
    %gather3A_3995 = vector.shape_cast %broadcast_in_dim3A_3994 : vector<16x1xi32> to vector<16xi32>
    %gather3A_3996 = tpu.dynamic_gather %select_n3A_69[%gather3A_3995] in [0] : vector<16xf32>, vector<16xi32> -> vector<16xf32>
    %lt3A_3997 = arith.constant 0 : i32
    %lt3A_3998 = vector.broadcast %lt3A_3997 : i32 to vector<16xi32>
    %lt3A_3999 = arith.cmpi slt, %gather3A_3986, %lt3A_3998 : vector<16xi32>
    %add3A_4000 = arith.constant 16 : i32
    %add3A_4001 = vector.broadcast %add3A_4000 : i32 to vector<16xi32>
    %add3A_4002 = arith.addi %gather3A_3986, %add3A_4001 : vector<16xi32>
    %select_n3A_4003 = arith.select %lt3A_3999, %add3A_4002, %gather3A_3986 : vector<16xi1>, vector<16xi32>
    %broadcast_in_dim3A_4004 = vector.shape_cast %select_n3A_4003 : vector<16xi32> to vector<16x1xi32>
    %gather3A_4005 = vector.shape_cast %broadcast_in_dim3A_4004 : vector<16x1xi32> to vector<16xi32>
    %gather3A_4006 = tpu.dynamic_gather %select_n3A_108[%gather3A_4005] in [0] : vector<16xf32>, vector<16xi32> -> vector<16xf32>
    %select_n3A_4007 = arith.select %eq3A_30, %gather3A_4006, %gather3A_3996 : vector<16xi1>, vector<16xf32>
    %get3A_4008 = arith.constant 1600 : index
    %get3A_4009 = tpu.vector_load %arg6[%get3A_4008] {strides = array<i32>} : memref<2048xf32, #tpu.memory_space<vmem>>, vector<16xf32>,
    %get3A_4010 = vector.shape_cast %get3A_4009 : vector<16xf32> to vector<16xf32>
    %sub3A_4011 = arith.subf %get3A_4010, %select_n3A_4007 : vector<16xf32>
    %mul3A_4012 = arith.mulf %sub3A_4011, %sub3A_4011 : vector<16xf32>
    %add3A_4013 = arith.addf %add3A_3973, %mul3A_4012 : vector<16xf32>
    %lt3A_4014 = arith.constant 0 : i32
    %lt3A_4015 = vector.broadcast %lt3A_4014 : i32 to vector<16xi32>
    %lt3A_4016 = arith.cmpi slt, %add3A_26, %lt3A_4015 : vector<16xi32>
    %add3A_4017 = arith.constant 16 : i32
    %add3A_4018 = vector.broadcast %add3A_4017 : i32 to vector<16xi32>
    %add3A_4019 = arith.addi %add3A_26, %add3A_4018 : vector<16xi32>
    %select_n3A_4020 = arith.select %lt3A_4016, %add3A_4019, %add3A_26 : vector<16xi1>, vector<16xi32>
    %broadcast_in_dim3A_4021 = vector.shape_cast %select_n3A_4020 : vector<16xi32> to vector<16x1xi32>
    %gather3A_4022 = vector.shape_cast %broadcast_in_dim3A_4021 : vector<16x1xi32> to vector<16xi32>
    %gather3A_4023 = tpu.dynamic_gather %get3A_3976[%gather3A_4022] in [0] : vector<16xi32>, vector<16xi32> -> vector<16xi32>
    %lt3A_4024 = arith.constant 0 : i32
    %lt3A_4025 = vector.broadcast %lt3A_4024 : i32 to vector<16xi32>
    %lt3A_4026 = arith.cmpi slt, %gather3A_4023, %lt3A_4025 : vector<16xi32>
    %add3A_4027 = arith.constant 16 : i32
    %add3A_4028 = vector.broadcast %add3A_4027 : i32 to vector<16xi32>
    %add3A_4029 = arith.addi %gather3A_4023, %add3A_4028 : vector<16xi32>
    %select_n3A_4030 = arith.select %lt3A_4026, %add3A_4029, %gather3A_4023 : vector<16xi1>, vector<16xi32>
    %broadcast_in_dim3A_4031 = vector.shape_cast %select_n3A_4030 : vector<16xi32> to vector<16x1xi32>
    %gather3A_4032 = vector.shape_cast %broadcast_in_dim3A_4031 : vector<16x1xi32> to vector<16xi32>
    %gather3A_4033 = tpu.dynamic_gather %select_n3A_69[%gather3A_4032] in [0] : vector<16xf32>, vector<16xi32> -> vector<16xf32>
    %lt3A_4034 = arith.constant 0 : i32
    %lt3A_4035 = vector.broadcast %lt3A_4034 : i32 to vector<16xi32>
    %lt3A_4036 = arith.cmpi slt, %gather3A_4023, %lt3A_4035 : vector<16xi32>
    %add3A_4037 = arith.constant 16 : i32
    %add3A_4038 = vector.broadcast %add3A_4037 : i32 to vector<16xi32>
    %add3A_4039 = arith.addi %gather3A_4023, %add3A_4038 : vector<16xi32>
    %select_n3A_4040 = arith.select %lt3A_4036, %add3A_4039, %gather3A_4023 : vector<16xi1>, vector<16xi32>
    %broadcast_in_dim3A_4041 = vector.shape_cast %select_n3A_4040 : vector<16xi32> to vector<16x1xi32>
    %gather3A_4042 = vector.shape_cast %broadcast_in_dim3A_4041 : vector<16x1xi32> to vector<16xi32>
    %gather3A_4043 = tpu.dynamic_gather %select_n3A_108[%gather3A_4042] in [0] : vector<16xf32>, vector<16xi32> -> vector<16xf32>
    %select_n3A_4044 = arith.select %eq3A_30, %gather3A_4043, %gather3A_4033 : vector<16xi1>, vector<16xf32>
    %get3A_4045 = arith.constant 1616 : index
    %get3A_4046 = tpu.vector_load %arg6[%get3A_4045] {strides = array<i32>} : memref<2048xf32, #tpu.memory_space<vmem>>, vector<16xf32>,
    %get3A_4047 = vector.shape_cast %get3A_4046 : vector<16xf32> to vector<16xf32>
    %sub3A_4048 = arith.subf %get3A_4047, %select_n3A_4044 : vector<16xf32>
    %mul3A_4049 = arith.mulf %sub3A_4048, %sub3A_4048 : vector<16xf32>
    %add3A_4050 = arith.addf %add3A_4013, %mul3A_4049 : vector<16xf32>
    %get3A_4051 = arith.constant 816 : index
    %get3A_4052 = tpu.vector_load %arg7[%get3A_4051] {strides = array<i32>} : memref<1024xi32, #tpu.memory_space<vmem>>, vector<16xi32>,
    %get3A_4053 = vector.shape_cast %get3A_4052 : vector<16xi32> to vector<16xi32>
    %lt3A_4054 = arith.constant 0 : i32
    %lt3A_4055 = vector.broadcast %lt3A_4054 : i32 to vector<16xi32>
    %lt3A_4056 = arith.cmpi slt, %shift_right_arithmetic3A_23, %lt3A_4055 : vector<16xi32>
    %add3A_4057 = arith.constant 16 : i32
    %add3A_4058 = vector.broadcast %add3A_4057 : i32 to vector<16xi32>
    %add3A_4059 = arith.addi %shift_right_arithmetic3A_23, %add3A_4058 : vector<16xi32>
    %select_n3A_4060 = arith.select %lt3A_4056, %add3A_4059, %shift_right_arithmetic3A_23 : vector<16xi1>, vector<16xi32>
    %broadcast_in_dim3A_4061 = vector.shape_cast %select_n3A_4060 : vector<16xi32> to vector<16x1xi32>
    %gather3A_4062 = vector.shape_cast %broadcast_in_dim3A_4061 : vector<16x1xi32> to vector<16xi32>
    %gather3A_4063 = tpu.dynamic_gather %get3A_4053[%gather3A_4062] in [0] : vector<16xi32>, vector<16xi32> -> vector<16xi32>
    %lt3A_4064 = arith.constant 0 : i32
    %lt3A_4065 = vector.broadcast %lt3A_4064 : i32 to vector<16xi32>
    %lt3A_4066 = arith.cmpi slt, %gather3A_4063, %lt3A_4065 : vector<16xi32>
    %add3A_4067 = arith.constant 16 : i32
    %add3A_4068 = vector.broadcast %add3A_4067 : i32 to vector<16xi32>
    %add3A_4069 = arith.addi %gather3A_4063, %add3A_4068 : vector<16xi32>
    %select_n3A_4070 = arith.select %lt3A_4066, %add3A_4069, %gather3A_4063 : vector<16xi1>, vector<16xi32>
    %broadcast_in_dim3A_4071 = vector.shape_cast %select_n3A_4070 : vector<16xi32> to vector<16x1xi32>
    %gather3A_4072 = vector.shape_cast %broadcast_in_dim3A_4071 : vector<16x1xi32> to vector<16xi32>
    %gather3A_4073 = tpu.dynamic_gather %select_n3A_69[%gather3A_4072] in [0] : vector<16xf32>, vector<16xi32> -> vector<16xf32>
    %lt3A_4074 = arith.constant 0 : i32
    %lt3A_4075 = vector.broadcast %lt3A_4074 : i32 to vector<16xi32>
    %lt3A_4076 = arith.cmpi slt, %gather3A_4063, %lt3A_4075 : vector<16xi32>
    %add3A_4077 = arith.constant 16 : i32
    %add3A_4078 = vector.broadcast %add3A_4077 : i32 to vector<16xi32>
    %add3A_4079 = arith.addi %gather3A_4063, %add3A_4078 : vector<16xi32>
    %select_n3A_4080 = arith.select %lt3A_4076, %add3A_4079, %gather3A_4063 : vector<16xi1>, vector<16xi32>
    %broadcast_in_dim3A_4081 = vector.shape_cast %select_n3A_4080 : vector<16xi32> to vector<16x1xi32>
    %gather3A_4082 = vector.shape_cast %broadcast_in_dim3A_4081 : vector<16x1xi32> to vector<16xi32>
    %gather3A_4083 = tpu.dynamic_gather %select_n3A_108[%gather3A_4082] in [0] : vector<16xf32>, vector<16xi32> -> vector<16xf32>
    %select_n3A_4084 = arith.select %eq3A_30, %gather3A_4083, %gather3A_4073 : vector<16xi1>, vector<16xf32>
    %get3A_4085 = arith.constant 1632 : index
    %get3A_4086 = tpu.vector_load %arg6[%get3A_4085] {strides = array<i32>} : memref<2048xf32, #tpu.memory_space<vmem>>, vector<16xf32>,
    %get3A_4087 = vector.shape_cast %get3A_4086 : vector<16xf32> to vector<16xf32>
    %sub3A_4088 = arith.subf %get3A_4087, %select_n3A_4084 : vector<16xf32>
    %mul3A_4089 = arith.mulf %sub3A_4088, %sub3A_4088 : vector<16xf32>
    %add3A_4090 = arith.addf %add3A_4050, %mul3A_4089 : vector<16xf32>
    %lt3A_4091 = arith.constant 0 : i32
    %lt3A_4092 = vector.broadcast %lt3A_4091 : i32 to vector<16xi32>
    %lt3A_4093 = arith.cmpi slt, %add3A_26, %lt3A_4092 : vector<16xi32>
    %add3A_4094 = arith.constant 16 : i32
    %add3A_4095 = vector.broadcast %add3A_4094 : i32 to vector<16xi32>
    %add3A_4096 = arith.addi %add3A_26, %add3A_4095 : vector<16xi32>
    %select_n3A_4097 = arith.select %lt3A_4093, %add3A_4096, %add3A_26 : vector<16xi1>, vector<16xi32>
    %broadcast_in_dim3A_4098 = vector.shape_cast %select_n3A_4097 : vector<16xi32> to vector<16x1xi32>
    %gather3A_4099 = vector.shape_cast %broadcast_in_dim3A_4098 : vector<16x1xi32> to vector<16xi32>
    %gather3A_4100 = tpu.dynamic_gather %get3A_4053[%gather3A_4099] in [0] : vector<16xi32>, vector<16xi32> -> vector<16xi32>
    %lt3A_4101 = arith.constant 0 : i32
    %lt3A_4102 = vector.broadcast %lt3A_4101 : i32 to vector<16xi32>
    %lt3A_4103 = arith.cmpi slt, %gather3A_4100, %lt3A_4102 : vector<16xi32>
    %add3A_4104 = arith.constant 16 : i32
    %add3A_4105 = vector.broadcast %add3A_4104 : i32 to vector<16xi32>
    %add3A_4106 = arith.addi %gather3A_4100, %add3A_4105 : vector<16xi32>
    %select_n3A_4107 = arith.select %lt3A_4103, %add3A_4106, %gather3A_4100 : vector<16xi1>, vector<16xi32>
    %broadcast_in_dim3A_4108 = vector.shape_cast %select_n3A_4107 : vector<16xi32> to vector<16x1xi32>
    %gather3A_4109 = vector.shape_cast %broadcast_in_dim3A_4108 : vector<16x1xi32> to vector<16xi32>
    %gather3A_4110 = tpu.dynamic_gather %select_n3A_69[%gather3A_4109] in [0] : vector<16xf32>, vector<16xi32> -> vector<16xf32>
    %lt3A_4111 = arith.constant 0 : i32
    %lt3A_4112 = vector.broadcast %lt3A_4111 : i32 to vector<16xi32>
    %lt3A_4113 = arith.cmpi slt, %gather3A_4100, %lt3A_4112 : vector<16xi32>
    %add3A_4114 = arith.constant 16 : i32
    %add3A_4115 = vector.broadcast %add3A_4114 : i32 to vector<16xi32>
    %add3A_4116 = arith.addi %gather3A_4100, %add3A_4115 : vector<16xi32>
    %select_n3A_4117 = arith.select %lt3A_4113, %add3A_4116, %gather3A_4100 : vector<16xi1>, vector<16xi32>
    %broadcast_in_dim3A_4118 = vector.shape_cast %select_n3A_4117 : vector<16xi32> to vector<16x1xi32>
    %gather3A_4119 = vector.shape_cast %broadcast_in_dim3A_4118 : vector<16x1xi32> to vector<16xi32>
    %gather3A_4120 = tpu.dynamic_gather %select_n3A_108[%gather3A_4119] in [0] : vector<16xf32>, vector<16xi32> -> vector<16xf32>
    %select_n3A_4121 = arith.select %eq3A_30, %gather3A_4120, %gather3A_4110 : vector<16xi1>, vector<16xf32>
    %get3A_4122 = arith.constant 1648 : index
    %get3A_4123 = tpu.vector_load %arg6[%get3A_4122] {strides = array<i32>} : memref<2048xf32, #tpu.memory_space<vmem>>, vector<16xf32>,
    %get3A_4124 = vector.shape_cast %get3A_4123 : vector<16xf32> to vector<16xf32>
    %sub3A_4125 = arith.subf %get3A_4124, %select_n3A_4121 : vector<16xf32>
    %mul3A_4126 = arith.mulf %sub3A_4125, %sub3A_4125 : vector<16xf32>
    %add3A_4127 = arith.addf %add3A_4090, %mul3A_4126 : vector<16xf32>
    %get3A_4128 = arith.constant 832 : index
    %get3A_4129 = tpu.vector_load %arg7[%get3A_4128] {strides = array<i32>} : memref<1024xi32, #tpu.memory_space<vmem>>, vector<16xi32>,
    %get3A_4130 = vector.shape_cast %get3A_4129 : vector<16xi32> to vector<16xi32>
    %lt3A_4131 = arith.constant 0 : i32
    %lt3A_4132 = vector.broadcast %lt3A_4131 : i32 to vector<16xi32>
    %lt3A_4133 = arith.cmpi slt, %shift_right_arithmetic3A_23, %lt3A_4132 : vector<16xi32>
    %add3A_4134 = arith.constant 16 : i32
    %add3A_4135 = vector.broadcast %add3A_4134 : i32 to vector<16xi32>
    %add3A_4136 = arith.addi %shift_right_arithmetic3A_23, %add3A_4135 : vector<16xi32>
    %select_n3A_4137 = arith.select %lt3A_4133, %add3A_4136, %shift_right_arithmetic3A_23 : vector<16xi1>, vector<16xi32>
    %broadcast_in_dim3A_4138 = vector.shape_cast %select_n3A_4137 : vector<16xi32> to vector<16x1xi32>
    %gather3A_4139 = vector.shape_cast %broadcast_in_dim3A_4138 : vector<16x1xi32> to vector<16xi32>
    %gather3A_4140 = tpu.dynamic_gather %get3A_4130[%gather3A_4139] in [0] : vector<16xi32>, vector<16xi32> -> vector<16xi32>
    %lt3A_4141 = arith.constant 0 : i32
    %lt3A_4142 = vector.broadcast %lt3A_4141 : i32 to vector<16xi32>
    %lt3A_4143 = arith.cmpi slt, %gather3A_4140, %lt3A_4142 : vector<16xi32>
    %add3A_4144 = arith.constant 16 : i32
    %add3A_4145 = vector.broadcast %add3A_4144 : i32 to vector<16xi32>
    %add3A_4146 = arith.addi %gather3A_4140, %add3A_4145 : vector<16xi32>
    %select_n3A_4147 = arith.select %lt3A_4143, %add3A_4146, %gather3A_4140 : vector<16xi1>, vector<16xi32>
    %broadcast_in_dim3A_4148 = vector.shape_cast %select_n3A_4147 : vector<16xi32> to vector<16x1xi32>
    %gather3A_4149 = vector.shape_cast %broadcast_in_dim3A_4148 : vector<16x1xi32> to vector<16xi32>
    %gather3A_4150 = tpu.dynamic_gather %select_n3A_69[%gather3A_4149] in [0] : vector<16xf32>, vector<16xi32> -> vector<16xf32>
    %lt3A_4151 = arith.constant 0 : i32
    %lt3A_4152 = vector.broadcast %lt3A_4151 : i32 to vector<16xi32>
    %lt3A_4153 = arith.cmpi slt, %gather3A_4140, %lt3A_4152 : vector<16xi32>
    %add3A_4154 = arith.constant 16 : i32
    %add3A_4155 = vector.broadcast %add3A_4154 : i32 to vector<16xi32>
    %add3A_4156 = arith.addi %gather3A_4140, %add3A_4155 : vector<16xi32>
    %select_n3A_4157 = arith.select %lt3A_4153, %add3A_4156, %gather3A_4140 : vector<16xi1>, vector<16xi32>
    %broadcast_in_dim3A_4158 = vector.shape_cast %select_n3A_4157 : vector<16xi32> to vector<16x1xi32>
    %gather3A_4159 = vector.shape_cast %broadcast_in_dim3A_4158 : vector<16x1xi32> to vector<16xi32>
    %gather3A_4160 = tpu.dynamic_gather %select_n3A_108[%gather3A_4159] in [0] : vector<16xf32>, vector<16xi32> -> vector<16xf32>
    %select_n3A_4161 = arith.select %eq3A_30, %gather3A_4160, %gather3A_4150 : vector<16xi1>, vector<16xf32>
    %get3A_4162 = arith.constant 1664 : index
    %get3A_4163 = tpu.vector_load %arg6[%get3A_4162] {strides = array<i32>} : memref<2048xf32, #tpu.memory_space<vmem>>, vector<16xf32>,
    %get3A_4164 = vector.shape_cast %get3A_4163 : vector<16xf32> to vector<16xf32>
    %sub3A_4165 = arith.subf %get3A_4164, %select_n3A_4161 : vector<16xf32>
    %mul3A_4166 = arith.mulf %sub3A_4165, %sub3A_4165 : vector<16xf32>
    %add3A_4167 = arith.addf %add3A_4127, %mul3A_4166 : vector<16xf32>
    %lt3A_4168 = arith.constant 0 : i32
    %lt3A_4169 = vector.broadcast %lt3A_4168 : i32 to vector<16xi32>
    %lt3A_4170 = arith.cmpi slt, %add3A_26, %lt3A_4169 : vector<16xi32>
    %add3A_4171 = arith.constant 16 : i32
    %add3A_4172 = vector.broadcast %add3A_4171 : i32 to vector<16xi32>
    %add3A_4173 = arith.addi %add3A_26, %add3A_4172 : vector<16xi32>
    %select_n3A_4174 = arith.select %lt3A_4170, %add3A_4173, %add3A_26 : vector<16xi1>, vector<16xi32>
    %broadcast_in_dim3A_4175 = vector.shape_cast %select_n3A_4174 : vector<16xi32> to vector<16x1xi32>
    %gather3A_4176 = vector.shape_cast %broadcast_in_dim3A_4175 : vector<16x1xi32> to vector<16xi32>
    %gather3A_4177 = tpu.dynamic_gather %get3A_4130[%gather3A_4176] in [0] : vector<16xi32>, vector<16xi32> -> vector<16xi32>
    %lt3A_4178 = arith.constant 0 : i32
    %lt3A_4179 = vector.broadcast %lt3A_4178 : i32 to vector<16xi32>
    %lt3A_4180 = arith.cmpi slt, %gather3A_4177, %lt3A_4179 : vector<16xi32>
    %add3A_4181 = arith.constant 16 : i32
    %add3A_4182 = vector.broadcast %add3A_4181 : i32 to vector<16xi32>
    %add3A_4183 = arith.addi %gather3A_4177, %add3A_4182 : vector<16xi32>
    %select_n3A_4184 = arith.select %lt3A_4180, %add3A_4183, %gather3A_4177 : vector<16xi1>, vector<16xi32>
    %broadcast_in_dim3A_4185 = vector.shape_cast %select_n3A_4184 : vector<16xi32> to vector<16x1xi32>
    %gather3A_4186 = vector.shape_cast %broadcast_in_dim3A_4185 : vector<16x1xi32> to vector<16xi32>
    %gather3A_4187 = tpu.dynamic_gather %select_n3A_69[%gather3A_4186] in [0] : vector<16xf32>, vector<16xi32> -> vector<16xf32>
    %lt3A_4188 = arith.constant 0 : i32
    %lt3A_4189 = vector.broadcast %lt3A_4188 : i32 to vector<16xi32>
    %lt3A_4190 = arith.cmpi slt, %gather3A_4177, %lt3A_4189 : vector<16xi32>
    %add3A_4191 = arith.constant 16 : i32
    %add3A_4192 = vector.broadcast %add3A_4191 : i32 to vector<16xi32>
    %add3A_4193 = arith.addi %gather3A_4177, %add3A_4192 : vector<16xi32>
    %select_n3A_4194 = arith.select %lt3A_4190, %add3A_4193, %gather3A_4177 : vector<16xi1>, vector<16xi32>
    %broadcast_in_dim3A_4195 = vector.shape_cast %select_n3A_4194 : vector<16xi32> to vector<16x1xi32>
    %gather3A_4196 = vector.shape_cast %broadcast_in_dim3A_4195 : vector<16x1xi32> to vector<16xi32>
    %gather3A_4197 = tpu.dynamic_gather %select_n3A_108[%gather3A_4196] in [0] : vector<16xf32>, vector<16xi32> -> vector<16xf32>
    %select_n3A_4198 = arith.select %eq3A_30, %gather3A_4197, %gather3A_4187 : vector<16xi1>, vector<16xf32>
    %get3A_4199 = arith.constant 1680 : index
    %get3A_4200 = tpu.vector_load %arg6[%get3A_4199] {strides = array<i32>} : memref<2048xf32, #tpu.memory_space<vmem>>, vector<16xf32>,
    %get3A_4201 = vector.shape_cast %get3A_4200 : vector<16xf32> to vector<16xf32>
    %sub3A_4202 = arith.subf %get3A_4201, %select_n3A_4198 : vector<16xf32>
    %mul3A_4203 = arith.mulf %sub3A_4202, %sub3A_4202 : vector<16xf32>
    %add3A_4204 = arith.addf %add3A_4167, %mul3A_4203 : vector<16xf32>
    %get3A_4205 = arith.constant 848 : index
    %get3A_4206 = tpu.vector_load %arg7[%get3A_4205] {strides = array<i32>} : memref<1024xi32, #tpu.memory_space<vmem>>, vector<16xi32>,
    %get3A_4207 = vector.shape_cast %get3A_4206 : vector<16xi32> to vector<16xi32>
    %lt3A_4208 = arith.constant 0 : i32
    %lt3A_4209 = vector.broadcast %lt3A_4208 : i32 to vector<16xi32>
    %lt3A_4210 = arith.cmpi slt, %shift_right_arithmetic3A_23, %lt3A_4209 : vector<16xi32>
    %add3A_4211 = arith.constant 16 : i32
    %add3A_4212 = vector.broadcast %add3A_4211 : i32 to vector<16xi32>
    %add3A_4213 = arith.addi %shift_right_arithmetic3A_23, %add3A_4212 : vector<16xi32>
    %select_n3A_4214 = arith.select %lt3A_4210, %add3A_4213, %shift_right_arithmetic3A_23 : vector<16xi1>, vector<16xi32>
    %broadcast_in_dim3A_4215 = vector.shape_cast %select_n3A_4214 : vector<16xi32> to vector<16x1xi32>
    %gather3A_4216 = vector.shape_cast %broadcast_in_dim3A_4215 : vector<16x1xi32> to vector<16xi32>
    %gather3A_4217 = tpu.dynamic_gather %get3A_4207[%gather3A_4216] in [0] : vector<16xi32>, vector<16xi32> -> vector<16xi32>
    %lt3A_4218 = arith.constant 0 : i32
    %lt3A_4219 = vector.broadcast %lt3A_4218 : i32 to vector<16xi32>
    %lt3A_4220 = arith.cmpi slt, %gather3A_4217, %lt3A_4219 : vector<16xi32>
    %add3A_4221 = arith.constant 16 : i32
    %add3A_4222 = vector.broadcast %add3A_4221 : i32 to vector<16xi32>
    %add3A_4223 = arith.addi %gather3A_4217, %add3A_4222 : vector<16xi32>
    %select_n3A_4224 = arith.select %lt3A_4220, %add3A_4223, %gather3A_4217 : vector<16xi1>, vector<16xi32>
    %broadcast_in_dim3A_4225 = vector.shape_cast %select_n3A_4224 : vector<16xi32> to vector<16x1xi32>
    %gather3A_4226 = vector.shape_cast %broadcast_in_dim3A_4225 : vector<16x1xi32> to vector<16xi32>
    %gather3A_4227 = tpu.dynamic_gather %select_n3A_69[%gather3A_4226] in [0] : vector<16xf32>, vector<16xi32> -> vector<16xf32>
    %lt3A_4228 = arith.constant 0 : i32
    %lt3A_4229 = vector.broadcast %lt3A_4228 : i32 to vector<16xi32>
    %lt3A_4230 = arith.cmpi slt, %gather3A_4217, %lt3A_4229 : vector<16xi32>
    %add3A_4231 = arith.constant 16 : i32
    %add3A_4232 = vector.broadcast %add3A_4231 : i32 to vector<16xi32>
    %add3A_4233 = arith.addi %gather3A_4217, %add3A_4232 : vector<16xi32>
    %select_n3A_4234 = arith.select %lt3A_4230, %add3A_4233, %gather3A_4217 : vector<16xi1>, vector<16xi32>
    %broadcast_in_dim3A_4235 = vector.shape_cast %select_n3A_4234 : vector<16xi32> to vector<16x1xi32>
    %gather3A_4236 = vector.shape_cast %broadcast_in_dim3A_4235 : vector<16x1xi32> to vector<16xi32>
    %gather3A_4237 = tpu.dynamic_gather %select_n3A_108[%gather3A_4236] in [0] : vector<16xf32>, vector<16xi32> -> vector<16xf32>
    %select_n3A_4238 = arith.select %eq3A_30, %gather3A_4237, %gather3A_4227 : vector<16xi1>, vector<16xf32>
    %get3A_4239 = arith.constant 1696 : index
    %get3A_4240 = tpu.vector_load %arg6[%get3A_4239] {strides = array<i32>} : memref<2048xf32, #tpu.memory_space<vmem>>, vector<16xf32>,
    %get3A_4241 = vector.shape_cast %get3A_4240 : vector<16xf32> to vector<16xf32>
    %sub3A_4242 = arith.subf %get3A_4241, %select_n3A_4238 : vector<16xf32>
    %mul3A_4243 = arith.mulf %sub3A_4242, %sub3A_4242 : vector<16xf32>
    %add3A_4244 = arith.addf %add3A_4204, %mul3A_4243 : vector<16xf32>
    %lt3A_4245 = arith.constant 0 : i32
    %lt3A_4246 = vector.broadcast %lt3A_4245 : i32 to vector<16xi32>
    %lt3A_4247 = arith.cmpi slt, %add3A_26, %lt3A_4246 : vector<16xi32>
    %add3A_4248 = arith.constant 16 : i32
    %add3A_4249 = vector.broadcast %add3A_4248 : i32 to vector<16xi32>
    %add3A_4250 = arith.addi %add3A_26, %add3A_4249 : vector<16xi32>
    %select_n3A_4251 = arith.select %lt3A_4247, %add3A_4250, %add3A_26 : vector<16xi1>, vector<16xi32>
    %broadcast_in_dim3A_4252 = vector.shape_cast %select_n3A_4251 : vector<16xi32> to vector<16x1xi32>
    %gather3A_4253 = vector.shape_cast %broadcast_in_dim3A_4252 : vector<16x1xi32> to vector<16xi32>
    %gather3A_4254 = tpu.dynamic_gather %get3A_4207[%gather3A_4253] in [0] : vector<16xi32>, vector<16xi32> -> vector<16xi32>
    %lt3A_4255 = arith.constant 0 : i32
    %lt3A_4256 = vector.broadcast %lt3A_4255 : i32 to vector<16xi32>
    %lt3A_4257 = arith.cmpi slt, %gather3A_4254, %lt3A_4256 : vector<16xi32>
    %add3A_4258 = arith.constant 16 : i32
    %add3A_4259 = vector.broadcast %add3A_4258 : i32 to vector<16xi32>
    %add3A_4260 = arith.addi %gather3A_4254, %add3A_4259 : vector<16xi32>
    %select_n3A_4261 = arith.select %lt3A_4257, %add3A_4260, %gather3A_4254 : vector<16xi1>, vector<16xi32>
    %broadcast_in_dim3A_4262 = vector.shape_cast %select_n3A_4261 : vector<16xi32> to vector<16x1xi32>
    %gather3A_4263 = vector.shape_cast %broadcast_in_dim3A_4262 : vector<16x1xi32> to vector<16xi32>
    %gather3A_4264 = tpu.dynamic_gather %select_n3A_69[%gather3A_4263] in [0] : vector<16xf32>, vector<16xi32> -> vector<16xf32>
    %lt3A_4265 = arith.constant 0 : i32
    %lt3A_4266 = vector.broadcast %lt3A_4265 : i32 to vector<16xi32>
    %lt3A_4267 = arith.cmpi slt, %gather3A_4254, %lt3A_4266 : vector<16xi32>
    %add3A_4268 = arith.constant 16 : i32
    %add3A_4269 = vector.broadcast %add3A_4268 : i32 to vector<16xi32>
    %add3A_4270 = arith.addi %gather3A_4254, %add3A_4269 : vector<16xi32>
    %select_n3A_4271 = arith.select %lt3A_4267, %add3A_4270, %gather3A_4254 : vector<16xi1>, vector<16xi32>
    %broadcast_in_dim3A_4272 = vector.shape_cast %select_n3A_4271 : vector<16xi32> to vector<16x1xi32>
    %gather3A_4273 = vector.shape_cast %broadcast_in_dim3A_4272 : vector<16x1xi32> to vector<16xi32>
    %gather3A_4274 = tpu.dynamic_gather %select_n3A_108[%gather3A_4273] in [0] : vector<16xf32>, vector<16xi32> -> vector<16xf32>
    %select_n3A_4275 = arith.select %eq3A_30, %gather3A_4274, %gather3A_4264 : vector<16xi1>, vector<16xf32>
    %get3A_4276 = arith.constant 1712 : index
    %get3A_4277 = tpu.vector_load %arg6[%get3A_4276] {strides = array<i32>} : memref<2048xf32, #tpu.memory_space<vmem>>, vector<16xf32>,
    %get3A_4278 = vector.shape_cast %get3A_4277 : vector<16xf32> to vector<16xf32>
    %sub3A_4279 = arith.subf %get3A_4278, %select_n3A_4275 : vector<16xf32>
    %mul3A_4280 = arith.mulf %sub3A_4279, %sub3A_4279 : vector<16xf32>
    %add3A_4281 = arith.addf %add3A_4244, %mul3A_4280 : vector<16xf32>
    %get3A_4282 = arith.constant 864 : index
    %get3A_4283 = tpu.vector_load %arg7[%get3A_4282] {strides = array<i32>} : memref<1024xi32, #tpu.memory_space<vmem>>, vector<16xi32>,
    %get3A_4284 = vector.shape_cast %get3A_4283 : vector<16xi32> to vector<16xi32>
    %lt3A_4285 = arith.constant 0 : i32
    %lt3A_4286 = vector.broadcast %lt3A_4285 : i32 to vector<16xi32>
    %lt3A_4287 = arith.cmpi slt, %shift_right_arithmetic3A_23, %lt3A_4286 : vector<16xi32>
    %add3A_4288 = arith.constant 16 : i32
    %add3A_4289 = vector.broadcast %add3A_4288 : i32 to vector<16xi32>
    %add3A_4290 = arith.addi %shift_right_arithmetic3A_23, %add3A_4289 : vector<16xi32>
    %select_n3A_4291 = arith.select %lt3A_4287, %add3A_4290, %shift_right_arithmetic3A_23 : vector<16xi1>, vector<16xi32>
    %broadcast_in_dim3A_4292 = vector.shape_cast %select_n3A_4291 : vector<16xi32> to vector<16x1xi32>
    %gather3A_4293 = vector.shape_cast %broadcast_in_dim3A_4292 : vector<16x1xi32> to vector<16xi32>
    %gather3A_4294 = tpu.dynamic_gather %get3A_4284[%gather3A_4293] in [0] : vector<16xi32>, vector<16xi32> -> vector<16xi32>
    %lt3A_4295 = arith.constant 0 : i32
    %lt3A_4296 = vector.broadcast %lt3A_4295 : i32 to vector<16xi32>
    %lt3A_4297 = arith.cmpi slt, %gather3A_4294, %lt3A_4296 : vector<16xi32>
    %add3A_4298 = arith.constant 16 : i32
    %add3A_4299 = vector.broadcast %add3A_4298 : i32 to vector<16xi32>
    %add3A_4300 = arith.addi %gather3A_4294, %add3A_4299 : vector<16xi32>
    %select_n3A_4301 = arith.select %lt3A_4297, %add3A_4300, %gather3A_4294 : vector<16xi1>, vector<16xi32>
    %broadcast_in_dim3A_4302 = vector.shape_cast %select_n3A_4301 : vector<16xi32> to vector<16x1xi32>
    %gather3A_4303 = vector.shape_cast %broadcast_in_dim3A_4302 : vector<16x1xi32> to vector<16xi32>
    %gather3A_4304 = tpu.dynamic_gather %select_n3A_69[%gather3A_4303] in [0] : vector<16xf32>, vector<16xi32> -> vector<16xf32>
    %lt3A_4305 = arith.constant 0 : i32
    %lt3A_4306 = vector.broadcast %lt3A_4305 : i32 to vector<16xi32>
    %lt3A_4307 = arith.cmpi slt, %gather3A_4294, %lt3A_4306 : vector<16xi32>
    %add3A_4308 = arith.constant 16 : i32
    %add3A_4309 = vector.broadcast %add3A_4308 : i32 to vector<16xi32>
    %add3A_4310 = arith.addi %gather3A_4294, %add3A_4309 : vector<16xi32>
    %select_n3A_4311 = arith.select %lt3A_4307, %add3A_4310, %gather3A_4294 : vector<16xi1>, vector<16xi32>
    %broadcast_in_dim3A_4312 = vector.shape_cast %select_n3A_4311 : vector<16xi32> to vector<16x1xi32>
    %gather3A_4313 = vector.shape_cast %broadcast_in_dim3A_4312 : vector<16x1xi32> to vector<16xi32>
    %gather3A_4314 = tpu.dynamic_gather %select_n3A_108[%gather3A_4313] in [0] : vector<16xf32>, vector<16xi32> -> vector<16xf32>
    %select_n3A_4315 = arith.select %eq3A_30, %gather3A_4314, %gather3A_4304 : vector<16xi1>, vector<16xf32>
    %get3A_4316 = arith.constant 1728 : index
    %get3A_4317 = tpu.vector_load %arg6[%get3A_4316] {strides = array<i32>} : memref<2048xf32, #tpu.memory_space<vmem>>, vector<16xf32>,
    %get3A_4318 = vector.shape_cast %get3A_4317 : vector<16xf32> to vector<16xf32>
    %sub3A_4319 = arith.subf %get3A_4318, %select_n3A_4315 : vector<16xf32>
    %mul3A_4320 = arith.mulf %sub3A_4319, %sub3A_4319 : vector<16xf32>
    %add3A_4321 = arith.addf %add3A_4281, %mul3A_4320 : vector<16xf32>
    %lt3A_4322 = arith.constant 0 : i32
    %lt3A_4323 = vector.broadcast %lt3A_4322 : i32 to vector<16xi32>
    %lt3A_4324 = arith.cmpi slt, %add3A_26, %lt3A_4323 : vector<16xi32>
    %add3A_4325 = arith.constant 16 : i32
    %add3A_4326 = vector.broadcast %add3A_4325 : i32 to vector<16xi32>
    %add3A_4327 = arith.addi %add3A_26, %add3A_4326 : vector<16xi32>
    %select_n3A_4328 = arith.select %lt3A_4324, %add3A_4327, %add3A_26 : vector<16xi1>, vector<16xi32>
    %broadcast_in_dim3A_4329 = vector.shape_cast %select_n3A_4328 : vector<16xi32> to vector<16x1xi32>
    %gather3A_4330 = vector.shape_cast %broadcast_in_dim3A_4329 : vector<16x1xi32> to vector<16xi32>
    %gather3A_4331 = tpu.dynamic_gather %get3A_4284[%gather3A_4330] in [0] : vector<16xi32>, vector<16xi32> -> vector<16xi32>
    %lt3A_4332 = arith.constant 0 : i32
    %lt3A_4333 = vector.broadcast %lt3A_4332 : i32 to vector<16xi32>
    %lt3A_4334 = arith.cmpi slt, %gather3A_4331, %lt3A_4333 : vector<16xi32>
    %add3A_4335 = arith.constant 16 : i32
    %add3A_4336 = vector.broadcast %add3A_4335 : i32 to vector<16xi32>
    %add3A_4337 = arith.addi %gather3A_4331, %add3A_4336 : vector<16xi32>
    %select_n3A_4338 = arith.select %lt3A_4334, %add3A_4337, %gather3A_4331 : vector<16xi1>, vector<16xi32>
    %broadcast_in_dim3A_4339 = vector.shape_cast %select_n3A_4338 : vector<16xi32> to vector<16x1xi32>
    %gather3A_4340 = vector.shape_cast %broadcast_in_dim3A_4339 : vector<16x1xi32> to vector<16xi32>
    %gather3A_4341 = tpu.dynamic_gather %select_n3A_69[%gather3A_4340] in [0] : vector<16xf32>, vector<16xi32> -> vector<16xf32>
    %lt3A_4342 = arith.constant 0 : i32
    %lt3A_4343 = vector.broadcast %lt3A_4342 : i32 to vector<16xi32>
    %lt3A_4344 = arith.cmpi slt, %gather3A_4331, %lt3A_4343 : vector<16xi32>
    %add3A_4345 = arith.constant 16 : i32
    %add3A_4346 = vector.broadcast %add3A_4345 : i32 to vector<16xi32>
    %add3A_4347 = arith.addi %gather3A_4331, %add3A_4346 : vector<16xi32>
    %select_n3A_4348 = arith.select %lt3A_4344, %add3A_4347, %gather3A_4331 : vector<16xi1>, vector<16xi32>
    %broadcast_in_dim3A_4349 = vector.shape_cast %select_n3A_4348 : vector<16xi32> to vector<16x1xi32>
    %gather3A_4350 = vector.shape_cast %broadcast_in_dim3A_4349 : vector<16x1xi32> to vector<16xi32>
    %gather3A_4351 = tpu.dynamic_gather %select_n3A_108[%gather3A_4350] in [0] : vector<16xf32>, vector<16xi32> -> vector<16xf32>
    %select_n3A_4352 = arith.select %eq3A_30, %gather3A_4351, %gather3A_4341 : vector<16xi1>, vector<16xf32>
    %get3A_4353 = arith.constant 1744 : index
    %get3A_4354 = tpu.vector_load %arg6[%get3A_4353] {strides = array<i32>} : memref<2048xf32, #tpu.memory_space<vmem>>, vector<16xf32>,
    %get3A_4355 = vector.shape_cast %get3A_4354 : vector<16xf32> to vector<16xf32>
    %sub3A_4356 = arith.subf %get3A_4355, %select_n3A_4352 : vector<16xf32>
    %mul3A_4357 = arith.mulf %sub3A_4356, %sub3A_4356 : vector<16xf32>
    %add3A_4358 = arith.addf %add3A_4321, %mul3A_4357 : vector<16xf32>
    %get3A_4359 = arith.constant 880 : index
    %get3A_4360 = tpu.vector_load %arg7[%get3A_4359] {strides = array<i32>} : memref<1024xi32, #tpu.memory_space<vmem>>, vector<16xi32>,
    %get3A_4361 = vector.shape_cast %get3A_4360 : vector<16xi32> to vector<16xi32>
    %lt3A_4362 = arith.constant 0 : i32
    %lt3A_4363 = vector.broadcast %lt3A_4362 : i32 to vector<16xi32>
    %lt3A_4364 = arith.cmpi slt, %shift_right_arithmetic3A_23, %lt3A_4363 : vector<16xi32>
    %add3A_4365 = arith.constant 16 : i32
    %add3A_4366 = vector.broadcast %add3A_4365 : i32 to vector<16xi32>
    %add3A_4367 = arith.addi %shift_right_arithmetic3A_23, %add3A_4366 : vector<16xi32>
    %select_n3A_4368 = arith.select %lt3A_4364, %add3A_4367, %shift_right_arithmetic3A_23 : vector<16xi1>, vector<16xi32>
    %broadcast_in_dim3A_4369 = vector.shape_cast %select_n3A_4368 : vector<16xi32> to vector<16x1xi32>
    %gather3A_4370 = vector.shape_cast %broadcast_in_dim3A_4369 : vector<16x1xi32> to vector<16xi32>
    %gather3A_4371 = tpu.dynamic_gather %get3A_4361[%gather3A_4370] in [0] : vector<16xi32>, vector<16xi32> -> vector<16xi32>
    %lt3A_4372 = arith.constant 0 : i32
    %lt3A_4373 = vector.broadcast %lt3A_4372 : i32 to vector<16xi32>
    %lt3A_4374 = arith.cmpi slt, %gather3A_4371, %lt3A_4373 : vector<16xi32>
    %add3A_4375 = arith.constant 16 : i32
    %add3A_4376 = vector.broadcast %add3A_4375 : i32 to vector<16xi32>
    %add3A_4377 = arith.addi %gather3A_4371, %add3A_4376 : vector<16xi32>
    %select_n3A_4378 = arith.select %lt3A_4374, %add3A_4377, %gather3A_4371 : vector<16xi1>, vector<16xi32>
    %broadcast_in_dim3A_4379 = vector.shape_cast %select_n3A_4378 : vector<16xi32> to vector<16x1xi32>
    %gather3A_4380 = vector.shape_cast %broadcast_in_dim3A_4379 : vector<16x1xi32> to vector<16xi32>
    %gather3A_4381 = tpu.dynamic_gather %select_n3A_69[%gather3A_4380] in [0] : vector<16xf32>, vector<16xi32> -> vector<16xf32>
    %lt3A_4382 = arith.constant 0 : i32
    %lt3A_4383 = vector.broadcast %lt3A_4382 : i32 to vector<16xi32>
    %lt3A_4384 = arith.cmpi slt, %gather3A_4371, %lt3A_4383 : vector<16xi32>
    %add3A_4385 = arith.constant 16 : i32
    %add3A_4386 = vector.broadcast %add3A_4385 : i32 to vector<16xi32>
    %add3A_4387 = arith.addi %gather3A_4371, %add3A_4386 : vector<16xi32>
    %select_n3A_4388 = arith.select %lt3A_4384, %add3A_4387, %gather3A_4371 : vector<16xi1>, vector<16xi32>
    %broadcast_in_dim3A_4389 = vector.shape_cast %select_n3A_4388 : vector<16xi32> to vector<16x1xi32>
    %gather3A_4390 = vector.shape_cast %broadcast_in_dim3A_4389 : vector<16x1xi32> to vector<16xi32>
    %gather3A_4391 = tpu.dynamic_gather %select_n3A_108[%gather3A_4390] in [0] : vector<16xf32>, vector<16xi32> -> vector<16xf32>
    %select_n3A_4392 = arith.select %eq3A_30, %gather3A_4391, %gather3A_4381 : vector<16xi1>, vector<16xf32>
    %get3A_4393 = arith.constant 1760 : index
    %get3A_4394 = tpu.vector_load %arg6[%get3A_4393] {strides = array<i32>} : memref<2048xf32, #tpu.memory_space<vmem>>, vector<16xf32>,
    %get3A_4395 = vector.shape_cast %get3A_4394 : vector<16xf32> to vector<16xf32>
    %sub3A_4396 = arith.subf %get3A_4395, %select_n3A_4392 : vector<16xf32>
    %mul3A_4397 = arith.mulf %sub3A_4396, %sub3A_4396 : vector<16xf32>
    %add3A_4398 = arith.addf %add3A_4358, %mul3A_4397 : vector<16xf32>
    %lt3A_4399 = arith.constant 0 : i32
    %lt3A_4400 = vector.broadcast %lt3A_4399 : i32 to vector<16xi32>
    %lt3A_4401 = arith.cmpi slt, %add3A_26, %lt3A_4400 : vector<16xi32>
    %add3A_4402 = arith.constant 16 : i32
    %add3A_4403 = vector.broadcast %add3A_4402 : i32 to vector<16xi32>
    %add3A_4404 = arith.addi %add3A_26, %add3A_4403 : vector<16xi32>
    %select_n3A_4405 = arith.select %lt3A_4401, %add3A_4404, %add3A_26 : vector<16xi1>, vector<16xi32>
    %broadcast_in_dim3A_4406 = vector.shape_cast %select_n3A_4405 : vector<16xi32> to vector<16x1xi32>
    %gather3A_4407 = vector.shape_cast %broadcast_in_dim3A_4406 : vector<16x1xi32> to vector<16xi32>
    %gather3A_4408 = tpu.dynamic_gather %get3A_4361[%gather3A_4407] in [0] : vector<16xi32>, vector<16xi32> -> vector<16xi32>
    %lt3A_4409 = arith.constant 0 : i32
    %lt3A_4410 = vector.broadcast %lt3A_4409 : i32 to vector<16xi32>
    %lt3A_4411 = arith.cmpi slt, %gather3A_4408, %lt3A_4410 : vector<16xi32>
    %add3A_4412 = arith.constant 16 : i32
    %add3A_4413 = vector.broadcast %add3A_4412 : i32 to vector<16xi32>
    %add3A_4414 = arith.addi %gather3A_4408, %add3A_4413 : vector<16xi32>
    %select_n3A_4415 = arith.select %lt3A_4411, %add3A_4414, %gather3A_4408 : vector<16xi1>, vector<16xi32>
    %broadcast_in_dim3A_4416 = vector.shape_cast %select_n3A_4415 : vector<16xi32> to vector<16x1xi32>
    %gather3A_4417 = vector.shape_cast %broadcast_in_dim3A_4416 : vector<16x1xi32> to vector<16xi32>
    %gather3A_4418 = tpu.dynamic_gather %select_n3A_69[%gather3A_4417] in [0] : vector<16xf32>, vector<16xi32> -> vector<16xf32>
    %lt3A_4419 = arith.constant 0 : i32
    %lt3A_4420 = vector.broadcast %lt3A_4419 : i32 to vector<16xi32>
    %lt3A_4421 = arith.cmpi slt, %gather3A_4408, %lt3A_4420 : vector<16xi32>
    %add3A_4422 = arith.constant 16 : i32
    %add3A_4423 = vector.broadcast %add3A_4422 : i32 to vector<16xi32>
    %add3A_4424 = arith.addi %gather3A_4408, %add3A_4423 : vector<16xi32>
    %select_n3A_4425 = arith.select %lt3A_4421, %add3A_4424, %gather3A_4408 : vector<16xi1>, vector<16xi32>
    %broadcast_in_dim3A_4426 = vector.shape_cast %select_n3A_4425 : vector<16xi32> to vector<16x1xi32>
    %gather3A_4427 = vector.shape_cast %broadcast_in_dim3A_4426 : vector<16x1xi32> to vector<16xi32>
    %gather3A_4428 = tpu.dynamic_gather %select_n3A_108[%gather3A_4427] in [0] : vector<16xf32>, vector<16xi32> -> vector<16xf32>
    %select_n3A_4429 = arith.select %eq3A_30, %gather3A_4428, %gather3A_4418 : vector<16xi1>, vector<16xf32>
    %get3A_4430 = arith.constant 1776 : index
    %get3A_4431 = tpu.vector_load %arg6[%get3A_4430] {strides = array<i32>} : memref<2048xf32, #tpu.memory_space<vmem>>, vector<16xf32>,
    %get3A_4432 = vector.shape_cast %get3A_4431 : vector<16xf32> to vector<16xf32>
    %sub3A_4433 = arith.subf %get3A_4432, %select_n3A_4429 : vector<16xf32>
    %mul3A_4434 = arith.mulf %sub3A_4433, %sub3A_4433 : vector<16xf32>
    %add3A_4435 = arith.addf %add3A_4398, %mul3A_4434 : vector<16xf32>
    %get3A_4436 = arith.constant 896 : index
    %get3A_4437 = tpu.vector_load %arg7[%get3A_4436] {strides = array<i32>} : memref<1024xi32, #tpu.memory_space<vmem>>, vector<16xi32>,
    %get3A_4438 = vector.shape_cast %get3A_4437 : vector<16xi32> to vector<16xi32>
    %lt3A_4439 = arith.constant 0 : i32
    %lt3A_4440 = vector.broadcast %lt3A_4439 : i32 to vector<16xi32>
    %lt3A_4441 = arith.cmpi slt, %shift_right_arithmetic3A_23, %lt3A_4440 : vector<16xi32>
    %add3A_4442 = arith.constant 16 : i32
    %add3A_4443 = vector.broadcast %add3A_4442 : i32 to vector<16xi32>
    %add3A_4444 = arith.addi %shift_right_arithmetic3A_23, %add3A_4443 : vector<16xi32>
    %select_n3A_4445 = arith.select %lt3A_4441, %add3A_4444, %shift_right_arithmetic3A_23 : vector<16xi1>, vector<16xi32>
    %broadcast_in_dim3A_4446 = vector.shape_cast %select_n3A_4445 : vector<16xi32> to vector<16x1xi32>
    %gather3A_4447 = vector.shape_cast %broadcast_in_dim3A_4446 : vector<16x1xi32> to vector<16xi32>
    %gather3A_4448 = tpu.dynamic_gather %get3A_4438[%gather3A_4447] in [0] : vector<16xi32>, vector<16xi32> -> vector<16xi32>
    %lt3A_4449 = arith.constant 0 : i32
    %lt3A_4450 = vector.broadcast %lt3A_4449 : i32 to vector<16xi32>
    %lt3A_4451 = arith.cmpi slt, %gather3A_4448, %lt3A_4450 : vector<16xi32>
    %add3A_4452 = arith.constant 16 : i32
    %add3A_4453 = vector.broadcast %add3A_4452 : i32 to vector<16xi32>
    %add3A_4454 = arith.addi %gather3A_4448, %add3A_4453 : vector<16xi32>
    %select_n3A_4455 = arith.select %lt3A_4451, %add3A_4454, %gather3A_4448 : vector<16xi1>, vector<16xi32>
    %broadcast_in_dim3A_4456 = vector.shape_cast %select_n3A_4455 : vector<16xi32> to vector<16x1xi32>
    %gather3A_4457 = vector.shape_cast %broadcast_in_dim3A_4456 : vector<16x1xi32> to vector<16xi32>
    %gather3A_4458 = tpu.dynamic_gather %select_n3A_69[%gather3A_4457] in [0] : vector<16xf32>, vector<16xi32> -> vector<16xf32>
    %lt3A_4459 = arith.constant 0 : i32
    %lt3A_4460 = vector.broadcast %lt3A_4459 : i32 to vector<16xi32>
    %lt3A_4461 = arith.cmpi slt, %gather3A_4448, %lt3A_4460 : vector<16xi32>
    %add3A_4462 = arith.constant 16 : i32
    %add3A_4463 = vector.broadcast %add3A_4462 : i32 to vector<16xi32>
    %add3A_4464 = arith.addi %gather3A_4448, %add3A_4463 : vector<16xi32>
    %select_n3A_4465 = arith.select %lt3A_4461, %add3A_4464, %gather3A_4448 : vector<16xi1>, vector<16xi32>
    %broadcast_in_dim3A_4466 = vector.shape_cast %select_n3A_4465 : vector<16xi32> to vector<16x1xi32>
    %gather3A_4467 = vector.shape_cast %broadcast_in_dim3A_4466 : vector<16x1xi32> to vector<16xi32>
    %gather3A_4468 = tpu.dynamic_gather %select_n3A_108[%gather3A_4467] in [0] : vector<16xf32>, vector<16xi32> -> vector<16xf32>
    %select_n3A_4469 = arith.select %eq3A_30, %gather3A_4468, %gather3A_4458 : vector<16xi1>, vector<16xf32>
    %get3A_4470 = arith.constant 1792 : index
    %get3A_4471 = tpu.vector_load %arg6[%get3A_4470] {strides = array<i32>} : memref<2048xf32, #tpu.memory_space<vmem>>, vector<16xf32>,
    %get3A_4472 = vector.shape_cast %get3A_4471 : vector<16xf32> to vector<16xf32>
    %sub3A_4473 = arith.subf %get3A_4472, %select_n3A_4469 : vector<16xf32>
    %mul3A_4474 = arith.mulf %sub3A_4473, %sub3A_4473 : vector<16xf32>
    %add3A_4475 = arith.addf %add3A_4435, %mul3A_4474 : vector<16xf32>
    %lt3A_4476 = arith.constant 0 : i32
    %lt3A_4477 = vector.broadcast %lt3A_4476 : i32 to vector<16xi32>
    %lt3A_4478 = arith.cmpi slt, %add3A_26, %lt3A_4477 : vector<16xi32>
    %add3A_4479 = arith.constant 16 : i32
    %add3A_4480 = vector.broadcast %add3A_4479 : i32 to vector<16xi32>
    %add3A_4481 = arith.addi %add3A_26, %add3A_4480 : vector<16xi32>
    %select_n3A_4482 = arith.select %lt3A_4478, %add3A_4481, %add3A_26 : vector<16xi1>, vector<16xi32>
    %broadcast_in_dim3A_4483 = vector.shape_cast %select_n3A_4482 : vector<16xi32> to vector<16x1xi32>
    %gather3A_4484 = vector.shape_cast %broadcast_in_dim3A_4483 : vector<16x1xi32> to vector<16xi32>
    %gather3A_4485 = tpu.dynamic_gather %get3A_4438[%gather3A_4484] in [0] : vector<16xi32>, vector<16xi32> -> vector<16xi32>
    %lt3A_4486 = arith.constant 0 : i32
    %lt3A_4487 = vector.broadcast %lt3A_4486 : i32 to vector<16xi32>
    %lt3A_4488 = arith.cmpi slt, %gather3A_4485, %lt3A_4487 : vector<16xi32>
    %add3A_4489 = arith.constant 16 : i32
    %add3A_4490 = vector.broadcast %add3A_4489 : i32 to vector<16xi32>
    %add3A_4491 = arith.addi %gather3A_4485, %add3A_4490 : vector<16xi32>
    %select_n3A_4492 = arith.select %lt3A_4488, %add3A_4491, %gather3A_4485 : vector<16xi1>, vector<16xi32>
    %broadcast_in_dim3A_4493 = vector.shape_cast %select_n3A_4492 : vector<16xi32> to vector<16x1xi32>
    %gather3A_4494 = vector.shape_cast %broadcast_in_dim3A_4493 : vector<16x1xi32> to vector<16xi32>
    %gather3A_4495 = tpu.dynamic_gather %select_n3A_69[%gather3A_4494] in [0] : vector<16xf32>, vector<16xi32> -> vector<16xf32>
    %lt3A_4496 = arith.constant 0 : i32
    %lt3A_4497 = vector.broadcast %lt3A_4496 : i32 to vector<16xi32>
    %lt3A_4498 = arith.cmpi slt, %gather3A_4485, %lt3A_4497 : vector<16xi32>
    %add3A_4499 = arith.constant 16 : i32
    %add3A_4500 = vector.broadcast %add3A_4499 : i32 to vector<16xi32>
    %add3A_4501 = arith.addi %gather3A_4485, %add3A_4500 : vector<16xi32>
    %select_n3A_4502 = arith.select %lt3A_4498, %add3A_4501, %gather3A_4485 : vector<16xi1>, vector<16xi32>
    %broadcast_in_dim3A_4503 = vector.shape_cast %select_n3A_4502 : vector<16xi32> to vector<16x1xi32>
    %gather3A_4504 = vector.shape_cast %broadcast_in_dim3A_4503 : vector<16x1xi32> to vector<16xi32>
    %gather3A_4505 = tpu.dynamic_gather %select_n3A_108[%gather3A_4504] in [0] : vector<16xf32>, vector<16xi32> -> vector<16xf32>
    %select_n3A_4506 = arith.select %eq3A_30, %gather3A_4505, %gather3A_4495 : vector<16xi1>, vector<16xf32>
    %get3A_4507 = arith.constant 1808 : index
    %get3A_4508 = tpu.vector_load %arg6[%get3A_4507] {strides = array<i32>} : memref<2048xf32, #tpu.memory_space<vmem>>, vector<16xf32>,
    %get3A_4509 = vector.shape_cast %get3A_4508 : vector<16xf32> to vector<16xf32>
    %sub3A_4510 = arith.subf %get3A_4509, %select_n3A_4506 : vector<16xf32>
    %mul3A_4511 = arith.mulf %sub3A_4510, %sub3A_4510 : vector<16xf32>
    %add3A_4512 = arith.addf %add3A_4475, %mul3A_4511 : vector<16xf32>
    %get3A_4513 = arith.constant 912 : index
    %get3A_4514 = tpu.vector_load %arg7[%get3A_4513] {strides = array<i32>} : memref<1024xi32, #tpu.memory_space<vmem>>, vector<16xi32>,
    %get3A_4515 = vector.shape_cast %get3A_4514 : vector<16xi32> to vector<16xi32>
    %lt3A_4516 = arith.constant 0 : i32
    %lt3A_4517 = vector.broadcast %lt3A_4516 : i32 to vector<16xi32>
    %lt3A_4518 = arith.cmpi slt, %shift_right_arithmetic3A_23, %lt3A_4517 : vector<16xi32>
    %add3A_4519 = arith.constant 16 : i32
    %add3A_4520 = vector.broadcast %add3A_4519 : i32 to vector<16xi32>
    %add3A_4521 = arith.addi %shift_right_arithmetic3A_23, %add3A_4520 : vector<16xi32>
    %select_n3A_4522 = arith.select %lt3A_4518, %add3A_4521, %shift_right_arithmetic3A_23 : vector<16xi1>, vector<16xi32>
    %broadcast_in_dim3A_4523 = vector.shape_cast %select_n3A_4522 : vector<16xi32> to vector<16x1xi32>
    %gather3A_4524 = vector.shape_cast %broadcast_in_dim3A_4523 : vector<16x1xi32> to vector<16xi32>
    %gather3A_4525 = tpu.dynamic_gather %get3A_4515[%gather3A_4524] in [0] : vector<16xi32>, vector<16xi32> -> vector<16xi32>
    %lt3A_4526 = arith.constant 0 : i32
    %lt3A_4527 = vector.broadcast %lt3A_4526 : i32 to vector<16xi32>
    %lt3A_4528 = arith.cmpi slt, %gather3A_4525, %lt3A_4527 : vector<16xi32>
    %add3A_4529 = arith.constant 16 : i32
    %add3A_4530 = vector.broadcast %add3A_4529 : i32 to vector<16xi32>
    %add3A_4531 = arith.addi %gather3A_4525, %add3A_4530 : vector<16xi32>
    %select_n3A_4532 = arith.select %lt3A_4528, %add3A_4531, %gather3A_4525 : vector<16xi1>, vector<16xi32>
    %broadcast_in_dim3A_4533 = vector.shape_cast %select_n3A_4532 : vector<16xi32> to vector<16x1xi32>
    %gather3A_4534 = vector.shape_cast %broadcast_in_dim3A_4533 : vector<16x1xi32> to vector<16xi32>
    %gather3A_4535 = tpu.dynamic_gather %select_n3A_69[%gather3A_4534] in [0] : vector<16xf32>, vector<16xi32> -> vector<16xf32>
    %lt3A_4536 = arith.constant 0 : i32
    %lt3A_4537 = vector.broadcast %lt3A_4536 : i32 to vector<16xi32>
    %lt3A_4538 = arith.cmpi slt, %gather3A_4525, %lt3A_4537 : vector<16xi32>
    %add3A_4539 = arith.constant 16 : i32
    %add3A_4540 = vector.broadcast %add3A_4539 : i32 to vector<16xi32>
    %add3A_4541 = arith.addi %gather3A_4525, %add3A_4540 : vector<16xi32>
    %select_n3A_4542 = arith.select %lt3A_4538, %add3A_4541, %gather3A_4525 : vector<16xi1>, vector<16xi32>
    %broadcast_in_dim3A_4543 = vector.shape_cast %select_n3A_4542 : vector<16xi32> to vector<16x1xi32>
    %gather3A_4544 = vector.shape_cast %broadcast_in_dim3A_4543 : vector<16x1xi32> to vector<16xi32>
    %gather3A_4545 = tpu.dynamic_gather %select_n3A_108[%gather3A_4544] in [0] : vector<16xf32>, vector<16xi32> -> vector<16xf32>
    %select_n3A_4546 = arith.select %eq3A_30, %gather3A_4545, %gather3A_4535 : vector<16xi1>, vector<16xf32>
    %get3A_4547 = arith.constant 1824 : index
    %get3A_4548 = tpu.vector_load %arg6[%get3A_4547] {strides = array<i32>} : memref<2048xf32, #tpu.memory_space<vmem>>, vector<16xf32>,
    %get3A_4549 = vector.shape_cast %get3A_4548 : vector<16xf32> to vector<16xf32>
    %sub3A_4550 = arith.subf %get3A_4549, %select_n3A_4546 : vector<16xf32>
    %mul3A_4551 = arith.mulf %sub3A_4550, %sub3A_4550 : vector<16xf32>
    %add3A_4552 = arith.addf %add3A_4512, %mul3A_4551 : vector<16xf32>
    %lt3A_4553 = arith.constant 0 : i32
    %lt3A_4554 = vector.broadcast %lt3A_4553 : i32 to vector<16xi32>
    %lt3A_4555 = arith.cmpi slt, %add3A_26, %lt3A_4554 : vector<16xi32>
    %add3A_4556 = arith.constant 16 : i32
    %add3A_4557 = vector.broadcast %add3A_4556 : i32 to vector<16xi32>
    %add3A_4558 = arith.addi %add3A_26, %add3A_4557 : vector<16xi32>
    %select_n3A_4559 = arith.select %lt3A_4555, %add3A_4558, %add3A_26 : vector<16xi1>, vector<16xi32>
    %broadcast_in_dim3A_4560 = vector.shape_cast %select_n3A_4559 : vector<16xi32> to vector<16x1xi32>
    %gather3A_4561 = vector.shape_cast %broadcast_in_dim3A_4560 : vector<16x1xi32> to vector<16xi32>
    %gather3A_4562 = tpu.dynamic_gather %get3A_4515[%gather3A_4561] in [0] : vector<16xi32>, vector<16xi32> -> vector<16xi32>
    %lt3A_4563 = arith.constant 0 : i32
    %lt3A_4564 = vector.broadcast %lt3A_4563 : i32 to vector<16xi32>
    %lt3A_4565 = arith.cmpi slt, %gather3A_4562, %lt3A_4564 : vector<16xi32>
    %add3A_4566 = arith.constant 16 : i32
    %add3A_4567 = vector.broadcast %add3A_4566 : i32 to vector<16xi32>
    %add3A_4568 = arith.addi %gather3A_4562, %add3A_4567 : vector<16xi32>
    %select_n3A_4569 = arith.select %lt3A_4565, %add3A_4568, %gather3A_4562 : vector<16xi1>, vector<16xi32>
    %broadcast_in_dim3A_4570 = vector.shape_cast %select_n3A_4569 : vector<16xi32> to vector<16x1xi32>
    %gather3A_4571 = vector.shape_cast %broadcast_in_dim3A_4570 : vector<16x1xi32> to vector<16xi32>
    %gather3A_4572 = tpu.dynamic_gather %select_n3A_69[%gather3A_4571] in [0] : vector<16xf32>, vector<16xi32> -> vector<16xf32>
    %lt3A_4573 = arith.constant 0 : i32
    %lt3A_4574 = vector.broadcast %lt3A_4573 : i32 to vector<16xi32>
    %lt3A_4575 = arith.cmpi slt, %gather3A_4562, %lt3A_4574 : vector<16xi32>
    %add3A_4576 = arith.constant 16 : i32
    %add3A_4577 = vector.broadcast %add3A_4576 : i32 to vector<16xi32>
    %add3A_4578 = arith.addi %gather3A_4562, %add3A_4577 : vector<16xi32>
    %select_n3A_4579 = arith.select %lt3A_4575, %add3A_4578, %gather3A_4562 : vector<16xi1>, vector<16xi32>
    %broadcast_in_dim3A_4580 = vector.shape_cast %select_n3A_4579 : vector<16xi32> to vector<16x1xi32>
    %gather3A_4581 = vector.shape_cast %broadcast_in_dim3A_4580 : vector<16x1xi32> to vector<16xi32>
    %gather3A_4582 = tpu.dynamic_gather %select_n3A_108[%gather3A_4581] in [0] : vector<16xf32>, vector<16xi32> -> vector<16xf32>
    %select_n3A_4583 = arith.select %eq3A_30, %gather3A_4582, %gather3A_4572 : vector<16xi1>, vector<16xf32>
    %get3A_4584 = arith.constant 1840 : index
    %get3A_4585 = tpu.vector_load %arg6[%get3A_4584] {strides = array<i32>} : memref<2048xf32, #tpu.memory_space<vmem>>, vector<16xf32>,
    %get3A_4586 = vector.shape_cast %get3A_4585 : vector<16xf32> to vector<16xf32>
    %sub3A_4587 = arith.subf %get3A_4586, %select_n3A_4583 : vector<16xf32>
    %mul3A_4588 = arith.mulf %sub3A_4587, %sub3A_4587 : vector<16xf32>
    %add3A_4589 = arith.addf %add3A_4552, %mul3A_4588 : vector<16xf32>
    %get3A_4590 = arith.constant 928 : index
    %get3A_4591 = tpu.vector_load %arg7[%get3A_4590] {strides = array<i32>} : memref<1024xi32, #tpu.memory_space<vmem>>, vector<16xi32>,
    %get3A_4592 = vector.shape_cast %get3A_4591 : vector<16xi32> to vector<16xi32>
    %lt3A_4593 = arith.constant 0 : i32
    %lt3A_4594 = vector.broadcast %lt3A_4593 : i32 to vector<16xi32>
    %lt3A_4595 = arith.cmpi slt, %shift_right_arithmetic3A_23, %lt3A_4594 : vector<16xi32>
    %add3A_4596 = arith.constant 16 : i32
    %add3A_4597 = vector.broadcast %add3A_4596 : i32 to vector<16xi32>
    %add3A_4598 = arith.addi %shift_right_arithmetic3A_23, %add3A_4597 : vector<16xi32>
    %select_n3A_4599 = arith.select %lt3A_4595, %add3A_4598, %shift_right_arithmetic3A_23 : vector<16xi1>, vector<16xi32>
    %broadcast_in_dim3A_4600 = vector.shape_cast %select_n3A_4599 : vector<16xi32> to vector<16x1xi32>
    %gather3A_4601 = vector.shape_cast %broadcast_in_dim3A_4600 : vector<16x1xi32> to vector<16xi32>
    %gather3A_4602 = tpu.dynamic_gather %get3A_4592[%gather3A_4601] in [0] : vector<16xi32>, vector<16xi32> -> vector<16xi32>
    %lt3A_4603 = arith.constant 0 : i32
    %lt3A_4604 = vector.broadcast %lt3A_4603 : i32 to vector<16xi32>
    %lt3A_4605 = arith.cmpi slt, %gather3A_4602, %lt3A_4604 : vector<16xi32>
    %add3A_4606 = arith.constant 16 : i32
    %add3A_4607 = vector.broadcast %add3A_4606 : i32 to vector<16xi32>
    %add3A_4608 = arith.addi %gather3A_4602, %add3A_4607 : vector<16xi32>
    %select_n3A_4609 = arith.select %lt3A_4605, %add3A_4608, %gather3A_4602 : vector<16xi1>, vector<16xi32>
    %broadcast_in_dim3A_4610 = vector.shape_cast %select_n3A_4609 : vector<16xi32> to vector<16x1xi32>
    %gather3A_4611 = vector.shape_cast %broadcast_in_dim3A_4610 : vector<16x1xi32> to vector<16xi32>
    %gather3A_4612 = tpu.dynamic_gather %select_n3A_69[%gather3A_4611] in [0] : vector<16xf32>, vector<16xi32> -> vector<16xf32>
    %lt3A_4613 = arith.constant 0 : i32
    %lt3A_4614 = vector.broadcast %lt3A_4613 : i32 to vector<16xi32>
    %lt3A_4615 = arith.cmpi slt, %gather3A_4602, %lt3A_4614 : vector<16xi32>
    %add3A_4616 = arith.constant 16 : i32
    %add3A_4617 = vector.broadcast %add3A_4616 : i32 to vector<16xi32>
    %add3A_4618 = arith.addi %gather3A_4602, %add3A_4617 : vector<16xi32>
    %select_n3A_4619 = arith.select %lt3A_4615, %add3A_4618, %gather3A_4602 : vector<16xi1>, vector<16xi32>
    %broadcast_in_dim3A_4620 = vector.shape_cast %select_n3A_4619 : vector<16xi32> to vector<16x1xi32>
    %gather3A_4621 = vector.shape_cast %broadcast_in_dim3A_4620 : vector<16x1xi32> to vector<16xi32>
    %gather3A_4622 = tpu.dynamic_gather %select_n3A_108[%gather3A_4621] in [0] : vector<16xf32>, vector<16xi32> -> vector<16xf32>
    %select_n3A_4623 = arith.select %eq3A_30, %gather3A_4622, %gather3A_4612 : vector<16xi1>, vector<16xf32>
    %get3A_4624 = arith.constant 1856 : index
    %get3A_4625 = tpu.vector_load %arg6[%get3A_4624] {strides = array<i32>} : memref<2048xf32, #tpu.memory_space<vmem>>, vector<16xf32>,
    %get3A_4626 = vector.shape_cast %get3A_4625 : vector<16xf32> to vector<16xf32>
    %sub3A_4627 = arith.subf %get3A_4626, %select_n3A_4623 : vector<16xf32>
    %mul3A_4628 = arith.mulf %sub3A_4627, %sub3A_4627 : vector<16xf32>
    %add3A_4629 = arith.addf %add3A_4589, %mul3A_4628 : vector<16xf32>
    %lt3A_4630 = arith.constant 0 : i32
    %lt3A_4631 = vector.broadcast %lt3A_4630 : i32 to vector<16xi32>
    %lt3A_4632 = arith.cmpi slt, %add3A_26, %lt3A_4631 : vector<16xi32>
    %add3A_4633 = arith.constant 16 : i32
    %add3A_4634 = vector.broadcast %add3A_4633 : i32 to vector<16xi32>
    %add3A_4635 = arith.addi %add3A_26, %add3A_4634 : vector<16xi32>
    %select_n3A_4636 = arith.select %lt3A_4632, %add3A_4635, %add3A_26 : vector<16xi1>, vector<16xi32>
    %broadcast_in_dim3A_4637 = vector.shape_cast %select_n3A_4636 : vector<16xi32> to vector<16x1xi32>
    %gather3A_4638 = vector.shape_cast %broadcast_in_dim3A_4637 : vector<16x1xi32> to vector<16xi32>
    %gather3A_4639 = tpu.dynamic_gather %get3A_4592[%gather3A_4638] in [0] : vector<16xi32>, vector<16xi32> -> vector<16xi32>
    %lt3A_4640 = arith.constant 0 : i32
    %lt3A_4641 = vector.broadcast %lt3A_4640 : i32 to vector<16xi32>
    %lt3A_4642 = arith.cmpi slt, %gather3A_4639, %lt3A_4641 : vector<16xi32>
    %add3A_4643 = arith.constant 16 : i32
    %add3A_4644 = vector.broadcast %add3A_4643 : i32 to vector<16xi32>
    %add3A_4645 = arith.addi %gather3A_4639, %add3A_4644 : vector<16xi32>
    %select_n3A_4646 = arith.select %lt3A_4642, %add3A_4645, %gather3A_4639 : vector<16xi1>, vector<16xi32>
    %broadcast_in_dim3A_4647 = vector.shape_cast %select_n3A_4646 : vector<16xi32> to vector<16x1xi32>
    %gather3A_4648 = vector.shape_cast %broadcast_in_dim3A_4647 : vector<16x1xi32> to vector<16xi32>
    %gather3A_4649 = tpu.dynamic_gather %select_n3A_69[%gather3A_4648] in [0] : vector<16xf32>, vector<16xi32> -> vector<16xf32>
    %lt3A_4650 = arith.constant 0 : i32
    %lt3A_4651 = vector.broadcast %lt3A_4650 : i32 to vector<16xi32>
    %lt3A_4652 = arith.cmpi slt, %gather3A_4639, %lt3A_4651 : vector<16xi32>
    %add3A_4653 = arith.constant 16 : i32
    %add3A_4654 = vector.broadcast %add3A_4653 : i32 to vector<16xi32>
    %add3A_4655 = arith.addi %gather3A_4639, %add3A_4654 : vector<16xi32>
    %select_n3A_4656 = arith.select %lt3A_4652, %add3A_4655, %gather3A_4639 : vector<16xi1>, vector<16xi32>
    %broadcast_in_dim3A_4657 = vector.shape_cast %select_n3A_4656 : vector<16xi32> to vector<16x1xi32>
    %gather3A_4658 = vector.shape_cast %broadcast_in_dim3A_4657 : vector<16x1xi32> to vector<16xi32>
    %gather3A_4659 = tpu.dynamic_gather %select_n3A_108[%gather3A_4658] in [0] : vector<16xf32>, vector<16xi32> -> vector<16xf32>
    %select_n3A_4660 = arith.select %eq3A_30, %gather3A_4659, %gather3A_4649 : vector<16xi1>, vector<16xf32>
    %get3A_4661 = arith.constant 1872 : index
    %get3A_4662 = tpu.vector_load %arg6[%get3A_4661] {strides = array<i32>} : memref<2048xf32, #tpu.memory_space<vmem>>, vector<16xf32>,
    %get3A_4663 = vector.shape_cast %get3A_4662 : vector<16xf32> to vector<16xf32>
    %sub3A_4664 = arith.subf %get3A_4663, %select_n3A_4660 : vector<16xf32>
    %mul3A_4665 = arith.mulf %sub3A_4664, %sub3A_4664 : vector<16xf32>
    %add3A_4666 = arith.addf %add3A_4629, %mul3A_4665 : vector<16xf32>
    %get3A_4667 = arith.constant 944 : index
    %get3A_4668 = tpu.vector_load %arg7[%get3A_4667] {strides = array<i32>} : memref<1024xi32, #tpu.memory_space<vmem>>, vector<16xi32>,
    %get3A_4669 = vector.shape_cast %get3A_4668 : vector<16xi32> to vector<16xi32>
    %lt3A_4670 = arith.constant 0 : i32
    %lt3A_4671 = vector.broadcast %lt3A_4670 : i32 to vector<16xi32>
    %lt3A_4672 = arith.cmpi slt, %shift_right_arithmetic3A_23, %lt3A_4671 : vector<16xi32>
    %add3A_4673 = arith.constant 16 : i32
    %add3A_4674 = vector.broadcast %add3A_4673 : i32 to vector<16xi32>
    %add3A_4675 = arith.addi %shift_right_arithmetic3A_23, %add3A_4674 : vector<16xi32>
    %select_n3A_4676 = arith.select %lt3A_4672, %add3A_4675, %shift_right_arithmetic3A_23 : vector<16xi1>, vector<16xi32>
    %broadcast_in_dim3A_4677 = vector.shape_cast %select_n3A_4676 : vector<16xi32> to vector<16x1xi32>
    %gather3A_4678 = vector.shape_cast %broadcast_in_dim3A_4677 : vector<16x1xi32> to vector<16xi32>
    %gather3A_4679 = tpu.dynamic_gather %get3A_4669[%gather3A_4678] in [0] : vector<16xi32>, vector<16xi32> -> vector<16xi32>
    %lt3A_4680 = arith.constant 0 : i32
    %lt3A_4681 = vector.broadcast %lt3A_4680 : i32 to vector<16xi32>
    %lt3A_4682 = arith.cmpi slt, %gather3A_4679, %lt3A_4681 : vector<16xi32>
    %add3A_4683 = arith.constant 16 : i32
    %add3A_4684 = vector.broadcast %add3A_4683 : i32 to vector<16xi32>
    %add3A_4685 = arith.addi %gather3A_4679, %add3A_4684 : vector<16xi32>
    %select_n3A_4686 = arith.select %lt3A_4682, %add3A_4685, %gather3A_4679 : vector<16xi1>, vector<16xi32>
    %broadcast_in_dim3A_4687 = vector.shape_cast %select_n3A_4686 : vector<16xi32> to vector<16x1xi32>
    %gather3A_4688 = vector.shape_cast %broadcast_in_dim3A_4687 : vector<16x1xi32> to vector<16xi32>
    %gather3A_4689 = tpu.dynamic_gather %select_n3A_69[%gather3A_4688] in [0] : vector<16xf32>, vector<16xi32> -> vector<16xf32>
    %lt3A_4690 = arith.constant 0 : i32
    %lt3A_4691 = vector.broadcast %lt3A_4690 : i32 to vector<16xi32>
    %lt3A_4692 = arith.cmpi slt, %gather3A_4679, %lt3A_4691 : vector<16xi32>
    %add3A_4693 = arith.constant 16 : i32
    %add3A_4694 = vector.broadcast %add3A_4693 : i32 to vector<16xi32>
    %add3A_4695 = arith.addi %gather3A_4679, %add3A_4694 : vector<16xi32>
    %select_n3A_4696 = arith.select %lt3A_4692, %add3A_4695, %gather3A_4679 : vector<16xi1>, vector<16xi32>
    %broadcast_in_dim3A_4697 = vector.shape_cast %select_n3A_4696 : vector<16xi32> to vector<16x1xi32>
    %gather3A_4698 = vector.shape_cast %broadcast_in_dim3A_4697 : vector<16x1xi32> to vector<16xi32>
    %gather3A_4699 = tpu.dynamic_gather %select_n3A_108[%gather3A_4698] in [0] : vector<16xf32>, vector<16xi32> -> vector<16xf32>
    %select_n3A_4700 = arith.select %eq3A_30, %gather3A_4699, %gather3A_4689 : vector<16xi1>, vector<16xf32>
    %get3A_4701 = arith.constant 1888 : index
    %get3A_4702 = tpu.vector_load %arg6[%get3A_4701] {strides = array<i32>} : memref<2048xf32, #tpu.memory_space<vmem>>, vector<16xf32>,
    %get3A_4703 = vector.shape_cast %get3A_4702 : vector<16xf32> to vector<16xf32>
    %sub3A_4704 = arith.subf %get3A_4703, %select_n3A_4700 : vector<16xf32>
    %mul3A_4705 = arith.mulf %sub3A_4704, %sub3A_4704 : vector<16xf32>
    %add3A_4706 = arith.addf %add3A_4666, %mul3A_4705 : vector<16xf32>
    %lt3A_4707 = arith.constant 0 : i32
    %lt3A_4708 = vector.broadcast %lt3A_4707 : i32 to vector<16xi32>
    %lt3A_4709 = arith.cmpi slt, %add3A_26, %lt3A_4708 : vector<16xi32>
    %add3A_4710 = arith.constant 16 : i32
    %add3A_4711 = vector.broadcast %add3A_4710 : i32 to vector<16xi32>
    %add3A_4712 = arith.addi %add3A_26, %add3A_4711 : vector<16xi32>
    %select_n3A_4713 = arith.select %lt3A_4709, %add3A_4712, %add3A_26 : vector<16xi1>, vector<16xi32>
    %broadcast_in_dim3A_4714 = vector.shape_cast %select_n3A_4713 : vector<16xi32> to vector<16x1xi32>
    %gather3A_4715 = vector.shape_cast %broadcast_in_dim3A_4714 : vector<16x1xi32> to vector<16xi32>
    %gather3A_4716 = tpu.dynamic_gather %get3A_4669[%gather3A_4715] in [0] : vector<16xi32>, vector<16xi32> -> vector<16xi32>
    %lt3A_4717 = arith.constant 0 : i32
    %lt3A_4718 = vector.broadcast %lt3A_4717 : i32 to vector<16xi32>
    %lt3A_4719 = arith.cmpi slt, %gather3A_4716, %lt3A_4718 : vector<16xi32>
    %add3A_4720 = arith.constant 16 : i32
    %add3A_4721 = vector.broadcast %add3A_4720 : i32 to vector<16xi32>
    %add3A_4722 = arith.addi %gather3A_4716, %add3A_4721 : vector<16xi32>
    %select_n3A_4723 = arith.select %lt3A_4719, %add3A_4722, %gather3A_4716 : vector<16xi1>, vector<16xi32>
    %broadcast_in_dim3A_4724 = vector.shape_cast %select_n3A_4723 : vector<16xi32> to vector<16x1xi32>
    %gather3A_4725 = vector.shape_cast %broadcast_in_dim3A_4724 : vector<16x1xi32> to vector<16xi32>
    %gather3A_4726 = tpu.dynamic_gather %select_n3A_69[%gather3A_4725] in [0] : vector<16xf32>, vector<16xi32> -> vector<16xf32>
    %lt3A_4727 = arith.constant 0 : i32
    %lt3A_4728 = vector.broadcast %lt3A_4727 : i32 to vector<16xi32>
    %lt3A_4729 = arith.cmpi slt, %gather3A_4716, %lt3A_4728 : vector<16xi32>
    %add3A_4730 = arith.constant 16 : i32
    %add3A_4731 = vector.broadcast %add3A_4730 : i32 to vector<16xi32>
    %add3A_4732 = arith.addi %gather3A_4716, %add3A_4731 : vector<16xi32>
    %select_n3A_4733 = arith.select %lt3A_4729, %add3A_4732, %gather3A_4716 : vector<16xi1>, vector<16xi32>
    %broadcast_in_dim3A_4734 = vector.shape_cast %select_n3A_4733 : vector<16xi32> to vector<16x1xi32>
    %gather3A_4735 = vector.shape_cast %broadcast_in_dim3A_4734 : vector<16x1xi32> to vector<16xi32>
    %gather3A_4736 = tpu.dynamic_gather %select_n3A_108[%gather3A_4735] in [0] : vector<16xf32>, vector<16xi32> -> vector<16xf32>
    %select_n3A_4737 = arith.select %eq3A_30, %gather3A_4736, %gather3A_4726 : vector<16xi1>, vector<16xf32>
    %get3A_4738 = arith.constant 1904 : index
    %get3A_4739 = tpu.vector_load %arg6[%get3A_4738] {strides = array<i32>} : memref<2048xf32, #tpu.memory_space<vmem>>, vector<16xf32>,
    %get3A_4740 = vector.shape_cast %get3A_4739 : vector<16xf32> to vector<16xf32>
    %sub3A_4741 = arith.subf %get3A_4740, %select_n3A_4737 : vector<16xf32>
    %mul3A_4742 = arith.mulf %sub3A_4741, %sub3A_4741 : vector<16xf32>
    %add3A_4743 = arith.addf %add3A_4706, %mul3A_4742 : vector<16xf32>
    %get3A_4744 = arith.constant 960 : index
    %get3A_4745 = tpu.vector_load %arg7[%get3A_4744] {strides = array<i32>} : memref<1024xi32, #tpu.memory_space<vmem>>, vector<16xi32>,
    %get3A_4746 = vector.shape_cast %get3A_4745 : vector<16xi32> to vector<16xi32>
    %lt3A_4747 = arith.constant 0 : i32
    %lt3A_4748 = vector.broadcast %lt3A_4747 : i32 to vector<16xi32>
    %lt3A_4749 = arith.cmpi slt, %shift_right_arithmetic3A_23, %lt3A_4748 : vector<16xi32>
    %add3A_4750 = arith.constant 16 : i32
    %add3A_4751 = vector.broadcast %add3A_4750 : i32 to vector<16xi32>
    %add3A_4752 = arith.addi %shift_right_arithmetic3A_23, %add3A_4751 : vector<16xi32>
    %select_n3A_4753 = arith.select %lt3A_4749, %add3A_4752, %shift_right_arithmetic3A_23 : vector<16xi1>, vector<16xi32>
    %broadcast_in_dim3A_4754 = vector.shape_cast %select_n3A_4753 : vector<16xi32> to vector<16x1xi32>
    %gather3A_4755 = vector.shape_cast %broadcast_in_dim3A_4754 : vector<16x1xi32> to vector<16xi32>
    %gather3A_4756 = tpu.dynamic_gather %get3A_4746[%gather3A_4755] in [0] : vector<16xi32>, vector<16xi32> -> vector<16xi32>
    %lt3A_4757 = arith.constant 0 : i32
    %lt3A_4758 = vector.broadcast %lt3A_4757 : i32 to vector<16xi32>
    %lt3A_4759 = arith.cmpi slt, %gather3A_4756, %lt3A_4758 : vector<16xi32>
    %add3A_4760 = arith.constant 16 : i32
    %add3A_4761 = vector.broadcast %add3A_4760 : i32 to vector<16xi32>
    %add3A_4762 = arith.addi %gather3A_4756, %add3A_4761 : vector<16xi32>
    %select_n3A_4763 = arith.select %lt3A_4759, %add3A_4762, %gather3A_4756 : vector<16xi1>, vector<16xi32>
    %broadcast_in_dim3A_4764 = vector.shape_cast %select_n3A_4763 : vector<16xi32> to vector<16x1xi32>
    %gather3A_4765 = vector.shape_cast %broadcast_in_dim3A_4764 : vector<16x1xi32> to vector<16xi32>
    %gather3A_4766 = tpu.dynamic_gather %select_n3A_69[%gather3A_4765] in [0] : vector<16xf32>, vector<16xi32> -> vector<16xf32>
    %lt3A_4767 = arith.constant 0 : i32
    %lt3A_4768 = vector.broadcast %lt3A_4767 : i32 to vector<16xi32>
    %lt3A_4769 = arith.cmpi slt, %gather3A_4756, %lt3A_4768 : vector<16xi32>
    %add3A_4770 = arith.constant 16 : i32
    %add3A_4771 = vector.broadcast %add3A_4770 : i32 to vector<16xi32>
    %add3A_4772 = arith.addi %gather3A_4756, %add3A_4771 : vector<16xi32>
    %select_n3A_4773 = arith.select %lt3A_4769, %add3A_4772, %gather3A_4756 : vector<16xi1>, vector<16xi32>
    %broadcast_in_dim3A_4774 = vector.shape_cast %select_n3A_4773 : vector<16xi32> to vector<16x1xi32>
    %gather3A_4775 = vector.shape_cast %broadcast_in_dim3A_4774 : vector<16x1xi32> to vector<16xi32>
    %gather3A_4776 = tpu.dynamic_gather %select_n3A_108[%gather3A_4775] in [0] : vector<16xf32>, vector<16xi32> -> vector<16xf32>
    %select_n3A_4777 = arith.select %eq3A_30, %gather3A_4776, %gather3A_4766 : vector<16xi1>, vector<16xf32>
    %get3A_4778 = arith.constant 1920 : index
    %get3A_4779 = tpu.vector_load %arg6[%get3A_4778] {strides = array<i32>} : memref<2048xf32, #tpu.memory_space<vmem>>, vector<16xf32>,
    %get3A_4780 = vector.shape_cast %get3A_4779 : vector<16xf32> to vector<16xf32>
    %sub3A_4781 = arith.subf %get3A_4780, %select_n3A_4777 : vector<16xf32>
    %mul3A_4782 = arith.mulf %sub3A_4781, %sub3A_4781 : vector<16xf32>
    %add3A_4783 = arith.addf %add3A_4743, %mul3A_4782 : vector<16xf32>
    %lt3A_4784 = arith.constant 0 : i32
    %lt3A_4785 = vector.broadcast %lt3A_4784 : i32 to vector<16xi32>
    %lt3A_4786 = arith.cmpi slt, %add3A_26, %lt3A_4785 : vector<16xi32>
    %add3A_4787 = arith.constant 16 : i32
    %add3A_4788 = vector.broadcast %add3A_4787 : i32 to vector<16xi32>
    %add3A_4789 = arith.addi %add3A_26, %add3A_4788 : vector<16xi32>
    %select_n3A_4790 = arith.select %lt3A_4786, %add3A_4789, %add3A_26 : vector<16xi1>, vector<16xi32>
    %broadcast_in_dim3A_4791 = vector.shape_cast %select_n3A_4790 : vector<16xi32> to vector<16x1xi32>
    %gather3A_4792 = vector.shape_cast %broadcast_in_dim3A_4791 : vector<16x1xi32> to vector<16xi32>
    %gather3A_4793 = tpu.dynamic_gather %get3A_4746[%gather3A_4792] in [0] : vector<16xi32>, vector<16xi32> -> vector<16xi32>
    %lt3A_4794 = arith.constant 0 : i32
    %lt3A_4795 = vector.broadcast %lt3A_4794 : i32 to vector<16xi32>
    %lt3A_4796 = arith.cmpi slt, %gather3A_4793, %lt3A_4795 : vector<16xi32>
    %add3A_4797 = arith.constant 16 : i32
    %add3A_4798 = vector.broadcast %add3A_4797 : i32 to vector<16xi32>
    %add3A_4799 = arith.addi %gather3A_4793, %add3A_4798 : vector<16xi32>
    %select_n3A_4800 = arith.select %lt3A_4796, %add3A_4799, %gather3A_4793 : vector<16xi1>, vector<16xi32>
    %broadcast_in_dim3A_4801 = vector.shape_cast %select_n3A_4800 : vector<16xi32> to vector<16x1xi32>
    %gather3A_4802 = vector.shape_cast %broadcast_in_dim3A_4801 : vector<16x1xi32> to vector<16xi32>
    %gather3A_4803 = tpu.dynamic_gather %select_n3A_69[%gather3A_4802] in [0] : vector<16xf32>, vector<16xi32> -> vector<16xf32>
    %lt3A_4804 = arith.constant 0 : i32
    %lt3A_4805 = vector.broadcast %lt3A_4804 : i32 to vector<16xi32>
    %lt3A_4806 = arith.cmpi slt, %gather3A_4793, %lt3A_4805 : vector<16xi32>
    %add3A_4807 = arith.constant 16 : i32
    %add3A_4808 = vector.broadcast %add3A_4807 : i32 to vector<16xi32>
    %add3A_4809 = arith.addi %gather3A_4793, %add3A_4808 : vector<16xi32>
    %select_n3A_4810 = arith.select %lt3A_4806, %add3A_4809, %gather3A_4793 : vector<16xi1>, vector<16xi32>
    %broadcast_in_dim3A_4811 = vector.shape_cast %select_n3A_4810 : vector<16xi32> to vector<16x1xi32>
    %gather3A_4812 = vector.shape_cast %broadcast_in_dim3A_4811 : vector<16x1xi32> to vector<16xi32>
    %gather3A_4813 = tpu.dynamic_gather %select_n3A_108[%gather3A_4812] in [0] : vector<16xf32>, vector<16xi32> -> vector<16xf32>
    %select_n3A_4814 = arith.select %eq3A_30, %gather3A_4813, %gather3A_4803 : vector<16xi1>, vector<16xf32>
    %get3A_4815 = arith.constant 1936 : index
    %get3A_4816 = tpu.vector_load %arg6[%get3A_4815] {strides = array<i32>} : memref<2048xf32, #tpu.memory_space<vmem>>, vector<16xf32>,
    %get3A_4817 = vector.shape_cast %get3A_4816 : vector<16xf32> to vector<16xf32>
    %sub3A_4818 = arith.subf %get3A_4817, %select_n3A_4814 : vector<16xf32>
    %mul3A_4819 = arith.mulf %sub3A_4818, %sub3A_4818 : vector<16xf32>
    %add3A_4820 = arith.addf %add3A_4783, %mul3A_4819 : vector<16xf32>
    %get3A_4821 = arith.constant 976 : index
    %get3A_4822 = tpu.vector_load %arg7[%get3A_4821] {strides = array<i32>} : memref<1024xi32, #tpu.memory_space<vmem>>, vector<16xi32>,
    %get3A_4823 = vector.shape_cast %get3A_4822 : vector<16xi32> to vector<16xi32>
    %lt3A_4824 = arith.constant 0 : i32
    %lt3A_4825 = vector.broadcast %lt3A_4824 : i32 to vector<16xi32>
    %lt3A_4826 = arith.cmpi slt, %shift_right_arithmetic3A_23, %lt3A_4825 : vector<16xi32>
    %add3A_4827 = arith.constant 16 : i32
    %add3A_4828 = vector.broadcast %add3A_4827 : i32 to vector<16xi32>
    %add3A_4829 = arith.addi %shift_right_arithmetic3A_23, %add3A_4828 : vector<16xi32>
    %select_n3A_4830 = arith.select %lt3A_4826, %add3A_4829, %shift_right_arithmetic3A_23 : vector<16xi1>, vector<16xi32>
    %broadcast_in_dim3A_4831 = vector.shape_cast %select_n3A_4830 : vector<16xi32> to vector<16x1xi32>
    %gather3A_4832 = vector.shape_cast %broadcast_in_dim3A_4831 : vector<16x1xi32> to vector<16xi32>
    %gather3A_4833 = tpu.dynamic_gather %get3A_4823[%gather3A_4832] in [0] : vector<16xi32>, vector<16xi32> -> vector<16xi32>
    %lt3A_4834 = arith.constant 0 : i32
    %lt3A_4835 = vector.broadcast %lt3A_4834 : i32 to vector<16xi32>
    %lt3A_4836 = arith.cmpi slt, %gather3A_4833, %lt3A_4835 : vector<16xi32>
    %add3A_4837 = arith.constant 16 : i32
    %add3A_4838 = vector.broadcast %add3A_4837 : i32 to vector<16xi32>
    %add3A_4839 = arith.addi %gather3A_4833, %add3A_4838 : vector<16xi32>
    %select_n3A_4840 = arith.select %lt3A_4836, %add3A_4839, %gather3A_4833 : vector<16xi1>, vector<16xi32>
    %broadcast_in_dim3A_4841 = vector.shape_cast %select_n3A_4840 : vector<16xi32> to vector<16x1xi32>
    %gather3A_4842 = vector.shape_cast %broadcast_in_dim3A_4841 : vector<16x1xi32> to vector<16xi32>
    %gather3A_4843 = tpu.dynamic_gather %select_n3A_69[%gather3A_4842] in [0] : vector<16xf32>, vector<16xi32> -> vector<16xf32>
    %lt3A_4844 = arith.constant 0 : i32
    %lt3A_4845 = vector.broadcast %lt3A_4844 : i32 to vector<16xi32>
    %lt3A_4846 = arith.cmpi slt, %gather3A_4833, %lt3A_4845 : vector<16xi32>
    %add3A_4847 = arith.constant 16 : i32
    %add3A_4848 = vector.broadcast %add3A_4847 : i32 to vector<16xi32>
    %add3A_4849 = arith.addi %gather3A_4833, %add3A_4848 : vector<16xi32>
    %select_n3A_4850 = arith.select %lt3A_4846, %add3A_4849, %gather3A_4833 : vector<16xi1>, vector<16xi32>
    %broadcast_in_dim3A_4851 = vector.shape_cast %select_n3A_4850 : vector<16xi32> to vector<16x1xi32>
    %gather3A_4852 = vector.shape_cast %broadcast_in_dim3A_4851 : vector<16x1xi32> to vector<16xi32>
    %gather3A_4853 = tpu.dynamic_gather %select_n3A_108[%gather3A_4852] in [0] : vector<16xf32>, vector<16xi32> -> vector<16xf32>
    %select_n3A_4854 = arith.select %eq3A_30, %gather3A_4853, %gather3A_4843 : vector<16xi1>, vector<16xf32>
    %get3A_4855 = arith.constant 1952 : index
    %get3A_4856 = tpu.vector_load %arg6[%get3A_4855] {strides = array<i32>} : memref<2048xf32, #tpu.memory_space<vmem>>, vector<16xf32>,
    %get3A_4857 = vector.shape_cast %get3A_4856 : vector<16xf32> to vector<16xf32>
    %sub3A_4858 = arith.subf %get3A_4857, %select_n3A_4854 : vector<16xf32>
    %mul3A_4859 = arith.mulf %sub3A_4858, %sub3A_4858 : vector<16xf32>
    %add3A_4860 = arith.addf %add3A_4820, %mul3A_4859 : vector<16xf32>
    %lt3A_4861 = arith.constant 0 : i32
    %lt3A_4862 = vector.broadcast %lt3A_4861 : i32 to vector<16xi32>
    %lt3A_4863 = arith.cmpi slt, %add3A_26, %lt3A_4862 : vector<16xi32>
    %add3A_4864 = arith.constant 16 : i32
    %add3A_4865 = vector.broadcast %add3A_4864 : i32 to vector<16xi32>
    %add3A_4866 = arith.addi %add3A_26, %add3A_4865 : vector<16xi32>
    %select_n3A_4867 = arith.select %lt3A_4863, %add3A_4866, %add3A_26 : vector<16xi1>, vector<16xi32>
    %broadcast_in_dim3A_4868 = vector.shape_cast %select_n3A_4867 : vector<16xi32> to vector<16x1xi32>
    %gather3A_4869 = vector.shape_cast %broadcast_in_dim3A_4868 : vector<16x1xi32> to vector<16xi32>
    %gather3A_4870 = tpu.dynamic_gather %get3A_4823[%gather3A_4869] in [0] : vector<16xi32>, vector<16xi32> -> vector<16xi32>
    %lt3A_4871 = arith.constant 0 : i32
    %lt3A_4872 = vector.broadcast %lt3A_4871 : i32 to vector<16xi32>
    %lt3A_4873 = arith.cmpi slt, %gather3A_4870, %lt3A_4872 : vector<16xi32>
    %add3A_4874 = arith.constant 16 : i32
    %add3A_4875 = vector.broadcast %add3A_4874 : i32 to vector<16xi32>
    %add3A_4876 = arith.addi %gather3A_4870, %add3A_4875 : vector<16xi32>
    %select_n3A_4877 = arith.select %lt3A_4873, %add3A_4876, %gather3A_4870 : vector<16xi1>, vector<16xi32>
    %broadcast_in_dim3A_4878 = vector.shape_cast %select_n3A_4877 : vector<16xi32> to vector<16x1xi32>
    %gather3A_4879 = vector.shape_cast %broadcast_in_dim3A_4878 : vector<16x1xi32> to vector<16xi32>
    %gather3A_4880 = tpu.dynamic_gather %select_n3A_69[%gather3A_4879] in [0] : vector<16xf32>, vector<16xi32> -> vector<16xf32>
    %lt3A_4881 = arith.constant 0 : i32
    %lt3A_4882 = vector.broadcast %lt3A_4881 : i32 to vector<16xi32>
    %lt3A_4883 = arith.cmpi slt, %gather3A_4870, %lt3A_4882 : vector<16xi32>
    %add3A_4884 = arith.constant 16 : i32
    %add3A_4885 = vector.broadcast %add3A_4884 : i32 to vector<16xi32>
    %add3A_4886 = arith.addi %gather3A_4870, %add3A_4885 : vector<16xi32>
    %select_n3A_4887 = arith.select %lt3A_4883, %add3A_4886, %gather3A_4870 : vector<16xi1>, vector<16xi32>
    %broadcast_in_dim3A_4888 = vector.shape_cast %select_n3A_4887 : vector<16xi32> to vector<16x1xi32>
    %gather3A_4889 = vector.shape_cast %broadcast_in_dim3A_4888 : vector<16x1xi32> to vector<16xi32>
    %gather3A_4890 = tpu.dynamic_gather %select_n3A_108[%gather3A_4889] in [0] : vector<16xf32>, vector<16xi32> -> vector<16xf32>
    %select_n3A_4891 = arith.select %eq3A_30, %gather3A_4890, %gather3A_4880 : vector<16xi1>, vector<16xf32>
    %get3A_4892 = arith.constant 1968 : index
    %get3A_4893 = tpu.vector_load %arg6[%get3A_4892] {strides = array<i32>} : memref<2048xf32, #tpu.memory_space<vmem>>, vector<16xf32>,
    %get3A_4894 = vector.shape_cast %get3A_4893 : vector<16xf32> to vector<16xf32>
    %sub3A_4895 = arith.subf %get3A_4894, %select_n3A_4891 : vector<16xf32>
    %mul3A_4896 = arith.mulf %sub3A_4895, %sub3A_4895 : vector<16xf32>
    %add3A_4897 = arith.addf %add3A_4860, %mul3A_4896 : vector<16xf32>
    %get3A_4898 = arith.constant 992 : index
    %get3A_4899 = tpu.vector_load %arg7[%get3A_4898] {strides = array<i32>} : memref<1024xi32, #tpu.memory_space<vmem>>, vector<16xi32>,
    %get3A_4900 = vector.shape_cast %get3A_4899 : vector<16xi32> to vector<16xi32>
    %lt3A_4901 = arith.constant 0 : i32
    %lt3A_4902 = vector.broadcast %lt3A_4901 : i32 to vector<16xi32>
    %lt3A_4903 = arith.cmpi slt, %shift_right_arithmetic3A_23, %lt3A_4902 : vector<16xi32>
    %add3A_4904 = arith.constant 16 : i32
    %add3A_4905 = vector.broadcast %add3A_4904 : i32 to vector<16xi32>
    %add3A_4906 = arith.addi %shift_right_arithmetic3A_23, %add3A_4905 : vector<16xi32>
    %select_n3A_4907 = arith.select %lt3A_4903, %add3A_4906, %shift_right_arithmetic3A_23 : vector<16xi1>, vector<16xi32>
    %broadcast_in_dim3A_4908 = vector.shape_cast %select_n3A_4907 : vector<16xi32> to vector<16x1xi32>
    %gather3A_4909 = vector.shape_cast %broadcast_in_dim3A_4908 : vector<16x1xi32> to vector<16xi32>
    %gather3A_4910 = tpu.dynamic_gather %get3A_4900[%gather3A_4909] in [0] : vector<16xi32>, vector<16xi32> -> vector<16xi32>
    %lt3A_4911 = arith.constant 0 : i32
    %lt3A_4912 = vector.broadcast %lt3A_4911 : i32 to vector<16xi32>
    %lt3A_4913 = arith.cmpi slt, %gather3A_4910, %lt3A_4912 : vector<16xi32>
    %add3A_4914 = arith.constant 16 : i32
    %add3A_4915 = vector.broadcast %add3A_4914 : i32 to vector<16xi32>
    %add3A_4916 = arith.addi %gather3A_4910, %add3A_4915 : vector<16xi32>
    %select_n3A_4917 = arith.select %lt3A_4913, %add3A_4916, %gather3A_4910 : vector<16xi1>, vector<16xi32>
    %broadcast_in_dim3A_4918 = vector.shape_cast %select_n3A_4917 : vector<16xi32> to vector<16x1xi32>
    %gather3A_4919 = vector.shape_cast %broadcast_in_dim3A_4918 : vector<16x1xi32> to vector<16xi32>
    %gather3A_4920 = tpu.dynamic_gather %select_n3A_69[%gather3A_4919] in [0] : vector<16xf32>, vector<16xi32> -> vector<16xf32>
    %lt3A_4921 = arith.constant 0 : i32
    %lt3A_4922 = vector.broadcast %lt3A_4921 : i32 to vector<16xi32>
    %lt3A_4923 = arith.cmpi slt, %gather3A_4910, %lt3A_4922 : vector<16xi32>
    %add3A_4924 = arith.constant 16 : i32
    %add3A_4925 = vector.broadcast %add3A_4924 : i32 to vector<16xi32>
    %add3A_4926 = arith.addi %gather3A_4910, %add3A_4925 : vector<16xi32>
    %select_n3A_4927 = arith.select %lt3A_4923, %add3A_4926, %gather3A_4910 : vector<16xi1>, vector<16xi32>
    %broadcast_in_dim3A_4928 = vector.shape_cast %select_n3A_4927 : vector<16xi32> to vector<16x1xi32>
    %gather3A_4929 = vector.shape_cast %broadcast_in_dim3A_4928 : vector<16x1xi32> to vector<16xi32>
    %gather3A_4930 = tpu.dynamic_gather %select_n3A_108[%gather3A_4929] in [0] : vector<16xf32>, vector<16xi32> -> vector<16xf32>
    %select_n3A_4931 = arith.select %eq3A_30, %gather3A_4930, %gather3A_4920 : vector<16xi1>, vector<16xf32>
    %get3A_4932 = arith.constant 1984 : index
    %get3A_4933 = tpu.vector_load %arg6[%get3A_4932] {strides = array<i32>} : memref<2048xf32, #tpu.memory_space<vmem>>, vector<16xf32>,
    %get3A_4934 = vector.shape_cast %get3A_4933 : vector<16xf32> to vector<16xf32>
    %sub3A_4935 = arith.subf %get3A_4934, %select_n3A_4931 : vector<16xf32>
    %mul3A_4936 = arith.mulf %sub3A_4935, %sub3A_4935 : vector<16xf32>
    %add3A_4937 = arith.addf %add3A_4897, %mul3A_4936 : vector<16xf32>
    %lt3A_4938 = arith.constant 0 : i32
    %lt3A_4939 = vector.broadcast %lt3A_4938 : i32 to vector<16xi32>
    %lt3A_4940 = arith.cmpi slt, %add3A_26, %lt3A_4939 : vector<16xi32>
    %add3A_4941 = arith.constant 16 : i32
    %add3A_4942 = vector.broadcast %add3A_4941 : i32 to vector<16xi32>
    %add3A_4943 = arith.addi %add3A_26, %add3A_4942 : vector<16xi32>
    %select_n3A_4944 = arith.select %lt3A_4940, %add3A_4943, %add3A_26 : vector<16xi1>, vector<16xi32>
    %broadcast_in_dim3A_4945 = vector.shape_cast %select_n3A_4944 : vector<16xi32> to vector<16x1xi32>
    %gather3A_4946 = vector.shape_cast %broadcast_in_dim3A_4945 : vector<16x1xi32> to vector<16xi32>
    %gather3A_4947 = tpu.dynamic_gather %get3A_4900[%gather3A_4946] in [0] : vector<16xi32>, vector<16xi32> -> vector<16xi32>
    %lt3A_4948 = arith.constant 0 : i32
    %lt3A_4949 = vector.broadcast %lt3A_4948 : i32 to vector<16xi32>
    %lt3A_4950 = arith.cmpi slt, %gather3A_4947, %lt3A_4949 : vector<16xi32>
    %add3A_4951 = arith.constant 16 : i32
    %add3A_4952 = vector.broadcast %add3A_4951 : i32 to vector<16xi32>
    %add3A_4953 = arith.addi %gather3A_4947, %add3A_4952 : vector<16xi32>
    %select_n3A_4954 = arith.select %lt3A_4950, %add3A_4953, %gather3A_4947 : vector<16xi1>, vector<16xi32>
    %broadcast_in_dim3A_4955 = vector.shape_cast %select_n3A_4954 : vector<16xi32> to vector<16x1xi32>
    %gather3A_4956 = vector.shape_cast %broadcast_in_dim3A_4955 : vector<16x1xi32> to vector<16xi32>
    %gather3A_4957 = tpu.dynamic_gather %select_n3A_69[%gather3A_4956] in [0] : vector<16xf32>, vector<16xi32> -> vector<16xf32>
    %lt3A_4958 = arith.constant 0 : i32
    %lt3A_4959 = vector.broadcast %lt3A_4958 : i32 to vector<16xi32>
    %lt3A_4960 = arith.cmpi slt, %gather3A_4947, %lt3A_4959 : vector<16xi32>
    %add3A_4961 = arith.constant 16 : i32
    %add3A_4962 = vector.broadcast %add3A_4961 : i32 to vector<16xi32>
    %add3A_4963 = arith.addi %gather3A_4947, %add3A_4962 : vector<16xi32>
    %select_n3A_4964 = arith.select %lt3A_4960, %add3A_4963, %gather3A_4947 : vector<16xi1>, vector<16xi32>
    %broadcast_in_dim3A_4965 = vector.shape_cast %select_n3A_4964 : vector<16xi32> to vector<16x1xi32>
    %gather3A_4966 = vector.shape_cast %broadcast_in_dim3A_4965 : vector<16x1xi32> to vector<16xi32>
    %gather3A_4967 = tpu.dynamic_gather %select_n3A_108[%gather3A_4966] in [0] : vector<16xf32>, vector<16xi32> -> vector<16xf32>
    %select_n3A_4968 = arith.select %eq3A_30, %gather3A_4967, %gather3A_4957 : vector<16xi1>, vector<16xf32>
    %get3A_4969 = arith.constant 2000 : index
    %get3A_4970 = tpu.vector_load %arg6[%get3A_4969] {strides = array<i32>} : memref<2048xf32, #tpu.memory_space<vmem>>, vector<16xf32>,
    %get3A_4971 = vector.shape_cast %get3A_4970 : vector<16xf32> to vector<16xf32>
    %sub3A_4972 = arith.subf %get3A_4971, %select_n3A_4968 : vector<16xf32>
    %mul3A_4973 = arith.mulf %sub3A_4972, %sub3A_4972 : vector<16xf32>
    %add3A_4974 = arith.addf %add3A_4937, %mul3A_4973 : vector<16xf32>
    %get3A_4975 = arith.constant 1008 : index
    %get3A_4976 = tpu.vector_load %arg7[%get3A_4975] {strides = array<i32>} : memref<1024xi32, #tpu.memory_space<vmem>>, vector<16xi32>,
    %get3A_4977 = vector.shape_cast %get3A_4976 : vector<16xi32> to vector<16xi32>
    %lt3A_4978 = arith.constant 0 : i32
    %lt3A_4979 = vector.broadcast %lt3A_4978 : i32 to vector<16xi32>
    %lt3A_4980 = arith.cmpi slt, %shift_right_arithmetic3A_23, %lt3A_4979 : vector<16xi32>
    %add3A_4981 = arith.constant 16 : i32
    %add3A_4982 = vector.broadcast %add3A_4981 : i32 to vector<16xi32>
    %add3A_4983 = arith.addi %shift_right_arithmetic3A_23, %add3A_4982 : vector<16xi32>
    %select_n3A_4984 = arith.select %lt3A_4980, %add3A_4983, %shift_right_arithmetic3A_23 : vector<16xi1>, vector<16xi32>
    %broadcast_in_dim3A_4985 = vector.shape_cast %select_n3A_4984 : vector<16xi32> to vector<16x1xi32>
    %gather3A_4986 = vector.shape_cast %broadcast_in_dim3A_4985 : vector<16x1xi32> to vector<16xi32>
    %gather3A_4987 = tpu.dynamic_gather %get3A_4977[%gather3A_4986] in [0] : vector<16xi32>, vector<16xi32> -> vector<16xi32>
    %lt3A_4988 = arith.constant 0 : i32
    %lt3A_4989 = vector.broadcast %lt3A_4988 : i32 to vector<16xi32>
    %lt3A_4990 = arith.cmpi slt, %gather3A_4987, %lt3A_4989 : vector<16xi32>
    %add3A_4991 = arith.constant 16 : i32
    %add3A_4992 = vector.broadcast %add3A_4991 : i32 to vector<16xi32>
    %add3A_4993 = arith.addi %gather3A_4987, %add3A_4992 : vector<16xi32>
    %select_n3A_4994 = arith.select %lt3A_4990, %add3A_4993, %gather3A_4987 : vector<16xi1>, vector<16xi32>
    %broadcast_in_dim3A_4995 = vector.shape_cast %select_n3A_4994 : vector<16xi32> to vector<16x1xi32>
    %gather3A_4996 = vector.shape_cast %broadcast_in_dim3A_4995 : vector<16x1xi32> to vector<16xi32>
    %gather3A_4997 = tpu.dynamic_gather %select_n3A_69[%gather3A_4996] in [0] : vector<16xf32>, vector<16xi32> -> vector<16xf32>
    %lt3A_4998 = arith.constant 0 : i32
    %lt3A_4999 = vector.broadcast %lt3A_4998 : i32 to vector<16xi32>
    %lt3A_5000 = arith.cmpi slt, %gather3A_4987, %lt3A_4999 : vector<16xi32>
    %add3A_5001 = arith.constant 16 : i32
    %add3A_5002 = vector.broadcast %add3A_5001 : i32 to vector<16xi32>
    %add3A_5003 = arith.addi %gather3A_4987, %add3A_5002 : vector<16xi32>
    %select_n3A_5004 = arith.select %lt3A_5000, %add3A_5003, %gather3A_4987 : vector<16xi1>, vector<16xi32>
    %broadcast_in_dim3A_5005 = vector.shape_cast %select_n3A_5004 : vector<16xi32> to vector<16x1xi32>
    %gather3A_5006 = vector.shape_cast %broadcast_in_dim3A_5005 : vector<16x1xi32> to vector<16xi32>
    %gather3A_5007 = tpu.dynamic_gather %select_n3A_108[%gather3A_5006] in [0] : vector<16xf32>, vector<16xi32> -> vector<16xf32>
    %select_n3A_5008 = arith.select %eq3A_30, %gather3A_5007, %gather3A_4997 : vector<16xi1>, vector<16xf32>
    %get3A_5009 = arith.constant 2016 : index
    %get3A_5010 = tpu.vector_load %arg6[%get3A_5009] {strides = array<i32>} : memref<2048xf32, #tpu.memory_space<vmem>>, vector<16xf32>,
    %get3A_5011 = vector.shape_cast %get3A_5010 : vector<16xf32> to vector<16xf32>
    %sub3A_5012 = arith.subf %get3A_5011, %select_n3A_5008 : vector<16xf32>
    %mul3A_5013 = arith.mulf %sub3A_5012, %sub3A_5012 : vector<16xf32>
    %add3A_5014 = arith.addf %add3A_4974, %mul3A_5013 : vector<16xf32>
    %lt3A_5015 = arith.constant 0 : i32
    %lt3A_5016 = vector.broadcast %lt3A_5015 : i32 to vector<16xi32>
    %lt3A_5017 = arith.cmpi slt, %add3A_26, %lt3A_5016 : vector<16xi32>
    %add3A_5018 = arith.constant 16 : i32
    %add3A_5019 = vector.broadcast %add3A_5018 : i32 to vector<16xi32>
    %add3A_5020 = arith.addi %add3A_26, %add3A_5019 : vector<16xi32>
    %select_n3A_5021 = arith.select %lt3A_5017, %add3A_5020, %add3A_26 : vector<16xi1>, vector<16xi32>
    %broadcast_in_dim3A_5022 = vector.shape_cast %select_n3A_5021 : vector<16xi32> to vector<16x1xi32>
    %gather3A_5023 = vector.shape_cast %broadcast_in_dim3A_5022 : vector<16x1xi32> to vector<16xi32>
    %gather3A_5024 = tpu.dynamic_gather %get3A_4977[%gather3A_5023] in [0] : vector<16xi32>, vector<16xi32> -> vector<16xi32>
    %lt3A_5025 = arith.constant 0 : i32
    %lt3A_5026 = vector.broadcast %lt3A_5025 : i32 to vector<16xi32>
    %lt3A_5027 = arith.cmpi slt, %gather3A_5024, %lt3A_5026 : vector<16xi32>
    %add3A_5028 = arith.constant 16 : i32
    %add3A_5029 = vector.broadcast %add3A_5028 : i32 to vector<16xi32>
    %add3A_5030 = arith.addi %gather3A_5024, %add3A_5029 : vector<16xi32>
    %select_n3A_5031 = arith.select %lt3A_5027, %add3A_5030, %gather3A_5024 : vector<16xi1>, vector<16xi32>
    %broadcast_in_dim3A_5032 = vector.shape_cast %select_n3A_5031 : vector<16xi32> to vector<16x1xi32>
    %gather3A_5033 = vector.shape_cast %broadcast_in_dim3A_5032 : vector<16x1xi32> to vector<16xi32>
    %gather3A_5034 = tpu.dynamic_gather %select_n3A_69[%gather3A_5033] in [0] : vector<16xf32>, vector<16xi32> -> vector<16xf32>
    %lt3A_5035 = arith.constant 0 : i32
    %lt3A_5036 = vector.broadcast %lt3A_5035 : i32 to vector<16xi32>
    %lt3A_5037 = arith.cmpi slt, %gather3A_5024, %lt3A_5036 : vector<16xi32>
    %add3A_5038 = arith.constant 16 : i32
    %add3A_5039 = vector.broadcast %add3A_5038 : i32 to vector<16xi32>
    %add3A_5040 = arith.addi %gather3A_5024, %add3A_5039 : vector<16xi32>
    %select_n3A_5041 = arith.select %lt3A_5037, %add3A_5040, %gather3A_5024 : vector<16xi1>, vector<16xi32>
    %broadcast_in_dim3A_5042 = vector.shape_cast %select_n3A_5041 : vector<16xi32> to vector<16x1xi32>
    %gather3A_5043 = vector.shape_cast %broadcast_in_dim3A_5042 : vector<16x1xi32> to vector<16xi32>
    %gather3A_5044 = tpu.dynamic_gather %select_n3A_108[%gather3A_5043] in [0] : vector<16xf32>, vector<16xi32> -> vector<16xf32>
    %select_n3A_5045 = arith.select %eq3A_30, %gather3A_5044, %gather3A_5034 : vector<16xi1>, vector<16xf32>
    %get3A_5046 = arith.constant 2032 : index
    %get3A_5047 = tpu.vector_load %arg6[%get3A_5046] {strides = array<i32>} : memref<2048xf32, #tpu.memory_space<vmem>>, vector<16xf32>,
    %get3A_5048 = vector.shape_cast %get3A_5047 : vector<16xf32> to vector<16xf32>
    %sub3A_5049 = arith.subf %get3A_5048, %select_n3A_5045 : vector<16xf32>
    %mul3A_5050 = arith.mulf %sub3A_5049, %sub3A_5049 : vector<16xf32>
    %add3A_5051 = arith.addf %add3A_5014, %mul3A_5050 : vector<16xf32>
    %xor3A = arith.constant 8 : i32
    %xor3A_5052 = vector.broadcast %xor3A : i32 to vector<16xi32>
    %xor3A_5053 = arith.xori %iota3A, %xor3A_5052 : vector<16xi32>
    %lt3A_5054 = arith.constant 0 : i32
    %lt3A_5055 = vector.broadcast %lt3A_5054 : i32 to vector<16xi32>
    %lt3A_5056 = arith.cmpi slt, %xor3A_5053, %lt3A_5055 : vector<16xi32>
    %add3A_5057 = arith.constant 16 : i32
    %add3A_5058 = vector.broadcast %add3A_5057 : i32 to vector<16xi32>
    %add3A_5059 = arith.addi %xor3A_5053, %add3A_5058 : vector<16xi32>
    %select_n3A_5060 = arith.select %lt3A_5056, %add3A_5059, %xor3A_5053 : vector<16xi1>, vector<16xi32>
    %broadcast_in_dim3A_5061 = vector.shape_cast %select_n3A_5060 : vector<16xi32> to vector<16x1xi32>
    %gather3A_5062 = vector.shape_cast %broadcast_in_dim3A_5061 : vector<16x1xi32> to vector<16xi32>
    %gather3A_5063 = tpu.dynamic_gather %add3A_5051[%gather3A_5062] in [0] : vector<16xf32>, vector<16xi32> -> vector<16xf32>
    %add3A_5064 = arith.addf %add3A_5051, %gather3A_5063 : vector<16xf32>
    %xor3A_5065 = arith.constant 4 : i32
    %xor3A_5066 = vector.broadcast %xor3A_5065 : i32 to vector<16xi32>
    %xor3A_5067 = arith.xori %iota3A, %xor3A_5066 : vector<16xi32>
    %lt3A_5068 = arith.constant 0 : i32
    %lt3A_5069 = vector.broadcast %lt3A_5068 : i32 to vector<16xi32>
    %lt3A_5070 = arith.cmpi slt, %xor3A_5067, %lt3A_5069 : vector<16xi32>
    %add3A_5071 = arith.constant 16 : i32
    %add3A_5072 = vector.broadcast %add3A_5071 : i32 to vector<16xi32>
    %add3A_5073 = arith.addi %xor3A_5067, %add3A_5072 : vector<16xi32>
    %select_n3A_5074 = arith.select %lt3A_5070, %add3A_5073, %xor3A_5067 : vector<16xi1>, vector<16xi32>
    %broadcast_in_dim3A_5075 = vector.shape_cast %select_n3A_5074 : vector<16xi32> to vector<16x1xi32>
    %gather3A_5076 = vector.shape_cast %broadcast_in_dim3A_5075 : vector<16x1xi32> to vector<16xi32>
    %gather3A_5077 = tpu.dynamic_gather %add3A_5064[%gather3A_5076] in [0] : vector<16xf32>, vector<16xi32> -> vector<16xf32>
    %add3A_5078 = arith.addf %add3A_5064, %gather3A_5077 : vector<16xf32>
    %xor3A_5079 = arith.constant 2 : i32
    %xor3A_5080 = vector.broadcast %xor3A_5079 : i32 to vector<16xi32>
    %xor3A_5081 = arith.xori %iota3A, %xor3A_5080 : vector<16xi32>
    %lt3A_5082 = arith.constant 0 : i32
    %lt3A_5083 = vector.broadcast %lt3A_5082 : i32 to vector<16xi32>
    %lt3A_5084 = arith.cmpi slt, %xor3A_5081, %lt3A_5083 : vector<16xi32>
    %add3A_5085 = arith.constant 16 : i32
    %add3A_5086 = vector.broadcast %add3A_5085 : i32 to vector<16xi32>
    %add3A_5087 = arith.addi %xor3A_5081, %add3A_5086 : vector<16xi32>
    %select_n3A_5088 = arith.select %lt3A_5084, %add3A_5087, %xor3A_5081 : vector<16xi1>, vector<16xi32>
    %broadcast_in_dim3A_5089 = vector.shape_cast %select_n3A_5088 : vector<16xi32> to vector<16x1xi32>
    %gather3A_5090 = vector.shape_cast %broadcast_in_dim3A_5089 : vector<16x1xi32> to vector<16xi32>
    %gather3A_5091 = tpu.dynamic_gather %add3A_5078[%gather3A_5090] in [0] : vector<16xf32>, vector<16xi32> -> vector<16xf32>
    %add3A_5092 = arith.addf %add3A_5078, %gather3A_5091 : vector<16xf32>
    %xor3A_5093 = arith.constant 1 : i32
    %xor3A_5094 = vector.broadcast %xor3A_5093 : i32 to vector<16xi32>
    %xor3A_5095 = arith.xori %iota3A, %xor3A_5094 : vector<16xi32>
    %lt3A_5096 = arith.constant 0 : i32
    %lt3A_5097 = vector.broadcast %lt3A_5096 : i32 to vector<16xi32>
    %lt3A_5098 = arith.cmpi slt, %xor3A_5095, %lt3A_5097 : vector<16xi32>
    %add3A_5099 = arith.constant 16 : i32
    %add3A_5100 = vector.broadcast %add3A_5099 : i32 to vector<16xi32>
    %add3A_5101 = arith.addi %xor3A_5095, %add3A_5100 : vector<16xi32>
    %select_n3A_5102 = arith.select %lt3A_5098, %add3A_5101, %xor3A_5095 : vector<16xi1>, vector<16xi32>
    %broadcast_in_dim3A_5103 = vector.shape_cast %select_n3A_5102 : vector<16xi32> to vector<16x1xi32>
    %gather3A_5104 = vector.shape_cast %broadcast_in_dim3A_5103 : vector<16x1xi32> to vector<16xi32>
    %gather3A_5105 = tpu.dynamic_gather %add3A_5092[%gather3A_5104] in [0] : vector<16xf32>, vector<16xi32> -> vector<16xf32>
    %add3A_5106 = arith.addf %add3A_5092, %gather3A_5105 : vector<16xf32>
    %swap3A = arith.constant 0 : index
    %swap3A_5107 = tpu.vector_load %arg9[%swap3A] {strides = array<i32>} : memref<16xf32, #tpu.memory_space<vmem>>, vector<16xf32>,
    %swap3A_5108 = vector.shape_cast %swap3A_5107 : vector<16xf32> to vector<16xf32>
    %swap3A_5109 = vector.shape_cast %add3A_5106 : vector<16xf32> to vector<16xf32>
    tpu.vector_store %arg9[%swap3A], %swap3A_5109 {strides = array<i32>} : memref<16xf32, #tpu.memory_space<vmem>>, vector<16xf32>,
    %mul3A_5110 = arith.constant 8 : i32
    %mul3A_5111 = arith.muli %arg1, %mul3A_5110 : i32
    "tpu.region"() ({
      %run_scoped3A = tpu.sem_alloc : memref<!tpu.dma_semaphore, #tpu.memory_space<semaphore_mem>>
      %dma_start3A_5115 = arith.constant 0 : i32
      %dma_start3A_5116 = tpu.memref_slice %arg9[%dma_start3A_5115] : memref<16xf32, #tpu.memory_space<vmem>> -> memref<8xf32, #tpu.memory_space<vmem>>
      %dma_start3A_5117 = tpu.memref_slice %arg11[%mul3A_5111] : memref<128xf32, #tpu.memory_space<vmem_shared>> -> memref<8xf32, #tpu.memory_space<vmem_shared>>
      %dma_start3A_5118 = tpu.memref_slice %arg11[%mul3A_5111] : memref<128xf32, #tpu.memory_space<vmem_shared>> -> memref<8xf32, #tpu.memory_space<vmem_shared>>
      %dma_start3A_5119 = arith.constant 0 : i32
      %dma_start3A_5120 = tpu.memref_slice %arg9[%dma_start3A_5119] : memref<16xf32, #tpu.memory_space<vmem>> -> memref<8xf32, #tpu.memory_space<vmem>>
      tpu.enqueue_dma source(%dma_start3A_5120 : memref<8xf32, #tpu.memory_space<vmem>>) target(%dma_start3A_5118 : memref<8xf32, #tpu.memory_space<vmem_shared>>) target_semaphore(%run_scoped3A : memref<!tpu.dma_semaphore, #tpu.memory_space<semaphore_mem>>)
      %dma_wait3A_5121 = arith.constant 0 : i32
      %dma_wait3A_5122 = tpu.memref_slice %arg9[%dma_wait3A_5121] : memref<16xf32, #tpu.memory_space<vmem>> -> memref<8xf32, #tpu.memory_space<vmem>>
      %dma_wait3A_5123 = tpu.memref_slice %arg11[%mul3A_5111] : memref<128xf32, #tpu.memory_space<vmem_shared>> -> memref<8xf32, #tpu.memory_space<vmem_shared>>
      %dma_wait3A_5124 = tpu.memref_slice %arg11[%mul3A_5111] : memref<128xf32, #tpu.memory_space<vmem_shared>> -> memref<8xf32, #tpu.memory_space<vmem_shared>>
      %dma_wait3A_5125 = arith.constant 0 : i32
      %dma_wait3A_5126 = tpu.memref_slice %arg9[%dma_wait3A_5125] : memref<16xf32, #tpu.memory_space<vmem>> -> memref<8xf32, #tpu.memory_space<vmem>>
      tpu.wait_dma2 semaphore(%run_scoped3A : memref<!tpu.dma_semaphore, #tpu.memory_space<semaphore_mem>>) src(%dma_wait3A_5126 : memref<8xf32, #tpu.memory_space<vmem>>) dst(%dma_wait3A_5124 : memref<8xf32, #tpu.memory_space<vmem_shared>>)
      tpu.yield
    }) : () -> ()
    %barrier3A = arith.constant 0 : index
    tpu.barrier barrier_id(%barrier3A)
    %eq3A_5112 = arith.constant 0 : i32
    %eq3A_5113 = arith.cmpi eq, %arg1, %eq3A_5112 : i32
    %convert_element_type3A = arith.extui %eq3A_5113 : i1 to i32
    %cond3A = arith.constant 0 : i32
    %cond3A_5114 = arith.cmpi ne, %convert_element_type3A, %cond3A : i32
    scf.if %cond3A_5114 {
      "tpu.region"() ({
        %run_scoped3A = tpu.sem_alloc : memref<!tpu.dma_semaphore, #tpu.memory_space<semaphore_mem>>
        tpu.enqueue_dma source(%arg11 : memref<128xf32, #tpu.memory_space<vmem_shared>>) target(%arg10 : memref<128xf32, #tpu.memory_space<vmem>>) target_semaphore(%run_scoped3A : memref<!tpu.dma_semaphore, #tpu.memory_space<semaphore_mem>>)
        tpu.wait_dma2 semaphore(%run_scoped3A : memref<!tpu.dma_semaphore, #tpu.memory_space<semaphore_mem>>) src(%arg11 : memref<128xf32, #tpu.memory_space<vmem_shared>>) dst(%arg10 : memref<128xf32, #tpu.memory_space<vmem>>)
        tpu.yield
      }) : () -> ()
      %get3A_5115 = arith.constant 0 : index
      %get3A_5116 = tpu.vector_load %arg10[%get3A_5115] {strides = array<i32>} : memref<128xf32, #tpu.memory_space<vmem>>, vector<16xf32>,
      %get3A_5117 = vector.shape_cast %get3A_5116 : vector<16xf32> to vector<16xf32>
      %get3A_5118 = arith.constant 16 : index
      %get3A_5119 = tpu.vector_load %arg10[%get3A_5118] {strides = array<i32>} : memref<128xf32, #tpu.memory_space<vmem>>, vector<16xf32>,
      %get3A_5120 = vector.shape_cast %get3A_5119 : vector<16xf32> to vector<16xf32>
      %add3A_5121 = arith.addf %get3A_5117, %get3A_5120 : vector<16xf32>
      %get3A_5122 = arith.constant 32 : index
      %get3A_5123 = tpu.vector_load %arg10[%get3A_5122] {strides = array<i32>} : memref<128xf32, #tpu.memory_space<vmem>>, vector<16xf32>,
      %get3A_5124 = vector.shape_cast %get3A_5123 : vector<16xf32> to vector<16xf32>
      %add3A_5125 = arith.addf %add3A_5121, %get3A_5124 : vector<16xf32>
      %get3A_5126 = arith.constant 48 : index
      %get3A_5127 = tpu.vector_load %arg10[%get3A_5126] {strides = array<i32>} : memref<128xf32, #tpu.memory_space<vmem>>, vector<16xf32>,
      %get3A_5128 = vector.shape_cast %get3A_5127 : vector<16xf32> to vector<16xf32>
      %add3A_5129 = arith.addf %add3A_5125, %get3A_5128 : vector<16xf32>
      %get3A_5130 = arith.constant 64 : index
      %get3A_5131 = tpu.vector_load %arg10[%get3A_5130] {strides = array<i32>} : memref<128xf32, #tpu.memory_space<vmem>>, vector<16xf32>,
      %get3A_5132 = vector.shape_cast %get3A_5131 : vector<16xf32> to vector<16xf32>
      %add3A_5133 = arith.addf %add3A_5129, %get3A_5132 : vector<16xf32>
      %get3A_5134 = arith.constant 80 : index
      %get3A_5135 = tpu.vector_load %arg10[%get3A_5134] {strides = array<i32>} : memref<128xf32, #tpu.memory_space<vmem>>, vector<16xf32>,
      %get3A_5136 = vector.shape_cast %get3A_5135 : vector<16xf32> to vector<16xf32>
      %add3A_5137 = arith.addf %add3A_5133, %get3A_5136 : vector<16xf32>
      %get3A_5138 = arith.constant 96 : index
      %get3A_5139 = tpu.vector_load %arg10[%get3A_5138] {strides = array<i32>} : memref<128xf32, #tpu.memory_space<vmem>>, vector<16xf32>,
      %get3A_5140 = vector.shape_cast %get3A_5139 : vector<16xf32> to vector<16xf32>
      %add3A_5141 = arith.addf %add3A_5137, %get3A_5140 : vector<16xf32>
      %get3A_5142 = arith.constant 112 : index
      %get3A_5143 = tpu.vector_load %arg10[%get3A_5142] {strides = array<i32>} : memref<128xf32, #tpu.memory_space<vmem>>, vector<16xf32>,
      %get3A_5144 = vector.shape_cast %get3A_5143 : vector<16xf32> to vector<16xf32>
      %add3A_5145 = arith.addf %add3A_5141, %get3A_5144 : vector<16xf32>
      %xor3A_5146 = arith.constant 8 : i32
      %xor3A_5147 = vector.broadcast %xor3A_5146 : i32 to vector<16xi32>
      %xor3A_5148 = arith.xori %iota3A, %xor3A_5147 : vector<16xi32>
      %lt3A_5149 = arith.constant 0 : i32
      %lt3A_5150 = vector.broadcast %lt3A_5149 : i32 to vector<16xi32>
      %lt3A_5151 = arith.cmpi slt, %xor3A_5148, %lt3A_5150 : vector<16xi32>
      %add3A_5152 = arith.constant 16 : i32
      %add3A_5153 = vector.broadcast %add3A_5152 : i32 to vector<16xi32>
      %add3A_5154 = arith.addi %xor3A_5148, %add3A_5153 : vector<16xi32>
      %select_n3A_5155 = arith.select %lt3A_5151, %add3A_5154, %xor3A_5148 : vector<16xi1>, vector<16xi32>
      %broadcast_in_dim3A_5156 = vector.shape_cast %select_n3A_5155 : vector<16xi32> to vector<16x1xi32>
      %gather3A_5157 = vector.shape_cast %broadcast_in_dim3A_5156 : vector<16x1xi32> to vector<16xi32>
      %gather3A_5158 = tpu.dynamic_gather %add3A_5145[%gather3A_5157] in [0] : vector<16xf32>, vector<16xi32> -> vector<16xf32>
      %add3A_5159 = arith.addf %add3A_5145, %gather3A_5158 : vector<16xf32>
      %mul3A_5160 = arith.constant 6.10351563E-5 : f32
      %mul3A_5161 = vector.broadcast %mul3A_5160 : f32 to vector<16xf32>
      %mul3A_5162 = arith.mulf %add3A_5159, %mul3A_5161 : vector<16xf32>
      %swap3A_5163 = arith.constant 0 : index
      %swap3A_5164 = tpu.vector_load %arg9[%swap3A_5163] {strides = array<i32>} : memref<16xf32, #tpu.memory_space<vmem>>, vector<16xf32>,
      %swap3A_5165 = vector.shape_cast %swap3A_5164 : vector<16xf32> to vector<16xf32>
      %swap3A_5166 = vector.shape_cast %mul3A_5162 : vector<16xf32> to vector<16xf32>
      tpu.vector_store %arg9[%swap3A_5163], %swap3A_5166 {strides = array<i32>} : memref<16xf32, #tpu.memory_space<vmem>>, vector<16xf32>,
      "tpu.region"() ({
        %run_scoped3A = tpu.sem_alloc : memref<!tpu.dma_semaphore, #tpu.memory_space<semaphore_mem>>
        tpu.enqueue_dma source(%arg9 : memref<16xf32, #tpu.memory_space<vmem>>) target(%arg5 : memref<16xf32, #tpu.memory_space<hbm>>) target_semaphore(%run_scoped3A : memref<!tpu.dma_semaphore, #tpu.memory_space<semaphore_mem>>)
        tpu.wait_dma2 semaphore(%run_scoped3A : memref<!tpu.dma_semaphore, #tpu.memory_space<semaphore_mem>>) src(%arg9 : memref<16xf32, #tpu.memory_space<vmem>>) dst(%arg5 : memref<16xf32, #tpu.memory_space<hbm>>)
        tpu.yield
      }) : () -> ()
    } else {
    }
    return
  }
}

</mosaic_0001>

<sc_bundles>
// kernel: kernel.3.cloned.1.call-start
scs
__scs_entry_jumppad:
0x0: {  	(pc) =	sbr.rel $0x88, $3  }
0x1: {  	(tag) =	ssettag $0x0;
	lr =	simm.s32 $0x1  }
0x2: {  	[smem:$0x3F9E] =	sst lr;
	_ =	strace $0xD0000000  }
0x3: {  	_ = 	snop  }
0x4: {  	_ = 	snop  }
0x5: {  	_ = 	snop  }
0x6: {  	_ = 	snop  }
0x7: {  	_ = 	snop  }
__scs_overlays_trampoline_lowered:
0x8: {  	[smem:$0x3FAD] =	sst s0  }
0x9: {  	[smem:$0x3FAE] =	sst s1  }
0xa: {  	[smem:$0x3FAF] =	sst s2  }
0xb: {  	[smem:$0x3FB0] =	sst s3  }
0xc: {  	[smem:$0x3FB1] =	sst s4  }
0xd: {  	[smem:$0x3FB2] =	sst s5  }
0xe: {  	[smem:$0x3FB3] =	sst s6  }
0xf: {  	[smem:$0x3FB4] =	sst s7  }
0x10: {  	[smem:$0x3FB5] =	sst s8  }
0x11: {  	[smem:$0x3FB6] =	sst s9;
	s0 =	simm.s32 @!p0 $0x0  }
0x12: {  	s1 =	sld [smem:$0x3F9C];
	s0 =	simm.s32 @p0 $0x1  }
0x13: {  	[smem:$0x3FB7] =	sst s0;
	s0 =	simm.s32 @!p1 $0x0  }
0x14: {  	s2 =	sld [smem:$0x3F9B];
	s0 =	simm.s32 @p1 $0x1  }
0x15: {  	[smem:$0x3FB8] =	sst s0;
	s0 =	simm.s32 @!p2 $0x0  }
0x16: {  	s3 =	sld [smem:$0x3FDB];
	s0 =	simm.s32 @p2 $0x1  }
0x17: {  	s4 =	simm.s32 $0x1BF5;
	[smem:$0x3FBA] =	sst s0  }
0x18: {  	s0 =	sld [smem:$0x3F9D];
	_ =	swait.ge [sflag:s4], $0x0  }
0x19: {  	s7 =	sld [smem:$0x3F9E]  }
0x1a: {  	s8 =	sadd.s32 $0xFFFFE003, lr  }
0x1b: {  	s9 =	sadd.s32 $0xFFFFFEF7, lr;
	s5 =	simm.s32 $0xFFFFFFFF;
	p2 =	slt.u32 s8, $0xFFFFF086  }
0x1c: {  	p1 =	slt.u32 s9, $0xF7A;
	s5 =	simm.s32 @!p2 $0x0  }
0x1d: {  	s5 =	simm.s32 @p1 $0x1;
	p0 =	seq.s32 s7, s2  }
0x1e: {  	s7 =	smul.u32 @!p0 $0xF7A, s2;
	p2 =	seq.s32 @!p0 s5, $0x0  }
0x1f: {  	s9 =	smul.u32 $0xF7A, s1;
	s8 =	simm.s32 @!p0 $0x1BF5;
	p2 =	por !p2, p0  }
0x20: {  	[sflag:s8] =	ssyncset.s32 @!p0 $0xFFFFF086;
	s6 =	sadd.s32 @!p0 s3, s7;
	s7 =	simm.s32 @!p0 $0x108  }
0x21: {  	s3 =	sadd.s32 s3, s9;
	s6 =	sadd.s32 @!p0 $0x88, s6;
	s7 =	simm.s32 @p2 $0x1082  }
0x22: {  	[simem:s7], [sflag:s8] =	dma.local @!p0 [hbm:s6], $0xF7A  }
0x23: {  	s9 =	sor.u32 $0xD0000000, s2;
	s6 =	simm.s32 $0x108;
	_ =	swait.ge @!p0 [sflag:s8], $0x0  }
0x24: {  	s3 =	sadd.s32 $0x88, s3;
	s6 =	simm.s32 @!p1 $0x1082;
	[sflag:s4] =	ssyncset.s32 $0xFFFFF086  }
0x25: {  	[simem:s6], [sflag:s4] =	dma.local [hbm:s3], $0xF7A  }
0x26: {  	[smem:$0x3F9E] =	sst s1;
	(tag) =	ssettag s2;
	_ =	strace s9  }
0x27: {  	s1 =	sld [smem:$0x3FAE]  }
0x28: {  	s2 =	sld [smem:$0x3FAF]  }
0x29: {  	s4 =	sld [smem:$0x3FB1]  }
0x2a: {  	p0 =	seq.s32 s5, $0x0;
	s5 =	sld [smem:$0x3FB2]  }
0x2b: {  	s6 =	sld [smem:$0x3FB3]  }
0x2c: {  	s7 =	sld [smem:$0x3FB4]  }
0x2d: {  	s3 =	simm.s32 $0x108;
	s8 =	sld [smem:$0x3FB5]  }
0x2e: {  	s3 =	simm.s32 @!p0 $0x1082;
	s9 =	sld [smem:$0x3FB6]  }
0x2f: {  	lr =	sadd.s32 s0, s3;
	s0 =	sld [smem:$0x3FAD]  }
0x30: {  	s3 =	sld [smem:$0x3FB0]  }
0x31: {  	[smem:$0x3FB9] =	sst s10  }
0x32: {  	s10 =	sld [smem:$0x3FB7];
	_ =	sdelay $0x3  }
0x33: {  	p0 =	seq.s32 s10, $0x1;
	s10 =	sld [smem:$0x3FB9];
	_ =	sdelay $0x3  }
0x34: {  	[smem:$0x3FB9] =	sst s10  }
0x35: {  	s10 =	sld [smem:$0x3FB8];
	_ =	sdelay $0x3  }
0x36: {  	p1 =	seq.s32 s10, $0x1;
	s10 =	sld [smem:$0x3FB9];
	_ =	sdelay $0x3  }
0x37: {  	[smem:$0x3FB9] =	sst s10  }
0x38: {  	s10 =	sld [smem:$0x3FBA]  }
0x39: {  	_ = 	snop;
	(pc) =	sbr.ind lr, $3  }
0x3a: {  	_ = 	snop  }
0x3b: {  	_ = 	snop  }
0x3c: {  	p2 =	seq.s32 s10, $0x1;
	s10 =	sld [smem:$0x3FB9]  }
0x3d: {  	_ =	shalt  }
0x3e: {  	_ =	shalt  }
0x3f: {  	_ =	shalt  }
0x40: {  	_ =	shalt  }
0x41: {  	_ =	shalt  }
0x42: {  	_ =	shalt  }
0x43: {  	_ =	shalt  }
0x44: {  	_ =	shalt  }
0x45: {  	_ =	shalt  }
0x46: {  	_ =	shalt  }
0x47: {  	_ =	shalt  }
0x48: {  	_ =	shalt  }
0x49: {  	_ =	shalt  }
0x4a: {  	_ =	shalt  }
0x4b: {  	_ =	shalt  }
0x4c: {  	_ =	shalt  }
0x4d: {  	_ =	shalt  }
0x4e: {  	_ =	shalt  }
0x4f: {  	_ =	shalt  }
0x50: {  	_ =	shalt  }
0x51: {  	_ =	shalt  }
0x52: {  	_ =	shalt  }
0x53: {  	_ =	shalt  }
0x54: {  	_ =	shalt  }
0x55: {  	_ =	shalt  }
0x56: {  	_ =	shalt  }
0x57: {  	_ =	shalt  }
0x58: {  	_ =	shalt  }
0x59: {  	_ =	shalt  }
0x5a: {  	_ =	shalt  }
0x5b: {  	_ =	shalt  }
0x5c: {  	_ =	shalt  }
0x5d: {  	_ =	shalt  }
0x5e: {  	_ =	shalt  }
0x5f: {  	_ =	shalt  }
0x60: {  	_ =	shalt  }
0x61: {  	_ =	shalt  }
0x62: {  	_ =	shalt  }
0x63: {  	_ =	shalt  }
0x64: {  	_ =	shalt  }
0x65: {  	_ =	shalt  }
0x66: {  	_ =	shalt  }
0x67: {  	_ =	shalt  }
0x68: {  	_ =	shalt  }
0x69: {  	_ =	shalt  }
0x6a: {  	_ =	shalt  }
0x6b: {  	_ =	shalt  }
0x6c: {  	_ =	shalt  }
0x6d: {  	_ =	shalt  }
0x6e: {  	_ =	shalt  }
0x6f: {  	_ =	shalt  }
0x70: {  	_ =	shalt  }
0x71: {  	_ =	shalt  }
0x72: {  	_ =	shalt  }
0x73: {  	_ =	shalt  }
0x74: {  	_ =	shalt  }
0x75: {  	_ =	shalt  }
0x76: {  	_ =	shalt  }
0x77: {  	_ =	shalt  }
0x78: {  	_ =	shalt  }
0x79: {  	_ =	shalt  }
0x7a: {  	_ =	shalt  }
0x7b: {  	_ =	shalt  }
0x7c: {  	_ =	shalt  }
0x7d: {  	_ =	shalt  }
0x7e: {  	_ =	shalt  }
0x7f: {  	_ =	shalt  }
0x80: {  	_ =	shalt  }
0x81: {  	_ =	shalt  }
0x82: {  	_ =	shalt  }
0x83: {  	_ =	shalt  }
0x84: {  	_ =	shalt  }
0x85: {  	_ =	shalt  }
0x86: {  	_ =	shalt  }
0x87: {  	_ =	shalt  }
.Lfunc_end0:
.L_simem_size_0:
called_computation_lowered:
.L_overlay_start_0:
0x88: {  	s0 =	sld [smem:$0x3FD9]  }
0x89: {  	s1 =	sld [smem:$0x3FFE];
	_ =	sdelay $0x3  }
0x8a: {  	s0 =	sadd.s32 s1, s0  }
0x8b: {  	[smem:$0x3FC5] =	sst s0  }
0x8c: {  	_ = 	snop  }
0x8d: {  	s0 =	sld [smem:$0x3FC8]  }
0x8e: {  	s16 =	sld [smem:$0x3FD0];
	(tm) =	ssettm $0x1  }
0x8f: {  	s2 =	sld [smem:$0x3FFB];
	_ =	sdelay $0x3  }
0x90: {  	_ =	strace s2  }
0x91: {  	s2 =	sld [smem:$0x3FFC];
	_ =	sdelay $0x3  }
0x92: {  	_ =	strace s2  }
0x93: {  	s2 =	sld [smem:$0x3FFD];
	_ =	sdelay $0x3  }
0x94: {  	_ =	strace s2  }
0x95: {  	_ =	strace $0x8FFFFFFF  }
0x96: {  	s17 =	sld [smem:$0x3FDB];
	_ =	sdelay $0x1  }
0x97: {  	s3 =	simm.s32 $_scs_section_size  }
0x98: {  	s4 =	simm.s32 $_size__tile_overlayer_lowered;
	s5 =	simm.s32 $_tile_overlayer_lowered  }
0x99: {  	s20 =	simm.s32 $0x1BFF;
	s19 =	sshll.u32 s5, $0x1;
	s2 =	sadd.s32 s3, s17  }
0x9a: {  	s6 =	simm.s32 $0x0;
	s18 =	sshll.u32 s4, $0x1;
	s4 =	sadd.s32 s19, s2  }
0x9b: {  	[timem:s6], [sflag:s20] =	dma.local [hbm:s4], s18  }
0x9c: {  	_ =	swait.ge [sflag:s20], s18  }
0x9d: {  	s3 =	ssub.s32 $0x0, s18;
	[sflag:s20] =	ssyncset.done $0x0  }
0x9e: {  	[sflag:s20] =	ssyncadd.s32 s3;
	_ =	sdelay $0x1  }
0x9f: {  	s21 =	simm.s32 $0x1B8B  }
0xa0: {  	_ =	swait.ge [sflag:s21], $0x1  }
0xa1: {  	[sflag:s21] =	ssyncset.done $0x0  }
0xa2: {  	s23 =	simm.s32 $0x1B8E;
	s22 =	sld [smem:$0x3FFE];
	[sflag:s21] =	ssyncadd.s32 $0xFFFFFFFF  }
0xa3: {  	s24 =	simm.s32 $execute0_lowered;
	[smem:$0x3FD2] =	sst s23  }
0xa4: {  	s4 =	sshll.u32 s24, $0x1;
	_ =	strace $0x80000046;
	[dreg:$0x1] =	wrdreg $0xFFFFFFFF  }
0xa5: {  	s25 =	simm.s32 $_size_execute0_lowered;
	s2 =	sadd.s32 s2, s4;
	[dreg:$0x0] =	wrdreg $0x0  }
0xa6: {  	s4 =	sshll.u32 s25, $0x1;
	[dreg:$0x2] =	wrdreg s2  }
0xa7: {  	[dreg:$0x3] =	wrdreg s4  }
0xa8: {  	[dreg:$0x4] =	wrdreg $0xC0  }
0xa9: {  	_ =	task [dreg:s6], $0x5FFFF  }
0xaa: {  	[dreg:$0x1] =	wrdreg $0xFFFFFFFF  }
0xab: {  	[dreg:$0x0] =	wrdreg $0x60  }
0xac: {  	[dreg:$0x2] =	wrdreg s22  }
0xad: {  	[dreg:$0x3] =	wrdreg s0  }
0xae: {  	[dreg:$0x4] =	wrdreg s16  }
0xaf: {  	[dreg:$0x5] =	wrdreg $0xD800  }
0xb0: {  	[dreg:$0x6] =	wrdreg $0x9  }
0xb1: {  	_ =	task.clear_ibuf [dreg:s6], $0x7FFFF;
	_ =	strace $0x90000046  }
0xb2: {  	s26 =	simm.s32 $0x9;
	_ =	strace $0x80000048  }
0xb3: {  	_ =	swait.ge [sflag:s26], $0x1  }
0xb4: {  	[sflag:s26] =	ssyncadd.s32 $0xFFFFFFFF  }
0xb5: {  	_ =	strace $0x90000048  }
0xb6: {  	_ =	sfence  }
0xb7: {  	s28 =	sld [smem:$0x0];
	_ =	sdelay $0x1  }
0xb8: {  	s29 =	srdreg.scid  }
0xb9: {  	s30 =	sshll.u32 s29, $0xD;
	s31 =	sshrl.u32 s29, $0x2  }
0xba: {  	s1 =	sand.u32 $0x1, s29;
	s2 =	sand.u32 $0x4000, s30;
	s0 =	sadd.s32 s31, s28  }
0xbb: {  	s1 =	sor.u32 s2, s1;
	s0 =	sshll.u32 s0, $0x11  }
0xbc: {  	s0 =	sor.u32 s0, s1  }
0xbd: {  	s0 =	sadd.s32 $0x8F2B, s0  }
0xbe: {  	[sflag:s0] =	ssyncadd.remote.s32 $0x1  }
0xbf: {  	_ =	sfence.sel $0xFFFF  }
0xc0: {  	[dreg:$0x0] =	wrdreg $0xFFFFFFFF;
	(pc) =	sbr.abs _section_cstart, $3  }
0xc1: {  	[dreg:$0x1] =	wrdreg $0xFFFFFFFF  }
0xc2: {  	_ =	task.clear_ibuf [dreg:s6], $0x2FFFF;
	_ =	strace $0x9FFFFFFF  }
0xc3: {  	(tm) =	ssettm $0x7FFFFFFF  }
tec
execute0_lowered:
.L_overlay_start_1:
0x0: {  	(tag) =	ssettag $0x1  }
0x1: {  	s4 =	rddreg [dreg:$0x0]  }
0x2: {  	s5 =	rddreg [dreg:$0x1]  }
0x3: {  	s1 =	rddreg [dreg:$0x2]  }
0x4: {  	s2 =	rddreg [dreg:$0x3];
	s3 =	stileid.u32  }
0x5: {  	s0 =	rddreg [dreg:$0x4];
	s6 =	simm.s32 $0x0;
	s7 =	sshll.u32 s3, $0x8  }
0x6: {  	[smem:$0x7FF] =	sst s6;
	s7 =	sadd.s32 s7, s4  }
0x7: {  	s9 =	sshll.u32 s3, $0x7;
	_ =	strace $0x80000047;
	s8 =	sadd.s32 $0x600, s7  }
0x8: {  	[tilespmem:s6], [sflag:$0x1] =	stream.linear.gather [hbm4b:s8+s6], $0x400, $0x38;
	[tilespmem:$0xD88] =	vst v63  }
0x9: {  	s20 =	simm.s32 $0x800;
	s5 =	sadd.s32 s5, s9  }
0xa: {  	[tilespmem:s20], [sflag:$0x2] =	stream.linear.gather [hbm4b:s5+s6], $0x400, $0x38;
	[tilespmem:$0xD88] =	vst v63  }
0xb: {  	s22 =	simm.s32 $0x400;
	s21 =	sadd.s32 $0x680, s7  }
0xc: {  	[tilespmem:s22], [sflag:$0x4] =	stream.linear.gather [hbm4b:s21+s6], $0x400, $0x38;
	[tilespmem:$0xD88] =	vst v63  }
0xd: {  	s23 =	simm.s32 $0xC00;
	s24 =	simm.s32 $0x3;
	s4 =	sadd.s32 $0x1600, s4  }
0xe: {  	[tilespmem:s23], [sflag:$0x3] =	stream.linear.gather [hbm4b:s4+s6], $0x80, $0x38;
	[tilespmem:$0xD88] =	vst v63  }
0xf: {  	_ =	swait.ge [sflag:s24], $0x80  }
0x10: {  	[sflag:s24] =	ssyncset.done $0x0  }
0x11: {  	[sflag:s24] =	ssyncadd.s32 $0xFFFFFF80  }
0x12: {  	s25 =	simm.s32 $0x1;
	v1 =	vld [tilespmem:$0xC00]  }
0x13: {  	v2 =	vld [tilespmem:$0xC04];
	_ =	swait.ge [sflag:s25], $0x400  }
0x14: {  	[sflag:s25] =	ssyncset.done $0x0  }
0x15: {  	s26 =	simm.s32 $0x2;
	[sflag:s25] =	ssyncadd.s32 $0xFFFFFC00  }
0x16: {  	_ =	swait.ge [sflag:s26], $0x400  }
0x17: {  	v0 =	vimm.s32 $0xA86420EC;
	v3 =	vlaneseq.u32;
	v5 =	vimm.s32 $0xB97531FD;
	[sflag:s26] =	ssyncset.done $0x0  }
0x18: {  	vm0 =	vmmov $0xff;
	vm1 =	vcmask $0xB08;
	vm2 =	vcmask $0x300;
	[sflag:s26] =	ssyncadd.s32 $0xFFFFFC00  }
0x19: {  	vm9 =	vcmask $0x1310;
	vm11 =	vcmask $0x1B18;
	v0 =	vunpack.c.l.s4.s8 v0;
	v6 =	vld [tilespmem:$0x800]  }
0x1a: {  	vm12 =	vcmask $0x2320;
	v4 =	vand.u32 $0x7, v3;
	v5 =	vunpack.c.l.s4.s8 v5;
	v34 =	vld [tilespmem:$0x810]  }
0x1b: {  	vm13 =	vcmask $0x2B28;
	v4 =	vmul.u32 $0x2, v4;
	v0 =	vunpack.c.0.s8.s32 v0;
	v40 =	vld [tilespmem:$0x820]  }
0x1c: {  	vm14 =	vcmask $0x3330;
	vm15 =	vcmask $0x3B38;
	v5 =	vunpack.c.0.s8.s32 v5;
	v45 =	vld [tilespmem:$0x830]  }
0x1d: {  	v7 =	vperm.xlane v1, v4;
	v0 =	vperm.xlane v2, v0;
	v4 =	vor.u32 $0x1, v4;
	v51 =	vld [tilespmem:$0x840]  }
0x1e: {  	vm1 =	vmor vm2, vm1;
	v33 =	vperm.xlane v2, v5;
	v1 =	vperm.xlane v1, v4;
	v58 =	vld [tilespmem:$0x850]  }
0x1f: {  	vm10 =	vmor vm1, vm9;
	v2 =	vshrl.u32 v3, $0x1;
	v22 =	vld [tilespmem:$0x860];
	v0 =	vsel vm0, v7, v0  }
0x20: {  	v1 =	vsel vm0, v1, v33;
	vm0 =	vmor vm10, vm11;
	v3 =	vperm.xlane v6, v2  }
0x21: {  	vm0 =	vmor vm0, vm12;
	v10 =	vperm.xlane v34, v2;
	v43 =	vperm.xlane v40, v2  }
0x22: {  	vm0 =	vmor vm0, vm13;
	v50 =	vperm.xlane v45, v2;
	v57 =	vperm.xlane v51, v2  }
0x23: {  	v17 =	vperm.xlane v58, v2;
	v35 =	vand.u32 $0xF, v3;
	v3 =	vor.u32 $0x8, v2  }
0x24: {  	vm0 =	vmor vm0, vm14;
	v26 =	vperm.xlane v22, v2;
	v6 =	vperm.xlane v6, v3  }
0x25: {  	v29 =	vld [tilespmem:$0x870];
	v37 =	vand.u32 $0xF, v10;
	v8 =	vperm.xlane v0, v35;
	v5 =	vperm.xlane v1, v35  }
0x26: {  	v46 =	vand.u32 $0xF, v43;
	v39 =	vperm.xlane v0, v37;
	v4 =	vperm.xlane v34, v3  }
0x27: {  	v19 =	vand.u32 $0xF, v17;
	v47 =	vperm.xlane v40, v3;
	v10 =	vperm.xlane v0, v46  }
0x28: {  	v36 =	vld [tilespmem:$0x0];
	vm0 =	vmor vm0, vm15;
	v62 =	vperm.xlane v51, v3;
	v21 =	vperm.xlane v0, v19  }
0x29: {  	v9 =	vld [tilespmem:$0x10];
	v54 =	vand.u32 $0xF, v50;
	v23 =	vperm.xlane v58, v3;
	v31 =	vperm.xlane v22, v3  }
0x2a: {  	v38 =	vld [tilespmem:$0x20];
	v35 =	vperm.xlane v29, v2;
	v6 =	vand.u32 $0xF, v6;
	v5 =	vsel vm0, v8, v5  }
0x2b: {  	v41 =	vld [tilespmem:$0x30];
	v8 =	vperm.xlane v1, v37;
	v4 =	vand.u32 $0xF, v4;
	v49 =	vand.u32 $0xF, v47  }
0x2c: {  	v16 =	vand.u32 $0xF, v62;
	v11 =	vperm.xlane v0, v6;
	v6 =	vperm.xlane v1, v6  }
0x2d: {  	v5 =	vsub.f32 v36, v5;
	v42 =	vperm.xlane v0, v4;
	v4 =	vperm.xlane v1, v4  }
0x2e: {  	v12 =	vld [tilespmem:$0x40];
	v18 =	vperm.xlane v0, v16;
	v7 =	vsel vm0, v39, v8;
	v8 =	vperm.xlane v1, v46  }
0x2f: {  	v36 =	vld [tilespmem:$0x880];
	v6 =	vsel vm0, v11, v6;
	v7 =	vsub.f32 v38, v7;
	v4 =	vsel vm0, v42, v4  }
0x30: {  	v5 =	vmul.f32 v5, v5;
	v6 =	vsub.f32 v9, v6;
	v4 =	vsub.f32 v41, v4  }
0x31: {  	v8 =	vsel vm0, v10, v8;
	v9 =	vperm.xlane v0, v49;
	v10 =	vperm.xlane v0, v54  }
0x32: {  	v60 =	vand.u32 $0xF, v57;
	v43 =	vld [tilespmem:$0x890];
	v44 =	vmul.f32 v7, v7;
	v7 =	vperm.xlane v45, v3  }
0x33: {  	v30 =	vand.u32 $0xF, v26;
	v6 =	vmul.f32 v6, v6;
	v4 =	vmul.f32 v4, v4  }
0x34: {  	v8 =	vsub.f32 v12, v8;
	v42 =	vperm.xlane v36, v2;
	v11 =	vperm.xlane v36, v3  }
0x35: {  	v48 =	vld [tilespmem:$0x50];
	v7 =	vand.u32 $0xF, v7;
	v5 =	vadd.f32 v6, v5;
	v6 =	vperm.xlane v1, v49  }
0x36: {  	v53 =	vld [tilespmem:$0x60];
	v34 =	vand.u32 $0xF, v31;
	v56 =	vperm.xlane v0, v7;
	v7 =	vperm.xlane v1, v7  }
0x37: {  	v8 =	vmul.f32 v8, v8;
	v49 =	vperm.xlane v43, v2;
	v5 =	vadd.f32 v44, v5  }
0x38: {  	v55 =	vld [tilespmem:$0x70];
	v52 =	vsel vm0, v9, v6;
	v9 =	vperm.xlane v1, v54;
	v59 =	vsel vm0, v56, v7  }
0x39: {  	v61 =	vld [tilespmem:$0x80];
	v7 =	vperm.xlane v1, v60;
	v51 =	vand.u32 $0xF, v49;
	v4 =	vadd.f32 v4, v5  }
0x3a: {  	v54 =	vld [tilespmem:$0x8A0];
	v5 =	vsub.f32 v48, v52;
	v9 =	vsel vm0, v10, v9;
	v10 =	vperm.xlane v0, v60  }
0x3b: {  	v48 =	vand.u32 $0xF, v11;
	v6 =	vsub.f32 v53, v9;
	v9 =	vperm.xlane v0, v34  }
0x3c: {  	v39 =	vand.u32 $0xF, v35;
	v50 =	vperm.xlane v0, v48;
	v53 =	vperm.xlane v0, v51  }
0x3d: {  	v63 =	vld [tilespmem:$0x90];
	v4 =	vadd.f32 v8, v4;
	v5 =	vmul.f32 v5, v5;
	v7 =	vsel vm0, v10, v7  }
0x3e: {  	v10 =	vperm.xlane v1, v16;
	v6 =	vmul.f32 v6, v6;
	v7 =	vsub.f32 v61, v7  }
0x3f: {  	v58 =	vperm.xlane v54, v2;
	v4 =	vadd.f32 v5, v4;
	v5 =	vsub.f32 v55, v59  }
0x40: {  	v8 =	vsel vm0, v18, v10;
	v10 =	vperm.xlane v0, v30;
	v55 =	vperm.xlane v43, v3  }
0x41: {  	v20 =	vld [tilespmem:$0xA0];
	v7 =	vmul.f32 v7, v7;
	v4 =	vadd.f32 v6, v4;
	v5 =	vmul.f32 v5, v5  }
0x42: {  	v61 =	vld [tilespmem:$0x8B0];
	v6 =	vsub.f32 v63, v8;
	v8 =	vand.u32 $0xF, v23;
	v63 =	vperm.xlane v54, v3  }
0x43: {  	v24 =	vld [tilespmem:$0xB0];
	v45 =	vand.u32 $0xF, v42;
	v25 =	vperm.xlane v0, v8;
	v8 =	vperm.xlane v1, v8  }
0x44: {  	v62 =	vand.u32 $0xF, v58;
	v4 =	vadd.f32 v5, v4;
	v5 =	vperm.xlane v1, v19  }
0x45: {  	v27 =	vld [tilespmem:$0xC0];
	v6 =	vmul.f32 v6, v6;
	v18 =	vand.u32 $0xF, v63;
	v28 =	vsel vm0, v25, v8  }
0x46: {  	v8 =	vperm.xlane v29, v3;
	v4 =	vadd.f32 v7, v4;
	v5 =	vsel vm0, v21, v5  }
0x47: {  	v19 =	vperm.xlane v61, v2;
	v7 =	vperm.xlane v1, v30;
	v5 =	vsub.f32 v20, v5  }
0x48: {  	v8 =	vand.u32 $0xF, v8;
	v20 =	vld [tilespmem:$0x8C0];
	v4 =	vadd.f32 v6, v4;
	v6 =	vsub.f32 v24, v28  }
0x49: {  	v32 =	vld [tilespmem:$0xD0];
	v7 =	vsel vm0, v10, v7;
	v10 =	vperm.xlane v0, v39;
	v41 =	vperm.xlane v0, v8  }
0x4a: {  	v8 =	vperm.xlane v1, v8;
	v5 =	vmul.f32 v5, v5;
	v7 =	vsub.f32 v27, v7  }
0x4b: {  	v23 =	vand.u32 $0xF, v19;
	v27 =	vld [tilespmem:$0x8D0];
	v33 =	vmul.f32 v6, v6;
	v6 =	vperm.xlane v1, v34  }
0x4c: {  	v38 =	vld [tilespmem:$0xE0];
	v44 =	vsel vm0, v41, v8;
	v4 =	vadd.f32 v5, v4;
	v7 =	vmul.f32 v7, v7  }
0x4d: {  	v37 =	vsel vm0, v9, v6;
	v9 =	vperm.xlane v1, v39;
	v11 =	vperm.xlane v20, v3  }
0x4e: {  	v40 =	vld [tilespmem:$0xF0];
	v26 =	vperm.xlane v20, v2;
	v4 =	vadd.f32 v33, v4;
	v5 =	vsub.f32 v32, v37  }
0x4f: {  	v46 =	vld [tilespmem:$0x100];
	v9 =	vsel vm0, v10, v9;
	v10 =	vperm.xlane v0, v45;
	v32 =	vand.u32 $0xF, v11  }
0x50: {  	v33 =	vperm.xlane v27, v2;
	v4 =	vadd.f32 v7, v4;
	v5 =	vmul.f32 v5, v5  }
0x51: {  	v47 =	vld [tilespmem:$0x110];
	v39 =	vperm.xlane v27, v3;
	v6 =	vsub.f32 v38, v9;
	v7 =	vperm.xlane v1, v45  }
0x52: {  	v9 =	vperm.xlane v0, v18;
	v34 =	vperm.xlane v0, v32;
	v38 =	vld [tilespmem:$0x8E0];
	v4 =	vadd.f32 v5, v4  }
0x53: {  	v6 =	vmul.f32 v6, v6;
	v5 =	vsub.f32 v40, v44;
	v7 =	vsel vm0, v10, v7  }
0x54: {  	v35 =	vand.u32 $0xF, v33;
	v10 =	vperm.xlane v1, v48;
	v7 =	vsub.f32 v46, v7  }
0x55: {  	v45 =	vld [tilespmem:$0x8F0];
	v37 =	vperm.xlane v0, v35;
	v4 =	vadd.f32 v6, v4;
	v5 =	vmul.f32 v5, v5  }
0x56: {  	v8 =	vsel vm0, v50, v10;
	v10 =	vperm.xlane v0, v62;
	v7 =	vmul.f32 v7, v7  }
0x57: {  	v52 =	vld [tilespmem:$0x120];
	v6 =	vsub.f32 v47, v8;
	v8 =	vand.u32 $0xF, v55;
	v42 =	vperm.xlane v38, v2  }
0x58: {  	v56 =	vld [tilespmem:$0x130];
	v47 =	vperm.xlane v38, v3;
	v4 =	vadd.f32 v5, v4;
	v5 =	vperm.xlane v1, v51  }
0x59: {  	v29 =	vand.u32 $0xF, v26;
	v57 =	vperm.xlane v0, v8;
	v8 =	vperm.xlane v1, v8  }
0x5a: {  	v59 =	vld [tilespmem:$0x140];
	v51 =	vperm.xlane v45, v2;
	v6 =	vmul.f32 v6, v6;
	v46 =	vand.u32 $0xF, v42  }
0x5b: {  	v4 =	vadd.f32 v7, v4;
	v5 =	vsel vm0, v53, v5;
	v7 =	vperm.xlane v1, v62  }
0x5c: {  	v60 =	vsel vm0, v57, v8;
	v8 =	vperm.xlane v61, v3;
	v5 =	vsub.f32 v52, v5  }
0x5d: {  	v52 =	vld [tilespmem:$0x900];
	v4 =	vadd.f32 v6, v4;
	v6 =	vsub.f32 v56, v60;
	v7 =	vsel vm0, v10, v7  }
0x5e: {  	v16 =	vld [tilespmem:$0x150];
	v10 =	vperm.xlane v0, v23;
	v8 =	vand.u32 $0xF, v8;
	v5 =	vmul.f32 v5, v5  }
0x5f: {  	v7 =	vsub.f32 v59, v7;
	v25 =	vperm.xlane v0, v8;
	v8 =	vperm.xlane v1, v8  }
0x60: {  	v50 =	vand.u32 $0xF, v47;
	v59 =	vld [tilespmem:$0x910];
	v17 =	vmul.f32 v6, v6;
	v6 =	vperm.xlane v1, v18  }
0x61: {  	v22 =	vld [tilespmem:$0x160];
	v4 =	vadd.f32 v5, v4;
	v7 =	vmul.f32 v7, v7;
	v28 =	vsel vm0, v25, v8  }
0x62: {  	v21 =	vsel vm0, v9, v6;
	v9 =	vperm.xlane v1, v23;
	v11 =	vperm.xlane v52, v3  }
0x63: {  	v24 =	vld [tilespmem:$0x170];
	v58 =	vperm.xlane v52, v2;
	v4 =	vadd.f32 v17, v4;
	v5 =	vsub.f32 v16, v21  }
0x64: {  	v30 =	vld [tilespmem:$0x180];
	v9 =	vsel vm0, v10, v9;
	v10 =	vperm.xlane v0, v29;
	v16 =	vand.u32 $0xF, v11  }
0x65: {  	v17 =	vperm.xlane v59, v2;
	v4 =	vadd.f32 v7, v4;
	v5 =	vmul.f32 v5, v5  }
0x66: {  	v31 =	vld [tilespmem:$0x190];
	v23 =	vperm.xlane v59, v3;
	v6 =	vsub.f32 v22, v9;
	v7 =	vperm.xlane v1, v29  }
0x67: {  	v9 =	vperm.xlane v0, v50;
	v18 =	vperm.xlane v0, v16;
	v22 =	vld [tilespmem:$0x920];
	v4 =	vadd.f32 v5, v4  }
0x68: {  	v6 =	vmul.f32 v6, v6;
	v5 =	vsub.f32 v24, v28;
	v7 =	vsel vm0, v10, v7  }
0x69: {  	v19 =	vand.u32 $0xF, v17;
	v10 =	vperm.xlane v1, v32;
	v7 =	vsub.f32 v30, v7  }
0x6a: {  	v29 =	vld [tilespmem:$0x930];
	v21 =	vperm.xlane v0, v19;
	v4 =	vadd.f32 v6, v4;
	v5 =	vmul.f32 v5, v5  }
0x6b: {  	v8 =	vsel vm0, v34, v10;
	v10 =	vperm.xlane v0, v46;
	v7 =	vmul.f32 v7, v7  }
0x6c: {  	v6 =	vsub.f32 v31, v8;
	v8 =	vand.u32 $0xF, v39;
	v26 =	vperm.xlane v22, v2  }
0x6d: {  	v36 =	vld [tilespmem:$0x1A0];
	v31 =	vperm.xlane v22, v3;
	v4 =	vadd.f32 v5, v4;
	v5 =	vperm.xlane v1, v35  }
0x6e: {  	v40 =	vld [tilespmem:$0x1B0];
	v55 =	vand.u32 $0xF, v51;
	v41 =	vperm.xlane v0, v8;
	v8 =	vperm.xlane v1, v8  }
0x6f: {  	v61 =	vand.u32 $0xF, v58;
	v35 =	vperm.xlane v29, v2;
	v6 =	vmul.f32 v6, v6  }
0x70: {  	v43 =	vld [tilespmem:$0x1C0];
	v30 =	vand.u32 $0xF, v26;
	v34 =	vand.u32 $0xF, v31;
	v4 =	vadd.f32 v7, v4  }
0x71: {  	v5 =	vsel vm0, v37, v5;
	v44 =	vsel vm0, v41, v8;
	v7 =	vperm.xlane v1, v46  }
0x72: {  	v8 =	vperm.xlane v45, v3;
	v39 =	vand.u32 $0xF, v35;
	v5 =	vsub.f32 v36, v5  }
0x73: {  	v36 =	vld [tilespmem:$0x940];
	v4 =	vadd.f32 v6, v4;
	v6 =	vsub.f32 v40, v44;
	v7 =	vsel vm0, v10, v7  }
0x74: {  	v48 =	vld [tilespmem:$0x1D0];
	v10 =	vperm.xlane v0, v55;
	v8 =	vand.u32 $0xF, v8;
	v5 =	vmul.f32 v5, v5  }
0x75: {  	v7 =	vsub.f32 v43, v7;
	v43 =	vld [tilespmem:$0x950];
	v49 =	vmul.f32 v6, v6;
	v6 =	vperm.xlane v1, v50  }
0x76: {  	v54 =	vld [tilespmem:$0x1E0];
	v57 =	vperm.xlane v0, v8;
	v8 =	vperm.xlane v1, v8;
	v4 =	vadd.f32 v5, v4  }
0x77: {  	v7 =	vmul.f32 v7, v7;
	v53 =	vsel vm0, v9, v6;
	v9 =	vperm.xlane v1, v55  }
0x78: {  	v42 =	vperm.xlane v36, v2;
	v11 =	vperm.xlane v36, v3;
	v4 =	vadd.f32 v49, v4  }
0x79: {  	v56 =	vld [tilespmem:$0x1F0];
	v5 =	vsub.f32 v48, v53;
	v9 =	vsel vm0, v10, v9;
	v10 =	vperm.xlane v0, v61  }
0x7a: {  	v62 =	vld [tilespmem:$0x200];
	v60 =	vsel vm0, v57, v8;
	v49 =	vperm.xlane v43, v2;
	v55 =	vperm.xlane v43, v3  }
0x7b: {  	v4 =	vadd.f32 v7, v4;
	v5 =	vmul.f32 v5, v5;
	v6 =	vsub.f32 v54, v9  }
0x7c: {  	v63 =	vld [tilespmem:$0x210];
	v48 =	vand.u32 $0xF, v11;
	v7 =	vperm.xlane v1, v61;
	v9 =	vperm.xlane v0, v34  }
0x7d: {  	v54 =	vld [tilespmem:$0x960];
	v51 =	vand.u32 $0xF, v49;
	v4 =	vadd.f32 v5, v4;
	v6 =	vmul.f32 v6, v6  }
0x7e: {  	v5 =	vsub.f32 v56, v60;
	v7 =	vsel vm0, v10, v7;
	v10 =	vperm.xlane v1, v16  }
0x7f: {  	v50 =	vperm.xlane v0, v48;
	v61 =	vld [tilespmem:$0x970];
	v53 =	vperm.xlane v0, v51;
	v7 =	vsub.f32 v62, v7  }
0x80: {  	v4 =	vadd.f32 v6, v4;
	v5 =	vmul.f32 v5, v5;
	v8 =	vsel vm0, v18, v10  }
0x81: {  	v10 =	vperm.xlane v0, v30;
	v7 =	vmul.f32 v7, v7;
	v6 =	vsub.f32 v63, v8  }
0x82: {  	v20 =	vld [tilespmem:$0x220];
	v8 =	vand.u32 $0xF, v23;
	v58 =	vperm.xlane v54, v2;
	v63 =	vperm.xlane v54, v3  }
0x83: {  	v24 =	vld [tilespmem:$0x230];
	v4 =	vadd.f32 v5, v4;
	v5 =	vperm.xlane v1, v19;
	v25 =	vperm.xlane v0, v8  }
0x84: {  	v45 =	vand.u32 $0xF, v42;
	v8 =	vperm.xlane v1, v8;
	v19 =	vperm.xlane v61, v2  }
0x85: {  	v27 =	vld [tilespmem:$0x240];
	v6 =	vmul.f32 v6, v6;
	v62 =	vand.u32 $0xF, v58;
	v18 =	vand.u32 $0xF, v63  }
0x86: {  	v4 =	vadd.f32 v7, v4;
	v5 =	vsel vm0, v21, v5;
	v7 =	vperm.xlane v1, v30  }
0x87: {  	v28 =	vsel vm0, v25, v8;
	v8 =	vperm.xlane v29, v3;
	v5 =	vsub.f32 v20, v5  }
0x88: {  	v20 =	vld [tilespmem:$0x980];
	v4 =	vadd.f32 v6, v4;
	v6 =	vsub.f32 v24, v28;
	v7 =	vsel vm0, v10, v7  }
0x89: {  	v32 =	vld [tilespmem:$0x250];
	v10 =	vperm.xlane v0, v39;
	v8 =	vand.u32 $0xF, v8;
	v5 =	vmul.f32 v5, v5  }
0x8a: {  	v7 =	vsub.f32 v27, v7;
	v27 =	vld [tilespmem:$0x990];
	v33 =	vmul.f32 v6, v6;
	v6 =	vperm.xlane v1, v34  }
0x8b: {  	v38 =	vld [tilespmem:$0x260];
	v41 =	vperm.xlane v0, v8;
	v8 =	vperm.xlane v1, v8;
	v4 =	vadd.f32 v5, v4  }
0x8c: {  	v7 =	vmul.f32 v7, v7;
	v37 =	vsel vm0, v9, v6;
	v9 =	vperm.xlane v1, v39  }
0x8d: {  	v26 =	vperm.xlane v20, v2;
	v11 =	vperm.xlane v20, v3;
	v4 =	vadd.f32 v33, v4  }
0x8e: {  	v40 =	vld [tilespmem:$0x270];
	v5 =	vsub.f32 v32, v37;
	v9 =	vsel vm0, v10, v9;
	v10 =	vperm.xlane v0, v45  }
0x8f: {  	v46 =	vld [tilespmem:$0x280];
	v44 =	vsel vm0, v41, v8;
	v33 =	vperm.xlane v27, v2;
	v39 =	vperm.xlane v27, v3  }
0x90: {  	v4 =	vadd.f32 v7, v4;
	v5 =	vmul.f32 v5, v5;
	v6 =	vsub.f32 v38, v9  }
0x91: {  	v47 =	vld [tilespmem:$0x290];
	v32 =	vand.u32 $0xF, v11;
	v7 =	vperm.xlane v1, v45;
	v9 =	vperm.xlane v0, v18  }
0x92: {  	v38 =	vld [tilespmem:$0x9A0];
	v35 =	vand.u32 $0xF, v33;
	v4 =	vadd.f32 v5, v4;
	v6 =	vmul.f32 v6, v6  }
0x93: {  	v14 =	vld [tilespmem:$0x9F0];
	v5 =	vsub.f32 v40, v44;
	v7 =	vsel vm0, v10, v7;
	v10 =	vperm.xlane v1, v48  }
0x94: {  	v34 =	vperm.xlane v0, v32;
	v37 =	vperm.xlane v0, v35;
	v7 =	vsub.f32 v46, v7  }
0x95: {  	v45 =	vld [tilespmem:$0x9B0];
	v4 =	vadd.f32 v6, v4;
	v5 =	vmul.f32 v5, v5;
	v8 =	vsel vm0, v50, v10  }
0x96: {  	v10 =	vperm.xlane v0, v62;
	v7 =	vmul.f32 v7, v7;
	v6 =	vsub.f32 v47, v8  }
0x97: {  	v8 =	vand.u32 $0xF, v55;
	v42 =	vperm.xlane v38, v2;
	v47 =	vperm.xlane v38, v3  }
0x98: {  	v52 =	vld [tilespmem:$0x2A0];
	v38 =	vperm.xlane v14, v3;
	v4 =	vadd.f32 v5, v4;
	v5 =	vperm.xlane v1, v51  }
0x99: {  	v56 =	vld [tilespmem:$0x2B0];
	v23 =	vand.u32 $0xF, v19;
	v57 =	vperm.xlane v0, v8;
	v8 =	vperm.xlane v1, v8  }
0x9a: {  	v59 =	vld [tilespmem:$0x2C0];
	v29 =	vand.u32 $0xF, v26;
	v51 =	vperm.xlane v45, v2;
	v6 =	vmul.f32 v6, v6  }
0x9b: {  	v22 =	vld [tilespmem:$0x2E0];
	v46 =	vand.u32 $0xF, v42;
	v50 =	vand.u32 $0xF, v47;
	v4 =	vadd.f32 v7, v4  }
0x9c: {  	v31 =	vld [tilespmem:$0x310];
	v5 =	vsel vm0, v53, v5;
	v60 =	vsel vm0, v57, v8;
	v7 =	vperm.xlane v1, v62  }
0x9d: {  	v36 =	vld [tilespmem:$0x320];
	v8 =	vperm.xlane v61, v3;
	v55 =	vand.u32 $0xF, v51;
	v5 =	vsub.f32 v52, v5  }
0x9e: {  	v52 =	vld [tilespmem:$0x9C0];
	v4 =	vadd.f32 v6, v4;
	v6 =	vsub.f32 v56, v60;
	v7 =	vsel vm0, v10, v7  }
0x9f: {  	v16 =	vld [tilespmem:$0x2D0];
	v10 =	vperm.xlane v0, v23;
	v8 =	vand.u32 $0xF, v8;
	v5 =	vmul.f32 v5, v5  }
0xa0: {  	v7 =	vsub.f32 v59, v7;
	v59 =	vld [tilespmem:$0x9D0];
	v17 =	vmul.f32 v6, v6;
	v6 =	vperm.xlane v1, v18  }
0xa1: {  	v43 =	vld [tilespmem:$0x340];
	v25 =	vperm.xlane v0, v8;
	v8 =	vperm.xlane v1, v8;
	v4 =	vadd.f32 v5, v4  }
0xa2: {  	v54 =	vld [tilespmem:$0x360];
	v7 =	vmul.f32 v7, v7;
	v21 =	vsel vm0, v9, v6;
	v9 =	vperm.xlane v1, v23  }
0xa3: {  	v63 =	vld [tilespmem:$0x390];
	v58 =	vperm.xlane v52, v2;
	v11 =	vperm.xlane v52, v3;
	v4 =	vadd.f32 v17, v4  }
0xa4: {  	v24 =	vld [tilespmem:$0x2F0];
	v5 =	vsub.f32 v16, v21;
	v9 =	vsel vm0, v10, v9;
	v10 =	vperm.xlane v0, v29  }
0xa5: {  	v30 =	vld [tilespmem:$0x300];
	v28 =	vsel vm0, v25, v8;
	v17 =	vperm.xlane v59, v2;
	v23 =	vperm.xlane v59, v3  }
0xa6: {  	v20 =	vld [tilespmem:$0x3A0];
	v4 =	vadd.f32 v7, v4;
	v5 =	vmul.f32 v5, v5;
	v6 =	vsub.f32 v22, v9  }
0xa7: {  	v27 =	vld [tilespmem:$0x3D0];
	v16 =	vand.u32 $0xF, v11;
	v7 =	vperm.xlane v1, v29;
	v9 =	vperm.xlane v0, v50  }
0xa8: {  	v22 =	vld [tilespmem:$0x9E0];
	v19 =	vand.u32 $0xF, v17;
	v4 =	vadd.f32 v5, v4;
	v6 =	vmul.f32 v6, v6  }
0xa9: {  	v40 =	vld [tilespmem:$0x330];
	v5 =	vsub.f32 v24, v28;
	v7 =	vsel vm0, v10, v7;
	v10 =	vperm.xlane v1, v32  }
0xaa: {  	v48 =	vld [tilespmem:$0x350];
	v18 =	vperm.xlane v0, v16;
	v21 =	vperm.xlane v0, v19;
	v7 =	vsub.f32 v30, v7  }
0xab: {  	v62 =	vld [tilespmem:$0x380];
	v4 =	vadd.f32 v6, v4;
	v5 =	vmul.f32 v5, v5;
	v8 =	vsel vm0, v34, v10  }
0xac: {  	v56 =	vld [tilespmem:$0x370];
	v10 =	vperm.xlane v0, v46;
	v7 =	vmul.f32 v7, v7;
	v6 =	vsub.f32 v31, v8  }
0xad: {  	v25 =	vld [tilespmem:$0x3C0];
	v8 =	vand.u32 $0xF, v39;
	v13 =	vperm.xlane v22, v2;
	v31 =	vperm.xlane v22, v3  }
0xae: {  	v29 =	vld [tilespmem:$0x3E0];
	v4 =	vadd.f32 v5, v4;
	v5 =	vperm.xlane v1, v35;
	v41 =	vperm.xlane v0, v8  }
0xaf: {  	s28 =	simm.s32 $0x4;
	v61 =	vand.u32 $0xF, v58;
	v24 =	vld [tilespmem:$0x3B0];
	v8 =	vperm.xlane v1, v8;
	v35 =	vperm.xlane v14, v2  }
0xb0: {  	v32 =	vld [tilespmem:$0x3F0];
	_ =	swait.ge [sflag:s28], $0x400;
	v6 =	vmul.f32 v6, v6;
	v30 =	vand.u32 $0xF, v13;
	v4 =	vadd.f32 v7, v4  }
0xb1: {  	[sflag:s28] =	ssyncset.done $0x0;
	v5 =	vsel vm0, v37, v5;
	v44 =	vsel vm0, v41, v8;
	v7 =	vperm.xlane v1, v46  }
0xb2: {  	[sflag:s28] =	ssyncadd.s32 $0xFFFFFC00;
	v8 =	vperm.xlane v45, v3;
	v13 =	vperm.xlane v0, v30;
	v5 =	vsub.f32 v36, v5  }
0xb3: {  	v36 =	vld [tilespmem:$0xA00];
	v4 =	vadd.f32 v6, v4;
	v6 =	vsub.f32 v40, v44;
	v7 =	vsel vm0, v10, v7  }
0xb4: {  	v42 =	vld [tilespmem:$0xA10];
	v10 =	vperm.xlane v0, v55;
	v8 =	vand.u32 $0xF, v8;
	v5 =	vmul.f32 v5, v5  }
0xb5: {  	v7 =	vsub.f32 v43, v7;
	v57 =	vperm.xlane v0, v8;
	v8 =	vperm.xlane v1, v8  }
0xb6: {  	v34 =	vand.u32 $0xF, v31;
	v49 =	vmul.f32 v6, v6;
	v6 =	vperm.xlane v1, v50  }
0xb7: {  	v4 =	vadd.f32 v5, v4;
	v7 =	vmul.f32 v7, v7;
	v60 =	vsel vm0, v57, v8  }
0xb8: {  	v53 =	vsel vm0, v9, v6;
	v9 =	vperm.xlane v1, v55;
	v41 =	vperm.xlane v36, v2  }
0xb9: {  	v46 =	vperm.xlane v36, v3;
	v55 =	vperm.xlane v42, v3;
	v4 =	vadd.f32 v49, v4  }
0xba: {  	v5 =	vsub.f32 v48, v53;
	v49 =	vperm.xlane v42, v2;
	v9 =	vsel vm0, v10, v9  }
0xbb: {  	v10 =	vperm.xlane v0, v61;
	v44 =	vand.u32 $0xF, v41;
	v48 =	vand.u32 $0xF, v46  }
0xbc: {  	v4 =	vadd.f32 v7, v4;
	v5 =	vmul.f32 v5, v5;
	v6 =	vsub.f32 v54, v9  }
0xbd: {  	v7 =	vperm.xlane v1, v61;
	v9 =	vand.u32 $0xF, v35;
	v50 =	vperm.xlane v0, v48  }
0xbe: {  	v51 =	vand.u32 $0xF, v49;
	v54 =	vld [tilespmem:$0xA20];
	v39 =	vperm.xlane v0, v9;
	v4 =	vadd.f32 v5, v4  }
0xbf: {  	v6 =	vmul.f32 v6, v6;
	v5 =	vsub.f32 v56, v60;
	v7 =	vsel vm0, v10, v7  }
0xc0: {  	v9 =	vperm.xlane v1, v9;
	v10 =	vperm.xlane v1, v16;
	v7 =	vsub.f32 v62, v7  }
0xc1: {  	v53 =	vperm.xlane v0, v51;
	v4 =	vadd.f32 v6, v4;
	v5 =	vmul.f32 v5, v5  }
0xc2: {  	v61 =	vld [tilespmem:$0xA30];
	v8 =	vsel vm0, v18, v10;
	v10 =	vperm.xlane v0, v34;
	v7 =	vmul.f32 v7, v7  }
0xc3: {  	v6 =	vsub.f32 v63, v8;
	v8 =	vand.u32 $0xF, v23;
	v58 =	vperm.xlane v54, v2  }
0xc4: {  	v63 =	vperm.xlane v54, v3;
	v4 =	vadd.f32 v5, v4;
	v5 =	vperm.xlane v1, v19  }
0xc5: {  	v9 =	vsel vm0, v39, v9;
	v26 =	vperm.xlane v0, v8;
	v8 =	vperm.xlane v1, v8  }
0xc6: {  	v6 =	vmul.f32 v6, v6;
	v4 =	vadd.f32 v7, v4;
	v5 =	vsel vm0, v21, v5  }
0xc7: {  	v19 =	vperm.xlane v61, v2;
	v7 =	vperm.xlane v1, v30;
	v5 =	vsub.f32 v20, v5  }
0xc8: {  	v62 =	vand.u32 $0xF, v58;
	v28 =	vsel vm0, v26, v8;
	v4 =	vadd.f32 v6, v4  }
0xc9: {  	v6 =	vsub.f32 v24, v28;
	v7 =	vsel vm0, v13, v7;
	v5 =	vmul.f32 v5, v5  }
0xca: {  	v18 =	vand.u32 $0xF, v63;
	v8 =	vsub.f32 v29, v9;
	v20 =	vld [tilespmem:$0xA40];
	v7 =	vsub.f32 v25, v7  }
0xcb: {  	v33 =	vmul.f32 v6, v6;
	v6 =	vperm.xlane v1, v34;
	v4 =	vadd.f32 v5, v4  }
0xcc: {  	v9 =	vperm.xlane v0, v18;
	v23 =	vand.u32 $0xF, v19;
	v7 =	vmul.f32 v7, v7  }
0xcd: {  	v45 =	vld [tilespmem:$0x400];
	v37 =	vsel vm0, v10, v6;
	v6 =	vand.u32 $0xF, v38;
	v4 =	vadd.f32 v33, v4  }
0xce: {  	v38 =	vld [tilespmem:$0xA60];
	v5 =	vsub.f32 v27, v37;
	v40 =	vperm.xlane v0, v6;
	v6 =	vperm.xlane v1, v6  }
0xcf: {  	v10 =	vperm.xlane v0, v44;
	v26 =	vperm.xlane v20, v2;
	v27 =	vld [tilespmem:$0xA50];
	v4 =	vadd.f32 v7, v4  }
0xd0: {  	v5 =	vmul.f32 v5, v5;
	v43 =	vsel vm0, v40, v6;
	v6 =	vperm.xlane v1, v44  }
0xd1: {  	v8 =	vmul.f32 v8, v8;
	v11 =	vperm.xlane v20, v3;
	v29 =	vand.u32 $0xF, v26  }
0xd2: {  	v47 =	vld [tilespmem:$0x410];
	v4 =	vadd.f32 v5, v4;
	v5 =	vsub.f32 v32, v43;
	v6 =	vsel vm0, v10, v6  }
0xd3: {  	v10 =	vperm.xlane v1, v48;
	v32 =	vand.u32 $0xF, v11;
	v42 =	vperm.xlane v38, v2  }
0xd4: {  	v6 =	vsub.f32 v45, v6;
	v33 =	vperm.xlane v27, v2;
	v34 =	vperm.xlane v0, v32  }
0xd5: {  	v39 =	vperm.xlane v27, v3;
	v4 =	vadd.f32 v8, v4;
	v5 =	vmul.f32 v5, v5  }
0xd6: {  	v56 =	vld [tilespmem:$0x430];
	v7 =	vsel vm0, v50, v10;
	v8 =	vand.u32 $0xF, v55;
	v10 =	vperm.xlane v0, v62  }
0xd7: {  	v45 =	vld [tilespmem:$0xA70];
	v46 =	vand.u32 $0xF, v42;
	v6 =	vmul.f32 v6, v6;
	v7 =	vsub.f32 v47, v7  }
0xd8: {  	v52 =	vld [tilespmem:$0x420];
	v57 =	vperm.xlane v0, v8;
	v8 =	vperm.xlane v1, v8;
	v35 =	vand.u32 $0xF, v33  }
0xd9: {  	v47 =	vperm.xlane v38, v3;
	v4 =	vadd.f32 v5, v4;
	v5 =	vperm.xlane v1, v51  }
0xda: {  	v37 =	vperm.xlane v0, v35;
	v7 =	vmul.f32 v7, v7;
	v60 =	vsel vm0, v57, v8  }
0xdb: {  	v8 =	vperm.xlane v61, v3;
	v50 =	vand.u32 $0xF, v47;
	v4 =	vadd.f32 v6, v4  }
0xdc: {  	v59 =	vld [tilespmem:$0x440];
	v5 =	vsel vm0, v53, v5;
	v6 =	vsub.f32 v56, v60;
	v51 =	vperm.xlane v45, v2  }
0xdd: {  	v16 =	vld [tilespmem:$0x450];
	v5 =	vsub.f32 v52, v5;
	v4 =	vadd.f32 v7, v4;
	v7 =	vperm.xlane v1, v62  }
0xde: {  	v8 =	vand.u32 $0xF, v8;
	v52 =	vld [tilespmem:$0xA80];
	v17 =	vmul.f32 v6, v6;
	v6 =	vperm.xlane v1, v18  }
0xdf: {  	v22 =	vld [tilespmem:$0x460];
	v25 =	vperm.xlane v0, v8;
	v5 =	vmul.f32 v5, v5;
	v7 =	vsel vm0, v10, v7  }
0xe0: {  	v21 =	vsel vm0, v9, v6;
	v10 =	vperm.xlane v0, v23;
	v9 =	vperm.xlane v1, v23  }
0xe1: {  	v8 =	vperm.xlane v1, v8;
	v55 =	vand.u32 $0xF, v51;
	v4 =	vadd.f32 v5, v4  }
0xe2: {  	v30 =	vld [tilespmem:$0x480];
	v7 =	vsub.f32 v59, v7;
	v9 =	vsel vm0, v10, v9;
	v10 =	vperm.xlane v0, v29  }
0xe3: {  	v5 =	vsub.f32 v16, v21;
	v59 =	vld [tilespmem:$0xA90];
	v58 =	vperm.xlane v52, v2;
	v11 =	vperm.xlane v52, v3  }
0xe4: {  	v24 =	vld [tilespmem:$0x470];
	v4 =	vadd.f32 v17, v4;
	v7 =	vmul.f32 v7, v7;
	v6 =	vsub.f32 v22, v9  }
0xe5: {  	v28 =	vsel vm0, v25, v8;
	v5 =	vmul.f32 v5, v5;
	v9 =	vperm.xlane v0, v50;
	v22 =	vld [tilespmem:$0xAA0]  }
0xe6: {  	v16 =	vand.u32 $0xF, v11;
	v4 =	vadd.f32 v7, v4;
	v6 =	vmul.f32 v6, v6  }
0xe7: {  	v61 =	vand.u32 $0xF, v58;
	v7 =	vperm.xlane v1, v29;
	v18 =	vperm.xlane v0, v16  }
0xe8: {  	v31 =	vld [tilespmem:$0x490];
	v17 =	vperm.xlane v59, v2;
	v23 =	vperm.xlane v59, v3;
	v4 =	vadd.f32 v5, v4  }
0xe9: {  	v5 =	vsub.f32 v24, v28;
	v7 =	vsel vm0, v10, v7;
	v10 =	vperm.xlane v1, v32  }
0xea: {  	v29 =	vld [tilespmem:$0xAB0];
	v7 =	vsub.f32 v30, v7;
	v19 =	vand.u32 $0xF, v17;
	v26 =	vperm.xlane v22, v2  }
0xeb: {  	v5 =	vmul.f32 v5, v5;
	v8 =	vsel vm0, v34, v10;
	v10 =	vperm.xlane v0, v46  }
0xec: {  	v4 =	vadd.f32 v6, v4;
	v21 =	vperm.xlane v0, v19;
	v7 =	vmul.f32 v7, v7  }
0xed: {  	v36 =	vld [tilespmem:$0x4A0];
	v6 =	vsub.f32 v31, v8;
	v8 =	vand.u32 $0xF, v39;
	v31 =	vperm.xlane v22, v3  }
0xee: {  	v40 =	vld [tilespmem:$0x4B0];
	v4 =	vadd.f32 v5, v4;
	v5 =	vperm.xlane v1, v35;
	v41 =	vperm.xlane v0, v8  }
0xef: {  	v30 =	vand.u32 $0xF, v26;
	v8 =	vperm.xlane v1, v8;
	v35 =	vperm.xlane v29, v2  }
0xf0: {  	v43 =	vld [tilespmem:$0x4C0];
	v6 =	vmul.f32 v6, v6;
	v34 =	vand.u32 $0xF, v31;
	v4 =	vadd.f32 v7, v4  }
0xf1: {  	v5 =	vsel vm0, v37, v5;
	v44 =	vsel vm0, v41, v8;
	v7 =	vperm.xlane v1, v46  }
0xf2: {  	v8 =	vperm.xlane v45, v3;
	v39 =	vand.u32 $0xF, v35;
	v5 =	vsub.f32 v36, v5  }
0xf3: {  	v36 =	vld [tilespmem:$0xAC0];
	v4 =	vadd.f32 v6, v4;
	v6 =	vsub.f32 v40, v44;
	v7 =	vsel vm0, v10, v7  }
0xf4: {  	v48 =	vld [tilespmem:$0x4D0];
	v10 =	vperm.xlane v0, v55;
	v8 =	vand.u32 $0xF, v8;
	v5 =	vmul.f32 v5, v5  }
0xf5: {  	v7 =	vsub.f32 v43, v7;
	v43 =	vld [tilespmem:$0xAD0];
	v49 =	vmul.f32 v6, v6;
	v6 =	vperm.xlane v1, v50  }
0xf6: {  	v54 =	vld [tilespmem:$0x4E0];
	v57 =	vperm.xlane v0, v8;
	v8 =	vperm.xlane v1, v8;
	v4 =	vadd.f32 v5, v4  }
0xf7: {  	v7 =	vmul.f32 v7, v7;
	v53 =	vsel vm0, v9, v6;
	v9 =	vperm.xlane v1, v55  }
0xf8: {  	v42 =	vperm.xlane v36, v2;
	v11 =	vperm.xlane v36, v3;
	v4 =	vadd.f32 v49, v4  }
0xf9: {  	v56 =	vld [tilespmem:$0x4F0];
	v5 =	vsub.f32 v48, v53;
	v9 =	vsel vm0, v10, v9;
	v10 =	vperm.xlane v0, v61  }
0xfa: {  	v62 =	vld [tilespmem:$0x500];
	v60 =	vsel vm0, v57, v8;
	v49 =	vperm.xlane v43, v2;
	v55 =	vperm.xlane v43, v3  }
0xfb: {  	v4 =	vadd.f32 v7, v4;
	v5 =	vmul.f32 v5, v5;
	v6 =	vsub.f32 v54, v9  }
0xfc: {  	v63 =	vld [tilespmem:$0x510];
	v48 =	vand.u32 $0xF, v11;
	v7 =	vperm.xlane v1, v61;
	v9 =	vperm.xlane v0, v34  }
0xfd: {  	v54 =	vld [tilespmem:$0xAE0];
	v51 =	vand.u32 $0xF, v49;
	v4 =	vadd.f32 v5, v4;
	v6 =	vmul.f32 v6, v6  }
0xfe: {  	v5 =	vsub.f32 v56, v60;
	v7 =	vsel vm0, v10, v7;
	v10 =	vperm.xlane v1, v16  }
0xff: {  	v50 =	vperm.xlane v0, v48;
	v61 =	vld [tilespmem:$0xAF0];
	v53 =	vperm.xlane v0, v51;
	v7 =	vsub.f32 v62, v7  }
0x100: {  	v4 =	vadd.f32 v6, v4;
	v5 =	vmul.f32 v5, v5;
	v8 =	vsel vm0, v18, v10  }
0x101: {  	v10 =	vperm.xlane v0, v30;
	v7 =	vmul.f32 v7, v7;
	v6 =	vsub.f32 v63, v8  }
0x102: {  	v20 =	vld [tilespmem:$0x520];
	v8 =	vand.u32 $0xF, v23;
	v58 =	vperm.xlane v54, v2;
	v63 =	vperm.xlane v54, v3  }
0x103: {  	v24 =	vld [tilespmem:$0x530];
	v4 =	vadd.f32 v5, v4;
	v5 =	vperm.xlane v1, v19;
	v25 =	vperm.xlane v0, v8  }
0x104: {  	v45 =	vand.u32 $0xF, v42;
	v8 =	vperm.xlane v1, v8;
	v19 =	vperm.xlane v61, v2  }
0x105: {  	v27 =	vld [tilespmem:$0x540];
	v6 =	vmul.f32 v6, v6;
	v62 =	vand.u32 $0xF, v58;
	v18 =	vand.u32 $0xF, v63  }
0x106: {  	v4 =	vadd.f32 v7, v4;
	v5 =	vsel vm0, v21, v5;
	v7 =	vperm.xlane v1, v30  }
0x107: {  	v28 =	vsel vm0, v25, v8;
	v8 =	vperm.xlane v29, v3;
	v5 =	vsub.f32 v20, v5  }
0x108: {  	v20 =	vld [tilespmem:$0xB00];
	v4 =	vadd.f32 v6, v4;
	v6 =	vsub.f32 v24, v28;
	v7 =	vsel vm0, v10, v7  }
0x109: {  	v32 =	vld [tilespmem:$0x550];
	v10 =	vperm.xlane v0, v39;
	v8 =	vand.u32 $0xF, v8;
	v5 =	vmul.f32 v5, v5  }
0x10a: {  	v7 =	vsub.f32 v27, v7;
	v41 =	vperm.xlane v0, v8;
	v8 =	vperm.xlane v1, v8  }
0x10b: {  	v23 =	vand.u32 $0xF, v19;
	v27 =	vld [tilespmem:$0xB10];
	v33 =	vmul.f32 v6, v6;
	v6 =	vperm.xlane v1, v34  }
0x10c: {  	v38 =	vld [tilespmem:$0x560];
	v4 =	vadd.f32 v5, v4;
	v7 =	vmul.f32 v7, v7;
	v44 =	vsel vm0, v41, v8  }
0x10d: {  	v37 =	vsel vm0, v9, v6;
	v9 =	vperm.xlane v1, v39;
	v11 =	vperm.xlane v20, v3  }
0x10e: {  	v40 =	vld [tilespmem:$0x570];
	v26 =	vperm.xlane v20, v2;
	v4 =	vadd.f32 v33, v4;
	v5 =	vsub.f32 v32, v37  }
0x10f: {  	v46 =	vld [tilespmem:$0x580];
	v9 =	vsel vm0, v10, v9;
	v10 =	vperm.xlane v0, v45;
	v32 =	vand.u32 $0xF, v11  }
0x110: {  	v33 =	vperm.xlane v27, v2;
	v4 =	vadd.f32 v7, v4;
	v5 =	vmul.f32 v5, v5  }
0x111: {  	v47 =	vld [tilespmem:$0x590];
	v39 =	vperm.xlane v27, v3;
	v6 =	vsub.f32 v38, v9;
	v7 =	vperm.xlane v1, v45  }
0x112: {  	v9 =	vperm.xlane v0, v18;
	v34 =	vperm.xlane v0, v32;
	v38 =	vld [tilespmem:$0xB20];
	v4 =	vadd.f32 v5, v4  }
0x113: {  	v6 =	vmul.f32 v6, v6;
	v5 =	vsub.f32 v40, v44;
	v7 =	vsel vm0, v10, v7  }
0x114: {  	v35 =	vand.u32 $0xF, v33;
	v10 =	vperm.xlane v1, v48;
	v7 =	vsub.f32 v46, v7  }
0x115: {  	v45 =	vld [tilespmem:$0xB30];
	v37 =	vperm.xlane v0, v35;
	v4 =	vadd.f32 v6, v4;
	v5 =	vmul.f32 v5, v5  }
0x116: {  	v8 =	vsel vm0, v50, v10;
	v10 =	vperm.xlane v0, v62;
	v7 =	vmul.f32 v7, v7  }
0x117: {  	v52 =	vld [tilespmem:$0x5A0];
	v6 =	vsub.f32 v47, v8;
	v8 =	vand.u32 $0xF, v55;
	v42 =	vperm.xlane v38, v2  }
0x118: {  	v56 =	vld [tilespmem:$0x5B0];
	v47 =	vperm.xlane v38, v3;
	v4 =	vadd.f32 v5, v4;
	v5 =	vperm.xlane v1, v51  }
0x119: {  	v29 =	vand.u32 $0xF, v26;
	v57 =	vperm.xlane v0, v8;
	v8 =	vperm.xlane v1, v8  }
0x11a: {  	v59 =	vld [tilespmem:$0x5C0];
	v51 =	vperm.xlane v45, v2;
	v6 =	vmul.f32 v6, v6;
	v46 =	vand.u32 $0xF, v42  }
0x11b: {  	v4 =	vadd.f32 v7, v4;
	v5 =	vsel vm0, v53, v5;
	v60 =	vsel vm0, v57, v8  }
0x11c: {  	v7 =	vperm.xlane v1, v62;
	v8 =	vperm.xlane v61, v3;
	v5 =	vsub.f32 v52, v5  }
0x11d: {  	v50 =	vand.u32 $0xF, v47;
	v4 =	vadd.f32 v6, v4;
	v6 =	vsub.f32 v56, v60  }
0x11e: {  	v52 =	vld [tilespmem:$0xB40];
	v7 =	vsel vm0, v10, v7;
	v8 =	vand.u32 $0xF, v8;
	v5 =	vmul.f32 v5, v5  }
0x11f: {  	v16 =	vld [tilespmem:$0x5D0];
	v7 =	vsub.f32 v59, v7;
	v25 =	vperm.xlane v0, v8;
	v8 =	vperm.xlane v1, v8  }
0x120: {  	v55 =	vand.u32 $0xF, v51;
	v59 =	vld [tilespmem:$0xB50];
	v17 =	vmul.f32 v6, v6;
	v6 =	vperm.xlane v1, v18  }
0x121: {  	v10 =	vperm.xlane v0, v23;
	v4 =	vadd.f32 v5, v4;
	v7 =	vmul.f32 v7, v7  }
0x122: {  	v22 =	vld [tilespmem:$0x5E0];
	v28 =	vsel vm0, v25, v8;
	v21 =	vsel vm0, v9, v6;
	v9 =	vperm.xlane v1, v23  }
0x123: {  	v58 =	vperm.xlane v52, v2;
	v11 =	vperm.xlane v52, v3;
	v4 =	vadd.f32 v17, v4  }
0x124: {  	v24 =	vld [tilespmem:$0x5F0];
	v5 =	vsub.f32 v16, v21;
	v9 =	vsel vm0, v10, v9;
	v10 =	vperm.xlane v0, v29  }
0x125: {  	v30 =	vld [tilespmem:$0x600];
	v61 =	vand.u32 $0xF, v58;
	v15 =	vand.u32 $0xF, v11;
	v16 =	vperm.xlane v59, v2  }
0x126: {  	v21 =	vld [tilespmem:$0xB60];
	v4 =	vadd.f32 v7, v4;
	v5 =	vmul.f32 v5, v5;
	v7 =	vperm.xlane v1, v29  }
0x127: {  	v6 =	vsub.f32 v22, v9;
	v9 =	vperm.xlane v0, v50;
	v17 =	vperm.xlane v0, v15  }
0x128: {  	v31 =	vld [tilespmem:$0x610];
	v22 =	vperm.xlane v59, v3;
	v18 =	vand.u32 $0xF, v16;
	v4 =	vadd.f32 v5, v4  }
0x129: {  	v6 =	vmul.f32 v6, v6;
	v5 =	vsub.f32 v24, v28;
	v7 =	vsel vm0, v10, v7  }
0x12a: {  	v10 =	vperm.xlane v1, v32;
	v20 =	vperm.xlane v0, v18;
	v7 =	vsub.f32 v30, v7  }
0x12b: {  	v25 =	vperm.xlane v21, v2;
	v30 =	vperm.xlane v21, v3;
	v4 =	vadd.f32 v6, v4  }
0x12c: {  	v36 =	vld [tilespmem:$0x620];
	v5 =	vmul.f32 v5, v5;
	v8 =	vsel vm0, v34, v10;
	v10 =	vperm.xlane v0, v46  }
0x12d: {  	v28 =	vld [tilespmem:$0xB70];
	v7 =	vmul.f32 v7, v7;
	v6 =	vsub.f32 v31, v8;
	v8 =	vand.u32 $0xF, v39  }
0x12e: {  	v43 =	vld [tilespmem:$0x640];
	v29 =	vand.u32 $0xF, v25;
	v4 =	vadd.f32 v5, v4;
	v5 =	vperm.xlane v1, v35  }
0x12f: {  	v40 =	vld [tilespmem:$0x630];
	v33 =	vand.u32 $0xF, v30;
	v41 =	vperm.xlane v0, v8;
	v8 =	vperm.xlane v1, v8  }
0x130: {  	v35 =	vld [tilespmem:$0xB80];
	v6 =	vmul.f32 v6, v6;
	v4 =	vadd.f32 v7, v4;
	v5 =	vsel vm0, v37, v5  }
0x131: {  	v44 =	vsel vm0, v41, v8;
	v7 =	vperm.xlane v1, v46;
	v8 =	vperm.xlane v45, v3  }
0x132: {  	v34 =	vperm.xlane v28, v2;
	v5 =	vsub.f32 v36, v5;
	v4 =	vadd.f32 v6, v4  }
0x133: {  	v48 =	vld [tilespmem:$0x650];
	v7 =	vsel vm0, v10, v7;
	v10 =	vperm.xlane v0, v55;
	v8 =	vand.u32 $0xF, v8  }
0x134: {  	v16 =	vld [tilespmem:$0xBC0];
	v6 =	vsub.f32 v40, v44;
	v5 =	vmul.f32 v5, v5;
	v57 =	vperm.xlane v0, v8  }
0x135: {  	v42 =	vld [tilespmem:$0xB90];
	v7 =	vsub.f32 v43, v7;
	v8 =	vperm.xlane v1, v8;
	v41 =	vperm.xlane v35, v2  }
0x136: {  	v38 =	vand.u32 $0xF, v34;
	v11 =	vperm.xlane v35, v3;
	v49 =	vmul.f32 v6, v6  }
0x137: {  	v54 =	vld [tilespmem:$0x660];
	v6 =	vperm.xlane v1, v50;
	v4 =	vadd.f32 v5, v4;
	v7 =	vmul.f32 v7, v7  }
0x138: {  	v60 =	vsel vm0, v57, v8;
	v44 =	vand.u32 $0xF, v41;
	v47 =	vand.u32 $0xF, v11  }
0x139: {  	v62 =	vld [tilespmem:$0x680];
	v11 =	vperm.xlane v16, v3;
	v53 =	vsel vm0, v9, v6;
	v9 =	vperm.xlane v1, v55  }
0x13a: {  	v56 =	vld [tilespmem:$0x670];
	v4 =	vadd.f32 v49, v4;
	v5 =	vsub.f32 v48, v53;
	v48 =	vperm.xlane v42, v2  }
0x13b: {  	v49 =	vperm.xlane v0, v47;
	v53 =	vld [tilespmem:$0xBA0];
	v9 =	vsel vm0, v10, v9;
	v10 =	vperm.xlane v0, v61  }
0x13c: {  	v4 =	vadd.f32 v7, v4;
	v5 =	vmul.f32 v5, v5;
	v6 =	vsub.f32 v54, v9  }
0x13d: {  	v7 =	vperm.xlane v1, v61;
	v9 =	vperm.xlane v0, v33;
	v50 =	vand.u32 $0xF, v48  }
0x13e: {  	v63 =	vld [tilespmem:$0x690];
	v54 =	vperm.xlane v42, v3;
	v52 =	vperm.xlane v0, v50;
	v4 =	vadd.f32 v5, v4  }
0x13f: {  	v6 =	vmul.f32 v6, v6;
	v5 =	vsub.f32 v56, v60;
	v7 =	vsel vm0, v10, v7  }
0x140: {  	v10 =	vperm.xlane v1, v15;
	v7 =	vsub.f32 v62, v7;
	v57 =	vperm.xlane v53, v2  }
0x141: {  	v60 =	vld [tilespmem:$0xBB0];
	v62 =	vperm.xlane v53, v3;
	v4 =	vadd.f32 v6, v4;
	v5 =	vmul.f32 v5, v5  }
0x142: {  	v8 =	vsel vm0, v17, v10;
	v10 =	vperm.xlane v0, v29;
	v7 =	vmul.f32 v7, v7  }
0x143: {  	v19 =	vld [tilespmem:$0x6A0];
	v6 =	vsub.f32 v63, v8;
	v8 =	vand.u32 $0xF, v22;
	v61 =	vand.u32 $0xF, v57  }
0x144: {  	v23 =	vld [tilespmem:$0x6B0];
	v22 =	vperm.xlane v16, v2;
	v4 =	vadd.f32 v5, v4;
	v5 =	vperm.xlane v1, v18  }
0x145: {  	v14 =	vand.u32 $0xF, v62;
	v24 =	vperm.xlane v0, v8;
	v8 =	vperm.xlane v1, v8  }
0x146: {  	v26 =	vld [tilespmem:$0x6C0];
	v6 =	vmul.f32 v6, v6;
	v15 =	vperm.xlane v60, v2;
	v4 =	vadd.f32 v7, v4  }
0x147: {  	v5 =	vsel vm0, v20, v5;
	v27 =	vsel vm0, v24, v8;
	v7 =	vperm.xlane v1, v29  }
0x148: {  	v31 =	vld [tilespmem:$0x6D0];
	v8 =	vperm.xlane v28, v3;
	v28 =	vand.u32 $0xF, v11;
	v5 =	vsub.f32 v19, v5  }
0x149: {  	v34 =	vld [tilespmem:$0xBE0];
	v30 =	vperm.xlane v0, v28;
	v4 =	vadd.f32 v6, v4;
	v6 =	vsub.f32 v23, v27  }
0x14a: {  	v7 =	vsel vm0, v10, v7;
	v10 =	vperm.xlane v0, v38;
	v8 =	vand.u32 $0xF, v8;
	v23 =	vld [tilespmem:$0xBD0]  }
0x14b: {  	v41 =	vld [tilespmem:$0xBF0];
	v5 =	vmul.f32 v5, v5;
	v7 =	vsub.f32 v26, v7;
	v40 =	vperm.xlane v0, v8  }
0x14c: {  	v37 =	vld [tilespmem:$0x6E0];
	v25 =	vand.u32 $0xF, v22;
	v32 =	vmul.f32 v6, v6;
	v6 =	vperm.xlane v1, v33  }
0x14d: {  	v8 =	vperm.xlane v1, v8;
	v4 =	vadd.f32 v5, v4;
	v7 =	vmul.f32 v7, v7  }
0x14e: {  	v36 =	vsel vm0, v9, v6;
	v9 =	vperm.xlane v1, v38;
	v38 =	vperm.xlane v34, v2  }
0x14f: {  	v39 =	vld [tilespmem:$0x6F0];
	v4 =	vadd.f32 v32, v4;
	v5 =	vsub.f32 v31, v36;
	v29 =	vperm.xlane v23, v2  }
0x150: {  	v45 =	vld [tilespmem:$0x700];
	v35 =	vperm.xlane v23, v3;
	v2 =	vperm.xlane v41, v2;
	v9 =	vsel vm0, v10, v9  }
0x151: {  	v4 =	vadd.f32 v7, v4;
	v5 =	vmul.f32 v5, v5;
	v6 =	vsub.f32 v37, v9  }
0x152: {  	v46 =	vld [tilespmem:$0x710];
	v43 =	vsel vm0, v40, v8;
	v10 =	vperm.xlane v0, v44;
	v7 =	vperm.xlane v1, v44  }
0x153: {  	v31 =	vand.u32 $0xF, v29;
	v4 =	vadd.f32 v5, v4;
	v6 =	vmul.f32 v6, v6  }
0x154: {  	v5 =	vsub.f32 v39, v43;
	v7 =	vsel vm0, v10, v7;
	v10 =	vperm.xlane v1, v47  }
0x155: {  	v9 =	vperm.xlane v0, v14;
	v33 =	vperm.xlane v0, v31;
	v7 =	vsub.f32 v45, v7  }
0x156: {  	v51 =	vld [tilespmem:$0x720];
	v4 =	vadd.f32 v6, v4;
	v5 =	vmul.f32 v5, v5;
	v8 =	vsel vm0, v49, v10  }
0x157: {  	v55 =	vld [tilespmem:$0x730];
	v43 =	vperm.xlane v34, v3;
	v7 =	vmul.f32 v7, v7;
	v6 =	vsub.f32 v46, v8  }
0x158: {  	v8 =	vand.u32 $0xF, v54;
	v4 =	vadd.f32 v5, v4;
	v5 =	vperm.xlane v1, v50  }
0x159: {  	v19 =	vand.u32 $0xF, v15;
	v56 =	vperm.xlane v0, v8;
	v8 =	vperm.xlane v1, v8  }
0x15a: {  	v58 =	vld [tilespmem:$0x740];
	v6 =	vmul.f32 v6, v6;
	v4 =	vadd.f32 v7, v4;
	v5 =	vsel vm0, v52, v5  }
0x15b: {  	v10 =	vperm.xlane v0, v61;
	v59 =	vsel vm0, v56, v8;
	v5 =	vsub.f32 v51, v5  }
0x15c: {  	v63 =	vld [tilespmem:$0x750];
	v7 =	vperm.xlane v1, v61;
	v4 =	vadd.f32 v6, v4;
	v6 =	vsub.f32 v55, v59  }
0x15d: {  	v2 =	vand.u32 $0xF, v2;
	v8 =	vperm.xlane v60, v3;
	v5 =	vmul.f32 v5, v5  }
0x15e: {  	v18 =	vld [tilespmem:$0x760];
	v7 =	vsel vm0, v10, v7;
	v13 =	vmul.f32 v6, v6;
	v6 =	vperm.xlane v1, v14  }
0x15f: {  	v10 =	vperm.xlane v0, v19;
	v7 =	vsub.f32 v58, v7;
	v4 =	vadd.f32 v5, v4  }
0x160: {  	v8 =	vand.u32 $0xF, v8;
	v17 =	vsel vm0, v9, v6;
	v9 =	vperm.xlane v1, v19  }
0x161: {  	v20 =	vld [tilespmem:$0x770];
	v7 =	vmul.f32 v7, v7;
	v4 =	vadd.f32 v13, v4;
	v5 =	vsub.f32 v63, v17  }
0x162: {  	v26 =	vld [tilespmem:$0x780];
	v21 =	vperm.xlane v0, v8;
	v8 =	vperm.xlane v1, v8;
	v9 =	vsel vm0, v10, v9  }
0x163: {  	v4 =	vadd.f32 v7, v4;
	v5 =	vmul.f32 v5, v5;
	v6 =	vsub.f32 v18, v9  }
0x164: {  	v27 =	vld [tilespmem:$0x790];
	v45 =	vand.u32 $0xF, v43;
	v10 =	vperm.xlane v0, v25;
	v7 =	vperm.xlane v1, v25  }
0x165: {  	v24 =	vsel vm0, v21, v8;
	v4 =	vadd.f32 v5, v4;
	v6 =	vmul.f32 v6, v6  }
0x166: {  	v5 =	vsub.f32 v20, v24;
	v7 =	vsel vm0, v10, v7;
	v10 =	vperm.xlane v1, v28  }
0x167: {  	v47 =	vperm.xlane v0, v45;
	v50 =	vperm.xlane v0, v2;
	v7 =	vsub.f32 v26, v7  }
0x168: {  	v32 =	vld [tilespmem:$0x7A0];
	v4 =	vadd.f32 v6, v4;
	v5 =	vmul.f32 v5, v5;
	v8 =	vsel vm0, v30, v10  }
0x169: {  	v36 =	vld [tilespmem:$0x7B0];
	v2 =	vperm.xlane v1, v2;
	v7 =	vmul.f32 v7, v7;
	v6 =	vsub.f32 v27, v8  }
0x16a: {  	v8 =	vand.u32 $0xF, v35;
	v4 =	vadd.f32 v5, v4;
	v5 =	vperm.xlane v1, v31  }
0x16b: {  	v42 =	vand.u32 $0xF, v38;
	v37 =	vperm.xlane v0, v8;
	v8 =	vperm.xlane v1, v8  }
0x16c: {  	v39 =	vld [tilespmem:$0x7C0];
	v6 =	vmul.f32 v6, v6;
	v4 =	vadd.f32 v7, v4;
	v5 =	vsel vm0, v33, v5  }
0x16d: {  	v10 =	vperm.xlane v0, v42;
	v40 =	vsel vm0, v37, v8;
	v5 =	vsub.f32 v32, v5  }
0x16e: {  	v46 =	vld [tilespmem:$0x7D0];
	v7 =	vperm.xlane v1, v42;
	v4 =	vadd.f32 v6, v4;
	v6 =	vsub.f32 v36, v40  }
0x16f: {  	v49 =	vld [tilespmem:$0x7E0];
	v3 =	vperm.xlane v41, v3;
	v5 =	vmul.f32 v5, v5  }
0x170: {  	v7 =	vsel vm0, v10, v7;
	v44 =	vmul.f32 v6, v6;
	v6 =	vperm.xlane v1, v45  }
0x171: {  	v53 =	vimm.s32 $0xFEDCBA98;
	v7 =	vsub.f32 v39, v7;
	v4 =	vadd.f32 v5, v4  }
0x172: {  	v2 =	vsel vm0, v50, v2;
	v51 =	vld [tilespmem:$0x7F0];
	v3 =	vand.u32 $0xF, v3;
	v48 =	vsel vm0, v47, v6  }
0x173: {  	v7 =	vmul.f32 v7, v7;
	v4 =	vadd.f32 v44, v4;
	v5 =	vsub.f32 v46, v48  }
0x174: {  	v2 =	vsub.f32 v49, v2;
	v0 =	vperm.xlane v0, v3;
	v1 =	vperm.xlane v1, v3  }
0x175: {  	v54 =	vimm.s32 $0x76543210;
	v4 =	vadd.f32 v7, v4;
	v5 =	vmul.f32 v5, v5  }
0x176: {  	v2 =	vmul.f32 v2, v2;
	v0 =	vsel vm0, v0, v1;
	v1 =	vunpack.c.l.s4.s8 v53  }
0x177: {  	v0 =	vsub.f32 v51, v0;
	v52 =	vadd.f32 v5, v4;
	v4 =	vunpack.c.l.s4.s8 v54  }
0x178: {  	v1 =	vunpack.c.0.s8.s32 v1  }
0x179: {  	v0 =	vmul.f32 v0, v0;
	v2 =	vadd.f32 v2, v52;
	v55 =	vunpack.c.0.s8.s32 v4  }
0x17a: {  	v57 =	vimm.s32 $0x32107654;
	v1 =	vand.u32 $0xF, v1  }
0x17b: {  	v56 =	vimm.s32 $0xBA98FEDC;
	v0 =	vadd.f32 v0, v2;
	v1 =	vcombine.low v1, v55  }
0x17c: {  	v3 =	vunpack.c.l.s4.s8 v57;
	v2 =	vunpack.c.l.s4.s8 v56  }
0x17d: {  	v1 =	vperm.xlane v0, v1  }
0x17e: {  	v3 =	vunpack.c.0.s8.s32 v3;
	v2 =	vunpack.c.0.s8.s32 v2  }
0x17f: {  	v60 =	vimm.s32 $0x54761032;
	v59 =	vimm.s32 $0xDCFE98BA;
	v0 =	vadd.f32 v0, v1  }
0x180: {  	v58 =	vcombine.low v3, v2;
	v2 =	vunpack.c.l.s4.s8 v59;
	v3 =	vunpack.c.l.s4.s8 v60  }
0x181: {  	v62 =	vimm.s32 $0x67452301  }
0x182: {  	v1 =	vperm.xlane v0, v58;
	v2 =	vunpack.c.0.s8.s32 v2;
	v3 =	vunpack.c.0.s8.s32 v3  }
0x183: {  	v61 =	vimm.s32 $0xEFCDAB89;
	v63 =	vunpack.c.l.s4.s8 v62  }
0x184: {  	v0 =	vadd.f32 v0, v1;
	v2 =	vcombine.low v3, v2;
	v1 =	vunpack.c.l.s4.s8 v61;
	_ =	sdelay $0x1  }
0x185: {  	v3 =	vunpack.c.0.s8.s32 v63;
	v2 =	vperm.xlane v0, v2;
	v1 =	vunpack.c.0.s8.s32 v1;
	_ =	sdelay $0x1  }
0x186: {  	v0 =	vadd.f32 v0, v2;
	v1 =	vcombine.low v3, v1;
	_ =	sdelay $0x1  }
0x187: {  	v1 =	vperm.xlane v0, v1;
	_ =	sdelay $0x1  }
0x188: {  	v0 =	vadd.f32 v0, v1  }
0x189: {  	s29 =	sshll.u32 s3, $0x3  }
0x18a: {  	s30 =	simm.s32 $0xC80;
	s31 =	simm.s32 $0x5;
	s4 =	sadd.s32 s29, s2;
	[tilespmem:$0xC80] =	vst v0  }
0x18b: {  	[spmem:s4] =	stream.linear.scatter [tilespmem:s30], [sflag:$0x5], $0x8, $0x38;
	[tilespmem:$0xD88] =	vst v63  }
0x18c: {  	_ =	swait.ge [sflag:s31], $0x8  }
0x18d: {  	[sflag:s31] =	ssyncset.done $0x0  }
0x18e: {  	[sflag:s31] =	ssyncadd.s32 $0xFFFFFFF8  }
0x18f: {  	p0 =	sne.s32 s3, $0x0;
	[bflag:$0x0] =	sbarrier.arrive $0xFFFF  }
0x190: {  	_ =	sfence.sel @p0 $0x180000  }
0x191: {  	[bflag:$0x0] =	sbarrier.arrive @p0 $0xFFFF  }
0x192: {  	_ =	strace @p0 $0x90000047  }
0x193: {  	s3 =	simm.s32 @!p0 $0xD00;
	[bflag:$0x2] =	sbarrier.arrive @p0 $0xFFFF  }
0x194: {  	[tilespmem:s3], [sflag:$0x5] =	stream.linear.gather @!p0 [spmem:s2], $0x80, $0x38;
	[tilespmem:$0xD88] =	vst v63  }
0x195: {  	s2 =	simm.s32 @!p0 $0x5  }
0x196: {  	_ =	swait.ge @!p0 [sflag:s2], $0x80  }
0x197: {  	[sflag:s2] =	ssyncset.done @!p0 $0x0  }
0x198: {  	[sflag:s2] =	ssyncadd.s32 @!p0 $0xFFFFFF80  }
0x199: {  	v0 =	vld @!p0 [tilespmem:$0xD00]  }
0x19a: {  	v1 =	vld @!p0 [tilespmem:$0xD10];
	_ =	sdelay $0x1  }
0x19b: {  	v2 =	vld @!p0 [tilespmem:$0xD20];
	_ =	sdelay $0x1  }
0x19c: {  	v3 =	vld @!p0 [tilespmem:$0xD30]  }
0x19d: {  	v0 =	vadd.f32 @!p0 v1, v0  }
0x19e: {  	v1 =	vld @!p0 [tilespmem:$0xD40]  }
0x19f: {  	v0 =	vadd.f32 @!p0 v2, v0  }
0x1a0: {  	v2 =	vld @!p0 [tilespmem:$0xD50]  }
0x1a1: {  	v0 =	vadd.f32 @!p0 v3, v0  }
0x1a2: {  	v3 =	vld @!p0 [tilespmem:$0xD60]  }
0x1a3: {  	v0 =	vadd.f32 @!p0 v1, v0;
	v1 =	vimm.s32 @!p0 $0xFEDCBA98  }
0x1a4: {  	v5 =	vimm.s32 @!p0 $0x76543210;
	v4 =	vld @!p0 [tilespmem:$0xD70];
	v1 =	vunpack.c.l.s4.s8 @!p0 v1  }
0x1a5: {  	v0 =	vadd.f32 @!p0 v2, v0;
	v2 =	vunpack.c.l.s4.s8 @!p0 v5  }
0x1a6: {  	v1 =	vunpack.c.0.s8.s32 @!p0 v1  }
0x1a7: {  	v0 =	vadd.f32 @!p0 v3, v0;
	v2 =	vunpack.c.0.s8.s32 @!p0 v2  }
0x1a8: {  	v1 =	vand.u32 @!p0 $0xF, v1  }
0x1a9: {  	v0 =	vadd.f32 @!p0 v4, v0;
	v1 =	vcombine.low @!p0 v1, v2;
	_ =	sdelay $0x1  }
0x1aa: {  	v1 =	vperm.xlane @!p0 v0, v1;
	_ =	sdelay $0x1  }
0x1ab: {  	v0 =	vadd.f32 @!p0 v1, v0;
	_ =	sdelay $0x1  }
0x1ac: {  	v0 =	vmul.f32 @!p0 $6.103515630e-05, v0;
	_ =	sdelay $0x1  }
0x1ad: {  	s4 =	simm.s32 @!p0 $0xC80;
	s3 =	simm.s32 @!p0 $0x0;
	[tilespmem:$0xC80] =	vst @!p0 v0  }
0x1ae: {  	[hbm4b:s1+s3] =	stream.linear.scatter @!p0 [tilespmem:s4], [sflag:$0x5], $0x80, $0x38;
	[tilespmem:$0xD88] =	vst v63  }
0x1af: {  	_ =	swait.ge @!p0 [sflag:s2], $0x80  }
0x1b0: {  	[sflag:s2] =	ssyncset.done @!p0 $0x0  }
0x1b1: {  	[sflag:s2] =	ssyncadd.s32 @!p0 $0xFFFFFF80  }
0x1b2: {  	_ =	sfence.sel @!p0 $0x180000  }
0x1b3: {  	[bflag:$0x0] =	sbarrier.arrive @!p0 $0xFFFF  }
0x1b4: {  	_ =	strace @!p0 $0x90000047  }
0x1b5: {  	s0 =	sadd.s32 @!p0 $0x100000, s0;
	[bflag:$0x2] =	sbarrier.arrive @!p0 $0xFFFF  }
0x1b6: {  	[sflag:s0] =	ssyncadd.tile.s32 @!p0 $0x1;
	_ =	shalt  }
.Lfunc_end2:
_tile_overlayer_lowered:
.L_overlay_start_2:
0x1b7: {  	(tag) =	ssettag $0x2  }
0x1b8: {  	s0 =	rddreg [dreg:$0x0];
	s2 =	stileid.u32  }
0x1b9: {  	s1 =	rddreg [dreg:$0x1];
	p0 =	sne.s32 s2, $0x0  }
0x1ba: {  	s3 =	rddreg [dreg:$0x2];
	[bflag:$0x3] =	sbarrier.arrive $0xFFFF;
	s2 =	simm.s32 @!p0 $0x1C05  }
0x1bb: {  	[timem:s3], [sflag:s2] =	dma.local @!p0 [hbm:s0], s1  }
0x1bc: {  	s0 =	simm.s32 @!p0 $0x5  }
0x1bd: {  	_ =	swait.ge @!p0 [sflag:s0], s1  }
0x1be: {  	s1 =	ssub.s32 @!p0 $0x0, s1;
	[sflag:s0] =	ssyncset.done @!p0 $0x0  }
0x1bf: {  	[sflag:s0] =	ssyncadd.s32 @!p0 s1  }
0x1c0: {  	[bflag:$0x3] =	sbarrier.arrive $0xFFFF  }
0x1c1: {  	_ =	shalt  }

</sc_bundles>
